<compile_context>
chip_gen: v7x
topology: tpu7x:2x2x1
jax: 0.10.2.dev20260603
libtpu: 0.0.44.dev20260713+nightly
codegen_flags: <defaults>
</compile_context>

<pallas_src>
import functools

import jax
import jax.numpy as jnp
from jax import lax
from jax.experimental import pallas as pl
from jax.experimental.pallas import tpu as pltpu
from jax.experimental.pallas import tpu_sc as plsc

_VOCAB = 1000
_DEC = 512
_NFEAT_DEC = 448
_B = 4096
_U = 50
_NCHUNK = 8
_CW = 64
_NGROUP = 4
_GB = _B // _NGROUP
_BBLK = 8
_NROW = _BBLK * _U
_NB = _GB // _BBLK


def _sc_decoder(t8, ab8, i0, i1, out, ab_v, idx_v, rows_v, out_v,
                sem_ab, sem_i, sem_g, sem_o):
    cid = lax.axis_index("c")
    sid = lax.axis_index("s")
    wid = sid * 2 + cid
    chunk = wid % _NCHUNK
    bg = wid // _NCHUNK
    b_base = bg * _GB
    is_dec = chunk < _NCHUNK - 1

    acp = pltpu.async_copy(ab8.at[chunk], ab_v, sem_ab)

    def start_idx(nb, slot):
        r0 = (b_base + nb * _BBLK) * _U

        @pl.when(is_dec)
        def _():
            pltpu.async_copy(i0.at[pl.ds(r0, _NROW)], idx_v.at[slot],
                             sem_i.at[slot])

        @pl.when(jnp.logical_not(is_dec))
        def _():
            pltpu.async_copy(i1.at[pl.ds(r0, _NROW)], idx_v.at[slot],
                             sem_i.at[slot])

    def wait_idx(slot):
        pltpu.make_async_copy(i0.at[pl.ds(0, _NROW)], idx_v.at[slot],
                              sem_i.at[slot]).wait()

    def start_gather(slot):
        pltpu.async_copy(t8.at[chunk].at[idx_v.at[slot]], rows_v.at[slot],
                         sem_g.at[slot])

    def wait_gather(slot):
        pltpu.make_async_copy(t8.at[0].at[idx_v.at[slot]], rows_v.at[slot],
                              sem_g.at[slot]).wait()

    def wait_out(slot):
        pltpu.make_async_copy(
            out_v.at[slot],
            out.at[pl.ds(b_base, _BBLK), :, pl.ds(chunk * _CW, _CW)],
            sem_o.at[slot]).wait()

    start_idx(0, 0)
    start_idx(1, 1)
    wait_idx(0)
    start_gather(0)
    acp.wait()

    a_regs = [ab_v[0, pl.ds(16 * s, 16)] for s in range(4)]
    b_regs = [ab_v[1, pl.ds(16 * s, 16)] for s in range(4)]
    zeros = jnp.zeros((16,), jnp.float32)

    def nb_body(nb, carry):
        slot = nb % 2
        nslot = (nb + 1) % 2

        wait_gather(slot)

        @pl.when(nb + 2 < _NB)
        def _():
            start_idx(nb + 2, slot)

        @pl.when(nb + 1 < _NB)
        def _():
            wait_idx(nslot)
            start_gather(nslot)

        @pl.when(nb >= 2)
        def _():
            wait_out(slot)

        starts = (0, 13, 25, 38)
        lens = (13, 12, 13, 12)

        @plsc.parallel_loop(0, _BBLK)
        def bi_body(bi):
            r = bi * _U
            prevs = [[zeros] * 4 if q == 0 else
                     [rows_v[slot, r + starts[q] - 1, pl.ds(16 * s, 16)]
                      for s in range(4)]
                     for q in range(4)]
            for i in range(13):
                qs = [q for q in range(4) if i < lens[q]]
                curs = {q: [rows_v[slot, r + starts[q] + i,
                                   pl.ds(16 * s, 16)]
                            for s in range(4)] for q in qs}
                outs = {q: [jnp.maximum(a_regs[s] * prevs[q][s]
                                        + b_regs[s] * curs[q][s], 0.0)
                            for s in range(4)] for q in qs}
                for q in qs:
                    for s in range(4):
                        out_v[slot, bi, starts[q] + i,
                              pl.ds(16 * s, 16)] = outs[q][s]
                for q in qs:
                    prevs[q] = curs[q]

        b0 = b_base + nb * _BBLK
        pltpu.async_copy(
            out_v.at[slot],
            out.at[pl.ds(b0, _BBLK), :, pl.ds(chunk * _CW, _CW)],
            sem_o.at[slot])
        return carry

    lax.fori_loop(0, _NB, nb_body, 0)
    wait_out(0)
    wait_out(1)


_sc_call = functools.partial(
    pl.kernel,
    mesh=plsc.VectorSubcoreMesh(core_axis_name="c", subcore_axis_name="s"),
    out_type=jax.ShapeDtypeStruct((_B, _U, _DEC), jnp.float32),
    scratch_types=[
        pltpu.VMEM((2, _CW), jnp.float32),
        pltpu.VMEM((2, _NROW), jnp.int32),
        pltpu.VMEM((2, _NROW, _CW), jnp.float32),
        pltpu.VMEM((2, _BBLK, _U, _CW), jnp.float32),
        pltpu.SemaphoreType.DMA,
        pltpu.SemaphoreType.DMA((2,)),
        pltpu.SemaphoreType.DMA((2,)),
        pltpu.SemaphoreType.DMA((2,)),
    ],
    compiler_params=pltpu.CompilerParams(use_tc_tiling_on_sc=False,
                                         needs_layout_passes=False),
)(_sc_decoder)


def kernel(y, W_dec, W_swit, s_dec, s_swit, conv_w, conv_s):
    y = y.astype(jnp.int32)
    idx0 = y[:, :, 0].reshape(-1)
    idx1 = y[:, :, 1].reshape(-1)
    table = jnp.concatenate([W_dec, W_swit], axis=1)
    t8 = table.reshape(_VOCAB, _NCHUNK, _CW).transpose(1, 0, 2)
    escale = jnp.concatenate([
        jnp.full((_NFEAT_DEC,), jnp.exp(s_dec), jnp.float32),
        jnp.full((_DEC - _NFEAT_DEC,), jnp.exp(s_swit), jnp.float32),
    ])
    wscale = jnp.exp(conv_s) * escale
    a_tap = conv_w[:, 0, 0] * wscale
    b_tap = conv_w[:, 0, 1] * wscale
    ab8 = jnp.stack([a_tap, b_tap], 0).reshape(2, _NCHUNK, _CW)
    ab8 = ab8.transpose(1, 0, 2)
    return _sc_call(t8, ab8, idx0, idx1)

# --- scband reference (transcript-rebuilt; emitter-appended) ---
"""Pipeline reference for scband-decoder-53687091200062 (READ-ONLY COPY).

The authoritative reference and input builder live on the scoring server;
editing this copy changes nothing except your own understanding.
"""

import jax, jax.numpy as jnp
import numpy as np

VOCAB = 1000
SWITCH = 1000
SWITCH_DIM = 64
DEC_DIM = 512
BLANK_ID = 0
CTX = 2
B, U = 4096, 50


def setup_inputs(seed: int = 0) -> dict:
    key = jax.random.key(seed)
    ks = jax.random.split(key, 5)
    y = jax.random.randint(ks[0], (B, U, 2), 0, VOCAB)
    # ScaledEmbedding weights: std = embedding_dim ** -0.5, padding_idx row zeroed
    W_dec = jax.random.normal(ks[1], (VOCAB, DEC_DIM - SWITCH_DIM), dtype=jnp.float32) * (DEC_DIM - SWITCH_DIM) ** -0.5
    W_dec = W_dec.at[BLANK_ID].set(0.0)
    W_swit = jax.random.normal(ks[2], (SWITCH, SWITCH_DIM), dtype=jnp.float32) * SWITCH_DIM ** -0.5
    W_swit = W_swit.at[BLANK_ID].set(0.0)
    # log-scales of ScaledEmbedding / ScaledConv1d (init 0 -> scale exp(0)=1)
    s_dec = jnp.zeros((), dtype=jnp.float32)
    s_swit = jnp.zeros((), dtype=jnp.float32)
    # depthwise ScaledConv1d: groups=DEC_DIM, kernel_size=CTX, no bias -> (O=512, I/groups=1, K=2)
    conv_w = jax.random.normal(ks[3], (DEC_DIM, 1, CTX), dtype=jnp.float32) * (1.0 / np.sqrt(CTX))
    conv_s = jnp.zeros((), dtype=jnp.float32)
    return {"y": y, "W_dec": W_dec, "W_swit": W_swit, "s_dec": s_dec, "s_swit": s_swit, "conv_w": conv_w, "conv_s": conv_s}


def reference(y, W_dec, W_swit, s_dec, s_swit, conv_w, conv_s):
    y = y.astype(jnp.int32)
    # ScaledEmbedding: gather then multiply by exp(log_scale)
    y_dec = jnp.take(W_dec, y[:, :, 0], axis=0) * jnp.exp(s_dec)   # (B,U,448)
    y_swit = jnp.take(W_swit, y[:, :, 1], axis=0) * jnp.exp(s_swit)  # (B,U,64)
    emb = jnp.concatenate([y_dec, y_swit], axis=2)                  # (B,U,512)
    # context_size > 1 path, need_pad=True
    x = jnp.transpose(emb, (0, 2, 1))                               # (B,512,U)
    x = jnp.pad(x, ((0, 0), (0, 0), (CTX - 1, 0)))                  # left pad
    w = conv_w * jnp.exp(conv_s)
    out = jax.lax.conv_general_dilated(
        x, w, window_strides=(1,), padding='VALID',
        feature_group_count=DEC_DIM,
        dimension_numbers=('NCH', 'OIH', 'NCH'))                    # (B,512,U)
    out = jnp.transpose(out, (0, 2, 1))                             # (B,U,512)
    return jax.nn.relu(out)

if __name__ == "__main__":
    import jax
    _d = setup_inputs()
    print(jax.jit(kernel)(*tuple(_d.values())))

</pallas_src>

<mosaic_0001>
#map = affine_map<(d0, d1) -> (0, 0, 0)>
#map1 = affine_map<(d0, d1) -> (0)>
module attributes {stable_mosaic.version = 14 : i64} {
  func.func @_sc_decoder(%arg0: i32, %arg1: i32, %arg2: memref<8x1000x64xf32, #tpu.memory_space<hbm>>, %arg3: memref<8x2x64xf32, #tpu.memory_space<hbm>>, %arg4: memref<204800xi32, #tpu.memory_space<hbm>>, %arg5: memref<204800xi32, #tpu.memory_space<hbm>>, %arg6: memref<4096x50x512xf32, #tpu.memory_space<hbm>>, %arg7: memref<2x64xf32, #tpu.memory_space<vmem>>, %arg8: memref<2x400xi32, #tpu.memory_space<vmem>>, %arg9: memref<2x400x64xf32, #tpu.memory_space<vmem>>, %arg10: memref<2x8x50x64xf32, #tpu.memory_space<vmem>>, %arg11: memref<!tpu.dma_semaphore, #tpu.memory_space<semaphore_mem>>, %arg12: memref<2x!tpu.dma_semaphore, #tpu.memory_space<semaphore_mem>>, %arg13: memref<2x!tpu.dma_semaphore, #tpu.memory_space<semaphore_mem>>, %arg14: memref<2x!tpu.dma_semaphore, #tpu.memory_space<semaphore_mem>>) attributes {dimension_semantics = [#tpu.dimension_semantics<core_parallel>, #tpu.dimension_semantics<subcore_parallel>], iteration_bounds = array<i64: 2, 16>, scalar_prefetch = 0 : i64, scratch_operands = 8 : i64, tpu.core_type = #tpu.core_type<sc_vector_subcore>, window_params = [{transform_indices = #map}, {transform_indices = #map}, {transform_indices = #map1}, {transform_indices = #map1}, {transform_indices = #map}]} {
    %mul3A = arith.constant 2 : i32
    %mul3A_0 = arith.muli %arg1, %mul3A : i32
    %add3A = arith.addi %mul3A_0, %arg0 : i32
    %jit3A = arith.constant 8 : i32
    %eq3A = arith.constant 0 : i32
    %eq3A_1 = arith.cmpi eq, %jit3A, %eq3A : i32
    %jit3A_2 = arith.constant 1 : i32
    %select_n3A = arith.select %eq3A_1, %jit3A_2, %jit3A : i32
    %rem3A = arith.remsi %add3A, %select_n3A : i32
    %ne3A = arith.constant 0 : i32
    %ne3A_3 = arith.cmpi ne, %rem3A, %ne3A : i32
    %lt3A = arith.constant 0 : i32
    %lt3A_4 = arith.cmpi slt, %rem3A, %lt3A : i32
    %lt3A_5 = arith.constant 0 : i32
    %lt3A_6 = arith.cmpi slt, %select_n3A, %lt3A_5 : i32
    %ne3A_7 = arith.xori %lt3A_4, %lt3A_6 : i1
    %and3A = arith.andi %ne3A_7, %ne3A_3 : i1
    %add3A_8 = arith.addi %rem3A, %select_n3A : i32
    %select_n3A_9 = arith.select %and3A, %add3A_8, %rem3A : i32
    %jit3A_10 = arith.constant 8 : i32
    %div3A = arith.divsi %add3A, %jit3A_10 : i32
    %sign3A = arith.constant 0 : i32
    %sign3A_11 = arith.cmpi sgt, %add3A, %sign3A : i32
    %sign3A_12 = arith.extui %sign3A_11 : i1 to i32
    %sign3A_13 = arith.constant 0 : i32
    %sign3A_14 = arith.cmpi slt, %add3A, %sign3A_13 : i32
    %sign3A_15 = arith.extui %sign3A_14 : i1 to i32
    %sign3A_16 = arith.subi %sign3A_12, %sign3A_15 : i32
    %sign3A_17 = arith.constant 0 : i32
    %sign3A_18 = arith.cmpi sgt, %jit3A_10, %sign3A_17 : i32
    %sign3A_19 = arith.extui %sign3A_18 : i1 to i32
    %sign3A_20 = arith.constant 0 : i32
    %sign3A_21 = arith.cmpi slt, %jit3A_10, %sign3A_20 : i32
    %sign3A_22 = arith.extui %sign3A_21 : i1 to i32
    %sign3A_23 = arith.subi %sign3A_19, %sign3A_22 : i32
    %ne3A_24 = arith.cmpi ne, %sign3A_16, %sign3A_23 : i32
    %rem3A_25 = arith.remsi %add3A, %jit3A_10 : i32
    %ne3A_26 = arith.constant 0 : i32
    %ne3A_27 = arith.cmpi ne, %rem3A_25, %ne3A_26 : i32
    %and3A_28 = arith.andi %ne3A_24, %ne3A_27 : i1
    %sub3A = arith.constant 1 : i32
    %sub3A_29 = arith.subi %div3A, %sub3A : i32
    %select_n3A_30 = arith.select %and3A_28, %sub3A_29, %div3A : i32
    %mul3A_31 = arith.constant 1024 : i32
    %mul3A_32 = arith.muli %select_n3A_30, %mul3A_31 : i32
    %lt3A_33 = arith.constant 7 : i32
    %lt3A_34 = arith.cmpi slt, %select_n3A_9, %lt3A_33 : i32
    %dma_start3A = arith.constant 0 : i32
    %dma_start3A_35 = arith.constant 0 : i32
    %dma_start3A_36 = tpu.memref_slice %arg3[%select_n3A_9, %dma_start3A, %dma_start3A_35] : memref<8x2x64xf32, #tpu.memory_space<hbm>> -> memref<1x2x64xf32, #tpu.memory_space<hbm>>
    %dma_start3A_37 = tpu.memref_squeeze %dma_start3A_36 : memref<1x2x64xf32, #tpu.memory_space<hbm>> -> memref<2x64xf32, #tpu.memory_space<hbm>>
    %dma_start3A_38 = arith.constant 0 : i32
    %dma_start3A_39 = arith.constant 0 : i32
    %dma_start3A_40 = tpu.memref_slice %arg3[%select_n3A_9, %dma_start3A_38, %dma_start3A_39] : memref<8x2x64xf32, #tpu.memory_space<hbm>> -> memref<1x2x64xf32, #tpu.memory_space<hbm>>
    %dma_start3A_41 = tpu.memref_squeeze %dma_start3A_40 : memref<1x2x64xf32, #tpu.memory_space<hbm>> -> memref<2x64xf32, #tpu.memory_space<hbm>>
    tpu.enqueue_dma source(%dma_start3A_41 : memref<2x64xf32, #tpu.memory_space<hbm>>) target(%arg7 : memref<2x64xf32, #tpu.memory_space<vmem>>) target_semaphore(%arg11 : memref<!tpu.dma_semaphore, #tpu.memory_space<semaphore_mem>>)
    %add3A_42 = arith.constant 0 : i32
    %add3A_43 = arith.addi %mul3A_32, %add3A_42 : i32
    %mul3A_44 = arith.constant 50 : i32
    %mul3A_45 = arith.muli %add3A_43, %mul3A_44 : i32
    %convert_element_type3A = arith.extui %lt3A_34 : i1 to i32
    %cond3A = arith.constant 0 : i32
    %cond3A_46 = arith.cmpi ne, %convert_element_type3A, %cond3A : i32
    scf.if %cond3A_46 {
      %dma_start3A_180 = arith.constant 0 : i32
      %dma_start3A_181 = arith.constant 0 : i32
      %dma_start3A_182 = arith.constant 0 : i32
      %dma_start3A_183 = tpu.memref_slice %arg8[%dma_start3A_180, %dma_start3A_182] : memref<2x400xi32, #tpu.memory_space<vmem>> -> memref<1x400xi32, #tpu.memory_space<vmem>>
      %dma_start3A_184 = tpu.memref_squeeze %dma_start3A_183 : memref<1x400xi32, #tpu.memory_space<vmem>> -> memref<400xi32, #tpu.memory_space<vmem>>
      %dma_start3A_185 = tpu.memref_slice %arg4[%mul3A_45] : memref<204800xi32, #tpu.memory_space<hbm>> -> memref<400xi32, #tpu.memory_space<hbm>>
      %dma_start3A_186 = tpu.memref_slice %arg12[%dma_start3A_181] : memref<2x!tpu.dma_semaphore, #tpu.memory_space<semaphore_mem>> -> memref<1x!tpu.dma_semaphore, #tpu.memory_space<semaphore_mem>>
      %dma_start3A_187 = tpu.memref_squeeze %dma_start3A_186 : memref<1x!tpu.dma_semaphore, #tpu.memory_space<semaphore_mem>> -> memref<!tpu.dma_semaphore, #tpu.memory_space<semaphore_mem>>
      %dma_start3A_188 = arith.constant 0 : i32
      %dma_start3A_189 = tpu.memref_slice %arg8[%dma_start3A_180, %dma_start3A_188] : memref<2x400xi32, #tpu.memory_space<vmem>> -> memref<1x400xi32, #tpu.memory_space<vmem>>
      %dma_start3A_190 = tpu.memref_squeeze %dma_start3A_189 : memref<1x400xi32, #tpu.memory_space<vmem>> -> memref<400xi32, #tpu.memory_space<vmem>>
      %dma_start3A_191 = tpu.memref_slice %arg4[%mul3A_45] : memref<204800xi32, #tpu.memory_space<hbm>> -> memref<400xi32, #tpu.memory_space<hbm>>
      tpu.enqueue_dma source(%dma_start3A_191 : memref<400xi32, #tpu.memory_space<hbm>>) target(%dma_start3A_190 : memref<400xi32, #tpu.memory_space<vmem>>) target_semaphore(%dma_start3A_187 : memref<!tpu.dma_semaphore, #tpu.memory_space<semaphore_mem>>)
    } else {
    }
    %not3A = arith.constant true
    %not3A_47 = arith.xori %lt3A_34, %not3A : i1
    %convert_element_type3A_48 = arith.extui %not3A_47 : i1 to i32
    %cond3A_49 = arith.constant 0 : i32
    %cond3A_50 = arith.cmpi ne, %convert_element_type3A_48, %cond3A_49 : i32
    scf.if %cond3A_50 {
      %dma_start3A_180 = arith.constant 0 : i32
      %dma_start3A_181 = arith.constant 0 : i32
      %dma_start3A_182 = arith.constant 0 : i32
      %dma_start3A_183 = tpu.memref_slice %arg8[%dma_start3A_180, %dma_start3A_182] : memref<2x400xi32, #tpu.memory_space<vmem>> -> memref<1x400xi32, #tpu.memory_space<vmem>>
      %dma_start3A_184 = tpu.memref_squeeze %dma_start3A_183 : memref<1x400xi32, #tpu.memory_space<vmem>> -> memref<400xi32, #tpu.memory_space<vmem>>
      %dma_start3A_185 = tpu.memref_slice %arg5[%mul3A_45] : memref<204800xi32, #tpu.memory_space<hbm>> -> memref<400xi32, #tpu.memory_space<hbm>>
      %dma_start3A_186 = tpu.memref_slice %arg12[%dma_start3A_181] : memref<2x!tpu.dma_semaphore, #tpu.memory_space<semaphore_mem>> -> memref<1x!tpu.dma_semaphore, #tpu.memory_space<semaphore_mem>>
      %dma_start3A_187 = tpu.memref_squeeze %dma_start3A_186 : memref<1x!tpu.dma_semaphore, #tpu.memory_space<semaphore_mem>> -> memref<!tpu.dma_semaphore, #tpu.memory_space<semaphore_mem>>
      %dma_start3A_188 = arith.constant 0 : i32
      %dma_start3A_189 = tpu.memref_slice %arg8[%dma_start3A_180, %dma_start3A_188] : memref<2x400xi32, #tpu.memory_space<vmem>> -> memref<1x400xi32, #tpu.memory_space<vmem>>
      %dma_start3A_190 = tpu.memref_squeeze %dma_start3A_189 : memref<1x400xi32, #tpu.memory_space<vmem>> -> memref<400xi32, #tpu.memory_space<vmem>>
      %dma_start3A_191 = tpu.memref_slice %arg5[%mul3A_45] : memref<204800xi32, #tpu.memory_space<hbm>> -> memref<400xi32, #tpu.memory_space<hbm>>
      tpu.enqueue_dma source(%dma_start3A_191 : memref<400xi32, #tpu.memory_space<hbm>>) target(%dma_start3A_190 : memref<400xi32, #tpu.memory_space<vmem>>) target_semaphore(%dma_start3A_187 : memref<!tpu.dma_semaphore, #tpu.memory_space<semaphore_mem>>)
    } else {
    }
    %add3A_51 = arith.constant 8 : i32
    %add3A_52 = arith.addi %mul3A_32, %add3A_51 : i32
    %mul3A_53 = arith.constant 50 : i32
    %mul3A_54 = arith.muli %add3A_52, %mul3A_53 : i32
    %convert_element_type3A_55 = arith.extui %lt3A_34 : i1 to i32
    %cond3A_56 = arith.constant 0 : i32
    %cond3A_57 = arith.cmpi ne, %convert_element_type3A_55, %cond3A_56 : i32
    scf.if %cond3A_57 {
      %dma_start3A_180 = arith.constant 1 : i32
      %dma_start3A_181 = arith.constant 1 : i32
      %dma_start3A_182 = arith.constant 0 : i32
      %dma_start3A_183 = tpu.memref_slice %arg8[%dma_start3A_180, %dma_start3A_182] : memref<2x400xi32, #tpu.memory_space<vmem>> -> memref<1x400xi32, #tpu.memory_space<vmem>>
      %dma_start3A_184 = tpu.memref_squeeze %dma_start3A_183 : memref<1x400xi32, #tpu.memory_space<vmem>> -> memref<400xi32, #tpu.memory_space<vmem>>
      %dma_start3A_185 = tpu.memref_slice %arg4[%mul3A_54] : memref<204800xi32, #tpu.memory_space<hbm>> -> memref<400xi32, #tpu.memory_space<hbm>>
      %dma_start3A_186 = tpu.memref_slice %arg12[%dma_start3A_181] : memref<2x!tpu.dma_semaphore, #tpu.memory_space<semaphore_mem>> -> memref<1x!tpu.dma_semaphore, #tpu.memory_space<semaphore_mem>>
      %dma_start3A_187 = tpu.memref_squeeze %dma_start3A_186 : memref<1x!tpu.dma_semaphore, #tpu.memory_space<semaphore_mem>> -> memref<!tpu.dma_semaphore, #tpu.memory_space<semaphore_mem>>
      %dma_start3A_188 = arith.constant 0 : i32
      %dma_start3A_189 = tpu.memref_slice %arg8[%dma_start3A_180, %dma_start3A_188] : memref<2x400xi32, #tpu.memory_space<vmem>> -> memref<1x400xi32, #tpu.memory_space<vmem>>
      %dma_start3A_190 = tpu.memref_squeeze %dma_start3A_189 : memref<1x400xi32, #tpu.memory_space<vmem>> -> memref<400xi32, #tpu.memory_space<vmem>>
      %dma_start3A_191 = tpu.memref_slice %arg4[%mul3A_54] : memref<204800xi32, #tpu.memory_space<hbm>> -> memref<400xi32, #tpu.memory_space<hbm>>
      tpu.enqueue_dma source(%dma_start3A_191 : memref<400xi32, #tpu.memory_space<hbm>>) target(%dma_start3A_190 : memref<400xi32, #tpu.memory_space<vmem>>) target_semaphore(%dma_start3A_187 : memref<!tpu.dma_semaphore, #tpu.memory_space<semaphore_mem>>)
    } else {
    }
    %not3A_58 = arith.constant true
    %not3A_59 = arith.xori %lt3A_34, %not3A_58 : i1
    %convert_element_type3A_60 = arith.extui %not3A_59 : i1 to i32
    %cond3A_61 = arith.constant 0 : i32
    %cond3A_62 = arith.cmpi ne, %convert_element_type3A_60, %cond3A_61 : i32
    scf.if %cond3A_62 {
      %dma_start3A_180 = arith.constant 1 : i32
      %dma_start3A_181 = arith.constant 1 : i32
      %dma_start3A_182 = arith.constant 0 : i32
      %dma_start3A_183 = tpu.memref_slice %arg8[%dma_start3A_180, %dma_start3A_182] : memref<2x400xi32, #tpu.memory_space<vmem>> -> memref<1x400xi32, #tpu.memory_space<vmem>>
      %dma_start3A_184 = tpu.memref_squeeze %dma_start3A_183 : memref<1x400xi32, #tpu.memory_space<vmem>> -> memref<400xi32, #tpu.memory_space<vmem>>
      %dma_start3A_185 = tpu.memref_slice %arg5[%mul3A_54] : memref<204800xi32, #tpu.memory_space<hbm>> -> memref<400xi32, #tpu.memory_space<hbm>>
      %dma_start3A_186 = tpu.memref_slice %arg12[%dma_start3A_181] : memref<2x!tpu.dma_semaphore, #tpu.memory_space<semaphore_mem>> -> memref<1x!tpu.dma_semaphore, #tpu.memory_space<semaphore_mem>>
      %dma_start3A_187 = tpu.memref_squeeze %dma_start3A_186 : memref<1x!tpu.dma_semaphore, #tpu.memory_space<semaphore_mem>> -> memref<!tpu.dma_semaphore, #tpu.memory_space<semaphore_mem>>
      %dma_start3A_188 = arith.constant 0 : i32
      %dma_start3A_189 = tpu.memref_slice %arg8[%dma_start3A_180, %dma_start3A_188] : memref<2x400xi32, #tpu.memory_space<vmem>> -> memref<1x400xi32, #tpu.memory_space<vmem>>
      %dma_start3A_190 = tpu.memref_squeeze %dma_start3A_189 : memref<1x400xi32, #tpu.memory_space<vmem>> -> memref<400xi32, #tpu.memory_space<vmem>>
      %dma_start3A_191 = tpu.memref_slice %arg5[%mul3A_54] : memref<204800xi32, #tpu.memory_space<hbm>> -> memref<400xi32, #tpu.memory_space<hbm>>
      tpu.enqueue_dma source(%dma_start3A_191 : memref<400xi32, #tpu.memory_space<hbm>>) target(%dma_start3A_190 : memref<400xi32, #tpu.memory_space<vmem>>) target_semaphore(%dma_start3A_187 : memref<!tpu.dma_semaphore, #tpu.memory_space<semaphore_mem>>)
    } else {
    }
    %dma_wait3A = arith.constant 0 : i32
    %dma_wait3A_63 = arith.constant 0 : i32
    %dma_wait3A_64 = arith.constant 0 : i32
    %dma_wait3A_65 = tpu.memref_slice %arg8[%dma_wait3A, %dma_wait3A_64] : memref<2x400xi32, #tpu.memory_space<vmem>> -> memref<1x400xi32, #tpu.memory_space<vmem>>
    %dma_wait3A_66 = tpu.memref_squeeze %dma_wait3A_65 : memref<1x400xi32, #tpu.memory_space<vmem>> -> memref<400xi32, #tpu.memory_space<vmem>>
    %dma_wait3A_67 = arith.constant 0 : i32
    %dma_wait3A_68 = tpu.memref_slice %arg4[%dma_wait3A_67] : memref<204800xi32, #tpu.memory_space<hbm>> -> memref<400xi32, #tpu.memory_space<hbm>>
    %dma_wait3A_69 = tpu.memref_slice %arg12[%dma_wait3A_63] : memref<2x!tpu.dma_semaphore, #tpu.memory_space<semaphore_mem>> -> memref<1x!tpu.dma_semaphore, #tpu.memory_space<semaphore_mem>>
    %dma_wait3A_70 = tpu.memref_squeeze %dma_wait3A_69 : memref<1x!tpu.dma_semaphore, #tpu.memory_space<semaphore_mem>> -> memref<!tpu.dma_semaphore, #tpu.memory_space<semaphore_mem>>
    %dma_wait3A_71 = arith.constant 0 : i32
    %dma_wait3A_72 = tpu.memref_slice %arg8[%dma_wait3A, %dma_wait3A_71] : memref<2x400xi32, #tpu.memory_space<vmem>> -> memref<1x400xi32, #tpu.memory_space<vmem>>
    %dma_wait3A_73 = tpu.memref_squeeze %dma_wait3A_72 : memref<1x400xi32, #tpu.memory_space<vmem>> -> memref<400xi32, #tpu.memory_space<vmem>>
    %dma_wait3A_74 = arith.constant 0 : i32
    %dma_wait3A_75 = tpu.memref_slice %arg4[%dma_wait3A_74] : memref<204800xi32, #tpu.memory_space<hbm>> -> memref<400xi32, #tpu.memory_space<hbm>>
    tpu.wait_dma2 semaphore(%dma_wait3A_70 : memref<!tpu.dma_semaphore, #tpu.memory_space<semaphore_mem>>) src(%dma_wait3A_75 : memref<400xi32, #tpu.memory_space<hbm>>) dst(%dma_wait3A_73 : memref<400xi32, #tpu.memory_space<vmem>>)
    %dma_start3A_76 = arith.constant 0 : i32
    %dma_start3A_77 = arith.constant 0 : i32
    %dma_start3A_78 = arith.constant 0 : i32
    %dma_start3A_79 = arith.constant 0 : i32
    %dma_start3A_80 = arith.constant 0 : i32
    %dma_start3A_81 = tpu.memref_slice %arg9[%dma_start3A_77, %dma_start3A_79, %dma_start3A_80] : memref<2x400x64xf32, #tpu.memory_space<vmem>> -> memref<1x400x64xf32, #tpu.memory_space<vmem>>
    %dma_start3A_82 = tpu.memref_squeeze %dma_start3A_81 : memref<1x400x64xf32, #tpu.memory_space<vmem>> -> memref<400x64xf32, #tpu.memory_space<vmem>>
    %dma_start3A_83 = arith.constant 0 : i32
    %dma_start3A_84 = tpu.memref_slice %arg8[%dma_start3A_76, %dma_start3A_83] : memref<2x400xi32, #tpu.memory_space<vmem>> -> memref<1x400xi32, #tpu.memory_space<vmem>>
    %dma_start3A_85 = tpu.memref_squeeze %dma_start3A_84 : memref<1x400xi32, #tpu.memory_space<vmem>> -> memref<400xi32, #tpu.memory_space<vmem>>
    %dma_start3A_86 = arith.constant 0 : i32
    %dma_start3A_87 = arith.constant 0 : i32
    %dma_start3A_88 = tpu.memref_slice %arg2[%select_n3A_9, %dma_start3A_86, %dma_start3A_87] : memref<8x1000x64xf32, #tpu.memory_space<hbm>> -> memref<1x1000x64xf32, #tpu.memory_space<hbm>>
    %dma_start3A_89 = tpu.memref_squeeze %dma_start3A_88 : memref<1x1000x64xf32, #tpu.memory_space<hbm>> -> memref<1000x64xf32, #tpu.memory_space<hbm>>
    %dma_start3A_90 = arith.constant 0 : i32
    %dma_start3A_91 = arith.constant 0 : i32
    %dma_start3A_92 = tpu.memref_slice %dma_start3A_89[%dma_start3A_90, %dma_start3A_91] : memref<1000x64xf32, #tpu.memory_space<hbm>> -> memref<1000x64xf32, #tpu.memory_space<hbm>>
    %dma_start3A_93 = tpu.memref_slice %arg13[%dma_start3A_78] : memref<2x!tpu.dma_semaphore, #tpu.memory_space<semaphore_mem>> -> memref<1x!tpu.dma_semaphore, #tpu.memory_space<semaphore_mem>>
    %dma_start3A_94 = tpu.memref_squeeze %dma_start3A_93 : memref<1x!tpu.dma_semaphore, #tpu.memory_space<semaphore_mem>> -> memref<!tpu.dma_semaphore, #tpu.memory_space<semaphore_mem>>
    tpu.enqueue_indirect_dma source(%dma_start3A_92 : memref<1000x64xf32, #tpu.memory_space<hbm>>) target(%dma_start3A_82 : memref<400x64xf32, #tpu.memory_space<vmem>>) offsets(%dma_start3A_85 : memref<400xi32, #tpu.memory_space<vmem>>) semaphore(%dma_start3A_94 : memref<!tpu.dma_semaphore, #tpu.memory_space<semaphore_mem>>)
    %dma_wait3A_95 = arith.constant 0 : i32
    %dma_wait3A_96 = arith.constant 0 : i32
    %dma_wait3A_97 = tpu.memref_slice %arg3[%select_n3A_9, %dma_wait3A_95, %dma_wait3A_96] : memref<8x2x64xf32, #tpu.memory_space<hbm>> -> memref<1x2x64xf32, #tpu.memory_space<hbm>>
    %dma_wait3A_98 = tpu.memref_squeeze %dma_wait3A_97 : memref<1x2x64xf32, #tpu.memory_space<hbm>> -> memref<2x64xf32, #tpu.memory_space<hbm>>
    %dma_wait3A_99 = arith.constant 0 : i32
    %dma_wait3A_100 = arith.constant 0 : i32
    %dma_wait3A_101 = tpu.memref_slice %arg3[%select_n3A_9, %dma_wait3A_99, %dma_wait3A_100] : memref<8x2x64xf32, #tpu.memory_space<hbm>> -> memref<1x2x64xf32, #tpu.memory_space<hbm>>
    %dma_wait3A_102 = tpu.memref_squeeze %dma_wait3A_101 : memref<1x2x64xf32, #tpu.memory_space<hbm>> -> memref<2x64xf32, #tpu.memory_space<hbm>>
    tpu.wait_dma2 semaphore(%arg11 : memref<!tpu.dma_semaphore, #tpu.memory_space<semaphore_mem>>) src(%dma_wait3A_102 : memref<2x64xf32, #tpu.memory_space<hbm>>) dst(%arg7 : memref<2x64xf32, #tpu.memory_space<vmem>>)
    %get3A = arith.constant 0 : i32
    %get3A_103 = arith.index_cast %get3A : i32 to index
    %get3A_104 = arith.constant 0 : index
    %get3A_105 = tpu.vector_load %arg7[%get3A_103, %get3A_104] {strides = array<i32>} : memref<2x64xf32, #tpu.memory_space<vmem>>, vector<16xf32>,
    %get3A_106 = arith.constant 0 : i32
    %get3A_107 = arith.index_cast %get3A_106 : i32 to index
    %get3A_108 = arith.constant 16 : index
    %get3A_109 = tpu.vector_load %arg7[%get3A_107, %get3A_108] {strides = array<i32>} : memref<2x64xf32, #tpu.memory_space<vmem>>, vector<16xf32>,
    %get3A_110 = arith.constant 0 : i32
    %get3A_111 = arith.index_cast %get3A_110 : i32 to index
    %get3A_112 = arith.constant 32 : index
    %get3A_113 = tpu.vector_load %arg7[%get3A_111, %get3A_112] {strides = array<i32>} : memref<2x64xf32, #tpu.memory_space<vmem>>, vector<16xf32>,
    %get3A_114 = arith.constant 0 : i32
    %get3A_115 = arith.index_cast %get3A_114 : i32 to index
    %get3A_116 = arith.constant 48 : index
    %get3A_117 = tpu.vector_load %arg7[%get3A_115, %get3A_116] {strides = array<i32>} : memref<2x64xf32, #tpu.memory_space<vmem>>, vector<16xf32>,
    %get3A_118 = arith.constant 1 : i32
    %get3A_119 = arith.index_cast %get3A_118 : i32 to index
    %get3A_120 = arith.constant 0 : index
    %get3A_121 = tpu.vector_load %arg7[%get3A_119, %get3A_120] {strides = array<i32>} : memref<2x64xf32, #tpu.memory_space<vmem>>, vector<16xf32>,
    %get3A_122 = arith.constant 1 : i32
    %get3A_123 = arith.index_cast %get3A_122 : i32 to index
    %get3A_124 = arith.constant 16 : index
    %get3A_125 = tpu.vector_load %arg7[%get3A_123, %get3A_124] {strides = array<i32>} : memref<2x64xf32, #tpu.memory_space<vmem>>, vector<16xf32>,
    %get3A_126 = arith.constant 1 : i32
    %get3A_127 = arith.index_cast %get3A_126 : i32 to index
    %get3A_128 = arith.constant 32 : index
    %get3A_129 = tpu.vector_load %arg7[%get3A_127, %get3A_128] {strides = array<i32>} : memref<2x64xf32, #tpu.memory_space<vmem>>, vector<16xf32>,
    %get3A_130 = arith.constant 1 : i32
    %get3A_131 = arith.index_cast %get3A_130 : i32 to index
    %get3A_132 = arith.constant 48 : index
    %get3A_133 = tpu.vector_load %arg7[%get3A_131, %get3A_132] {strides = array<i32>} : memref<2x64xf32, #tpu.memory_space<vmem>>, vector<16xf32>,
    %broadcast_in_dim3A = arith.constant 0.000000e+00 : f32
    %broadcast_in_dim3A_134 = vector.broadcast %broadcast_in_dim3A : f32 to vector<16xf32>
    %scan3A = arith.constant 0 : i32
    %scan3A_135 = arith.constant 0 : i32
    %scan3A_136 = arith.constant 128 : i32
    %scan3A_137 = arith.addi %scan3A_135, %scan3A_136 : i32
    %scan3A_138 = arith.constant 1 : i32
    scf.for %scan3A_180 = %scan3A_135 to %scan3A_137 step %scan3A_138  : i32 {
      %jit3A_181 = arith.constant 2 : i32
      %eq3A_182 = arith.constant 0 : i32
      %eq3A_183 = arith.cmpi eq, %jit3A_181, %eq3A_182 : i32
      %jit3A_184 = arith.constant 1 : i32
      %select_n3A_185 = arith.select %eq3A_183, %jit3A_184, %jit3A_181 : i32
      %rem3A_186 = arith.remsi %scan3A_180, %select_n3A_185 : i32
      %ne3A_187 = arith.constant 0 : i32
      %ne3A_188 = arith.cmpi ne, %rem3A_186, %ne3A_187 : i32
      %lt3A_189 = arith.constant 0 : i32
      %lt3A_190 = arith.cmpi slt, %rem3A_186, %lt3A_189 : i32
      %lt3A_191 = arith.constant 0 : i32
      %lt3A_192 = arith.cmpi slt, %select_n3A_185, %lt3A_191 : i32
      %ne3A_193 = arith.xori %lt3A_190, %lt3A_192 : i1
      %and3A_194 = arith.andi %ne3A_193, %ne3A_188 : i1
      %add3A_195 = arith.addi %rem3A_186, %select_n3A_185 : i32
      %select_n3A_196 = arith.select %and3A_194, %add3A_195, %rem3A_186 : i32
      %add3A_197 = arith.constant 1 : i32
      %add3A_198 = arith.addi %scan3A_180, %add3A_197 : i32
      %jit3A_199 = arith.constant 2 : i32
      %eq3A_200 = arith.constant 0 : i32
      %eq3A_201 = arith.cmpi eq, %jit3A_199, %eq3A_200 : i32
      %jit3A_202 = arith.constant 1 : i32
      %select_n3A_203 = arith.select %eq3A_201, %jit3A_202, %jit3A_199 : i32
      %rem3A_204 = arith.remsi %add3A_198, %select_n3A_203 : i32
      %ne3A_205 = arith.constant 0 : i32
      %ne3A_206 = arith.cmpi ne, %rem3A_204, %ne3A_205 : i32
      %lt3A_207 = arith.constant 0 : i32
      %lt3A_208 = arith.cmpi slt, %rem3A_204, %lt3A_207 : i32
      %lt3A_209 = arith.constant 0 : i32
      %lt3A_210 = arith.cmpi slt, %select_n3A_203, %lt3A_209 : i32
      %ne3A_211 = arith.xori %lt3A_208, %lt3A_210 : i1
      %and3A_212 = arith.andi %ne3A_211, %ne3A_206 : i1
      %add3A_213 = arith.addi %rem3A_204, %select_n3A_203 : i32
      %select_n3A_214 = arith.select %and3A_212, %add3A_213, %rem3A_204 : i32
      %dma_wait3A_215 = arith.constant 0 : i32
      %dma_wait3A_216 = arith.constant 0 : i32
      %dma_wait3A_217 = arith.constant 0 : i32
      %dma_wait3A_218 = tpu.memref_slice %arg9[%select_n3A_196, %dma_wait3A_216, %dma_wait3A_217] : memref<2x400x64xf32, #tpu.memory_space<vmem>> -> memref<1x400x64xf32, #tpu.memory_space<vmem>>
      %dma_wait3A_219 = tpu.memref_squeeze %dma_wait3A_218 : memref<1x400x64xf32, #tpu.memory_space<vmem>> -> memref<400x64xf32, #tpu.memory_space<vmem>>
      %dma_wait3A_220 = arith.constant 0 : i32
      %dma_wait3A_221 = tpu.memref_slice %arg8[%select_n3A_196, %dma_wait3A_220] : memref<2x400xi32, #tpu.memory_space<vmem>> -> memref<1x400xi32, #tpu.memory_space<vmem>>
      %dma_wait3A_222 = tpu.memref_squeeze %dma_wait3A_221 : memref<1x400xi32, #tpu.memory_space<vmem>> -> memref<400xi32, #tpu.memory_space<vmem>>
      %dma_wait3A_223 = arith.constant 0 : i32
      %dma_wait3A_224 = arith.constant 0 : i32
      %dma_wait3A_225 = tpu.memref_slice %arg2[%dma_wait3A_215, %dma_wait3A_223, %dma_wait3A_224] : memref<8x1000x64xf32, #tpu.memory_space<hbm>> -> memref<1x1000x64xf32, #tpu.memory_space<hbm>>
      %dma_wait3A_226 = tpu.memref_squeeze %dma_wait3A_225 : memref<1x1000x64xf32, #tpu.memory_space<hbm>> -> memref<1000x64xf32, #tpu.memory_space<hbm>>
      %dma_wait3A_227 = arith.constant 0 : i32
      %dma_wait3A_228 = arith.constant 0 : i32
      %dma_wait3A_229 = tpu.memref_slice %dma_wait3A_226[%dma_wait3A_227, %dma_wait3A_228] : memref<1000x64xf32, #tpu.memory_space<hbm>> -> memref<1000x64xf32, #tpu.memory_space<hbm>>
      %dma_wait3A_230 = tpu.memref_slice %arg13[%select_n3A_196] : memref<2x!tpu.dma_semaphore, #tpu.memory_space<semaphore_mem>> -> memref<1x!tpu.dma_semaphore, #tpu.memory_space<semaphore_mem>>
      %dma_wait3A_231 = tpu.memref_squeeze %dma_wait3A_230 : memref<1x!tpu.dma_semaphore, #tpu.memory_space<semaphore_mem>> -> memref<!tpu.dma_semaphore, #tpu.memory_space<semaphore_mem>>
      tpu.wait_indirect_dma semaphore(%dma_wait3A_231 : memref<!tpu.dma_semaphore, #tpu.memory_space<semaphore_mem>>) src(%dma_wait3A_229 : memref<1000x64xf32, #tpu.memory_space<hbm>>) dst(%dma_wait3A_219 : memref<400x64xf32, #tpu.memory_space<vmem>>)
      %add3A_232 = arith.constant 2 : i32
      %add3A_233 = arith.addi %scan3A_180, %add3A_232 : i32
      %lt3A_234 = arith.constant 128 : i32
      %lt3A_235 = arith.cmpi slt, %add3A_233, %lt3A_234 : i32
      %convert_element_type3A_236 = arith.extui %lt3A_235 : i1 to i32
      %cond3A_237 = arith.constant 0 : i32
      %cond3A_238 = arith.cmpi ne, %convert_element_type3A_236, %cond3A_237 : i32
      scf.if %cond3A_238 {
        %add3A_273 = arith.constant 2 : i32
        %add3A_274 = arith.addi %scan3A_180, %add3A_273 : i32
        %mul3A_275 = arith.constant 8 : i32
        %mul3A_276 = arith.muli %add3A_274, %mul3A_275 : i32
        %add3A_277 = arith.addi %mul3A_32, %mul3A_276 : i32
        %mul3A_278 = arith.constant 50 : i32
        %mul3A_279 = arith.muli %add3A_277, %mul3A_278 : i32
        %convert_element_type3A_280 = arith.extui %lt3A_34 : i1 to i32
        %cond3A_281 = arith.constant 0 : i32
        %cond3A_282 = arith.cmpi ne, %convert_element_type3A_280, %cond3A_281 : i32
        scf.if %cond3A_282 {
          %dma_start3A_288 = arith.constant 0 : i32
          %dma_start3A_289 = tpu.memref_slice %arg8[%select_n3A_196, %dma_start3A_288] : memref<2x400xi32, #tpu.memory_space<vmem>> -> memref<1x400xi32, #tpu.memory_space<vmem>>
          %dma_start3A_290 = tpu.memref_squeeze %dma_start3A_289 : memref<1x400xi32, #tpu.memory_space<vmem>> -> memref<400xi32, #tpu.memory_space<vmem>>
          %dma_start3A_291 = tpu.memref_slice %arg4[%mul3A_279] : memref<204800xi32, #tpu.memory_space<hbm>> -> memref<400xi32, #tpu.memory_space<hbm>>
          %dma_start3A_292 = tpu.memref_slice %arg12[%select_n3A_196] : memref<2x!tpu.dma_semaphore, #tpu.memory_space<semaphore_mem>> -> memref<1x!tpu.dma_semaphore, #tpu.memory_space<semaphore_mem>>
          %dma_start3A_293 = tpu.memref_squeeze %dma_start3A_292 : memref<1x!tpu.dma_semaphore, #tpu.memory_space<semaphore_mem>> -> memref<!tpu.dma_semaphore, #tpu.memory_space<semaphore_mem>>
          %dma_start3A_294 = arith.constant 0 : i32
          %dma_start3A_295 = tpu.memref_slice %arg8[%select_n3A_196, %dma_start3A_294] : memref<2x400xi32, #tpu.memory_space<vmem>> -> memref<1x400xi32, #tpu.memory_space<vmem>>
          %dma_start3A_296 = tpu.memref_squeeze %dma_start3A_295 : memref<1x400xi32, #tpu.memory_space<vmem>> -> memref<400xi32, #tpu.memory_space<vmem>>
          %dma_start3A_297 = tpu.memref_slice %arg4[%mul3A_279] : memref<204800xi32, #tpu.memory_space<hbm>> -> memref<400xi32, #tpu.memory_space<hbm>>
          tpu.enqueue_dma source(%dma_start3A_297 : memref<400xi32, #tpu.memory_space<hbm>>) target(%dma_start3A_296 : memref<400xi32, #tpu.memory_space<vmem>>) target_semaphore(%dma_start3A_293 : memref<!tpu.dma_semaphore, #tpu.memory_space<semaphore_mem>>)
        } else {
        }
        %not3A_283 = arith.constant true
        %not3A_284 = arith.xori %lt3A_34, %not3A_283 : i1
        %convert_element_type3A_285 = arith.extui %not3A_284 : i1 to i32
        %cond3A_286 = arith.constant 0 : i32
        %cond3A_287 = arith.cmpi ne, %convert_element_type3A_285, %cond3A_286 : i32
        scf.if %cond3A_287 {
          %dma_start3A_288 = arith.constant 0 : i32
          %dma_start3A_289 = tpu.memref_slice %arg8[%select_n3A_196, %dma_start3A_288] : memref<2x400xi32, #tpu.memory_space<vmem>> -> memref<1x400xi32, #tpu.memory_space<vmem>>
          %dma_start3A_290 = tpu.memref_squeeze %dma_start3A_289 : memref<1x400xi32, #tpu.memory_space<vmem>> -> memref<400xi32, #tpu.memory_space<vmem>>
          %dma_start3A_291 = tpu.memref_slice %arg5[%mul3A_279] : memref<204800xi32, #tpu.memory_space<hbm>> -> memref<400xi32, #tpu.memory_space<hbm>>
          %dma_start3A_292 = tpu.memref_slice %arg12[%select_n3A_196] : memref<2x!tpu.dma_semaphore, #tpu.memory_space<semaphore_mem>> -> memref<1x!tpu.dma_semaphore, #tpu.memory_space<semaphore_mem>>
          %dma_start3A_293 = tpu.memref_squeeze %dma_start3A_292 : memref<1x!tpu.dma_semaphore, #tpu.memory_space<semaphore_mem>> -> memref<!tpu.dma_semaphore, #tpu.memory_space<semaphore_mem>>
          %dma_start3A_294 = arith.constant 0 : i32
          %dma_start3A_295 = tpu.memref_slice %arg8[%select_n3A_196, %dma_start3A_294] : memref<2x400xi32, #tpu.memory_space<vmem>> -> memref<1x400xi32, #tpu.memory_space<vmem>>
          %dma_start3A_296 = tpu.memref_squeeze %dma_start3A_295 : memref<1x400xi32, #tpu.memory_space<vmem>> -> memref<400xi32, #tpu.memory_space<vmem>>
          %dma_start3A_297 = tpu.memref_slice %arg5[%mul3A_279] : memref<204800xi32, #tpu.memory_space<hbm>> -> memref<400xi32, #tpu.memory_space<hbm>>
          tpu.enqueue_dma source(%dma_start3A_297 : memref<400xi32, #tpu.memory_space<hbm>>) target(%dma_start3A_296 : memref<400xi32, #tpu.memory_space<vmem>>) target_semaphore(%dma_start3A_293 : memref<!tpu.dma_semaphore, #tpu.memory_space<semaphore_mem>>)
        } else {
        }
      } else {
      }
      %add3A_239 = arith.constant 1 : i32
      %add3A_240 = arith.addi %scan3A_180, %add3A_239 : i32
      %lt3A_241 = arith.constant 128 : i32
      %lt3A_242 = arith.cmpi slt, %add3A_240, %lt3A_241 : i32
      %convert_element_type3A_243 = arith.extui %lt3A_242 : i1 to i32
      %cond3A_244 = arith.constant 0 : i32
      %cond3A_245 = arith.cmpi ne, %convert_element_type3A_243, %cond3A_244 : i32
      scf.if %cond3A_245 {
        %dma_wait3A_273 = arith.constant 0 : i32
        %dma_wait3A_274 = tpu.memref_slice %arg8[%select_n3A_214, %dma_wait3A_273] : memref<2x400xi32, #tpu.memory_space<vmem>> -> memref<1x400xi32, #tpu.memory_space<vmem>>
        %dma_wait3A_275 = tpu.memref_squeeze %dma_wait3A_274 : memref<1x400xi32, #tpu.memory_space<vmem>> -> memref<400xi32, #tpu.memory_space<vmem>>
        %dma_wait3A_276 = arith.constant 0 : i32
        %dma_wait3A_277 = tpu.memref_slice %arg4[%dma_wait3A_276] : memref<204800xi32, #tpu.memory_space<hbm>> -> memref<400xi32, #tpu.memory_space<hbm>>
        %dma_wait3A_278 = tpu.memref_slice %arg12[%select_n3A_214] : memref<2x!tpu.dma_semaphore, #tpu.memory_space<semaphore_mem>> -> memref<1x!tpu.dma_semaphore, #tpu.memory_space<semaphore_mem>>
        %dma_wait3A_279 = tpu.memref_squeeze %dma_wait3A_278 : memref<1x!tpu.dma_semaphore, #tpu.memory_space<semaphore_mem>> -> memref<!tpu.dma_semaphore, #tpu.memory_space<semaphore_mem>>
        %dma_wait3A_280 = arith.constant 0 : i32
        %dma_wait3A_281 = tpu.memref_slice %arg8[%select_n3A_214, %dma_wait3A_280] : memref<2x400xi32, #tpu.memory_space<vmem>> -> memref<1x400xi32, #tpu.memory_space<vmem>>
        %dma_wait3A_282 = tpu.memref_squeeze %dma_wait3A_281 : memref<1x400xi32, #tpu.memory_space<vmem>> -> memref<400xi32, #tpu.memory_space<vmem>>
        %dma_wait3A_283 = arith.constant 0 : i32
        %dma_wait3A_284 = tpu.memref_slice %arg4[%dma_wait3A_283] : memref<204800xi32, #tpu.memory_space<hbm>> -> memref<400xi32, #tpu.memory_space<hbm>>
        tpu.wait_dma2 semaphore(%dma_wait3A_279 : memref<!tpu.dma_semaphore, #tpu.memory_space<semaphore_mem>>) src(%dma_wait3A_284 : memref<400xi32, #tpu.memory_space<hbm>>) dst(%dma_wait3A_282 : memref<400xi32, #tpu.memory_space<vmem>>)
        %dma_start3A_285 = arith.constant 0 : i32
        %dma_start3A_286 = arith.constant 0 : i32
        %dma_start3A_287 = tpu.memref_slice %arg9[%select_n3A_214, %dma_start3A_285, %dma_start3A_286] : memref<2x400x64xf32, #tpu.memory_space<vmem>> -> memref<1x400x64xf32, #tpu.memory_space<vmem>>
        %dma_start3A_288 = tpu.memref_squeeze %dma_start3A_287 : memref<1x400x64xf32, #tpu.memory_space<vmem>> -> memref<400x64xf32, #tpu.memory_space<vmem>>
        %dma_start3A_289 = arith.constant 0 : i32
        %dma_start3A_290 = tpu.memref_slice %arg8[%select_n3A_214, %dma_start3A_289] : memref<2x400xi32, #tpu.memory_space<vmem>> -> memref<1x400xi32, #tpu.memory_space<vmem>>
        %dma_start3A_291 = tpu.memref_squeeze %dma_start3A_290 : memref<1x400xi32, #tpu.memory_space<vmem>> -> memref<400xi32, #tpu.memory_space<vmem>>
        %dma_start3A_292 = arith.constant 0 : i32
        %dma_start3A_293 = arith.constant 0 : i32
        %dma_start3A_294 = tpu.memref_slice %arg2[%select_n3A_9, %dma_start3A_292, %dma_start3A_293] : memref<8x1000x64xf32, #tpu.memory_space<hbm>> -> memref<1x1000x64xf32, #tpu.memory_space<hbm>>
        %dma_start3A_295 = tpu.memref_squeeze %dma_start3A_294 : memref<1x1000x64xf32, #tpu.memory_space<hbm>> -> memref<1000x64xf32, #tpu.memory_space<hbm>>
        %dma_start3A_296 = arith.constant 0 : i32
        %dma_start3A_297 = arith.constant 0 : i32
        %dma_start3A_298 = tpu.memref_slice %dma_start3A_295[%dma_start3A_296, %dma_start3A_297] : memref<1000x64xf32, #tpu.memory_space<hbm>> -> memref<1000x64xf32, #tpu.memory_space<hbm>>
        %dma_start3A_299 = tpu.memref_slice %arg13[%select_n3A_214] : memref<2x!tpu.dma_semaphore, #tpu.memory_space<semaphore_mem>> -> memref<1x!tpu.dma_semaphore, #tpu.memory_space<semaphore_mem>>
        %dma_start3A_300 = tpu.memref_squeeze %dma_start3A_299 : memref<1x!tpu.dma_semaphore, #tpu.memory_space<semaphore_mem>> -> memref<!tpu.dma_semaphore, #tpu.memory_space<semaphore_mem>>
        tpu.enqueue_indirect_dma source(%dma_start3A_298 : memref<1000x64xf32, #tpu.memory_space<hbm>>) target(%dma_start3A_288 : memref<400x64xf32, #tpu.memory_space<vmem>>) offsets(%dma_start3A_291 : memref<400xi32, #tpu.memory_space<vmem>>) semaphore(%dma_start3A_300 : memref<!tpu.dma_semaphore, #tpu.memory_space<semaphore_mem>>)
      } else {
      }
      %ge3A = arith.constant 2 : i32
      %ge3A_246 = arith.cmpi sge, %scan3A_180, %ge3A : i32
      %convert_element_type3A_247 = arith.extui %ge3A_246 : i1 to i32
      %cond3A_248 = arith.constant 0 : i32
      %cond3A_249 = arith.cmpi ne, %convert_element_type3A_247, %cond3A_248 : i32
      scf.if %cond3A_249 {
        %mul3A_273 = arith.constant 64 : i32
        %mul3A_274 = arith.muli %select_n3A_9, %mul3A_273 : i32
        %dma_wait3A_275 = arith.constant 0 : i32
        %dma_wait3A_276 = arith.constant 0 : i32
        %dma_wait3A_277 = arith.constant 0 : i32
        %dma_wait3A_278 = tpu.memref_slice %arg10[%select_n3A_196, %dma_wait3A_275, %dma_wait3A_276, %dma_wait3A_277] : memref<2x8x50x64xf32, #tpu.memory_space<vmem>> -> memref<1x8x50x64xf32, #tpu.memory_space<vmem>>
        %dma_wait3A_279 = tpu.memref_squeeze %dma_wait3A_278 : memref<1x8x50x64xf32, #tpu.memory_space<vmem>> -> memref<8x50x64xf32, #tpu.memory_space<vmem>>
        %dma_wait3A_280 = arith.constant 0 : i32
        %dma_wait3A_281 = tpu.memref_slice %arg6[%mul3A_32, %dma_wait3A_280, %mul3A_274] : memref<4096x50x512xf32, #tpu.memory_space<hbm>> -> memref<8x50x64xf32, #tpu.memory_space<hbm>>
        %dma_wait3A_282 = tpu.memref_slice %arg14[%select_n3A_196] : memref<2x!tpu.dma_semaphore, #tpu.memory_space<semaphore_mem>> -> memref<1x!tpu.dma_semaphore, #tpu.memory_space<semaphore_mem>>
        %dma_wait3A_283 = tpu.memref_squeeze %dma_wait3A_282 : memref<1x!tpu.dma_semaphore, #tpu.memory_space<semaphore_mem>> -> memref<!tpu.dma_semaphore, #tpu.memory_space<semaphore_mem>>
        %dma_wait3A_284 = arith.constant 0 : i32
        %dma_wait3A_285 = tpu.memref_slice %arg6[%mul3A_32, %dma_wait3A_284, %mul3A_274] : memref<4096x50x512xf32, #tpu.memory_space<hbm>> -> memref<8x50x64xf32, #tpu.memory_space<hbm>>
        %dma_wait3A_286 = arith.constant 0 : i32
        %dma_wait3A_287 = arith.constant 0 : i32
        %dma_wait3A_288 = arith.constant 0 : i32
        %dma_wait3A_289 = tpu.memref_slice %arg10[%select_n3A_196, %dma_wait3A_286, %dma_wait3A_287, %dma_wait3A_288] : memref<2x8x50x64xf32, #tpu.memory_space<vmem>> -> memref<1x8x50x64xf32, #tpu.memory_space<vmem>>
        %dma_wait3A_290 = tpu.memref_squeeze %dma_wait3A_289 : memref<1x8x50x64xf32, #tpu.memory_space<vmem>> -> memref<8x50x64xf32, #tpu.memory_space<vmem>>
        tpu.wait_dma2 semaphore(%dma_wait3A_283 : memref<!tpu.dma_semaphore, #tpu.memory_space<semaphore_mem>>) src(%dma_wait3A_290 : memref<8x50x64xf32, #tpu.memory_space<vmem>>) dst(%dma_wait3A_285 : memref<8x50x64xf32, #tpu.memory_space<hbm>>)
      } else {
      }
      %parallel_loop3A = arith.constant 0 : i32
      %parallel_loop3A_250 = arith.constant 8 : i32
      %parallel_loop3A_251 = arith.constant 1 : i32
      scf.for %parallel_loop3A_273 = %parallel_loop3A to %parallel_loop3A_250 step %parallel_loop3A_251  : i32 {
        %parallel_loop3A_274 = arith.constant 50 : i32
        %parallel_loop3A_275 = arith.muli %parallel_loop3A_273, %parallel_loop3A_274 : i32
        %parallel_loop3A_276 = arith.constant 13 : i32
        %parallel_loop3A_277 = arith.addi %parallel_loop3A_275, %parallel_loop3A_276 : i32
        %parallel_loop3A_278 = arith.constant 1 : i32
        %parallel_loop3A_279 = arith.subi %parallel_loop3A_277, %parallel_loop3A_278 : i32
        %parallel_loop3A_280 = arith.index_cast %select_n3A_196 : i32 to index
        %parallel_loop3A_281 = arith.index_cast %parallel_loop3A_279 : i32 to index
        %parallel_loop3A_282 = arith.constant 0 : index
        %parallel_loop3A_283 = tpu.vector_load %arg9[%parallel_loop3A_280, %parallel_loop3A_281, %parallel_loop3A_282] {strides = array<i32>} : memref<2x400x64xf32, #tpu.memory_space<vmem>>, vector<16xf32>,
        %parallel_loop3A_284 = arith.constant 13 : i32
        %parallel_loop3A_285 = arith.addi %parallel_loop3A_275, %parallel_loop3A_284 : i32
        %parallel_loop3A_286 = arith.constant 1 : i32
        %parallel_loop3A_287 = arith.subi %parallel_loop3A_285, %parallel_loop3A_286 : i32
        %parallel_loop3A_288 = arith.index_cast %select_n3A_196 : i32 to index
        %parallel_loop3A_289 = arith.index_cast %parallel_loop3A_287 : i32 to index
        %parallel_loop3A_290 = arith.constant 16 : index
        %parallel_loop3A_291 = tpu.vector_load %arg9[%parallel_loop3A_288, %parallel_loop3A_289, %parallel_loop3A_290] {strides = array<i32>} : memref<2x400x64xf32, #tpu.memory_space<vmem>>, vector<16xf32>,
        %parallel_loop3A_292 = arith.constant 13 : i32
        %parallel_loop3A_293 = arith.addi %parallel_loop3A_275, %parallel_loop3A_292 : i32
        %parallel_loop3A_294 = arith.constant 1 : i32
        %parallel_loop3A_295 = arith.subi %parallel_loop3A_293, %parallel_loop3A_294 : i32
        %parallel_loop3A_296 = arith.index_cast %select_n3A_196 : i32 to index
        %parallel_loop3A_297 = arith.index_cast %parallel_loop3A_295 : i32 to index
        %parallel_loop3A_298 = arith.constant 32 : index
        %parallel_loop3A_299 = tpu.vector_load %arg9[%parallel_loop3A_296, %parallel_loop3A_297, %parallel_loop3A_298] {strides = array<i32>} : memref<2x400x64xf32, #tpu.memory_space<vmem>>, vector<16xf32>,
        %parallel_loop3A_300 = arith.constant 13 : i32
        %parallel_loop3A_301 = arith.addi %parallel_loop3A_275, %parallel_loop3A_300 : i32
        %parallel_loop3A_302 = arith.constant 1 : i32
        %parallel_loop3A_303 = arith.subi %parallel_loop3A_301, %parallel_loop3A_302 : i32
        %parallel_loop3A_304 = arith.index_cast %select_n3A_196 : i32 to index
        %parallel_loop3A_305 = arith.index_cast %parallel_loop3A_303 : i32 to index
        %parallel_loop3A_306 = arith.constant 48 : index
        %parallel_loop3A_307 = tpu.vector_load %arg9[%parallel_loop3A_304, %parallel_loop3A_305, %parallel_loop3A_306] {strides = array<i32>} : memref<2x400x64xf32, #tpu.memory_space<vmem>>, vector<16xf32>,
        %parallel_loop3A_308 = arith.constant 25 : i32
        %parallel_loop3A_309 = arith.addi %parallel_loop3A_275, %parallel_loop3A_308 : i32
        %parallel_loop3A_310 = arith.constant 1 : i32
        %parallel_loop3A_311 = arith.subi %parallel_loop3A_309, %parallel_loop3A_310 : i32
        %parallel_loop3A_312 = arith.index_cast %select_n3A_196 : i32 to index
        %parallel_loop3A_313 = arith.index_cast %parallel_loop3A_311 : i32 to index
        %parallel_loop3A_314 = arith.constant 0 : index
        %parallel_loop3A_315 = tpu.vector_load %arg9[%parallel_loop3A_312, %parallel_loop3A_313, %parallel_loop3A_314] {strides = array<i32>} : memref<2x400x64xf32, #tpu.memory_space<vmem>>, vector<16xf32>,
        %parallel_loop3A_316 = arith.constant 25 : i32
        %parallel_loop3A_317 = arith.addi %parallel_loop3A_275, %parallel_loop3A_316 : i32
        %parallel_loop3A_318 = arith.constant 1 : i32
        %parallel_loop3A_319 = arith.subi %parallel_loop3A_317, %parallel_loop3A_318 : i32
        %parallel_loop3A_320 = arith.index_cast %select_n3A_196 : i32 to index
        %parallel_loop3A_321 = arith.index_cast %parallel_loop3A_319 : i32 to index
        %parallel_loop3A_322 = arith.constant 16 : index
        %parallel_loop3A_323 = tpu.vector_load %arg9[%parallel_loop3A_320, %parallel_loop3A_321, %parallel_loop3A_322] {strides = array<i32>} : memref<2x400x64xf32, #tpu.memory_space<vmem>>, vector<16xf32>,
        %parallel_loop3A_324 = arith.constant 25 : i32
        %parallel_loop3A_325 = arith.addi %parallel_loop3A_275, %parallel_loop3A_324 : i32
        %parallel_loop3A_326 = arith.constant 1 : i32
        %parallel_loop3A_327 = arith.subi %parallel_loop3A_325, %parallel_loop3A_326 : i32
        %parallel_loop3A_328 = arith.index_cast %select_n3A_196 : i32 to index
        %parallel_loop3A_329 = arith.index_cast %parallel_loop3A_327 : i32 to index
        %parallel_loop3A_330 = arith.constant 32 : index
        %parallel_loop3A_331 = tpu.vector_load %arg9[%parallel_loop3A_328, %parallel_loop3A_329, %parallel_loop3A_330] {strides = array<i32>} : memref<2x400x64xf32, #tpu.memory_space<vmem>>, vector<16xf32>,
        %parallel_loop3A_332 = arith.constant 25 : i32
        %parallel_loop3A_333 = arith.addi %parallel_loop3A_275, %parallel_loop3A_332 : i32
        %parallel_loop3A_334 = arith.constant 1 : i32
        %parallel_loop3A_335 = arith.subi %parallel_loop3A_333, %parallel_loop3A_334 : i32
        %parallel_loop3A_336 = arith.index_cast %select_n3A_196 : i32 to index
        %parallel_loop3A_337 = arith.index_cast %parallel_loop3A_335 : i32 to index
        %parallel_loop3A_338 = arith.constant 48 : index
        %parallel_loop3A_339 = tpu.vector_load %arg9[%parallel_loop3A_336, %parallel_loop3A_337, %parallel_loop3A_338] {strides = array<i32>} : memref<2x400x64xf32, #tpu.memory_space<vmem>>, vector<16xf32>,
        %parallel_loop3A_340 = arith.constant 38 : i32
        %parallel_loop3A_341 = arith.addi %parallel_loop3A_275, %parallel_loop3A_340 : i32
        %parallel_loop3A_342 = arith.constant 1 : i32
        %parallel_loop3A_343 = arith.subi %parallel_loop3A_341, %parallel_loop3A_342 : i32
        %parallel_loop3A_344 = arith.index_cast %select_n3A_196 : i32 to index
        %parallel_loop3A_345 = arith.index_cast %parallel_loop3A_343 : i32 to index
        %parallel_loop3A_346 = arith.constant 0 : index
        %parallel_loop3A_347 = tpu.vector_load %arg9[%parallel_loop3A_344, %parallel_loop3A_345, %parallel_loop3A_346] {strides = array<i32>} : memref<2x400x64xf32, #tpu.memory_space<vmem>>, vector<16xf32>,
        %parallel_loop3A_348 = arith.constant 38 : i32
        %parallel_loop3A_349 = arith.addi %parallel_loop3A_275, %parallel_loop3A_348 : i32
        %parallel_loop3A_350 = arith.constant 1 : i32
        %parallel_loop3A_351 = arith.subi %parallel_loop3A_349, %parallel_loop3A_350 : i32
        %parallel_loop3A_352 = arith.index_cast %select_n3A_196 : i32 to index
        %parallel_loop3A_353 = arith.index_cast %parallel_loop3A_351 : i32 to index
        %parallel_loop3A_354 = arith.constant 16 : index
        %parallel_loop3A_355 = tpu.vector_load %arg9[%parallel_loop3A_352, %parallel_loop3A_353, %parallel_loop3A_354] {strides = array<i32>} : memref<2x400x64xf32, #tpu.memory_space<vmem>>, vector<16xf32>,
        %parallel_loop3A_356 = arith.constant 38 : i32
        %parallel_loop3A_357 = arith.addi %parallel_loop3A_275, %parallel_loop3A_356 : i32
        %parallel_loop3A_358 = arith.constant 1 : i32
        %parallel_loop3A_359 = arith.subi %parallel_loop3A_357, %parallel_loop3A_358 : i32
        %parallel_loop3A_360 = arith.index_cast %select_n3A_196 : i32 to index
        %parallel_loop3A_361 = arith.index_cast %parallel_loop3A_359 : i32 to index
        %parallel_loop3A_362 = arith.constant 32 : index
        %parallel_loop3A_363 = tpu.vector_load %arg9[%parallel_loop3A_360, %parallel_loop3A_361, %parallel_loop3A_362] {strides = array<i32>} : memref<2x400x64xf32, #tpu.memory_space<vmem>>, vector<16xf32>,
        %parallel_loop3A_364 = arith.constant 38 : i32
        %parallel_loop3A_365 = arith.addi %parallel_loop3A_275, %parallel_loop3A_364 : i32
        %parallel_loop3A_366 = arith.constant 1 : i32
        %parallel_loop3A_367 = arith.subi %parallel_loop3A_365, %parallel_loop3A_366 : i32
        %parallel_loop3A_368 = arith.index_cast %select_n3A_196 : i32 to index
        %parallel_loop3A_369 = arith.index_cast %parallel_loop3A_367 : i32 to index
        %parallel_loop3A_370 = arith.constant 48 : index
        %parallel_loop3A_371 = tpu.vector_load %arg9[%parallel_loop3A_368, %parallel_loop3A_369, %parallel_loop3A_370] {strides = array<i32>} : memref<2x400x64xf32, #tpu.memory_space<vmem>>, vector<16xf32>,
        %parallel_loop3A_372 = arith.constant 0 : i32
        %parallel_loop3A_373 = arith.addi %parallel_loop3A_275, %parallel_loop3A_372 : i32
        %parallel_loop3A_374 = arith.constant 0 : i32
        %parallel_loop3A_375 = arith.addi %parallel_loop3A_373, %parallel_loop3A_374 : i32
        %parallel_loop3A_376 = arith.index_cast %select_n3A_196 : i32 to index
        %parallel_loop3A_377 = arith.index_cast %parallel_loop3A_375 : i32 to index
        %parallel_loop3A_378 = arith.constant 0 : index
        %parallel_loop3A_379 = tpu.vector_load %arg9[%parallel_loop3A_376, %parallel_loop3A_377, %parallel_loop3A_378] {strides = array<i32>} : memref<2x400x64xf32, #tpu.memory_space<vmem>>, vector<16xf32>,
        %parallel_loop3A_380 = arith.constant 0 : i32
        %parallel_loop3A_381 = arith.addi %parallel_loop3A_275, %parallel_loop3A_380 : i32
        %parallel_loop3A_382 = arith.constant 0 : i32
        %parallel_loop3A_383 = arith.addi %parallel_loop3A_381, %parallel_loop3A_382 : i32
        %parallel_loop3A_384 = arith.index_cast %select_n3A_196 : i32 to index
        %parallel_loop3A_385 = arith.index_cast %parallel_loop3A_383 : i32 to index
        %parallel_loop3A_386 = arith.constant 16 : index
        %parallel_loop3A_387 = tpu.vector_load %arg9[%parallel_loop3A_384, %parallel_loop3A_385, %parallel_loop3A_386] {strides = array<i32>} : memref<2x400x64xf32, #tpu.memory_space<vmem>>, vector<16xf32>,
        %parallel_loop3A_388 = arith.constant 0 : i32
        %parallel_loop3A_389 = arith.addi %parallel_loop3A_275, %parallel_loop3A_388 : i32
        %parallel_loop3A_390 = arith.constant 0 : i32
        %parallel_loop3A_391 = arith.addi %parallel_loop3A_389, %parallel_loop3A_390 : i32
        %parallel_loop3A_392 = arith.index_cast %select_n3A_196 : i32 to index
        %parallel_loop3A_393 = arith.index_cast %parallel_loop3A_391 : i32 to index
        %parallel_loop3A_394 = arith.constant 32 : index
        %parallel_loop3A_395 = tpu.vector_load %arg9[%parallel_loop3A_392, %parallel_loop3A_393, %parallel_loop3A_394] {strides = array<i32>} : memref<2x400x64xf32, #tpu.memory_space<vmem>>, vector<16xf32>,
        %parallel_loop3A_396 = arith.constant 0 : i32
        %parallel_loop3A_397 = arith.addi %parallel_loop3A_275, %parallel_loop3A_396 : i32
        %parallel_loop3A_398 = arith.constant 0 : i32
        %parallel_loop3A_399 = arith.addi %parallel_loop3A_397, %parallel_loop3A_398 : i32
        %parallel_loop3A_400 = arith.index_cast %select_n3A_196 : i32 to index
        %parallel_loop3A_401 = arith.index_cast %parallel_loop3A_399 : i32 to index
        %parallel_loop3A_402 = arith.constant 48 : index
        %parallel_loop3A_403 = tpu.vector_load %arg9[%parallel_loop3A_400, %parallel_loop3A_401, %parallel_loop3A_402] {strides = array<i32>} : memref<2x400x64xf32, #tpu.memory_space<vmem>>, vector<16xf32>,
        %parallel_loop3A_404 = arith.constant 13 : i32
        %parallel_loop3A_405 = arith.addi %parallel_loop3A_275, %parallel_loop3A_404 : i32
        %parallel_loop3A_406 = arith.constant 0 : i32
        %parallel_loop3A_407 = arith.addi %parallel_loop3A_405, %parallel_loop3A_406 : i32
        %parallel_loop3A_408 = arith.index_cast %select_n3A_196 : i32 to index
        %parallel_loop3A_409 = arith.index_cast %parallel_loop3A_407 : i32 to index
        %parallel_loop3A_410 = arith.constant 0 : index
        %parallel_loop3A_411 = tpu.vector_load %arg9[%parallel_loop3A_408, %parallel_loop3A_409, %parallel_loop3A_410] {strides = array<i32>} : memref<2x400x64xf32, #tpu.memory_space<vmem>>, vector<16xf32>,
        %parallel_loop3A_412 = arith.constant 13 : i32
        %parallel_loop3A_413 = arith.addi %parallel_loop3A_275, %parallel_loop3A_412 : i32
        %parallel_loop3A_414 = arith.constant 0 : i32
        %parallel_loop3A_415 = arith.addi %parallel_loop3A_413, %parallel_loop3A_414 : i32
        %parallel_loop3A_416 = arith.index_cast %select_n3A_196 : i32 to index
        %parallel_loop3A_417 = arith.index_cast %parallel_loop3A_415 : i32 to index
        %parallel_loop3A_418 = arith.constant 16 : index
        %parallel_loop3A_419 = tpu.vector_load %arg9[%parallel_loop3A_416, %parallel_loop3A_417, %parallel_loop3A_418] {strides = array<i32>} : memref<2x400x64xf32, #tpu.memory_space<vmem>>, vector<16xf32>,
        %parallel_loop3A_420 = arith.constant 13 : i32
        %parallel_loop3A_421 = arith.addi %parallel_loop3A_275, %parallel_loop3A_420 : i32
        %parallel_loop3A_422 = arith.constant 0 : i32
        %parallel_loop3A_423 = arith.addi %parallel_loop3A_421, %parallel_loop3A_422 : i32
        %parallel_loop3A_424 = arith.index_cast %select_n3A_196 : i32 to index
        %parallel_loop3A_425 = arith.index_cast %parallel_loop3A_423 : i32 to index
        %parallel_loop3A_426 = arith.constant 32 : index
        %parallel_loop3A_427 = tpu.vector_load %arg9[%parallel_loop3A_424, %parallel_loop3A_425, %parallel_loop3A_426] {strides = array<i32>} : memref<2x400x64xf32, #tpu.memory_space<vmem>>, vector<16xf32>,
        %parallel_loop3A_428 = arith.constant 13 : i32
        %parallel_loop3A_429 = arith.addi %parallel_loop3A_275, %parallel_loop3A_428 : i32
        %parallel_loop3A_430 = arith.constant 0 : i32
        %parallel_loop3A_431 = arith.addi %parallel_loop3A_429, %parallel_loop3A_430 : i32
        %parallel_loop3A_432 = arith.index_cast %select_n3A_196 : i32 to index
        %parallel_loop3A_433 = arith.index_cast %parallel_loop3A_431 : i32 to index
        %parallel_loop3A_434 = arith.constant 48 : index
        %parallel_loop3A_435 = tpu.vector_load %arg9[%parallel_loop3A_432, %parallel_loop3A_433, %parallel_loop3A_434] {strides = array<i32>} : memref<2x400x64xf32, #tpu.memory_space<vmem>>, vector<16xf32>,
        %parallel_loop3A_436 = arith.constant 25 : i32
        %parallel_loop3A_437 = arith.addi %parallel_loop3A_275, %parallel_loop3A_436 : i32
        %parallel_loop3A_438 = arith.constant 0 : i32
        %parallel_loop3A_439 = arith.addi %parallel_loop3A_437, %parallel_loop3A_438 : i32
        %parallel_loop3A_440 = arith.index_cast %select_n3A_196 : i32 to index
        %parallel_loop3A_441 = arith.index_cast %parallel_loop3A_439 : i32 to index
        %parallel_loop3A_442 = arith.constant 0 : index
        %parallel_loop3A_443 = tpu.vector_load %arg9[%parallel_loop3A_440, %parallel_loop3A_441, %parallel_loop3A_442] {strides = array<i32>} : memref<2x400x64xf32, #tpu.memory_space<vmem>>, vector<16xf32>,
        %parallel_loop3A_444 = arith.constant 25 : i32
        %parallel_loop3A_445 = arith.addi %parallel_loop3A_275, %parallel_loop3A_444 : i32
        %parallel_loop3A_446 = arith.constant 0 : i32
        %parallel_loop3A_447 = arith.addi %parallel_loop3A_445, %parallel_loop3A_446 : i32
        %parallel_loop3A_448 = arith.index_cast %select_n3A_196 : i32 to index
        %parallel_loop3A_449 = arith.index_cast %parallel_loop3A_447 : i32 to index
        %parallel_loop3A_450 = arith.constant 16 : index
        %parallel_loop3A_451 = tpu.vector_load %arg9[%parallel_loop3A_448, %parallel_loop3A_449, %parallel_loop3A_450] {strides = array<i32>} : memref<2x400x64xf32, #tpu.memory_space<vmem>>, vector<16xf32>,
        %parallel_loop3A_452 = arith.constant 25 : i32
        %parallel_loop3A_453 = arith.addi %parallel_loop3A_275, %parallel_loop3A_452 : i32
        %parallel_loop3A_454 = arith.constant 0 : i32
        %parallel_loop3A_455 = arith.addi %parallel_loop3A_453, %parallel_loop3A_454 : i32
        %parallel_loop3A_456 = arith.index_cast %select_n3A_196 : i32 to index
        %parallel_loop3A_457 = arith.index_cast %parallel_loop3A_455 : i32 to index
        %parallel_loop3A_458 = arith.constant 32 : index
        %parallel_loop3A_459 = tpu.vector_load %arg9[%parallel_loop3A_456, %parallel_loop3A_457, %parallel_loop3A_458] {strides = array<i32>} : memref<2x400x64xf32, #tpu.memory_space<vmem>>, vector<16xf32>,
        %parallel_loop3A_460 = arith.constant 25 : i32
        %parallel_loop3A_461 = arith.addi %parallel_loop3A_275, %parallel_loop3A_460 : i32
        %parallel_loop3A_462 = arith.constant 0 : i32
        %parallel_loop3A_463 = arith.addi %parallel_loop3A_461, %parallel_loop3A_462 : i32
        %parallel_loop3A_464 = arith.index_cast %select_n3A_196 : i32 to index
        %parallel_loop3A_465 = arith.index_cast %parallel_loop3A_463 : i32 to index
        %parallel_loop3A_466 = arith.constant 48 : index
        %parallel_loop3A_467 = tpu.vector_load %arg9[%parallel_loop3A_464, %parallel_loop3A_465, %parallel_loop3A_466] {strides = array<i32>} : memref<2x400x64xf32, #tpu.memory_space<vmem>>, vector<16xf32>,
        %parallel_loop3A_468 = arith.constant 38 : i32
        %parallel_loop3A_469 = arith.addi %parallel_loop3A_275, %parallel_loop3A_468 : i32
        %parallel_loop3A_470 = arith.constant 0 : i32
        %parallel_loop3A_471 = arith.addi %parallel_loop3A_469, %parallel_loop3A_470 : i32
        %parallel_loop3A_472 = arith.index_cast %select_n3A_196 : i32 to index
        %parallel_loop3A_473 = arith.index_cast %parallel_loop3A_471 : i32 to index
        %parallel_loop3A_474 = arith.constant 0 : index
        %parallel_loop3A_475 = tpu.vector_load %arg9[%parallel_loop3A_472, %parallel_loop3A_473, %parallel_loop3A_474] {strides = array<i32>} : memref<2x400x64xf32, #tpu.memory_space<vmem>>, vector<16xf32>,
        %parallel_loop3A_476 = arith.constant 38 : i32
        %parallel_loop3A_477 = arith.addi %parallel_loop3A_275, %parallel_loop3A_476 : i32
        %parallel_loop3A_478 = arith.constant 0 : i32
        %parallel_loop3A_479 = arith.addi %parallel_loop3A_477, %parallel_loop3A_478 : i32
        %parallel_loop3A_480 = arith.index_cast %select_n3A_196 : i32 to index
        %parallel_loop3A_481 = arith.index_cast %parallel_loop3A_479 : i32 to index
        %parallel_loop3A_482 = arith.constant 16 : index
        %parallel_loop3A_483 = tpu.vector_load %arg9[%parallel_loop3A_480, %parallel_loop3A_481, %parallel_loop3A_482] {strides = array<i32>} : memref<2x400x64xf32, #tpu.memory_space<vmem>>, vector<16xf32>,
        %parallel_loop3A_484 = arith.constant 38 : i32
        %parallel_loop3A_485 = arith.addi %parallel_loop3A_275, %parallel_loop3A_484 : i32
        %parallel_loop3A_486 = arith.constant 0 : i32
        %parallel_loop3A_487 = arith.addi %parallel_loop3A_485, %parallel_loop3A_486 : i32
        %parallel_loop3A_488 = arith.index_cast %select_n3A_196 : i32 to index
        %parallel_loop3A_489 = arith.index_cast %parallel_loop3A_487 : i32 to index
        %parallel_loop3A_490 = arith.constant 32 : index
        %parallel_loop3A_491 = tpu.vector_load %arg9[%parallel_loop3A_488, %parallel_loop3A_489, %parallel_loop3A_490] {strides = array<i32>} : memref<2x400x64xf32, #tpu.memory_space<vmem>>, vector<16xf32>,
        %parallel_loop3A_492 = arith.constant 38 : i32
        %parallel_loop3A_493 = arith.addi %parallel_loop3A_275, %parallel_loop3A_492 : i32
        %parallel_loop3A_494 = arith.constant 0 : i32
        %parallel_loop3A_495 = arith.addi %parallel_loop3A_493, %parallel_loop3A_494 : i32
        %parallel_loop3A_496 = arith.index_cast %select_n3A_196 : i32 to index
        %parallel_loop3A_497 = arith.index_cast %parallel_loop3A_495 : i32 to index
        %parallel_loop3A_498 = arith.constant 48 : index
        %parallel_loop3A_499 = tpu.vector_load %arg9[%parallel_loop3A_496, %parallel_loop3A_497, %parallel_loop3A_498] {strides = array<i32>} : memref<2x400x64xf32, #tpu.memory_space<vmem>>, vector<16xf32>,
        %parallel_loop3A_500 = arith.mulf %get3A_105, %broadcast_in_dim3A_134 : vector<16xf32>
        %parallel_loop3A_501 = arith.mulf %get3A_121, %parallel_loop3A_379 : vector<16xf32>
        %parallel_loop3A_502 = arith.addf %parallel_loop3A_500, %parallel_loop3A_501 : vector<16xf32>
        %parallel_loop3A_503 = arith.constant 0.000000e+00 : f32
        %parallel_loop3A_504 = vector.broadcast %parallel_loop3A_503 : f32 to vector<16xf32>
        %parallel_loop3A_505 = arith.maximumf %parallel_loop3A_502, %parallel_loop3A_504 : vector<16xf32>
        %parallel_loop3A_506 = arith.mulf %get3A_109, %broadcast_in_dim3A_134 : vector<16xf32>
        %parallel_loop3A_507 = arith.mulf %get3A_125, %parallel_loop3A_387 : vector<16xf32>
        %parallel_loop3A_508 = arith.addf %parallel_loop3A_506, %parallel_loop3A_507 : vector<16xf32>
        %parallel_loop3A_509 = arith.constant 0.000000e+00 : f32
        %parallel_loop3A_510 = vector.broadcast %parallel_loop3A_509 : f32 to vector<16xf32>
        %parallel_loop3A_511 = arith.maximumf %parallel_loop3A_508, %parallel_loop3A_510 : vector<16xf32>
        %parallel_loop3A_512 = arith.mulf %get3A_113, %broadcast_in_dim3A_134 : vector<16xf32>
        %parallel_loop3A_513 = arith.mulf %get3A_129, %parallel_loop3A_395 : vector<16xf32>
        %parallel_loop3A_514 = arith.addf %parallel_loop3A_512, %parallel_loop3A_513 : vector<16xf32>
        %parallel_loop3A_515 = arith.constant 0.000000e+00 : f32
        %parallel_loop3A_516 = vector.broadcast %parallel_loop3A_515 : f32 to vector<16xf32>
        %parallel_loop3A_517 = arith.maximumf %parallel_loop3A_514, %parallel_loop3A_516 : vector<16xf32>
        %parallel_loop3A_518 = arith.mulf %get3A_117, %broadcast_in_dim3A_134 : vector<16xf32>
        %parallel_loop3A_519 = arith.mulf %get3A_133, %parallel_loop3A_403 : vector<16xf32>
        %parallel_loop3A_520 = arith.addf %parallel_loop3A_518, %parallel_loop3A_519 : vector<16xf32>
        %parallel_loop3A_521 = arith.constant 0.000000e+00 : f32
        %parallel_loop3A_522 = vector.broadcast %parallel_loop3A_521 : f32 to vector<16xf32>
        %parallel_loop3A_523 = arith.maximumf %parallel_loop3A_520, %parallel_loop3A_522 : vector<16xf32>
        %parallel_loop3A_524 = arith.mulf %get3A_105, %parallel_loop3A_283 : vector<16xf32>
        %parallel_loop3A_525 = arith.mulf %get3A_121, %parallel_loop3A_411 : vector<16xf32>
        %parallel_loop3A_526 = arith.addf %parallel_loop3A_524, %parallel_loop3A_525 : vector<16xf32>
        %parallel_loop3A_527 = arith.constant 0.000000e+00 : f32
        %parallel_loop3A_528 = vector.broadcast %parallel_loop3A_527 : f32 to vector<16xf32>
        %parallel_loop3A_529 = arith.maximumf %parallel_loop3A_526, %parallel_loop3A_528 : vector<16xf32>
        %parallel_loop3A_530 = arith.mulf %get3A_109, %parallel_loop3A_291 : vector<16xf32>
        %parallel_loop3A_531 = arith.mulf %get3A_125, %parallel_loop3A_419 : vector<16xf32>
        %parallel_loop3A_532 = arith.addf %parallel_loop3A_530, %parallel_loop3A_531 : vector<16xf32>
        %parallel_loop3A_533 = arith.constant 0.000000e+00 : f32
        %parallel_loop3A_534 = vector.broadcast %parallel_loop3A_533 : f32 to vector<16xf32>
        %parallel_loop3A_535 = arith.maximumf %parallel_loop3A_532, %parallel_loop3A_534 : vector<16xf32>
        %parallel_loop3A_536 = arith.mulf %get3A_113, %parallel_loop3A_299 : vector<16xf32>
        %parallel_loop3A_537 = arith.mulf %get3A_129, %parallel_loop3A_427 : vector<16xf32>
        %parallel_loop3A_538 = arith.addf %parallel_loop3A_536, %parallel_loop3A_537 : vector<16xf32>
        %parallel_loop3A_539 = arith.constant 0.000000e+00 : f32
        %parallel_loop3A_540 = vector.broadcast %parallel_loop3A_539 : f32 to vector<16xf32>
        %parallel_loop3A_541 = arith.maximumf %parallel_loop3A_538, %parallel_loop3A_540 : vector<16xf32>
        %parallel_loop3A_542 = arith.mulf %get3A_117, %parallel_loop3A_307 : vector<16xf32>
        %parallel_loop3A_543 = arith.mulf %get3A_133, %parallel_loop3A_435 : vector<16xf32>
        %parallel_loop3A_544 = arith.addf %parallel_loop3A_542, %parallel_loop3A_543 : vector<16xf32>
        %parallel_loop3A_545 = arith.constant 0.000000e+00 : f32
        %parallel_loop3A_546 = vector.broadcast %parallel_loop3A_545 : f32 to vector<16xf32>
        %parallel_loop3A_547 = arith.maximumf %parallel_loop3A_544, %parallel_loop3A_546 : vector<16xf32>
        %parallel_loop3A_548 = arith.mulf %get3A_105, %parallel_loop3A_315 : vector<16xf32>
        %parallel_loop3A_549 = arith.mulf %get3A_121, %parallel_loop3A_443 : vector<16xf32>
        %parallel_loop3A_550 = arith.addf %parallel_loop3A_548, %parallel_loop3A_549 : vector<16xf32>
        %parallel_loop3A_551 = arith.constant 0.000000e+00 : f32
        %parallel_loop3A_552 = vector.broadcast %parallel_loop3A_551 : f32 to vector<16xf32>
        %parallel_loop3A_553 = arith.maximumf %parallel_loop3A_550, %parallel_loop3A_552 : vector<16xf32>
        %parallel_loop3A_554 = arith.mulf %get3A_109, %parallel_loop3A_323 : vector<16xf32>
        %parallel_loop3A_555 = arith.mulf %get3A_125, %parallel_loop3A_451 : vector<16xf32>
        %parallel_loop3A_556 = arith.addf %parallel_loop3A_554, %parallel_loop3A_555 : vector<16xf32>
        %parallel_loop3A_557 = arith.constant 0.000000e+00 : f32
        %parallel_loop3A_558 = vector.broadcast %parallel_loop3A_557 : f32 to vector<16xf32>
        %parallel_loop3A_559 = arith.maximumf %parallel_loop3A_556, %parallel_loop3A_558 : vector<16xf32>
        %parallel_loop3A_560 = arith.mulf %get3A_113, %parallel_loop3A_331 : vector<16xf32>
        %parallel_loop3A_561 = arith.mulf %get3A_129, %parallel_loop3A_459 : vector<16xf32>
        %parallel_loop3A_562 = arith.addf %parallel_loop3A_560, %parallel_loop3A_561 : vector<16xf32>
        %parallel_loop3A_563 = arith.constant 0.000000e+00 : f32
        %parallel_loop3A_564 = vector.broadcast %parallel_loop3A_563 : f32 to vector<16xf32>
        %parallel_loop3A_565 = arith.maximumf %parallel_loop3A_562, %parallel_loop3A_564 : vector<16xf32>
        %parallel_loop3A_566 = arith.mulf %get3A_117, %parallel_loop3A_339 : vector<16xf32>
        %parallel_loop3A_567 = arith.mulf %get3A_133, %parallel_loop3A_467 : vector<16xf32>
        %parallel_loop3A_568 = arith.addf %parallel_loop3A_566, %parallel_loop3A_567 : vector<16xf32>
        %parallel_loop3A_569 = arith.constant 0.000000e+00 : f32
        %parallel_loop3A_570 = vector.broadcast %parallel_loop3A_569 : f32 to vector<16xf32>
        %parallel_loop3A_571 = arith.maximumf %parallel_loop3A_568, %parallel_loop3A_570 : vector<16xf32>
        %parallel_loop3A_572 = arith.mulf %get3A_105, %parallel_loop3A_347 : vector<16xf32>
        %parallel_loop3A_573 = arith.mulf %get3A_121, %parallel_loop3A_475 : vector<16xf32>
        %parallel_loop3A_574 = arith.addf %parallel_loop3A_572, %parallel_loop3A_573 : vector<16xf32>
        %parallel_loop3A_575 = arith.constant 0.000000e+00 : f32
        %parallel_loop3A_576 = vector.broadcast %parallel_loop3A_575 : f32 to vector<16xf32>
        %parallel_loop3A_577 = arith.maximumf %parallel_loop3A_574, %parallel_loop3A_576 : vector<16xf32>
        %parallel_loop3A_578 = arith.mulf %get3A_109, %parallel_loop3A_355 : vector<16xf32>
        %parallel_loop3A_579 = arith.mulf %get3A_125, %parallel_loop3A_483 : vector<16xf32>
        %parallel_loop3A_580 = arith.addf %parallel_loop3A_578, %parallel_loop3A_579 : vector<16xf32>
        %parallel_loop3A_581 = arith.constant 0.000000e+00 : f32
        %parallel_loop3A_582 = vector.broadcast %parallel_loop3A_581 : f32 to vector<16xf32>
        %parallel_loop3A_583 = arith.maximumf %parallel_loop3A_580, %parallel_loop3A_582 : vector<16xf32>
        %parallel_loop3A_584 = arith.mulf %get3A_113, %parallel_loop3A_363 : vector<16xf32>
        %parallel_loop3A_585 = arith.mulf %get3A_129, %parallel_loop3A_491 : vector<16xf32>
        %parallel_loop3A_586 = arith.addf %parallel_loop3A_584, %parallel_loop3A_585 : vector<16xf32>
        %parallel_loop3A_587 = arith.constant 0.000000e+00 : f32
        %parallel_loop3A_588 = vector.broadcast %parallel_loop3A_587 : f32 to vector<16xf32>
        %parallel_loop3A_589 = arith.maximumf %parallel_loop3A_586, %parallel_loop3A_588 : vector<16xf32>
        %parallel_loop3A_590 = arith.mulf %get3A_117, %parallel_loop3A_371 : vector<16xf32>
        %parallel_loop3A_591 = arith.mulf %get3A_133, %parallel_loop3A_499 : vector<16xf32>
        %parallel_loop3A_592 = arith.addf %parallel_loop3A_590, %parallel_loop3A_591 : vector<16xf32>
        %parallel_loop3A_593 = arith.constant 0.000000e+00 : f32
        %parallel_loop3A_594 = vector.broadcast %parallel_loop3A_593 : f32 to vector<16xf32>
        %parallel_loop3A_595 = arith.maximumf %parallel_loop3A_592, %parallel_loop3A_594 : vector<16xf32>
        %parallel_loop3A_596 = arith.constant 0 : i32
        %parallel_loop3A_597 = arith.index_cast %select_n3A_196 : i32 to index
        %parallel_loop3A_598 = arith.index_cast %parallel_loop3A_273 : i32 to index
        %parallel_loop3A_599 = arith.index_cast %parallel_loop3A_596 : i32 to index
        %parallel_loop3A_600 = arith.constant 0 : index
        %parallel_loop3A_601 = tpu.vector_load %arg10[%parallel_loop3A_597, %parallel_loop3A_598, %parallel_loop3A_599, %parallel_loop3A_600] {strides = array<i32>} : memref<2x8x50x64xf32, #tpu.memory_space<vmem>>, vector<16xf32>,
        tpu.vector_store %arg10[%parallel_loop3A_597, %parallel_loop3A_598, %parallel_loop3A_599, %parallel_loop3A_600], %parallel_loop3A_505 {strides = array<i32>} : memref<2x8x50x64xf32, #tpu.memory_space<vmem>>, vector<16xf32>,
        %parallel_loop3A_602 = arith.constant 0 : i32
        %parallel_loop3A_603 = arith.index_cast %select_n3A_196 : i32 to index
        %parallel_loop3A_604 = arith.index_cast %parallel_loop3A_273 : i32 to index
        %parallel_loop3A_605 = arith.index_cast %parallel_loop3A_602 : i32 to index
        %parallel_loop3A_606 = arith.constant 16 : index
        %parallel_loop3A_607 = tpu.vector_load %arg10[%parallel_loop3A_603, %parallel_loop3A_604, %parallel_loop3A_605, %parallel_loop3A_606] {strides = array<i32>} : memref<2x8x50x64xf32, #tpu.memory_space<vmem>>, vector<16xf32>,
        tpu.vector_store %arg10[%parallel_loop3A_603, %parallel_loop3A_604, %parallel_loop3A_605, %parallel_loop3A_606], %parallel_loop3A_511 {strides = array<i32>} : memref<2x8x50x64xf32, #tpu.memory_space<vmem>>, vector<16xf32>,
        %parallel_loop3A_608 = arith.constant 0 : i32
        %parallel_loop3A_609 = arith.index_cast %select_n3A_196 : i32 to index
        %parallel_loop3A_610 = arith.index_cast %parallel_loop3A_273 : i32 to index
        %parallel_loop3A_611 = arith.index_cast %parallel_loop3A_608 : i32 to index
        %parallel_loop3A_612 = arith.constant 32 : index
        %parallel_loop3A_613 = tpu.vector_load %arg10[%parallel_loop3A_609, %parallel_loop3A_610, %parallel_loop3A_611, %parallel_loop3A_612] {strides = array<i32>} : memref<2x8x50x64xf32, #tpu.memory_space<vmem>>, vector<16xf32>,
        tpu.vector_store %arg10[%parallel_loop3A_609, %parallel_loop3A_610, %parallel_loop3A_611, %parallel_loop3A_612], %parallel_loop3A_517 {strides = array<i32>} : memref<2x8x50x64xf32, #tpu.memory_space<vmem>>, vector<16xf32>,
        %parallel_loop3A_614 = arith.constant 0 : i32
        %parallel_loop3A_615 = arith.index_cast %select_n3A_196 : i32 to index
        %parallel_loop3A_616 = arith.index_cast %parallel_loop3A_273 : i32 to index
        %parallel_loop3A_617 = arith.index_cast %parallel_loop3A_614 : i32 to index
        %parallel_loop3A_618 = arith.constant 48 : index
        %parallel_loop3A_619 = tpu.vector_load %arg10[%parallel_loop3A_615, %parallel_loop3A_616, %parallel_loop3A_617, %parallel_loop3A_618] {strides = array<i32>} : memref<2x8x50x64xf32, #tpu.memory_space<vmem>>, vector<16xf32>,
        tpu.vector_store %arg10[%parallel_loop3A_615, %parallel_loop3A_616, %parallel_loop3A_617, %parallel_loop3A_618], %parallel_loop3A_523 {strides = array<i32>} : memref<2x8x50x64xf32, #tpu.memory_space<vmem>>, vector<16xf32>,
        %parallel_loop3A_620 = arith.constant 13 : i32
        %parallel_loop3A_621 = arith.index_cast %select_n3A_196 : i32 to index
        %parallel_loop3A_622 = arith.index_cast %parallel_loop3A_273 : i32 to index
        %parallel_loop3A_623 = arith.index_cast %parallel_loop3A_620 : i32 to index
        %parallel_loop3A_624 = arith.constant 0 : index
        %parallel_loop3A_625 = tpu.vector_load %arg10[%parallel_loop3A_621, %parallel_loop3A_622, %parallel_loop3A_623, %parallel_loop3A_624] {strides = array<i32>} : memref<2x8x50x64xf32, #tpu.memory_space<vmem>>, vector<16xf32>,
        tpu.vector_store %arg10[%parallel_loop3A_621, %parallel_loop3A_622, %parallel_loop3A_623, %parallel_loop3A_624], %parallel_loop3A_529 {strides = array<i32>} : memref<2x8x50x64xf32, #tpu.memory_space<vmem>>, vector<16xf32>,
        %parallel_loop3A_626 = arith.constant 13 : i32
        %parallel_loop3A_627 = arith.index_cast %select_n3A_196 : i32 to index
        %parallel_loop3A_628 = arith.index_cast %parallel_loop3A_273 : i32 to index
        %parallel_loop3A_629 = arith.index_cast %parallel_loop3A_626 : i32 to index
        %parallel_loop3A_630 = arith.constant 16 : index
        %parallel_loop3A_631 = tpu.vector_load %arg10[%parallel_loop3A_627, %parallel_loop3A_628, %parallel_loop3A_629, %parallel_loop3A_630] {strides = array<i32>} : memref<2x8x50x64xf32, #tpu.memory_space<vmem>>, vector<16xf32>,
        tpu.vector_store %arg10[%parallel_loop3A_627, %parallel_loop3A_628, %parallel_loop3A_629, %parallel_loop3A_630], %parallel_loop3A_535 {strides = array<i32>} : memref<2x8x50x64xf32, #tpu.memory_space<vmem>>, vector<16xf32>,
        %parallel_loop3A_632 = arith.constant 13 : i32
        %parallel_loop3A_633 = arith.index_cast %select_n3A_196 : i32 to index
        %parallel_loop3A_634 = arith.index_cast %parallel_loop3A_273 : i32 to index
        %parallel_loop3A_635 = arith.index_cast %parallel_loop3A_632 : i32 to index
        %parallel_loop3A_636 = arith.constant 32 : index
        %parallel_loop3A_637 = tpu.vector_load %arg10[%parallel_loop3A_633, %parallel_loop3A_634, %parallel_loop3A_635, %parallel_loop3A_636] {strides = array<i32>} : memref<2x8x50x64xf32, #tpu.memory_space<vmem>>, vector<16xf32>,
        tpu.vector_store %arg10[%parallel_loop3A_633, %parallel_loop3A_634, %parallel_loop3A_635, %parallel_loop3A_636], %parallel_loop3A_541 {strides = array<i32>} : memref<2x8x50x64xf32, #tpu.memory_space<vmem>>, vector<16xf32>,
        %parallel_loop3A_638 = arith.constant 13 : i32
        %parallel_loop3A_639 = arith.index_cast %select_n3A_196 : i32 to index
        %parallel_loop3A_640 = arith.index_cast %parallel_loop3A_273 : i32 to index
        %parallel_loop3A_641 = arith.index_cast %parallel_loop3A_638 : i32 to index
        %parallel_loop3A_642 = arith.constant 48 : index
        %parallel_loop3A_643 = tpu.vector_load %arg10[%parallel_loop3A_639, %parallel_loop3A_640, %parallel_loop3A_641, %parallel_loop3A_642] {strides = array<i32>} : memref<2x8x50x64xf32, #tpu.memory_space<vmem>>, vector<16xf32>,
        tpu.vector_store %arg10[%parallel_loop3A_639, %parallel_loop3A_640, %parallel_loop3A_641, %parallel_loop3A_642], %parallel_loop3A_547 {strides = array<i32>} : memref<2x8x50x64xf32, #tpu.memory_space<vmem>>, vector<16xf32>,
        %parallel_loop3A_644 = arith.constant 25 : i32
        %parallel_loop3A_645 = arith.index_cast %select_n3A_196 : i32 to index
        %parallel_loop3A_646 = arith.index_cast %parallel_loop3A_273 : i32 to index
        %parallel_loop3A_647 = arith.index_cast %parallel_loop3A_644 : i32 to index
        %parallel_loop3A_648 = arith.constant 0 : index
        %parallel_loop3A_649 = tpu.vector_load %arg10[%parallel_loop3A_645, %parallel_loop3A_646, %parallel_loop3A_647, %parallel_loop3A_648] {strides = array<i32>} : memref<2x8x50x64xf32, #tpu.memory_space<vmem>>, vector<16xf32>,
        tpu.vector_store %arg10[%parallel_loop3A_645, %parallel_loop3A_646, %parallel_loop3A_647, %parallel_loop3A_648], %parallel_loop3A_553 {strides = array<i32>} : memref<2x8x50x64xf32, #tpu.memory_space<vmem>>, vector<16xf32>,
        %parallel_loop3A_650 = arith.constant 25 : i32
        %parallel_loop3A_651 = arith.index_cast %select_n3A_196 : i32 to index
        %parallel_loop3A_652 = arith.index_cast %parallel_loop3A_273 : i32 to index
        %parallel_loop3A_653 = arith.index_cast %parallel_loop3A_650 : i32 to index
        %parallel_loop3A_654 = arith.constant 16 : index
        %parallel_loop3A_655 = tpu.vector_load %arg10[%parallel_loop3A_651, %parallel_loop3A_652, %parallel_loop3A_653, %parallel_loop3A_654] {strides = array<i32>} : memref<2x8x50x64xf32, #tpu.memory_space<vmem>>, vector<16xf32>,
        tpu.vector_store %arg10[%parallel_loop3A_651, %parallel_loop3A_652, %parallel_loop3A_653, %parallel_loop3A_654], %parallel_loop3A_559 {strides = array<i32>} : memref<2x8x50x64xf32, #tpu.memory_space<vmem>>, vector<16xf32>,
        %parallel_loop3A_656 = arith.constant 25 : i32
        %parallel_loop3A_657 = arith.index_cast %select_n3A_196 : i32 to index
        %parallel_loop3A_658 = arith.index_cast %parallel_loop3A_273 : i32 to index
        %parallel_loop3A_659 = arith.index_cast %parallel_loop3A_656 : i32 to index
        %parallel_loop3A_660 = arith.constant 32 : index
        %parallel_loop3A_661 = tpu.vector_load %arg10[%parallel_loop3A_657, %parallel_loop3A_658, %parallel_loop3A_659, %parallel_loop3A_660] {strides = array<i32>} : memref<2x8x50x64xf32, #tpu.memory_space<vmem>>, vector<16xf32>,
        tpu.vector_store %arg10[%parallel_loop3A_657, %parallel_loop3A_658, %parallel_loop3A_659, %parallel_loop3A_660], %parallel_loop3A_565 {strides = array<i32>} : memref<2x8x50x64xf32, #tpu.memory_space<vmem>>, vector<16xf32>,
        %parallel_loop3A_662 = arith.constant 25 : i32
        %parallel_loop3A_663 = arith.index_cast %select_n3A_196 : i32 to index
        %parallel_loop3A_664 = arith.index_cast %parallel_loop3A_273 : i32 to index
        %parallel_loop3A_665 = arith.index_cast %parallel_loop3A_662 : i32 to index
        %parallel_loop3A_666 = arith.constant 48 : index
        %parallel_loop3A_667 = tpu.vector_load %arg10[%parallel_loop3A_663, %parallel_loop3A_664, %parallel_loop3A_665, %parallel_loop3A_666] {strides = array<i32>} : memref<2x8x50x64xf32, #tpu.memory_space<vmem>>, vector<16xf32>,
        tpu.vector_store %arg10[%parallel_loop3A_663, %parallel_loop3A_664, %parallel_loop3A_665, %parallel_loop3A_666], %parallel_loop3A_571 {strides = array<i32>} : memref<2x8x50x64xf32, #tpu.memory_space<vmem>>, vector<16xf32>,
        %parallel_loop3A_668 = arith.constant 38 : i32
        %parallel_loop3A_669 = arith.index_cast %select_n3A_196 : i32 to index
        %parallel_loop3A_670 = arith.index_cast %parallel_loop3A_273 : i32 to index
        %parallel_loop3A_671 = arith.index_cast %parallel_loop3A_668 : i32 to index
        %parallel_loop3A_672 = arith.constant 0 : index
        %parallel_loop3A_673 = tpu.vector_load %arg10[%parallel_loop3A_669, %parallel_loop3A_670, %parallel_loop3A_671, %parallel_loop3A_672] {strides = array<i32>} : memref<2x8x50x64xf32, #tpu.memory_space<vmem>>, vector<16xf32>,
        tpu.vector_store %arg10[%parallel_loop3A_669, %parallel_loop3A_670, %parallel_loop3A_671, %parallel_loop3A_672], %parallel_loop3A_577 {strides = array<i32>} : memref<2x8x50x64xf32, #tpu.memory_space<vmem>>, vector<16xf32>,
        %parallel_loop3A_674 = arith.constant 38 : i32
        %parallel_loop3A_675 = arith.index_cast %select_n3A_196 : i32 to index
        %parallel_loop3A_676 = arith.index_cast %parallel_loop3A_273 : i32 to index
        %parallel_loop3A_677 = arith.index_cast %parallel_loop3A_674 : i32 to index
        %parallel_loop3A_678 = arith.constant 16 : index
        %parallel_loop3A_679 = tpu.vector_load %arg10[%parallel_loop3A_675, %parallel_loop3A_676, %parallel_loop3A_677, %parallel_loop3A_678] {strides = array<i32>} : memref<2x8x50x64xf32, #tpu.memory_space<vmem>>, vector<16xf32>,
        tpu.vector_store %arg10[%parallel_loop3A_675, %parallel_loop3A_676, %parallel_loop3A_677, %parallel_loop3A_678], %parallel_loop3A_583 {strides = array<i32>} : memref<2x8x50x64xf32, #tpu.memory_space<vmem>>, vector<16xf32>,
        %parallel_loop3A_680 = arith.constant 38 : i32
        %parallel_loop3A_681 = arith.index_cast %select_n3A_196 : i32 to index
        %parallel_loop3A_682 = arith.index_cast %parallel_loop3A_273 : i32 to index
        %parallel_loop3A_683 = arith.index_cast %parallel_loop3A_680 : i32 to index
        %parallel_loop3A_684 = arith.constant 32 : index
        %parallel_loop3A_685 = tpu.vector_load %arg10[%parallel_loop3A_681, %parallel_loop3A_682, %parallel_loop3A_683, %parallel_loop3A_684] {strides = array<i32>} : memref<2x8x50x64xf32, #tpu.memory_space<vmem>>, vector<16xf32>,
        tpu.vector_store %arg10[%parallel_loop3A_681, %parallel_loop3A_682, %parallel_loop3A_683, %parallel_loop3A_684], %parallel_loop3A_589 {strides = array<i32>} : memref<2x8x50x64xf32, #tpu.memory_space<vmem>>, vector<16xf32>,
        %parallel_loop3A_686 = arith.constant 38 : i32
        %parallel_loop3A_687 = arith.index_cast %select_n3A_196 : i32 to index
        %parallel_loop3A_688 = arith.index_cast %parallel_loop3A_273 : i32 to index
        %parallel_loop3A_689 = arith.index_cast %parallel_loop3A_686 : i32 to index
        %parallel_loop3A_690 = arith.constant 48 : index
        %parallel_loop3A_691 = tpu.vector_load %arg10[%parallel_loop3A_687, %parallel_loop3A_688, %parallel_loop3A_689, %parallel_loop3A_690] {strides = array<i32>} : memref<2x8x50x64xf32, #tpu.memory_space<vmem>>, vector<16xf32>,
        tpu.vector_store %arg10[%parallel_loop3A_687, %parallel_loop3A_688, %parallel_loop3A_689, %parallel_loop3A_690], %parallel_loop3A_595 {strides = array<i32>} : memref<2x8x50x64xf32, #tpu.memory_space<vmem>>, vector<16xf32>,
        %parallel_loop3A_692 = arith.constant 0 : i32
        %parallel_loop3A_693 = arith.addi %parallel_loop3A_275, %parallel_loop3A_692 : i32
        %parallel_loop3A_694 = arith.constant 1 : i32
        %parallel_loop3A_695 = arith.addi %parallel_loop3A_693, %parallel_loop3A_694 : i32
        %parallel_loop3A_696 = arith.index_cast %select_n3A_196 : i32 to index
        %parallel_loop3A_697 = arith.index_cast %parallel_loop3A_695 : i32 to index
        %parallel_loop3A_698 = arith.constant 0 : index
        %parallel_loop3A_699 = tpu.vector_load %arg9[%parallel_loop3A_696, %parallel_loop3A_697, %parallel_loop3A_698] {strides = array<i32>} : memref<2x400x64xf32, #tpu.memory_space<vmem>>, vector<16xf32>,
        %parallel_loop3A_700 = arith.constant 0 : i32
        %parallel_loop3A_701 = arith.addi %parallel_loop3A_275, %parallel_loop3A_700 : i32
        %parallel_loop3A_702 = arith.constant 1 : i32
        %parallel_loop3A_703 = arith.addi %parallel_loop3A_701, %parallel_loop3A_702 : i32
        %parallel_loop3A_704 = arith.index_cast %select_n3A_196 : i32 to index
        %parallel_loop3A_705 = arith.index_cast %parallel_loop3A_703 : i32 to index
        %parallel_loop3A_706 = arith.constant 16 : index
        %parallel_loop3A_707 = tpu.vector_load %arg9[%parallel_loop3A_704, %parallel_loop3A_705, %parallel_loop3A_706] {strides = array<i32>} : memref<2x400x64xf32, #tpu.memory_space<vmem>>, vector<16xf32>,
        %parallel_loop3A_708 = arith.constant 0 : i32
        %parallel_loop3A_709 = arith.addi %parallel_loop3A_275, %parallel_loop3A_708 : i32
        %parallel_loop3A_710 = arith.constant 1 : i32
        %parallel_loop3A_711 = arith.addi %parallel_loop3A_709, %parallel_loop3A_710 : i32
        %parallel_loop3A_712 = arith.index_cast %select_n3A_196 : i32 to index
        %parallel_loop3A_713 = arith.index_cast %parallel_loop3A_711 : i32 to index
        %parallel_loop3A_714 = arith.constant 32 : index
        %parallel_loop3A_715 = tpu.vector_load %arg9[%parallel_loop3A_712, %parallel_loop3A_713, %parallel_loop3A_714] {strides = array<i32>} : memref<2x400x64xf32, #tpu.memory_space<vmem>>, vector<16xf32>,
        %parallel_loop3A_716 = arith.constant 0 : i32
        %parallel_loop3A_717 = arith.addi %parallel_loop3A_275, %parallel_loop3A_716 : i32
        %parallel_loop3A_718 = arith.constant 1 : i32
        %parallel_loop3A_719 = arith.addi %parallel_loop3A_717, %parallel_loop3A_718 : i32
        %parallel_loop3A_720 = arith.index_cast %select_n3A_196 : i32 to index
        %parallel_loop3A_721 = arith.index_cast %parallel_loop3A_719 : i32 to index
        %parallel_loop3A_722 = arith.constant 48 : index
        %parallel_loop3A_723 = tpu.vector_load %arg9[%parallel_loop3A_720, %parallel_loop3A_721, %parallel_loop3A_722] {strides = array<i32>} : memref<2x400x64xf32, #tpu.memory_space<vmem>>, vector<16xf32>,
        %parallel_loop3A_724 = arith.constant 13 : i32
        %parallel_loop3A_725 = arith.addi %parallel_loop3A_275, %parallel_loop3A_724 : i32
        %parallel_loop3A_726 = arith.constant 1 : i32
        %parallel_loop3A_727 = arith.addi %parallel_loop3A_725, %parallel_loop3A_726 : i32
        %parallel_loop3A_728 = arith.index_cast %select_n3A_196 : i32 to index
        %parallel_loop3A_729 = arith.index_cast %parallel_loop3A_727 : i32 to index
        %parallel_loop3A_730 = arith.constant 0 : index
        %parallel_loop3A_731 = tpu.vector_load %arg9[%parallel_loop3A_728, %parallel_loop3A_729, %parallel_loop3A_730] {strides = array<i32>} : memref<2x400x64xf32, #tpu.memory_space<vmem>>, vector<16xf32>,
        %parallel_loop3A_732 = arith.constant 13 : i32
        %parallel_loop3A_733 = arith.addi %parallel_loop3A_275, %parallel_loop3A_732 : i32
        %parallel_loop3A_734 = arith.constant 1 : i32
        %parallel_loop3A_735 = arith.addi %parallel_loop3A_733, %parallel_loop3A_734 : i32
        %parallel_loop3A_736 = arith.index_cast %select_n3A_196 : i32 to index
        %parallel_loop3A_737 = arith.index_cast %parallel_loop3A_735 : i32 to index
        %parallel_loop3A_738 = arith.constant 16 : index
        %parallel_loop3A_739 = tpu.vector_load %arg9[%parallel_loop3A_736, %parallel_loop3A_737, %parallel_loop3A_738] {strides = array<i32>} : memref<2x400x64xf32, #tpu.memory_space<vmem>>, vector<16xf32>,
        %parallel_loop3A_740 = arith.constant 13 : i32
        %parallel_loop3A_741 = arith.addi %parallel_loop3A_275, %parallel_loop3A_740 : i32
        %parallel_loop3A_742 = arith.constant 1 : i32
        %parallel_loop3A_743 = arith.addi %parallel_loop3A_741, %parallel_loop3A_742 : i32
        %parallel_loop3A_744 = arith.index_cast %select_n3A_196 : i32 to index
        %parallel_loop3A_745 = arith.index_cast %parallel_loop3A_743 : i32 to index
        %parallel_loop3A_746 = arith.constant 32 : index
        %parallel_loop3A_747 = tpu.vector_load %arg9[%parallel_loop3A_744, %parallel_loop3A_745, %parallel_loop3A_746] {strides = array<i32>} : memref<2x400x64xf32, #tpu.memory_space<vmem>>, vector<16xf32>,
        %parallel_loop3A_748 = arith.constant 13 : i32
        %parallel_loop3A_749 = arith.addi %parallel_loop3A_275, %parallel_loop3A_748 : i32
        %parallel_loop3A_750 = arith.constant 1 : i32
        %parallel_loop3A_751 = arith.addi %parallel_loop3A_749, %parallel_loop3A_750 : i32
        %parallel_loop3A_752 = arith.index_cast %select_n3A_196 : i32 to index
        %parallel_loop3A_753 = arith.index_cast %parallel_loop3A_751 : i32 to index
        %parallel_loop3A_754 = arith.constant 48 : index
        %parallel_loop3A_755 = tpu.vector_load %arg9[%parallel_loop3A_752, %parallel_loop3A_753, %parallel_loop3A_754] {strides = array<i32>} : memref<2x400x64xf32, #tpu.memory_space<vmem>>, vector<16xf32>,
        %parallel_loop3A_756 = arith.constant 25 : i32
        %parallel_loop3A_757 = arith.addi %parallel_loop3A_275, %parallel_loop3A_756 : i32
        %parallel_loop3A_758 = arith.constant 1 : i32
        %parallel_loop3A_759 = arith.addi %parallel_loop3A_757, %parallel_loop3A_758 : i32
        %parallel_loop3A_760 = arith.index_cast %select_n3A_196 : i32 to index
        %parallel_loop3A_761 = arith.index_cast %parallel_loop3A_759 : i32 to index
        %parallel_loop3A_762 = arith.constant 0 : index
        %parallel_loop3A_763 = tpu.vector_load %arg9[%parallel_loop3A_760, %parallel_loop3A_761, %parallel_loop3A_762] {strides = array<i32>} : memref<2x400x64xf32, #tpu.memory_space<vmem>>, vector<16xf32>,
        %parallel_loop3A_764 = arith.constant 25 : i32
        %parallel_loop3A_765 = arith.addi %parallel_loop3A_275, %parallel_loop3A_764 : i32
        %parallel_loop3A_766 = arith.constant 1 : i32
        %parallel_loop3A_767 = arith.addi %parallel_loop3A_765, %parallel_loop3A_766 : i32
        %parallel_loop3A_768 = arith.index_cast %select_n3A_196 : i32 to index
        %parallel_loop3A_769 = arith.index_cast %parallel_loop3A_767 : i32 to index
        %parallel_loop3A_770 = arith.constant 16 : index
        %parallel_loop3A_771 = tpu.vector_load %arg9[%parallel_loop3A_768, %parallel_loop3A_769, %parallel_loop3A_770] {strides = array<i32>} : memref<2x400x64xf32, #tpu.memory_space<vmem>>, vector<16xf32>,
        %parallel_loop3A_772 = arith.constant 25 : i32
        %parallel_loop3A_773 = arith.addi %parallel_loop3A_275, %parallel_loop3A_772 : i32
        %parallel_loop3A_774 = arith.constant 1 : i32
        %parallel_loop3A_775 = arith.addi %parallel_loop3A_773, %parallel_loop3A_774 : i32
        %parallel_loop3A_776 = arith.index_cast %select_n3A_196 : i32 to index
        %parallel_loop3A_777 = arith.index_cast %parallel_loop3A_775 : i32 to index
        %parallel_loop3A_778 = arith.constant 32 : index
        %parallel_loop3A_779 = tpu.vector_load %arg9[%parallel_loop3A_776, %parallel_loop3A_777, %parallel_loop3A_778] {strides = array<i32>} : memref<2x400x64xf32, #tpu.memory_space<vmem>>, vector<16xf32>,
        %parallel_loop3A_780 = arith.constant 25 : i32
        %parallel_loop3A_781 = arith.addi %parallel_loop3A_275, %parallel_loop3A_780 : i32
        %parallel_loop3A_782 = arith.constant 1 : i32
        %parallel_loop3A_783 = arith.addi %parallel_loop3A_781, %parallel_loop3A_782 : i32
        %parallel_loop3A_784 = arith.index_cast %select_n3A_196 : i32 to index
        %parallel_loop3A_785 = arith.index_cast %parallel_loop3A_783 : i32 to index
        %parallel_loop3A_786 = arith.constant 48 : index
        %parallel_loop3A_787 = tpu.vector_load %arg9[%parallel_loop3A_784, %parallel_loop3A_785, %parallel_loop3A_786] {strides = array<i32>} : memref<2x400x64xf32, #tpu.memory_space<vmem>>, vector<16xf32>,
        %parallel_loop3A_788 = arith.constant 38 : i32
        %parallel_loop3A_789 = arith.addi %parallel_loop3A_275, %parallel_loop3A_788 : i32
        %parallel_loop3A_790 = arith.constant 1 : i32
        %parallel_loop3A_791 = arith.addi %parallel_loop3A_789, %parallel_loop3A_790 : i32
        %parallel_loop3A_792 = arith.index_cast %select_n3A_196 : i32 to index
        %parallel_loop3A_793 = arith.index_cast %parallel_loop3A_791 : i32 to index
        %parallel_loop3A_794 = arith.constant 0 : index
        %parallel_loop3A_795 = tpu.vector_load %arg9[%parallel_loop3A_792, %parallel_loop3A_793, %parallel_loop3A_794] {strides = array<i32>} : memref<2x400x64xf32, #tpu.memory_space<vmem>>, vector<16xf32>,
        %parallel_loop3A_796 = arith.constant 38 : i32
        %parallel_loop3A_797 = arith.addi %parallel_loop3A_275, %parallel_loop3A_796 : i32
        %parallel_loop3A_798 = arith.constant 1 : i32
        %parallel_loop3A_799 = arith.addi %parallel_loop3A_797, %parallel_loop3A_798 : i32
        %parallel_loop3A_800 = arith.index_cast %select_n3A_196 : i32 to index
        %parallel_loop3A_801 = arith.index_cast %parallel_loop3A_799 : i32 to index
        %parallel_loop3A_802 = arith.constant 16 : index
        %parallel_loop3A_803 = tpu.vector_load %arg9[%parallel_loop3A_800, %parallel_loop3A_801, %parallel_loop3A_802] {strides = array<i32>} : memref<2x400x64xf32, #tpu.memory_space<vmem>>, vector<16xf32>,
        %parallel_loop3A_804 = arith.constant 38 : i32
        %parallel_loop3A_805 = arith.addi %parallel_loop3A_275, %parallel_loop3A_804 : i32
        %parallel_loop3A_806 = arith.constant 1 : i32
        %parallel_loop3A_807 = arith.addi %parallel_loop3A_805, %parallel_loop3A_806 : i32
        %parallel_loop3A_808 = arith.index_cast %select_n3A_196 : i32 to index
        %parallel_loop3A_809 = arith.index_cast %parallel_loop3A_807 : i32 to index
        %parallel_loop3A_810 = arith.constant 32 : index
        %parallel_loop3A_811 = tpu.vector_load %arg9[%parallel_loop3A_808, %parallel_loop3A_809, %parallel_loop3A_810] {strides = array<i32>} : memref<2x400x64xf32, #tpu.memory_space<vmem>>, vector<16xf32>,
        %parallel_loop3A_812 = arith.constant 38 : i32
        %parallel_loop3A_813 = arith.addi %parallel_loop3A_275, %parallel_loop3A_812 : i32
        %parallel_loop3A_814 = arith.constant 1 : i32
        %parallel_loop3A_815 = arith.addi %parallel_loop3A_813, %parallel_loop3A_814 : i32
        %parallel_loop3A_816 = arith.index_cast %select_n3A_196 : i32 to index
        %parallel_loop3A_817 = arith.index_cast %parallel_loop3A_815 : i32 to index
        %parallel_loop3A_818 = arith.constant 48 : index
        %parallel_loop3A_819 = tpu.vector_load %arg9[%parallel_loop3A_816, %parallel_loop3A_817, %parallel_loop3A_818] {strides = array<i32>} : memref<2x400x64xf32, #tpu.memory_space<vmem>>, vector<16xf32>,
        %parallel_loop3A_820 = arith.mulf %get3A_105, %parallel_loop3A_379 : vector<16xf32>
        %parallel_loop3A_821 = arith.mulf %get3A_121, %parallel_loop3A_699 : vector<16xf32>
        %parallel_loop3A_822 = arith.addf %parallel_loop3A_820, %parallel_loop3A_821 : vector<16xf32>
        %parallel_loop3A_823 = arith.constant 0.000000e+00 : f32
        %parallel_loop3A_824 = vector.broadcast %parallel_loop3A_823 : f32 to vector<16xf32>
        %parallel_loop3A_825 = arith.maximumf %parallel_loop3A_822, %parallel_loop3A_824 : vector<16xf32>
        %parallel_loop3A_826 = arith.mulf %get3A_109, %parallel_loop3A_387 : vector<16xf32>
        %parallel_loop3A_827 = arith.mulf %get3A_125, %parallel_loop3A_707 : vector<16xf32>
        %parallel_loop3A_828 = arith.addf %parallel_loop3A_826, %parallel_loop3A_827 : vector<16xf32>
        %parallel_loop3A_829 = arith.constant 0.000000e+00 : f32
        %parallel_loop3A_830 = vector.broadcast %parallel_loop3A_829 : f32 to vector<16xf32>
        %parallel_loop3A_831 = arith.maximumf %parallel_loop3A_828, %parallel_loop3A_830 : vector<16xf32>
        %parallel_loop3A_832 = arith.mulf %get3A_113, %parallel_loop3A_395 : vector<16xf32>
        %parallel_loop3A_833 = arith.mulf %get3A_129, %parallel_loop3A_715 : vector<16xf32>
        %parallel_loop3A_834 = arith.addf %parallel_loop3A_832, %parallel_loop3A_833 : vector<16xf32>
        %parallel_loop3A_835 = arith.constant 0.000000e+00 : f32
        %parallel_loop3A_836 = vector.broadcast %parallel_loop3A_835 : f32 to vector<16xf32>
        %parallel_loop3A_837 = arith.maximumf %parallel_loop3A_834, %parallel_loop3A_836 : vector<16xf32>
        %parallel_loop3A_838 = arith.mulf %get3A_117, %parallel_loop3A_403 : vector<16xf32>
        %parallel_loop3A_839 = arith.mulf %get3A_133, %parallel_loop3A_723 : vector<16xf32>
        %parallel_loop3A_840 = arith.addf %parallel_loop3A_838, %parallel_loop3A_839 : vector<16xf32>
        %parallel_loop3A_841 = arith.constant 0.000000e+00 : f32
        %parallel_loop3A_842 = vector.broadcast %parallel_loop3A_841 : f32 to vector<16xf32>
        %parallel_loop3A_843 = arith.maximumf %parallel_loop3A_840, %parallel_loop3A_842 : vector<16xf32>
        %parallel_loop3A_844 = arith.mulf %get3A_105, %parallel_loop3A_411 : vector<16xf32>
        %parallel_loop3A_845 = arith.mulf %get3A_121, %parallel_loop3A_731 : vector<16xf32>
        %parallel_loop3A_846 = arith.addf %parallel_loop3A_844, %parallel_loop3A_845 : vector<16xf32>
        %parallel_loop3A_847 = arith.constant 0.000000e+00 : f32
        %parallel_loop3A_848 = vector.broadcast %parallel_loop3A_847 : f32 to vector<16xf32>
        %parallel_loop3A_849 = arith.maximumf %parallel_loop3A_846, %parallel_loop3A_848 : vector<16xf32>
        %parallel_loop3A_850 = arith.mulf %get3A_109, %parallel_loop3A_419 : vector<16xf32>
        %parallel_loop3A_851 = arith.mulf %get3A_125, %parallel_loop3A_739 : vector<16xf32>
        %parallel_loop3A_852 = arith.addf %parallel_loop3A_850, %parallel_loop3A_851 : vector<16xf32>
        %parallel_loop3A_853 = arith.constant 0.000000e+00 : f32
        %parallel_loop3A_854 = vector.broadcast %parallel_loop3A_853 : f32 to vector<16xf32>
        %parallel_loop3A_855 = arith.maximumf %parallel_loop3A_852, %parallel_loop3A_854 : vector<16xf32>
        %parallel_loop3A_856 = arith.mulf %get3A_113, %parallel_loop3A_427 : vector<16xf32>
        %parallel_loop3A_857 = arith.mulf %get3A_129, %parallel_loop3A_747 : vector<16xf32>
        %parallel_loop3A_858 = arith.addf %parallel_loop3A_856, %parallel_loop3A_857 : vector<16xf32>
        %parallel_loop3A_859 = arith.constant 0.000000e+00 : f32
        %parallel_loop3A_860 = vector.broadcast %parallel_loop3A_859 : f32 to vector<16xf32>
        %parallel_loop3A_861 = arith.maximumf %parallel_loop3A_858, %parallel_loop3A_860 : vector<16xf32>
        %parallel_loop3A_862 = arith.mulf %get3A_117, %parallel_loop3A_435 : vector<16xf32>
        %parallel_loop3A_863 = arith.mulf %get3A_133, %parallel_loop3A_755 : vector<16xf32>
        %parallel_loop3A_864 = arith.addf %parallel_loop3A_862, %parallel_loop3A_863 : vector<16xf32>
        %parallel_loop3A_865 = arith.constant 0.000000e+00 : f32
        %parallel_loop3A_866 = vector.broadcast %parallel_loop3A_865 : f32 to vector<16xf32>
        %parallel_loop3A_867 = arith.maximumf %parallel_loop3A_864, %parallel_loop3A_866 : vector<16xf32>
        %parallel_loop3A_868 = arith.mulf %get3A_105, %parallel_loop3A_443 : vector<16xf32>
        %parallel_loop3A_869 = arith.mulf %get3A_121, %parallel_loop3A_763 : vector<16xf32>
        %parallel_loop3A_870 = arith.addf %parallel_loop3A_868, %parallel_loop3A_869 : vector<16xf32>
        %parallel_loop3A_871 = arith.constant 0.000000e+00 : f32
        %parallel_loop3A_872 = vector.broadcast %parallel_loop3A_871 : f32 to vector<16xf32>
        %parallel_loop3A_873 = arith.maximumf %parallel_loop3A_870, %parallel_loop3A_872 : vector<16xf32>
        %parallel_loop3A_874 = arith.mulf %get3A_109, %parallel_loop3A_451 : vector<16xf32>
        %parallel_loop3A_875 = arith.mulf %get3A_125, %parallel_loop3A_771 : vector<16xf32>
        %parallel_loop3A_876 = arith.addf %parallel_loop3A_874, %parallel_loop3A_875 : vector<16xf32>
        %parallel_loop3A_877 = arith.constant 0.000000e+00 : f32
        %parallel_loop3A_878 = vector.broadcast %parallel_loop3A_877 : f32 to vector<16xf32>
        %parallel_loop3A_879 = arith.maximumf %parallel_loop3A_876, %parallel_loop3A_878 : vector<16xf32>
        %parallel_loop3A_880 = arith.mulf %get3A_113, %parallel_loop3A_459 : vector<16xf32>
        %parallel_loop3A_881 = arith.mulf %get3A_129, %parallel_loop3A_779 : vector<16xf32>
        %parallel_loop3A_882 = arith.addf %parallel_loop3A_880, %parallel_loop3A_881 : vector<16xf32>
        %parallel_loop3A_883 = arith.constant 0.000000e+00 : f32
        %parallel_loop3A_884 = vector.broadcast %parallel_loop3A_883 : f32 to vector<16xf32>
        %parallel_loop3A_885 = arith.maximumf %parallel_loop3A_882, %parallel_loop3A_884 : vector<16xf32>
        %parallel_loop3A_886 = arith.mulf %get3A_117, %parallel_loop3A_467 : vector<16xf32>
        %parallel_loop3A_887 = arith.mulf %get3A_133, %parallel_loop3A_787 : vector<16xf32>
        %parallel_loop3A_888 = arith.addf %parallel_loop3A_886, %parallel_loop3A_887 : vector<16xf32>
        %parallel_loop3A_889 = arith.constant 0.000000e+00 : f32
        %parallel_loop3A_890 = vector.broadcast %parallel_loop3A_889 : f32 to vector<16xf32>
        %parallel_loop3A_891 = arith.maximumf %parallel_loop3A_888, %parallel_loop3A_890 : vector<16xf32>
        %parallel_loop3A_892 = arith.mulf %get3A_105, %parallel_loop3A_475 : vector<16xf32>
        %parallel_loop3A_893 = arith.mulf %get3A_121, %parallel_loop3A_795 : vector<16xf32>
        %parallel_loop3A_894 = arith.addf %parallel_loop3A_892, %parallel_loop3A_893 : vector<16xf32>
        %parallel_loop3A_895 = arith.constant 0.000000e+00 : f32
        %parallel_loop3A_896 = vector.broadcast %parallel_loop3A_895 : f32 to vector<16xf32>
        %parallel_loop3A_897 = arith.maximumf %parallel_loop3A_894, %parallel_loop3A_896 : vector<16xf32>
        %parallel_loop3A_898 = arith.mulf %get3A_109, %parallel_loop3A_483 : vector<16xf32>
        %parallel_loop3A_899 = arith.mulf %get3A_125, %parallel_loop3A_803 : vector<16xf32>
        %parallel_loop3A_900 = arith.addf %parallel_loop3A_898, %parallel_loop3A_899 : vector<16xf32>
        %parallel_loop3A_901 = arith.constant 0.000000e+00 : f32
        %parallel_loop3A_902 = vector.broadcast %parallel_loop3A_901 : f32 to vector<16xf32>
        %parallel_loop3A_903 = arith.maximumf %parallel_loop3A_900, %parallel_loop3A_902 : vector<16xf32>
        %parallel_loop3A_904 = arith.mulf %get3A_113, %parallel_loop3A_491 : vector<16xf32>
        %parallel_loop3A_905 = arith.mulf %get3A_129, %parallel_loop3A_811 : vector<16xf32>
        %parallel_loop3A_906 = arith.addf %parallel_loop3A_904, %parallel_loop3A_905 : vector<16xf32>
        %parallel_loop3A_907 = arith.constant 0.000000e+00 : f32
        %parallel_loop3A_908 = vector.broadcast %parallel_loop3A_907 : f32 to vector<16xf32>
        %parallel_loop3A_909 = arith.maximumf %parallel_loop3A_906, %parallel_loop3A_908 : vector<16xf32>
        %parallel_loop3A_910 = arith.mulf %get3A_117, %parallel_loop3A_499 : vector<16xf32>
        %parallel_loop3A_911 = arith.mulf %get3A_133, %parallel_loop3A_819 : vector<16xf32>
        %parallel_loop3A_912 = arith.addf %parallel_loop3A_910, %parallel_loop3A_911 : vector<16xf32>
        %parallel_loop3A_913 = arith.constant 0.000000e+00 : f32
        %parallel_loop3A_914 = vector.broadcast %parallel_loop3A_913 : f32 to vector<16xf32>
        %parallel_loop3A_915 = arith.maximumf %parallel_loop3A_912, %parallel_loop3A_914 : vector<16xf32>
        %parallel_loop3A_916 = arith.constant 1 : i32
        %parallel_loop3A_917 = arith.index_cast %select_n3A_196 : i32 to index
        %parallel_loop3A_918 = arith.index_cast %parallel_loop3A_273 : i32 to index
        %parallel_loop3A_919 = arith.index_cast %parallel_loop3A_916 : i32 to index
        %parallel_loop3A_920 = arith.constant 0 : index
        %parallel_loop3A_921 = tpu.vector_load %arg10[%parallel_loop3A_917, %parallel_loop3A_918, %parallel_loop3A_919, %parallel_loop3A_920] {strides = array<i32>} : memref<2x8x50x64xf32, #tpu.memory_space<vmem>>, vector<16xf32>,
        tpu.vector_store %arg10[%parallel_loop3A_917, %parallel_loop3A_918, %parallel_loop3A_919, %parallel_loop3A_920], %parallel_loop3A_825 {strides = array<i32>} : memref<2x8x50x64xf32, #tpu.memory_space<vmem>>, vector<16xf32>,
        %parallel_loop3A_922 = arith.constant 1 : i32
        %parallel_loop3A_923 = arith.index_cast %select_n3A_196 : i32 to index
        %parallel_loop3A_924 = arith.index_cast %parallel_loop3A_273 : i32 to index
        %parallel_loop3A_925 = arith.index_cast %parallel_loop3A_922 : i32 to index
        %parallel_loop3A_926 = arith.constant 16 : index
        %parallel_loop3A_927 = tpu.vector_load %arg10[%parallel_loop3A_923, %parallel_loop3A_924, %parallel_loop3A_925, %parallel_loop3A_926] {strides = array<i32>} : memref<2x8x50x64xf32, #tpu.memory_space<vmem>>, vector<16xf32>,
        tpu.vector_store %arg10[%parallel_loop3A_923, %parallel_loop3A_924, %parallel_loop3A_925, %parallel_loop3A_926], %parallel_loop3A_831 {strides = array<i32>} : memref<2x8x50x64xf32, #tpu.memory_space<vmem>>, vector<16xf32>,
        %parallel_loop3A_928 = arith.constant 1 : i32
        %parallel_loop3A_929 = arith.index_cast %select_n3A_196 : i32 to index
        %parallel_loop3A_930 = arith.index_cast %parallel_loop3A_273 : i32 to index
        %parallel_loop3A_931 = arith.index_cast %parallel_loop3A_928 : i32 to index
        %parallel_loop3A_932 = arith.constant 32 : index
        %parallel_loop3A_933 = tpu.vector_load %arg10[%parallel_loop3A_929, %parallel_loop3A_930, %parallel_loop3A_931, %parallel_loop3A_932] {strides = array<i32>} : memref<2x8x50x64xf32, #tpu.memory_space<vmem>>, vector<16xf32>,
        tpu.vector_store %arg10[%parallel_loop3A_929, %parallel_loop3A_930, %parallel_loop3A_931, %parallel_loop3A_932], %parallel_loop3A_837 {strides = array<i32>} : memref<2x8x50x64xf32, #tpu.memory_space<vmem>>, vector<16xf32>,
        %parallel_loop3A_934 = arith.constant 1 : i32
        %parallel_loop3A_935 = arith.index_cast %select_n3A_196 : i32 to index
        %parallel_loop3A_936 = arith.index_cast %parallel_loop3A_273 : i32 to index
        %parallel_loop3A_937 = arith.index_cast %parallel_loop3A_934 : i32 to index
        %parallel_loop3A_938 = arith.constant 48 : index
        %parallel_loop3A_939 = tpu.vector_load %arg10[%parallel_loop3A_935, %parallel_loop3A_936, %parallel_loop3A_937, %parallel_loop3A_938] {strides = array<i32>} : memref<2x8x50x64xf32, #tpu.memory_space<vmem>>, vector<16xf32>,
        tpu.vector_store %arg10[%parallel_loop3A_935, %parallel_loop3A_936, %parallel_loop3A_937, %parallel_loop3A_938], %parallel_loop3A_843 {strides = array<i32>} : memref<2x8x50x64xf32, #tpu.memory_space<vmem>>, vector<16xf32>,
        %parallel_loop3A_940 = arith.constant 14 : i32
        %parallel_loop3A_941 = arith.index_cast %select_n3A_196 : i32 to index
        %parallel_loop3A_942 = arith.index_cast %parallel_loop3A_273 : i32 to index
        %parallel_loop3A_943 = arith.index_cast %parallel_loop3A_940 : i32 to index
        %parallel_loop3A_944 = arith.constant 0 : index
        %parallel_loop3A_945 = tpu.vector_load %arg10[%parallel_loop3A_941, %parallel_loop3A_942, %parallel_loop3A_943, %parallel_loop3A_944] {strides = array<i32>} : memref<2x8x50x64xf32, #tpu.memory_space<vmem>>, vector<16xf32>,
        tpu.vector_store %arg10[%parallel_loop3A_941, %parallel_loop3A_942, %parallel_loop3A_943, %parallel_loop3A_944], %parallel_loop3A_849 {strides = array<i32>} : memref<2x8x50x64xf32, #tpu.memory_space<vmem>>, vector<16xf32>,
        %parallel_loop3A_946 = arith.constant 14 : i32
        %parallel_loop3A_947 = arith.index_cast %select_n3A_196 : i32 to index
        %parallel_loop3A_948 = arith.index_cast %parallel_loop3A_273 : i32 to index
        %parallel_loop3A_949 = arith.index_cast %parallel_loop3A_946 : i32 to index
        %parallel_loop3A_950 = arith.constant 16 : index
        %parallel_loop3A_951 = tpu.vector_load %arg10[%parallel_loop3A_947, %parallel_loop3A_948, %parallel_loop3A_949, %parallel_loop3A_950] {strides = array<i32>} : memref<2x8x50x64xf32, #tpu.memory_space<vmem>>, vector<16xf32>,
        tpu.vector_store %arg10[%parallel_loop3A_947, %parallel_loop3A_948, %parallel_loop3A_949, %parallel_loop3A_950], %parallel_loop3A_855 {strides = array<i32>} : memref<2x8x50x64xf32, #tpu.memory_space<vmem>>, vector<16xf32>,
        %parallel_loop3A_952 = arith.constant 14 : i32
        %parallel_loop3A_953 = arith.index_cast %select_n3A_196 : i32 to index
        %parallel_loop3A_954 = arith.index_cast %parallel_loop3A_273 : i32 to index
        %parallel_loop3A_955 = arith.index_cast %parallel_loop3A_952 : i32 to index
        %parallel_loop3A_956 = arith.constant 32 : index
        %parallel_loop3A_957 = tpu.vector_load %arg10[%parallel_loop3A_953, %parallel_loop3A_954, %parallel_loop3A_955, %parallel_loop3A_956] {strides = array<i32>} : memref<2x8x50x64xf32, #tpu.memory_space<vmem>>, vector<16xf32>,
        tpu.vector_store %arg10[%parallel_loop3A_953, %parallel_loop3A_954, %parallel_loop3A_955, %parallel_loop3A_956], %parallel_loop3A_861 {strides = array<i32>} : memref<2x8x50x64xf32, #tpu.memory_space<vmem>>, vector<16xf32>,
        %parallel_loop3A_958 = arith.constant 14 : i32
        %parallel_loop3A_959 = arith.index_cast %select_n3A_196 : i32 to index
        %parallel_loop3A_960 = arith.index_cast %parallel_loop3A_273 : i32 to index
        %parallel_loop3A_961 = arith.index_cast %parallel_loop3A_958 : i32 to index
        %parallel_loop3A_962 = arith.constant 48 : index
        %parallel_loop3A_963 = tpu.vector_load %arg10[%parallel_loop3A_959, %parallel_loop3A_960, %parallel_loop3A_961, %parallel_loop3A_962] {strides = array<i32>} : memref<2x8x50x64xf32, #tpu.memory_space<vmem>>, vector<16xf32>,
        tpu.vector_store %arg10[%parallel_loop3A_959, %parallel_loop3A_960, %parallel_loop3A_961, %parallel_loop3A_962], %parallel_loop3A_867 {strides = array<i32>} : memref<2x8x50x64xf32, #tpu.memory_space<vmem>>, vector<16xf32>,
        %parallel_loop3A_964 = arith.constant 26 : i32
        %parallel_loop3A_965 = arith.index_cast %select_n3A_196 : i32 to index
        %parallel_loop3A_966 = arith.index_cast %parallel_loop3A_273 : i32 to index
        %parallel_loop3A_967 = arith.index_cast %parallel_loop3A_964 : i32 to index
        %parallel_loop3A_968 = arith.constant 0 : index
        %parallel_loop3A_969 = tpu.vector_load %arg10[%parallel_loop3A_965, %parallel_loop3A_966, %parallel_loop3A_967, %parallel_loop3A_968] {strides = array<i32>} : memref<2x8x50x64xf32, #tpu.memory_space<vmem>>, vector<16xf32>,
        tpu.vector_store %arg10[%parallel_loop3A_965, %parallel_loop3A_966, %parallel_loop3A_967, %parallel_loop3A_968], %parallel_loop3A_873 {strides = array<i32>} : memref<2x8x50x64xf32, #tpu.memory_space<vmem>>, vector<16xf32>,
        %parallel_loop3A_970 = arith.constant 26 : i32
        %parallel_loop3A_971 = arith.index_cast %select_n3A_196 : i32 to index
        %parallel_loop3A_972 = arith.index_cast %parallel_loop3A_273 : i32 to index
        %parallel_loop3A_973 = arith.index_cast %parallel_loop3A_970 : i32 to index
        %parallel_loop3A_974 = arith.constant 16 : index
        %parallel_loop3A_975 = tpu.vector_load %arg10[%parallel_loop3A_971, %parallel_loop3A_972, %parallel_loop3A_973, %parallel_loop3A_974] {strides = array<i32>} : memref<2x8x50x64xf32, #tpu.memory_space<vmem>>, vector<16xf32>,
        tpu.vector_store %arg10[%parallel_loop3A_971, %parallel_loop3A_972, %parallel_loop3A_973, %parallel_loop3A_974], %parallel_loop3A_879 {strides = array<i32>} : memref<2x8x50x64xf32, #tpu.memory_space<vmem>>, vector<16xf32>,
        %parallel_loop3A_976 = arith.constant 26 : i32
        %parallel_loop3A_977 = arith.index_cast %select_n3A_196 : i32 to index
        %parallel_loop3A_978 = arith.index_cast %parallel_loop3A_273 : i32 to index
        %parallel_loop3A_979 = arith.index_cast %parallel_loop3A_976 : i32 to index
        %parallel_loop3A_980 = arith.constant 32 : index
        %parallel_loop3A_981 = tpu.vector_load %arg10[%parallel_loop3A_977, %parallel_loop3A_978, %parallel_loop3A_979, %parallel_loop3A_980] {strides = array<i32>} : memref<2x8x50x64xf32, #tpu.memory_space<vmem>>, vector<16xf32>,
        tpu.vector_store %arg10[%parallel_loop3A_977, %parallel_loop3A_978, %parallel_loop3A_979, %parallel_loop3A_980], %parallel_loop3A_885 {strides = array<i32>} : memref<2x8x50x64xf32, #tpu.memory_space<vmem>>, vector<16xf32>,
        %parallel_loop3A_982 = arith.constant 26 : i32
        %parallel_loop3A_983 = arith.index_cast %select_n3A_196 : i32 to index
        %parallel_loop3A_984 = arith.index_cast %parallel_loop3A_273 : i32 to index
        %parallel_loop3A_985 = arith.index_cast %parallel_loop3A_982 : i32 to index
        %parallel_loop3A_986 = arith.constant 48 : index
        %parallel_loop3A_987 = tpu.vector_load %arg10[%parallel_loop3A_983, %parallel_loop3A_984, %parallel_loop3A_985, %parallel_loop3A_986] {strides = array<i32>} : memref<2x8x50x64xf32, #tpu.memory_space<vmem>>, vector<16xf32>,
        tpu.vector_store %arg10[%parallel_loop3A_983, %parallel_loop3A_984, %parallel_loop3A_985, %parallel_loop3A_986], %parallel_loop3A_891 {strides = array<i32>} : memref<2x8x50x64xf32, #tpu.memory_space<vmem>>, vector<16xf32>,
        %parallel_loop3A_988 = arith.constant 39 : i32
        %parallel_loop3A_989 = arith.index_cast %select_n3A_196 : i32 to index
        %parallel_loop3A_990 = arith.index_cast %parallel_loop3A_273 : i32 to index
        %parallel_loop3A_991 = arith.index_cast %parallel_loop3A_988 : i32 to index
        %parallel_loop3A_992 = arith.constant 0 : index
        %parallel_loop3A_993 = tpu.vector_load %arg10[%parallel_loop3A_989, %parallel_loop3A_990, %parallel_loop3A_991, %parallel_loop3A_992] {strides = array<i32>} : memref<2x8x50x64xf32, #tpu.memory_space<vmem>>, vector<16xf32>,
        tpu.vector_store %arg10[%parallel_loop3A_989, %parallel_loop3A_990, %parallel_loop3A_991, %parallel_loop3A_992], %parallel_loop3A_897 {strides = array<i32>} : memref<2x8x50x64xf32, #tpu.memory_space<vmem>>, vector<16xf32>,
        %parallel_loop3A_994 = arith.constant 39 : i32
        %parallel_loop3A_995 = arith.index_cast %select_n3A_196 : i32 to index
        %parallel_loop3A_996 = arith.index_cast %parallel_loop3A_273 : i32 to index
        %parallel_loop3A_997 = arith.index_cast %parallel_loop3A_994 : i32 to index
        %parallel_loop3A_998 = arith.constant 16 : index
        %parallel_loop3A_999 = tpu.vector_load %arg10[%parallel_loop3A_995, %parallel_loop3A_996, %parallel_loop3A_997, %parallel_loop3A_998] {strides = array<i32>} : memref<2x8x50x64xf32, #tpu.memory_space<vmem>>, vector<16xf32>,
        tpu.vector_store %arg10[%parallel_loop3A_995, %parallel_loop3A_996, %parallel_loop3A_997, %parallel_loop3A_998], %parallel_loop3A_903 {strides = array<i32>} : memref<2x8x50x64xf32, #tpu.memory_space<vmem>>, vector<16xf32>,
        %parallel_loop3A_1000 = arith.constant 39 : i32
        %parallel_loop3A_1001 = arith.index_cast %select_n3A_196 : i32 to index
        %parallel_loop3A_1002 = arith.index_cast %parallel_loop3A_273 : i32 to index
        %parallel_loop3A_1003 = arith.index_cast %parallel_loop3A_1000 : i32 to index
        %parallel_loop3A_1004 = arith.constant 32 : index
        %parallel_loop3A_1005 = tpu.vector_load %arg10[%parallel_loop3A_1001, %parallel_loop3A_1002, %parallel_loop3A_1003, %parallel_loop3A_1004] {strides = array<i32>} : memref<2x8x50x64xf32, #tpu.memory_space<vmem>>, vector<16xf32>,
        tpu.vector_store %arg10[%parallel_loop3A_1001, %parallel_loop3A_1002, %parallel_loop3A_1003, %parallel_loop3A_1004], %parallel_loop3A_909 {strides = array<i32>} : memref<2x8x50x64xf32, #tpu.memory_space<vmem>>, vector<16xf32>,
        %parallel_loop3A_1006 = arith.constant 39 : i32
        %parallel_loop3A_1007 = arith.index_cast %select_n3A_196 : i32 to index
        %parallel_loop3A_1008 = arith.index_cast %parallel_loop3A_273 : i32 to index
        %parallel_loop3A_1009 = arith.index_cast %parallel_loop3A_1006 : i32 to index
        %parallel_loop3A_1010 = arith.constant 48 : index
        %parallel_loop3A_1011 = tpu.vector_load %arg10[%parallel_loop3A_1007, %parallel_loop3A_1008, %parallel_loop3A_1009, %parallel_loop3A_1010] {strides = array<i32>} : memref<2x8x50x64xf32, #tpu.memory_space<vmem>>, vector<16xf32>,
        tpu.vector_store %arg10[%parallel_loop3A_1007, %parallel_loop3A_1008, %parallel_loop3A_1009, %parallel_loop3A_1010], %parallel_loop3A_915 {strides = array<i32>} : memref<2x8x50x64xf32, #tpu.memory_space<vmem>>, vector<16xf32>,
        %parallel_loop3A_1012 = arith.constant 0 : i32
        %parallel_loop3A_1013 = arith.addi %parallel_loop3A_275, %parallel_loop3A_1012 : i32
        %parallel_loop3A_1014 = arith.constant 2 : i32
        %parallel_loop3A_1015 = arith.addi %parallel_loop3A_1013, %parallel_loop3A_1014 : i32
        %parallel_loop3A_1016 = arith.index_cast %select_n3A_196 : i32 to index
        %parallel_loop3A_1017 = arith.index_cast %parallel_loop3A_1015 : i32 to index
        %parallel_loop3A_1018 = arith.constant 0 : index
        %parallel_loop3A_1019 = tpu.vector_load %arg9[%parallel_loop3A_1016, %parallel_loop3A_1017, %parallel_loop3A_1018] {strides = array<i32>} : memref<2x400x64xf32, #tpu.memory_space<vmem>>, vector<16xf32>,
        %parallel_loop3A_1020 = arith.constant 0 : i32
        %parallel_loop3A_1021 = arith.addi %parallel_loop3A_275, %parallel_loop3A_1020 : i32
        %parallel_loop3A_1022 = arith.constant 2 : i32
        %parallel_loop3A_1023 = arith.addi %parallel_loop3A_1021, %parallel_loop3A_1022 : i32
        %parallel_loop3A_1024 = arith.index_cast %select_n3A_196 : i32 to index
        %parallel_loop3A_1025 = arith.index_cast %parallel_loop3A_1023 : i32 to index
        %parallel_loop3A_1026 = arith.constant 16 : index
        %parallel_loop3A_1027 = tpu.vector_load %arg9[%parallel_loop3A_1024, %parallel_loop3A_1025, %parallel_loop3A_1026] {strides = array<i32>} : memref<2x400x64xf32, #tpu.memory_space<vmem>>, vector<16xf32>,
        %parallel_loop3A_1028 = arith.constant 0 : i32
        %parallel_loop3A_1029 = arith.addi %parallel_loop3A_275, %parallel_loop3A_1028 : i32
        %parallel_loop3A_1030 = arith.constant 2 : i32
        %parallel_loop3A_1031 = arith.addi %parallel_loop3A_1029, %parallel_loop3A_1030 : i32
        %parallel_loop3A_1032 = arith.index_cast %select_n3A_196 : i32 to index
        %parallel_loop3A_1033 = arith.index_cast %parallel_loop3A_1031 : i32 to index
        %parallel_loop3A_1034 = arith.constant 32 : index
        %parallel_loop3A_1035 = tpu.vector_load %arg9[%parallel_loop3A_1032, %parallel_loop3A_1033, %parallel_loop3A_1034] {strides = array<i32>} : memref<2x400x64xf32, #tpu.memory_space<vmem>>, vector<16xf32>,
        %parallel_loop3A_1036 = arith.constant 0 : i32
        %parallel_loop3A_1037 = arith.addi %parallel_loop3A_275, %parallel_loop3A_1036 : i32
        %parallel_loop3A_1038 = arith.constant 2 : i32
        %parallel_loop3A_1039 = arith.addi %parallel_loop3A_1037, %parallel_loop3A_1038 : i32
        %parallel_loop3A_1040 = arith.index_cast %select_n3A_196 : i32 to index
        %parallel_loop3A_1041 = arith.index_cast %parallel_loop3A_1039 : i32 to index
        %parallel_loop3A_1042 = arith.constant 48 : index
        %parallel_loop3A_1043 = tpu.vector_load %arg9[%parallel_loop3A_1040, %parallel_loop3A_1041, %parallel_loop3A_1042] {strides = array<i32>} : memref<2x400x64xf32, #tpu.memory_space<vmem>>, vector<16xf32>,
        %parallel_loop3A_1044 = arith.constant 13 : i32
        %parallel_loop3A_1045 = arith.addi %parallel_loop3A_275, %parallel_loop3A_1044 : i32
        %parallel_loop3A_1046 = arith.constant 2 : i32
        %parallel_loop3A_1047 = arith.addi %parallel_loop3A_1045, %parallel_loop3A_1046 : i32
        %parallel_loop3A_1048 = arith.index_cast %select_n3A_196 : i32 to index
        %parallel_loop3A_1049 = arith.index_cast %parallel_loop3A_1047 : i32 to index
        %parallel_loop3A_1050 = arith.constant 0 : index
        %parallel_loop3A_1051 = tpu.vector_load %arg9[%parallel_loop3A_1048, %parallel_loop3A_1049, %parallel_loop3A_1050] {strides = array<i32>} : memref<2x400x64xf32, #tpu.memory_space<vmem>>, vector<16xf32>,
        %parallel_loop3A_1052 = arith.constant 13 : i32
        %parallel_loop3A_1053 = arith.addi %parallel_loop3A_275, %parallel_loop3A_1052 : i32
        %parallel_loop3A_1054 = arith.constant 2 : i32
        %parallel_loop3A_1055 = arith.addi %parallel_loop3A_1053, %parallel_loop3A_1054 : i32
        %parallel_loop3A_1056 = arith.index_cast %select_n3A_196 : i32 to index
        %parallel_loop3A_1057 = arith.index_cast %parallel_loop3A_1055 : i32 to index
        %parallel_loop3A_1058 = arith.constant 16 : index
        %parallel_loop3A_1059 = tpu.vector_load %arg9[%parallel_loop3A_1056, %parallel_loop3A_1057, %parallel_loop3A_1058] {strides = array<i32>} : memref<2x400x64xf32, #tpu.memory_space<vmem>>, vector<16xf32>,
        %parallel_loop3A_1060 = arith.constant 13 : i32
        %parallel_loop3A_1061 = arith.addi %parallel_loop3A_275, %parallel_loop3A_1060 : i32
        %parallel_loop3A_1062 = arith.constant 2 : i32
        %parallel_loop3A_1063 = arith.addi %parallel_loop3A_1061, %parallel_loop3A_1062 : i32
        %parallel_loop3A_1064 = arith.index_cast %select_n3A_196 : i32 to index
        %parallel_loop3A_1065 = arith.index_cast %parallel_loop3A_1063 : i32 to index
        %parallel_loop3A_1066 = arith.constant 32 : index
        %parallel_loop3A_1067 = tpu.vector_load %arg9[%parallel_loop3A_1064, %parallel_loop3A_1065, %parallel_loop3A_1066] {strides = array<i32>} : memref<2x400x64xf32, #tpu.memory_space<vmem>>, vector<16xf32>,
        %parallel_loop3A_1068 = arith.constant 13 : i32
        %parallel_loop3A_1069 = arith.addi %parallel_loop3A_275, %parallel_loop3A_1068 : i32
        %parallel_loop3A_1070 = arith.constant 2 : i32
        %parallel_loop3A_1071 = arith.addi %parallel_loop3A_1069, %parallel_loop3A_1070 : i32
        %parallel_loop3A_1072 = arith.index_cast %select_n3A_196 : i32 to index
        %parallel_loop3A_1073 = arith.index_cast %parallel_loop3A_1071 : i32 to index
        %parallel_loop3A_1074 = arith.constant 48 : index
        %parallel_loop3A_1075 = tpu.vector_load %arg9[%parallel_loop3A_1072, %parallel_loop3A_1073, %parallel_loop3A_1074] {strides = array<i32>} : memref<2x400x64xf32, #tpu.memory_space<vmem>>, vector<16xf32>,
        %parallel_loop3A_1076 = arith.constant 25 : i32
        %parallel_loop3A_1077 = arith.addi %parallel_loop3A_275, %parallel_loop3A_1076 : i32
        %parallel_loop3A_1078 = arith.constant 2 : i32
        %parallel_loop3A_1079 = arith.addi %parallel_loop3A_1077, %parallel_loop3A_1078 : i32
        %parallel_loop3A_1080 = arith.index_cast %select_n3A_196 : i32 to index
        %parallel_loop3A_1081 = arith.index_cast %parallel_loop3A_1079 : i32 to index
        %parallel_loop3A_1082 = arith.constant 0 : index
        %parallel_loop3A_1083 = tpu.vector_load %arg9[%parallel_loop3A_1080, %parallel_loop3A_1081, %parallel_loop3A_1082] {strides = array<i32>} : memref<2x400x64xf32, #tpu.memory_space<vmem>>, vector<16xf32>,
        %parallel_loop3A_1084 = arith.constant 25 : i32
        %parallel_loop3A_1085 = arith.addi %parallel_loop3A_275, %parallel_loop3A_1084 : i32
        %parallel_loop3A_1086 = arith.constant 2 : i32
        %parallel_loop3A_1087 = arith.addi %parallel_loop3A_1085, %parallel_loop3A_1086 : i32
        %parallel_loop3A_1088 = arith.index_cast %select_n3A_196 : i32 to index
        %parallel_loop3A_1089 = arith.index_cast %parallel_loop3A_1087 : i32 to index
        %parallel_loop3A_1090 = arith.constant 16 : index
        %parallel_loop3A_1091 = tpu.vector_load %arg9[%parallel_loop3A_1088, %parallel_loop3A_1089, %parallel_loop3A_1090] {strides = array<i32>} : memref<2x400x64xf32, #tpu.memory_space<vmem>>, vector<16xf32>,
        %parallel_loop3A_1092 = arith.constant 25 : i32
        %parallel_loop3A_1093 = arith.addi %parallel_loop3A_275, %parallel_loop3A_1092 : i32
        %parallel_loop3A_1094 = arith.constant 2 : i32
        %parallel_loop3A_1095 = arith.addi %parallel_loop3A_1093, %parallel_loop3A_1094 : i32
        %parallel_loop3A_1096 = arith.index_cast %select_n3A_196 : i32 to index
        %parallel_loop3A_1097 = arith.index_cast %parallel_loop3A_1095 : i32 to index
        %parallel_loop3A_1098 = arith.constant 32 : index
        %parallel_loop3A_1099 = tpu.vector_load %arg9[%parallel_loop3A_1096, %parallel_loop3A_1097, %parallel_loop3A_1098] {strides = array<i32>} : memref<2x400x64xf32, #tpu.memory_space<vmem>>, vector<16xf32>,
        %parallel_loop3A_1100 = arith.constant 25 : i32
        %parallel_loop3A_1101 = arith.addi %parallel_loop3A_275, %parallel_loop3A_1100 : i32
        %parallel_loop3A_1102 = arith.constant 2 : i32
        %parallel_loop3A_1103 = arith.addi %parallel_loop3A_1101, %parallel_loop3A_1102 : i32
        %parallel_loop3A_1104 = arith.index_cast %select_n3A_196 : i32 to index
        %parallel_loop3A_1105 = arith.index_cast %parallel_loop3A_1103 : i32 to index
        %parallel_loop3A_1106 = arith.constant 48 : index
        %parallel_loop3A_1107 = tpu.vector_load %arg9[%parallel_loop3A_1104, %parallel_loop3A_1105, %parallel_loop3A_1106] {strides = array<i32>} : memref<2x400x64xf32, #tpu.memory_space<vmem>>, vector<16xf32>,
        %parallel_loop3A_1108 = arith.constant 38 : i32
        %parallel_loop3A_1109 = arith.addi %parallel_loop3A_275, %parallel_loop3A_1108 : i32
        %parallel_loop3A_1110 = arith.constant 2 : i32
        %parallel_loop3A_1111 = arith.addi %parallel_loop3A_1109, %parallel_loop3A_1110 : i32
        %parallel_loop3A_1112 = arith.index_cast %select_n3A_196 : i32 to index
        %parallel_loop3A_1113 = arith.index_cast %parallel_loop3A_1111 : i32 to index
        %parallel_loop3A_1114 = arith.constant 0 : index
        %parallel_loop3A_1115 = tpu.vector_load %arg9[%parallel_loop3A_1112, %parallel_loop3A_1113, %parallel_loop3A_1114] {strides = array<i32>} : memref<2x400x64xf32, #tpu.memory_space<vmem>>, vector<16xf32>,
        %parallel_loop3A_1116 = arith.constant 38 : i32
        %parallel_loop3A_1117 = arith.addi %parallel_loop3A_275, %parallel_loop3A_1116 : i32
        %parallel_loop3A_1118 = arith.constant 2 : i32
        %parallel_loop3A_1119 = arith.addi %parallel_loop3A_1117, %parallel_loop3A_1118 : i32
        %parallel_loop3A_1120 = arith.index_cast %select_n3A_196 : i32 to index
        %parallel_loop3A_1121 = arith.index_cast %parallel_loop3A_1119 : i32 to index
        %parallel_loop3A_1122 = arith.constant 16 : index
        %parallel_loop3A_1123 = tpu.vector_load %arg9[%parallel_loop3A_1120, %parallel_loop3A_1121, %parallel_loop3A_1122] {strides = array<i32>} : memref<2x400x64xf32, #tpu.memory_space<vmem>>, vector<16xf32>,
        %parallel_loop3A_1124 = arith.constant 38 : i32
        %parallel_loop3A_1125 = arith.addi %parallel_loop3A_275, %parallel_loop3A_1124 : i32
        %parallel_loop3A_1126 = arith.constant 2 : i32
        %parallel_loop3A_1127 = arith.addi %parallel_loop3A_1125, %parallel_loop3A_1126 : i32
        %parallel_loop3A_1128 = arith.index_cast %select_n3A_196 : i32 to index
        %parallel_loop3A_1129 = arith.index_cast %parallel_loop3A_1127 : i32 to index
        %parallel_loop3A_1130 = arith.constant 32 : index
        %parallel_loop3A_1131 = tpu.vector_load %arg9[%parallel_loop3A_1128, %parallel_loop3A_1129, %parallel_loop3A_1130] {strides = array<i32>} : memref<2x400x64xf32, #tpu.memory_space<vmem>>, vector<16xf32>,
        %parallel_loop3A_1132 = arith.constant 38 : i32
        %parallel_loop3A_1133 = arith.addi %parallel_loop3A_275, %parallel_loop3A_1132 : i32
        %parallel_loop3A_1134 = arith.constant 2 : i32
        %parallel_loop3A_1135 = arith.addi %parallel_loop3A_1133, %parallel_loop3A_1134 : i32
        %parallel_loop3A_1136 = arith.index_cast %select_n3A_196 : i32 to index
        %parallel_loop3A_1137 = arith.index_cast %parallel_loop3A_1135 : i32 to index
        %parallel_loop3A_1138 = arith.constant 48 : index
        %parallel_loop3A_1139 = tpu.vector_load %arg9[%parallel_loop3A_1136, %parallel_loop3A_1137, %parallel_loop3A_1138] {strides = array<i32>} : memref<2x400x64xf32, #tpu.memory_space<vmem>>, vector<16xf32>,
        %parallel_loop3A_1140 = arith.mulf %get3A_105, %parallel_loop3A_699 : vector<16xf32>
        %parallel_loop3A_1141 = arith.mulf %get3A_121, %parallel_loop3A_1019 : vector<16xf32>
        %parallel_loop3A_1142 = arith.addf %parallel_loop3A_1140, %parallel_loop3A_1141 : vector<16xf32>
        %parallel_loop3A_1143 = arith.constant 0.000000e+00 : f32
        %parallel_loop3A_1144 = vector.broadcast %parallel_loop3A_1143 : f32 to vector<16xf32>
        %parallel_loop3A_1145 = arith.maximumf %parallel_loop3A_1142, %parallel_loop3A_1144 : vector<16xf32>
        %parallel_loop3A_1146 = arith.mulf %get3A_109, %parallel_loop3A_707 : vector<16xf32>
        %parallel_loop3A_1147 = arith.mulf %get3A_125, %parallel_loop3A_1027 : vector<16xf32>
        %parallel_loop3A_1148 = arith.addf %parallel_loop3A_1146, %parallel_loop3A_1147 : vector<16xf32>
        %parallel_loop3A_1149 = arith.constant 0.000000e+00 : f32
        %parallel_loop3A_1150 = vector.broadcast %parallel_loop3A_1149 : f32 to vector<16xf32>
        %parallel_loop3A_1151 = arith.maximumf %parallel_loop3A_1148, %parallel_loop3A_1150 : vector<16xf32>
        %parallel_loop3A_1152 = arith.mulf %get3A_113, %parallel_loop3A_715 : vector<16xf32>
        %parallel_loop3A_1153 = arith.mulf %get3A_129, %parallel_loop3A_1035 : vector<16xf32>
        %parallel_loop3A_1154 = arith.addf %parallel_loop3A_1152, %parallel_loop3A_1153 : vector<16xf32>
        %parallel_loop3A_1155 = arith.constant 0.000000e+00 : f32
        %parallel_loop3A_1156 = vector.broadcast %parallel_loop3A_1155 : f32 to vector<16xf32>
        %parallel_loop3A_1157 = arith.maximumf %parallel_loop3A_1154, %parallel_loop3A_1156 : vector<16xf32>
        %parallel_loop3A_1158 = arith.mulf %get3A_117, %parallel_loop3A_723 : vector<16xf32>
        %parallel_loop3A_1159 = arith.mulf %get3A_133, %parallel_loop3A_1043 : vector<16xf32>
        %parallel_loop3A_1160 = arith.addf %parallel_loop3A_1158, %parallel_loop3A_1159 : vector<16xf32>
        %parallel_loop3A_1161 = arith.constant 0.000000e+00 : f32
        %parallel_loop3A_1162 = vector.broadcast %parallel_loop3A_1161 : f32 to vector<16xf32>
        %parallel_loop3A_1163 = arith.maximumf %parallel_loop3A_1160, %parallel_loop3A_1162 : vector<16xf32>
        %parallel_loop3A_1164 = arith.mulf %get3A_105, %parallel_loop3A_731 : vector<16xf32>
        %parallel_loop3A_1165 = arith.mulf %get3A_121, %parallel_loop3A_1051 : vector<16xf32>
        %parallel_loop3A_1166 = arith.addf %parallel_loop3A_1164, %parallel_loop3A_1165 : vector<16xf32>
        %parallel_loop3A_1167 = arith.constant 0.000000e+00 : f32
        %parallel_loop3A_1168 = vector.broadcast %parallel_loop3A_1167 : f32 to vector<16xf32>
        %parallel_loop3A_1169 = arith.maximumf %parallel_loop3A_1166, %parallel_loop3A_1168 : vector<16xf32>
        %parallel_loop3A_1170 = arith.mulf %get3A_109, %parallel_loop3A_739 : vector<16xf32>
        %parallel_loop3A_1171 = arith.mulf %get3A_125, %parallel_loop3A_1059 : vector<16xf32>
        %parallel_loop3A_1172 = arith.addf %parallel_loop3A_1170, %parallel_loop3A_1171 : vector<16xf32>
        %parallel_loop3A_1173 = arith.constant 0.000000e+00 : f32
        %parallel_loop3A_1174 = vector.broadcast %parallel_loop3A_1173 : f32 to vector<16xf32>
        %parallel_loop3A_1175 = arith.maximumf %parallel_loop3A_1172, %parallel_loop3A_1174 : vector<16xf32>
        %parallel_loop3A_1176 = arith.mulf %get3A_113, %parallel_loop3A_747 : vector<16xf32>
        %parallel_loop3A_1177 = arith.mulf %get3A_129, %parallel_loop3A_1067 : vector<16xf32>
        %parallel_loop3A_1178 = arith.addf %parallel_loop3A_1176, %parallel_loop3A_1177 : vector<16xf32>
        %parallel_loop3A_1179 = arith.constant 0.000000e+00 : f32
        %parallel_loop3A_1180 = vector.broadcast %parallel_loop3A_1179 : f32 to vector<16xf32>
        %parallel_loop3A_1181 = arith.maximumf %parallel_loop3A_1178, %parallel_loop3A_1180 : vector<16xf32>
        %parallel_loop3A_1182 = arith.mulf %get3A_117, %parallel_loop3A_755 : vector<16xf32>
        %parallel_loop3A_1183 = arith.mulf %get3A_133, %parallel_loop3A_1075 : vector<16xf32>
        %parallel_loop3A_1184 = arith.addf %parallel_loop3A_1182, %parallel_loop3A_1183 : vector<16xf32>
        %parallel_loop3A_1185 = arith.constant 0.000000e+00 : f32
        %parallel_loop3A_1186 = vector.broadcast %parallel_loop3A_1185 : f32 to vector<16xf32>
        %parallel_loop3A_1187 = arith.maximumf %parallel_loop3A_1184, %parallel_loop3A_1186 : vector<16xf32>
        %parallel_loop3A_1188 = arith.mulf %get3A_105, %parallel_loop3A_763 : vector<16xf32>
        %parallel_loop3A_1189 = arith.mulf %get3A_121, %parallel_loop3A_1083 : vector<16xf32>
        %parallel_loop3A_1190 = arith.addf %parallel_loop3A_1188, %parallel_loop3A_1189 : vector<16xf32>
        %parallel_loop3A_1191 = arith.constant 0.000000e+00 : f32
        %parallel_loop3A_1192 = vector.broadcast %parallel_loop3A_1191 : f32 to vector<16xf32>
        %parallel_loop3A_1193 = arith.maximumf %parallel_loop3A_1190, %parallel_loop3A_1192 : vector<16xf32>
        %parallel_loop3A_1194 = arith.mulf %get3A_109, %parallel_loop3A_771 : vector<16xf32>
        %parallel_loop3A_1195 = arith.mulf %get3A_125, %parallel_loop3A_1091 : vector<16xf32>
        %parallel_loop3A_1196 = arith.addf %parallel_loop3A_1194, %parallel_loop3A_1195 : vector<16xf32>
        %parallel_loop3A_1197 = arith.constant 0.000000e+00 : f32
        %parallel_loop3A_1198 = vector.broadcast %parallel_loop3A_1197 : f32 to vector<16xf32>
        %parallel_loop3A_1199 = arith.maximumf %parallel_loop3A_1196, %parallel_loop3A_1198 : vector<16xf32>
        %parallel_loop3A_1200 = arith.mulf %get3A_113, %parallel_loop3A_779 : vector<16xf32>
        %parallel_loop3A_1201 = arith.mulf %get3A_129, %parallel_loop3A_1099 : vector<16xf32>
        %parallel_loop3A_1202 = arith.addf %parallel_loop3A_1200, %parallel_loop3A_1201 : vector<16xf32>
        %parallel_loop3A_1203 = arith.constant 0.000000e+00 : f32
        %parallel_loop3A_1204 = vector.broadcast %parallel_loop3A_1203 : f32 to vector<16xf32>
        %parallel_loop3A_1205 = arith.maximumf %parallel_loop3A_1202, %parallel_loop3A_1204 : vector<16xf32>
        %parallel_loop3A_1206 = arith.mulf %get3A_117, %parallel_loop3A_787 : vector<16xf32>
        %parallel_loop3A_1207 = arith.mulf %get3A_133, %parallel_loop3A_1107 : vector<16xf32>
        %parallel_loop3A_1208 = arith.addf %parallel_loop3A_1206, %parallel_loop3A_1207 : vector<16xf32>
        %parallel_loop3A_1209 = arith.constant 0.000000e+00 : f32
        %parallel_loop3A_1210 = vector.broadcast %parallel_loop3A_1209 : f32 to vector<16xf32>
        %parallel_loop3A_1211 = arith.maximumf %parallel_loop3A_1208, %parallel_loop3A_1210 : vector<16xf32>
        %parallel_loop3A_1212 = arith.mulf %get3A_105, %parallel_loop3A_795 : vector<16xf32>
        %parallel_loop3A_1213 = arith.mulf %get3A_121, %parallel_loop3A_1115 : vector<16xf32>
        %parallel_loop3A_1214 = arith.addf %parallel_loop3A_1212, %parallel_loop3A_1213 : vector<16xf32>
        %parallel_loop3A_1215 = arith.constant 0.000000e+00 : f32
        %parallel_loop3A_1216 = vector.broadcast %parallel_loop3A_1215 : f32 to vector<16xf32>
        %parallel_loop3A_1217 = arith.maximumf %parallel_loop3A_1214, %parallel_loop3A_1216 : vector<16xf32>
        %parallel_loop3A_1218 = arith.mulf %get3A_109, %parallel_loop3A_803 : vector<16xf32>
        %parallel_loop3A_1219 = arith.mulf %get3A_125, %parallel_loop3A_1123 : vector<16xf32>
        %parallel_loop3A_1220 = arith.addf %parallel_loop3A_1218, %parallel_loop3A_1219 : vector<16xf32>
        %parallel_loop3A_1221 = arith.constant 0.000000e+00 : f32
        %parallel_loop3A_1222 = vector.broadcast %parallel_loop3A_1221 : f32 to vector<16xf32>
        %parallel_loop3A_1223 = arith.maximumf %parallel_loop3A_1220, %parallel_loop3A_1222 : vector<16xf32>
        %parallel_loop3A_1224 = arith.mulf %get3A_113, %parallel_loop3A_811 : vector<16xf32>
        %parallel_loop3A_1225 = arith.mulf %get3A_129, %parallel_loop3A_1131 : vector<16xf32>
        %parallel_loop3A_1226 = arith.addf %parallel_loop3A_1224, %parallel_loop3A_1225 : vector<16xf32>
        %parallel_loop3A_1227 = arith.constant 0.000000e+00 : f32
        %parallel_loop3A_1228 = vector.broadcast %parallel_loop3A_1227 : f32 to vector<16xf32>
        %parallel_loop3A_1229 = arith.maximumf %parallel_loop3A_1226, %parallel_loop3A_1228 : vector<16xf32>
        %parallel_loop3A_1230 = arith.mulf %get3A_117, %parallel_loop3A_819 : vector<16xf32>
        %parallel_loop3A_1231 = arith.mulf %get3A_133, %parallel_loop3A_1139 : vector<16xf32>
        %parallel_loop3A_1232 = arith.addf %parallel_loop3A_1230, %parallel_loop3A_1231 : vector<16xf32>
        %parallel_loop3A_1233 = arith.constant 0.000000e+00 : f32
        %parallel_loop3A_1234 = vector.broadcast %parallel_loop3A_1233 : f32 to vector<16xf32>
        %parallel_loop3A_1235 = arith.maximumf %parallel_loop3A_1232, %parallel_loop3A_1234 : vector<16xf32>
        %parallel_loop3A_1236 = arith.constant 2 : i32
        %parallel_loop3A_1237 = arith.index_cast %select_n3A_196 : i32 to index
        %parallel_loop3A_1238 = arith.index_cast %parallel_loop3A_273 : i32 to index
        %parallel_loop3A_1239 = arith.index_cast %parallel_loop3A_1236 : i32 to index
        %parallel_loop3A_1240 = arith.constant 0 : index
        %parallel_loop3A_1241 = tpu.vector_load %arg10[%parallel_loop3A_1237, %parallel_loop3A_1238, %parallel_loop3A_1239, %parallel_loop3A_1240] {strides = array<i32>} : memref<2x8x50x64xf32, #tpu.memory_space<vmem>>, vector<16xf32>,
        tpu.vector_store %arg10[%parallel_loop3A_1237, %parallel_loop3A_1238, %parallel_loop3A_1239, %parallel_loop3A_1240], %parallel_loop3A_1145 {strides = array<i32>} : memref<2x8x50x64xf32, #tpu.memory_space<vmem>>, vector<16xf32>,
        %parallel_loop3A_1242 = arith.constant 2 : i32
        %parallel_loop3A_1243 = arith.index_cast %select_n3A_196 : i32 to index
        %parallel_loop3A_1244 = arith.index_cast %parallel_loop3A_273 : i32 to index
        %parallel_loop3A_1245 = arith.index_cast %parallel_loop3A_1242 : i32 to index
        %parallel_loop3A_1246 = arith.constant 16 : index
        %parallel_loop3A_1247 = tpu.vector_load %arg10[%parallel_loop3A_1243, %parallel_loop3A_1244, %parallel_loop3A_1245, %parallel_loop3A_1246] {strides = array<i32>} : memref<2x8x50x64xf32, #tpu.memory_space<vmem>>, vector<16xf32>,
        tpu.vector_store %arg10[%parallel_loop3A_1243, %parallel_loop3A_1244, %parallel_loop3A_1245, %parallel_loop3A_1246], %parallel_loop3A_1151 {strides = array<i32>} : memref<2x8x50x64xf32, #tpu.memory_space<vmem>>, vector<16xf32>,
        %parallel_loop3A_1248 = arith.constant 2 : i32
        %parallel_loop3A_1249 = arith.index_cast %select_n3A_196 : i32 to index
        %parallel_loop3A_1250 = arith.index_cast %parallel_loop3A_273 : i32 to index
        %parallel_loop3A_1251 = arith.index_cast %parallel_loop3A_1248 : i32 to index
        %parallel_loop3A_1252 = arith.constant 32 : index
        %parallel_loop3A_1253 = tpu.vector_load %arg10[%parallel_loop3A_1249, %parallel_loop3A_1250, %parallel_loop3A_1251, %parallel_loop3A_1252] {strides = array<i32>} : memref<2x8x50x64xf32, #tpu.memory_space<vmem>>, vector<16xf32>,
        tpu.vector_store %arg10[%parallel_loop3A_1249, %parallel_loop3A_1250, %parallel_loop3A_1251, %parallel_loop3A_1252], %parallel_loop3A_1157 {strides = array<i32>} : memref<2x8x50x64xf32, #tpu.memory_space<vmem>>, vector<16xf32>,
        %parallel_loop3A_1254 = arith.constant 2 : i32
        %parallel_loop3A_1255 = arith.index_cast %select_n3A_196 : i32 to index
        %parallel_loop3A_1256 = arith.index_cast %parallel_loop3A_273 : i32 to index
        %parallel_loop3A_1257 = arith.index_cast %parallel_loop3A_1254 : i32 to index
        %parallel_loop3A_1258 = arith.constant 48 : index
        %parallel_loop3A_1259 = tpu.vector_load %arg10[%parallel_loop3A_1255, %parallel_loop3A_1256, %parallel_loop3A_1257, %parallel_loop3A_1258] {strides = array<i32>} : memref<2x8x50x64xf32, #tpu.memory_space<vmem>>, vector<16xf32>,
        tpu.vector_store %arg10[%parallel_loop3A_1255, %parallel_loop3A_1256, %parallel_loop3A_1257, %parallel_loop3A_1258], %parallel_loop3A_1163 {strides = array<i32>} : memref<2x8x50x64xf32, #tpu.memory_space<vmem>>, vector<16xf32>,
        %parallel_loop3A_1260 = arith.constant 15 : i32
        %parallel_loop3A_1261 = arith.index_cast %select_n3A_196 : i32 to index
        %parallel_loop3A_1262 = arith.index_cast %parallel_loop3A_273 : i32 to index
        %parallel_loop3A_1263 = arith.index_cast %parallel_loop3A_1260 : i32 to index
        %parallel_loop3A_1264 = arith.constant 0 : index
        %parallel_loop3A_1265 = tpu.vector_load %arg10[%parallel_loop3A_1261, %parallel_loop3A_1262, %parallel_loop3A_1263, %parallel_loop3A_1264] {strides = array<i32>} : memref<2x8x50x64xf32, #tpu.memory_space<vmem>>, vector<16xf32>,
        tpu.vector_store %arg10[%parallel_loop3A_1261, %parallel_loop3A_1262, %parallel_loop3A_1263, %parallel_loop3A_1264], %parallel_loop3A_1169 {strides = array<i32>} : memref<2x8x50x64xf32, #tpu.memory_space<vmem>>, vector<16xf32>,
        %parallel_loop3A_1266 = arith.constant 15 : i32
        %parallel_loop3A_1267 = arith.index_cast %select_n3A_196 : i32 to index
        %parallel_loop3A_1268 = arith.index_cast %parallel_loop3A_273 : i32 to index
        %parallel_loop3A_1269 = arith.index_cast %parallel_loop3A_1266 : i32 to index
        %parallel_loop3A_1270 = arith.constant 16 : index
        %parallel_loop3A_1271 = tpu.vector_load %arg10[%parallel_loop3A_1267, %parallel_loop3A_1268, %parallel_loop3A_1269, %parallel_loop3A_1270] {strides = array<i32>} : memref<2x8x50x64xf32, #tpu.memory_space<vmem>>, vector<16xf32>,
        tpu.vector_store %arg10[%parallel_loop3A_1267, %parallel_loop3A_1268, %parallel_loop3A_1269, %parallel_loop3A_1270], %parallel_loop3A_1175 {strides = array<i32>} : memref<2x8x50x64xf32, #tpu.memory_space<vmem>>, vector<16xf32>,
        %parallel_loop3A_1272 = arith.constant 15 : i32
        %parallel_loop3A_1273 = arith.index_cast %select_n3A_196 : i32 to index
        %parallel_loop3A_1274 = arith.index_cast %parallel_loop3A_273 : i32 to index
        %parallel_loop3A_1275 = arith.index_cast %parallel_loop3A_1272 : i32 to index
        %parallel_loop3A_1276 = arith.constant 32 : index
        %parallel_loop3A_1277 = tpu.vector_load %arg10[%parallel_loop3A_1273, %parallel_loop3A_1274, %parallel_loop3A_1275, %parallel_loop3A_1276] {strides = array<i32>} : memref<2x8x50x64xf32, #tpu.memory_space<vmem>>, vector<16xf32>,
        tpu.vector_store %arg10[%parallel_loop3A_1273, %parallel_loop3A_1274, %parallel_loop3A_1275, %parallel_loop3A_1276], %parallel_loop3A_1181 {strides = array<i32>} : memref<2x8x50x64xf32, #tpu.memory_space<vmem>>, vector<16xf32>,
        %parallel_loop3A_1278 = arith.constant 15 : i32
        %parallel_loop3A_1279 = arith.index_cast %select_n3A_196 : i32 to index
        %parallel_loop3A_1280 = arith.index_cast %parallel_loop3A_273 : i32 to index
        %parallel_loop3A_1281 = arith.index_cast %parallel_loop3A_1278 : i32 to index
        %parallel_loop3A_1282 = arith.constant 48 : index
        %parallel_loop3A_1283 = tpu.vector_load %arg10[%parallel_loop3A_1279, %parallel_loop3A_1280, %parallel_loop3A_1281, %parallel_loop3A_1282] {strides = array<i32>} : memref<2x8x50x64xf32, #tpu.memory_space<vmem>>, vector<16xf32>,
        tpu.vector_store %arg10[%parallel_loop3A_1279, %parallel_loop3A_1280, %parallel_loop3A_1281, %parallel_loop3A_1282], %parallel_loop3A_1187 {strides = array<i32>} : memref<2x8x50x64xf32, #tpu.memory_space<vmem>>, vector<16xf32>,
        %parallel_loop3A_1284 = arith.constant 27 : i32
        %parallel_loop3A_1285 = arith.index_cast %select_n3A_196 : i32 to index
        %parallel_loop3A_1286 = arith.index_cast %parallel_loop3A_273 : i32 to index
        %parallel_loop3A_1287 = arith.index_cast %parallel_loop3A_1284 : i32 to index
        %parallel_loop3A_1288 = arith.constant 0 : index
        %parallel_loop3A_1289 = tpu.vector_load %arg10[%parallel_loop3A_1285, %parallel_loop3A_1286, %parallel_loop3A_1287, %parallel_loop3A_1288] {strides = array<i32>} : memref<2x8x50x64xf32, #tpu.memory_space<vmem>>, vector<16xf32>,
        tpu.vector_store %arg10[%parallel_loop3A_1285, %parallel_loop3A_1286, %parallel_loop3A_1287, %parallel_loop3A_1288], %parallel_loop3A_1193 {strides = array<i32>} : memref<2x8x50x64xf32, #tpu.memory_space<vmem>>, vector<16xf32>,
        %parallel_loop3A_1290 = arith.constant 27 : i32
        %parallel_loop3A_1291 = arith.index_cast %select_n3A_196 : i32 to index
        %parallel_loop3A_1292 = arith.index_cast %parallel_loop3A_273 : i32 to index
        %parallel_loop3A_1293 = arith.index_cast %parallel_loop3A_1290 : i32 to index
        %parallel_loop3A_1294 = arith.constant 16 : index
        %parallel_loop3A_1295 = tpu.vector_load %arg10[%parallel_loop3A_1291, %parallel_loop3A_1292, %parallel_loop3A_1293, %parallel_loop3A_1294] {strides = array<i32>} : memref<2x8x50x64xf32, #tpu.memory_space<vmem>>, vector<16xf32>,
        tpu.vector_store %arg10[%parallel_loop3A_1291, %parallel_loop3A_1292, %parallel_loop3A_1293, %parallel_loop3A_1294], %parallel_loop3A_1199 {strides = array<i32>} : memref<2x8x50x64xf32, #tpu.memory_space<vmem>>, vector<16xf32>,
        %parallel_loop3A_1296 = arith.constant 27 : i32
        %parallel_loop3A_1297 = arith.index_cast %select_n3A_196 : i32 to index
        %parallel_loop3A_1298 = arith.index_cast %parallel_loop3A_273 : i32 to index
        %parallel_loop3A_1299 = arith.index_cast %parallel_loop3A_1296 : i32 to index
        %parallel_loop3A_1300 = arith.constant 32 : index
        %parallel_loop3A_1301 = tpu.vector_load %arg10[%parallel_loop3A_1297, %parallel_loop3A_1298, %parallel_loop3A_1299, %parallel_loop3A_1300] {strides = array<i32>} : memref<2x8x50x64xf32, #tpu.memory_space<vmem>>, vector<16xf32>,
        tpu.vector_store %arg10[%parallel_loop3A_1297, %parallel_loop3A_1298, %parallel_loop3A_1299, %parallel_loop3A_1300], %parallel_loop3A_1205 {strides = array<i32>} : memref<2x8x50x64xf32, #tpu.memory_space<vmem>>, vector<16xf32>,
        %parallel_loop3A_1302 = arith.constant 27 : i32
        %parallel_loop3A_1303 = arith.index_cast %select_n3A_196 : i32 to index
        %parallel_loop3A_1304 = arith.index_cast %parallel_loop3A_273 : i32 to index
        %parallel_loop3A_1305 = arith.index_cast %parallel_loop3A_1302 : i32 to index
        %parallel_loop3A_1306 = arith.constant 48 : index
        %parallel_loop3A_1307 = tpu.vector_load %arg10[%parallel_loop3A_1303, %parallel_loop3A_1304, %parallel_loop3A_1305, %parallel_loop3A_1306] {strides = array<i32>} : memref<2x8x50x64xf32, #tpu.memory_space<vmem>>, vector<16xf32>,
        tpu.vector_store %arg10[%parallel_loop3A_1303, %parallel_loop3A_1304, %parallel_loop3A_1305, %parallel_loop3A_1306], %parallel_loop3A_1211 {strides = array<i32>} : memref<2x8x50x64xf32, #tpu.memory_space<vmem>>, vector<16xf32>,
        %parallel_loop3A_1308 = arith.constant 40 : i32
        %parallel_loop3A_1309 = arith.index_cast %select_n3A_196 : i32 to index
        %parallel_loop3A_1310 = arith.index_cast %parallel_loop3A_273 : i32 to index
        %parallel_loop3A_1311 = arith.index_cast %parallel_loop3A_1308 : i32 to index
        %parallel_loop3A_1312 = arith.constant 0 : index
        %parallel_loop3A_1313 = tpu.vector_load %arg10[%parallel_loop3A_1309, %parallel_loop3A_1310, %parallel_loop3A_1311, %parallel_loop3A_1312] {strides = array<i32>} : memref<2x8x50x64xf32, #tpu.memory_space<vmem>>, vector<16xf32>,
        tpu.vector_store %arg10[%parallel_loop3A_1309, %parallel_loop3A_1310, %parallel_loop3A_1311, %parallel_loop3A_1312], %parallel_loop3A_1217 {strides = array<i32>} : memref<2x8x50x64xf32, #tpu.memory_space<vmem>>, vector<16xf32>,
        %parallel_loop3A_1314 = arith.constant 40 : i32
        %parallel_loop3A_1315 = arith.index_cast %select_n3A_196 : i32 to index
        %parallel_loop3A_1316 = arith.index_cast %parallel_loop3A_273 : i32 to index
        %parallel_loop3A_1317 = arith.index_cast %parallel_loop3A_1314 : i32 to index
        %parallel_loop3A_1318 = arith.constant 16 : index
        %parallel_loop3A_1319 = tpu.vector_load %arg10[%parallel_loop3A_1315, %parallel_loop3A_1316, %parallel_loop3A_1317, %parallel_loop3A_1318] {strides = array<i32>} : memref<2x8x50x64xf32, #tpu.memory_space<vmem>>, vector<16xf32>,
        tpu.vector_store %arg10[%parallel_loop3A_1315, %parallel_loop3A_1316, %parallel_loop3A_1317, %parallel_loop3A_1318], %parallel_loop3A_1223 {strides = array<i32>} : memref<2x8x50x64xf32, #tpu.memory_space<vmem>>, vector<16xf32>,
        %parallel_loop3A_1320 = arith.constant 40 : i32
        %parallel_loop3A_1321 = arith.index_cast %select_n3A_196 : i32 to index
        %parallel_loop3A_1322 = arith.index_cast %parallel_loop3A_273 : i32 to index
        %parallel_loop3A_1323 = arith.index_cast %parallel_loop3A_1320 : i32 to index
        %parallel_loop3A_1324 = arith.constant 32 : index
        %parallel_loop3A_1325 = tpu.vector_load %arg10[%parallel_loop3A_1321, %parallel_loop3A_1322, %parallel_loop3A_1323, %parallel_loop3A_1324] {strides = array<i32>} : memref<2x8x50x64xf32, #tpu.memory_space<vmem>>, vector<16xf32>,
        tpu.vector_store %arg10[%parallel_loop3A_1321, %parallel_loop3A_1322, %parallel_loop3A_1323, %parallel_loop3A_1324], %parallel_loop3A_1229 {strides = array<i32>} : memref<2x8x50x64xf32, #tpu.memory_space<vmem>>, vector<16xf32>,
        %parallel_loop3A_1326 = arith.constant 40 : i32
        %parallel_loop3A_1327 = arith.index_cast %select_n3A_196 : i32 to index
        %parallel_loop3A_1328 = arith.index_cast %parallel_loop3A_273 : i32 to index
        %parallel_loop3A_1329 = arith.index_cast %parallel_loop3A_1326 : i32 to index
        %parallel_loop3A_1330 = arith.constant 48 : index
        %parallel_loop3A_1331 = tpu.vector_load %arg10[%parallel_loop3A_1327, %parallel_loop3A_1328, %parallel_loop3A_1329, %parallel_loop3A_1330] {strides = array<i32>} : memref<2x8x50x64xf32, #tpu.memory_space<vmem>>, vector<16xf32>,
        tpu.vector_store %arg10[%parallel_loop3A_1327, %parallel_loop3A_1328, %parallel_loop3A_1329, %parallel_loop3A_1330], %parallel_loop3A_1235 {strides = array<i32>} : memref<2x8x50x64xf32, #tpu.memory_space<vmem>>, vector<16xf32>,
        %parallel_loop3A_1332 = arith.constant 0 : i32
        %parallel_loop3A_1333 = arith.addi %parallel_loop3A_275, %parallel_loop3A_1332 : i32
        %parallel_loop3A_1334 = arith.constant 3 : i32
        %parallel_loop3A_1335 = arith.addi %parallel_loop3A_1333, %parallel_loop3A_1334 : i32
        %parallel_loop3A_1336 = arith.index_cast %select_n3A_196 : i32 to index
        %parallel_loop3A_1337 = arith.index_cast %parallel_loop3A_1335 : i32 to index
        %parallel_loop3A_1338 = arith.constant 0 : index
        %parallel_loop3A_1339 = tpu.vector_load %arg9[%parallel_loop3A_1336, %parallel_loop3A_1337, %parallel_loop3A_1338] {strides = array<i32>} : memref<2x400x64xf32, #tpu.memory_space<vmem>>, vector<16xf32>,
        %parallel_loop3A_1340 = arith.constant 0 : i32
        %parallel_loop3A_1341 = arith.addi %parallel_loop3A_275, %parallel_loop3A_1340 : i32
        %parallel_loop3A_1342 = arith.constant 3 : i32
        %parallel_loop3A_1343 = arith.addi %parallel_loop3A_1341, %parallel_loop3A_1342 : i32
        %parallel_loop3A_1344 = arith.index_cast %select_n3A_196 : i32 to index
        %parallel_loop3A_1345 = arith.index_cast %parallel_loop3A_1343 : i32 to index
        %parallel_loop3A_1346 = arith.constant 16 : index
        %parallel_loop3A_1347 = tpu.vector_load %arg9[%parallel_loop3A_1344, %parallel_loop3A_1345, %parallel_loop3A_1346] {strides = array<i32>} : memref<2x400x64xf32, #tpu.memory_space<vmem>>, vector<16xf32>,
        %parallel_loop3A_1348 = arith.constant 0 : i32
        %parallel_loop3A_1349 = arith.addi %parallel_loop3A_275, %parallel_loop3A_1348 : i32
        %parallel_loop3A_1350 = arith.constant 3 : i32
        %parallel_loop3A_1351 = arith.addi %parallel_loop3A_1349, %parallel_loop3A_1350 : i32
        %parallel_loop3A_1352 = arith.index_cast %select_n3A_196 : i32 to index
        %parallel_loop3A_1353 = arith.index_cast %parallel_loop3A_1351 : i32 to index
        %parallel_loop3A_1354 = arith.constant 32 : index
        %parallel_loop3A_1355 = tpu.vector_load %arg9[%parallel_loop3A_1352, %parallel_loop3A_1353, %parallel_loop3A_1354] {strides = array<i32>} : memref<2x400x64xf32, #tpu.memory_space<vmem>>, vector<16xf32>,
        %parallel_loop3A_1356 = arith.constant 0 : i32
        %parallel_loop3A_1357 = arith.addi %parallel_loop3A_275, %parallel_loop3A_1356 : i32
        %parallel_loop3A_1358 = arith.constant 3 : i32
        %parallel_loop3A_1359 = arith.addi %parallel_loop3A_1357, %parallel_loop3A_1358 : i32
        %parallel_loop3A_1360 = arith.index_cast %select_n3A_196 : i32 to index
        %parallel_loop3A_1361 = arith.index_cast %parallel_loop3A_1359 : i32 to index
        %parallel_loop3A_1362 = arith.constant 48 : index
        %parallel_loop3A_1363 = tpu.vector_load %arg9[%parallel_loop3A_1360, %parallel_loop3A_1361, %parallel_loop3A_1362] {strides = array<i32>} : memref<2x400x64xf32, #tpu.memory_space<vmem>>, vector<16xf32>,
        %parallel_loop3A_1364 = arith.constant 13 : i32
        %parallel_loop3A_1365 = arith.addi %parallel_loop3A_275, %parallel_loop3A_1364 : i32
        %parallel_loop3A_1366 = arith.constant 3 : i32
        %parallel_loop3A_1367 = arith.addi %parallel_loop3A_1365, %parallel_loop3A_1366 : i32
        %parallel_loop3A_1368 = arith.index_cast %select_n3A_196 : i32 to index
        %parallel_loop3A_1369 = arith.index_cast %parallel_loop3A_1367 : i32 to index
        %parallel_loop3A_1370 = arith.constant 0 : index
        %parallel_loop3A_1371 = tpu.vector_load %arg9[%parallel_loop3A_1368, %parallel_loop3A_1369, %parallel_loop3A_1370] {strides = array<i32>} : memref<2x400x64xf32, #tpu.memory_space<vmem>>, vector<16xf32>,
        %parallel_loop3A_1372 = arith.constant 13 : i32
        %parallel_loop3A_1373 = arith.addi %parallel_loop3A_275, %parallel_loop3A_1372 : i32
        %parallel_loop3A_1374 = arith.constant 3 : i32
        %parallel_loop3A_1375 = arith.addi %parallel_loop3A_1373, %parallel_loop3A_1374 : i32
        %parallel_loop3A_1376 = arith.index_cast %select_n3A_196 : i32 to index
        %parallel_loop3A_1377 = arith.index_cast %parallel_loop3A_1375 : i32 to index
        %parallel_loop3A_1378 = arith.constant 16 : index
        %parallel_loop3A_1379 = tpu.vector_load %arg9[%parallel_loop3A_1376, %parallel_loop3A_1377, %parallel_loop3A_1378] {strides = array<i32>} : memref<2x400x64xf32, #tpu.memory_space<vmem>>, vector<16xf32>,
        %parallel_loop3A_1380 = arith.constant 13 : i32
        %parallel_loop3A_1381 = arith.addi %parallel_loop3A_275, %parallel_loop3A_1380 : i32
        %parallel_loop3A_1382 = arith.constant 3 : i32
        %parallel_loop3A_1383 = arith.addi %parallel_loop3A_1381, %parallel_loop3A_1382 : i32
        %parallel_loop3A_1384 = arith.index_cast %select_n3A_196 : i32 to index
        %parallel_loop3A_1385 = arith.index_cast %parallel_loop3A_1383 : i32 to index
        %parallel_loop3A_1386 = arith.constant 32 : index
        %parallel_loop3A_1387 = tpu.vector_load %arg9[%parallel_loop3A_1384, %parallel_loop3A_1385, %parallel_loop3A_1386] {strides = array<i32>} : memref<2x400x64xf32, #tpu.memory_space<vmem>>, vector<16xf32>,
        %parallel_loop3A_1388 = arith.constant 13 : i32
        %parallel_loop3A_1389 = arith.addi %parallel_loop3A_275, %parallel_loop3A_1388 : i32
        %parallel_loop3A_1390 = arith.constant 3 : i32
        %parallel_loop3A_1391 = arith.addi %parallel_loop3A_1389, %parallel_loop3A_1390 : i32
        %parallel_loop3A_1392 = arith.index_cast %select_n3A_196 : i32 to index
        %parallel_loop3A_1393 = arith.index_cast %parallel_loop3A_1391 : i32 to index
        %parallel_loop3A_1394 = arith.constant 48 : index
        %parallel_loop3A_1395 = tpu.vector_load %arg9[%parallel_loop3A_1392, %parallel_loop3A_1393, %parallel_loop3A_1394] {strides = array<i32>} : memref<2x400x64xf32, #tpu.memory_space<vmem>>, vector<16xf32>,
        %parallel_loop3A_1396 = arith.constant 25 : i32
        %parallel_loop3A_1397 = arith.addi %parallel_loop3A_275, %parallel_loop3A_1396 : i32
        %parallel_loop3A_1398 = arith.constant 3 : i32
        %parallel_loop3A_1399 = arith.addi %parallel_loop3A_1397, %parallel_loop3A_1398 : i32
        %parallel_loop3A_1400 = arith.index_cast %select_n3A_196 : i32 to index
        %parallel_loop3A_1401 = arith.index_cast %parallel_loop3A_1399 : i32 to index
        %parallel_loop3A_1402 = arith.constant 0 : index
        %parallel_loop3A_1403 = tpu.vector_load %arg9[%parallel_loop3A_1400, %parallel_loop3A_1401, %parallel_loop3A_1402] {strides = array<i32>} : memref<2x400x64xf32, #tpu.memory_space<vmem>>, vector<16xf32>,
        %parallel_loop3A_1404 = arith.constant 25 : i32
        %parallel_loop3A_1405 = arith.addi %parallel_loop3A_275, %parallel_loop3A_1404 : i32
        %parallel_loop3A_1406 = arith.constant 3 : i32
        %parallel_loop3A_1407 = arith.addi %parallel_loop3A_1405, %parallel_loop3A_1406 : i32
        %parallel_loop3A_1408 = arith.index_cast %select_n3A_196 : i32 to index
        %parallel_loop3A_1409 = arith.index_cast %parallel_loop3A_1407 : i32 to index
        %parallel_loop3A_1410 = arith.constant 16 : index
        %parallel_loop3A_1411 = tpu.vector_load %arg9[%parallel_loop3A_1408, %parallel_loop3A_1409, %parallel_loop3A_1410] {strides = array<i32>} : memref<2x400x64xf32, #tpu.memory_space<vmem>>, vector<16xf32>,
        %parallel_loop3A_1412 = arith.constant 25 : i32
        %parallel_loop3A_1413 = arith.addi %parallel_loop3A_275, %parallel_loop3A_1412 : i32
        %parallel_loop3A_1414 = arith.constant 3 : i32
        %parallel_loop3A_1415 = arith.addi %parallel_loop3A_1413, %parallel_loop3A_1414 : i32
        %parallel_loop3A_1416 = arith.index_cast %select_n3A_196 : i32 to index
        %parallel_loop3A_1417 = arith.index_cast %parallel_loop3A_1415 : i32 to index
        %parallel_loop3A_1418 = arith.constant 32 : index
        %parallel_loop3A_1419 = tpu.vector_load %arg9[%parallel_loop3A_1416, %parallel_loop3A_1417, %parallel_loop3A_1418] {strides = array<i32>} : memref<2x400x64xf32, #tpu.memory_space<vmem>>, vector<16xf32>,
        %parallel_loop3A_1420 = arith.constant 25 : i32
        %parallel_loop3A_1421 = arith.addi %parallel_loop3A_275, %parallel_loop3A_1420 : i32
        %parallel_loop3A_1422 = arith.constant 3 : i32
        %parallel_loop3A_1423 = arith.addi %parallel_loop3A_1421, %parallel_loop3A_1422 : i32
        %parallel_loop3A_1424 = arith.index_cast %select_n3A_196 : i32 to index
        %parallel_loop3A_1425 = arith.index_cast %parallel_loop3A_1423 : i32 to index
        %parallel_loop3A_1426 = arith.constant 48 : index
        %parallel_loop3A_1427 = tpu.vector_load %arg9[%parallel_loop3A_1424, %parallel_loop3A_1425, %parallel_loop3A_1426] {strides = array<i32>} : memref<2x400x64xf32, #tpu.memory_space<vmem>>, vector<16xf32>,
        %parallel_loop3A_1428 = arith.constant 38 : i32
        %parallel_loop3A_1429 = arith.addi %parallel_loop3A_275, %parallel_loop3A_1428 : i32
        %parallel_loop3A_1430 = arith.constant 3 : i32
        %parallel_loop3A_1431 = arith.addi %parallel_loop3A_1429, %parallel_loop3A_1430 : i32
        %parallel_loop3A_1432 = arith.index_cast %select_n3A_196 : i32 to index
        %parallel_loop3A_1433 = arith.index_cast %parallel_loop3A_1431 : i32 to index
        %parallel_loop3A_1434 = arith.constant 0 : index
        %parallel_loop3A_1435 = tpu.vector_load %arg9[%parallel_loop3A_1432, %parallel_loop3A_1433, %parallel_loop3A_1434] {strides = array<i32>} : memref<2x400x64xf32, #tpu.memory_space<vmem>>, vector<16xf32>,
        %parallel_loop3A_1436 = arith.constant 38 : i32
        %parallel_loop3A_1437 = arith.addi %parallel_loop3A_275, %parallel_loop3A_1436 : i32
        %parallel_loop3A_1438 = arith.constant 3 : i32
        %parallel_loop3A_1439 = arith.addi %parallel_loop3A_1437, %parallel_loop3A_1438 : i32
        %parallel_loop3A_1440 = arith.index_cast %select_n3A_196 : i32 to index
        %parallel_loop3A_1441 = arith.index_cast %parallel_loop3A_1439 : i32 to index
        %parallel_loop3A_1442 = arith.constant 16 : index
        %parallel_loop3A_1443 = tpu.vector_load %arg9[%parallel_loop3A_1440, %parallel_loop3A_1441, %parallel_loop3A_1442] {strides = array<i32>} : memref<2x400x64xf32, #tpu.memory_space<vmem>>, vector<16xf32>,
        %parallel_loop3A_1444 = arith.constant 38 : i32
        %parallel_loop3A_1445 = arith.addi %parallel_loop3A_275, %parallel_loop3A_1444 : i32
        %parallel_loop3A_1446 = arith.constant 3 : i32
        %parallel_loop3A_1447 = arith.addi %parallel_loop3A_1445, %parallel_loop3A_1446 : i32
        %parallel_loop3A_1448 = arith.index_cast %select_n3A_196 : i32 to index
        %parallel_loop3A_1449 = arith.index_cast %parallel_loop3A_1447 : i32 to index
        %parallel_loop3A_1450 = arith.constant 32 : index
        %parallel_loop3A_1451 = tpu.vector_load %arg9[%parallel_loop3A_1448, %parallel_loop3A_1449, %parallel_loop3A_1450] {strides = array<i32>} : memref<2x400x64xf32, #tpu.memory_space<vmem>>, vector<16xf32>,
        %parallel_loop3A_1452 = arith.constant 38 : i32
        %parallel_loop3A_1453 = arith.addi %parallel_loop3A_275, %parallel_loop3A_1452 : i32
        %parallel_loop3A_1454 = arith.constant 3 : i32
        %parallel_loop3A_1455 = arith.addi %parallel_loop3A_1453, %parallel_loop3A_1454 : i32
        %parallel_loop3A_1456 = arith.index_cast %select_n3A_196 : i32 to index
        %parallel_loop3A_1457 = arith.index_cast %parallel_loop3A_1455 : i32 to index
        %parallel_loop3A_1458 = arith.constant 48 : index
        %parallel_loop3A_1459 = tpu.vector_load %arg9[%parallel_loop3A_1456, %parallel_loop3A_1457, %parallel_loop3A_1458] {strides = array<i32>} : memref<2x400x64xf32, #tpu.memory_space<vmem>>, vector<16xf32>,
        %parallel_loop3A_1460 = arith.mulf %get3A_105, %parallel_loop3A_1019 : vector<16xf32>
        %parallel_loop3A_1461 = arith.mulf %get3A_121, %parallel_loop3A_1339 : vector<16xf32>
        %parallel_loop3A_1462 = arith.addf %parallel_loop3A_1460, %parallel_loop3A_1461 : vector<16xf32>
        %parallel_loop3A_1463 = arith.constant 0.000000e+00 : f32
        %parallel_loop3A_1464 = vector.broadcast %parallel_loop3A_1463 : f32 to vector<16xf32>
        %parallel_loop3A_1465 = arith.maximumf %parallel_loop3A_1462, %parallel_loop3A_1464 : vector<16xf32>
        %parallel_loop3A_1466 = arith.mulf %get3A_109, %parallel_loop3A_1027 : vector<16xf32>
        %parallel_loop3A_1467 = arith.mulf %get3A_125, %parallel_loop3A_1347 : vector<16xf32>
        %parallel_loop3A_1468 = arith.addf %parallel_loop3A_1466, %parallel_loop3A_1467 : vector<16xf32>
        %parallel_loop3A_1469 = arith.constant 0.000000e+00 : f32
        %parallel_loop3A_1470 = vector.broadcast %parallel_loop3A_1469 : f32 to vector<16xf32>
        %parallel_loop3A_1471 = arith.maximumf %parallel_loop3A_1468, %parallel_loop3A_1470 : vector<16xf32>
        %parallel_loop3A_1472 = arith.mulf %get3A_113, %parallel_loop3A_1035 : vector<16xf32>
        %parallel_loop3A_1473 = arith.mulf %get3A_129, %parallel_loop3A_1355 : vector<16xf32>
        %parallel_loop3A_1474 = arith.addf %parallel_loop3A_1472, %parallel_loop3A_1473 : vector<16xf32>
        %parallel_loop3A_1475 = arith.constant 0.000000e+00 : f32
        %parallel_loop3A_1476 = vector.broadcast %parallel_loop3A_1475 : f32 to vector<16xf32>
        %parallel_loop3A_1477 = arith.maximumf %parallel_loop3A_1474, %parallel_loop3A_1476 : vector<16xf32>
        %parallel_loop3A_1478 = arith.mulf %get3A_117, %parallel_loop3A_1043 : vector<16xf32>
        %parallel_loop3A_1479 = arith.mulf %get3A_133, %parallel_loop3A_1363 : vector<16xf32>
        %parallel_loop3A_1480 = arith.addf %parallel_loop3A_1478, %parallel_loop3A_1479 : vector<16xf32>
        %parallel_loop3A_1481 = arith.constant 0.000000e+00 : f32
        %parallel_loop3A_1482 = vector.broadcast %parallel_loop3A_1481 : f32 to vector<16xf32>
        %parallel_loop3A_1483 = arith.maximumf %parallel_loop3A_1480, %parallel_loop3A_1482 : vector<16xf32>
        %parallel_loop3A_1484 = arith.mulf %get3A_105, %parallel_loop3A_1051 : vector<16xf32>
        %parallel_loop3A_1485 = arith.mulf %get3A_121, %parallel_loop3A_1371 : vector<16xf32>
        %parallel_loop3A_1486 = arith.addf %parallel_loop3A_1484, %parallel_loop3A_1485 : vector<16xf32>
        %parallel_loop3A_1487 = arith.constant 0.000000e+00 : f32
        %parallel_loop3A_1488 = vector.broadcast %parallel_loop3A_1487 : f32 to vector<16xf32>
        %parallel_loop3A_1489 = arith.maximumf %parallel_loop3A_1486, %parallel_loop3A_1488 : vector<16xf32>
        %parallel_loop3A_1490 = arith.mulf %get3A_109, %parallel_loop3A_1059 : vector<16xf32>
        %parallel_loop3A_1491 = arith.mulf %get3A_125, %parallel_loop3A_1379 : vector<16xf32>
        %parallel_loop3A_1492 = arith.addf %parallel_loop3A_1490, %parallel_loop3A_1491 : vector<16xf32>
        %parallel_loop3A_1493 = arith.constant 0.000000e+00 : f32
        %parallel_loop3A_1494 = vector.broadcast %parallel_loop3A_1493 : f32 to vector<16xf32>
        %parallel_loop3A_1495 = arith.maximumf %parallel_loop3A_1492, %parallel_loop3A_1494 : vector<16xf32>
        %parallel_loop3A_1496 = arith.mulf %get3A_113, %parallel_loop3A_1067 : vector<16xf32>
        %parallel_loop3A_1497 = arith.mulf %get3A_129, %parallel_loop3A_1387 : vector<16xf32>
        %parallel_loop3A_1498 = arith.addf %parallel_loop3A_1496, %parallel_loop3A_1497 : vector<16xf32>
        %parallel_loop3A_1499 = arith.constant 0.000000e+00 : f32
        %parallel_loop3A_1500 = vector.broadcast %parallel_loop3A_1499 : f32 to vector<16xf32>
        %parallel_loop3A_1501 = arith.maximumf %parallel_loop3A_1498, %parallel_loop3A_1500 : vector<16xf32>
        %parallel_loop3A_1502 = arith.mulf %get3A_117, %parallel_loop3A_1075 : vector<16xf32>
        %parallel_loop3A_1503 = arith.mulf %get3A_133, %parallel_loop3A_1395 : vector<16xf32>
        %parallel_loop3A_1504 = arith.addf %parallel_loop3A_1502, %parallel_loop3A_1503 : vector<16xf32>
        %parallel_loop3A_1505 = arith.constant 0.000000e+00 : f32
        %parallel_loop3A_1506 = vector.broadcast %parallel_loop3A_1505 : f32 to vector<16xf32>
        %parallel_loop3A_1507 = arith.maximumf %parallel_loop3A_1504, %parallel_loop3A_1506 : vector<16xf32>
        %parallel_loop3A_1508 = arith.mulf %get3A_105, %parallel_loop3A_1083 : vector<16xf32>
        %parallel_loop3A_1509 = arith.mulf %get3A_121, %parallel_loop3A_1403 : vector<16xf32>
        %parallel_loop3A_1510 = arith.addf %parallel_loop3A_1508, %parallel_loop3A_1509 : vector<16xf32>
        %parallel_loop3A_1511 = arith.constant 0.000000e+00 : f32
        %parallel_loop3A_1512 = vector.broadcast %parallel_loop3A_1511 : f32 to vector<16xf32>
        %parallel_loop3A_1513 = arith.maximumf %parallel_loop3A_1510, %parallel_loop3A_1512 : vector<16xf32>
        %parallel_loop3A_1514 = arith.mulf %get3A_109, %parallel_loop3A_1091 : vector<16xf32>
        %parallel_loop3A_1515 = arith.mulf %get3A_125, %parallel_loop3A_1411 : vector<16xf32>
        %parallel_loop3A_1516 = arith.addf %parallel_loop3A_1514, %parallel_loop3A_1515 : vector<16xf32>
        %parallel_loop3A_1517 = arith.constant 0.000000e+00 : f32
        %parallel_loop3A_1518 = vector.broadcast %parallel_loop3A_1517 : f32 to vector<16xf32>
        %parallel_loop3A_1519 = arith.maximumf %parallel_loop3A_1516, %parallel_loop3A_1518 : vector<16xf32>
        %parallel_loop3A_1520 = arith.mulf %get3A_113, %parallel_loop3A_1099 : vector<16xf32>
        %parallel_loop3A_1521 = arith.mulf %get3A_129, %parallel_loop3A_1419 : vector<16xf32>
        %parallel_loop3A_1522 = arith.addf %parallel_loop3A_1520, %parallel_loop3A_1521 : vector<16xf32>
        %parallel_loop3A_1523 = arith.constant 0.000000e+00 : f32
        %parallel_loop3A_1524 = vector.broadcast %parallel_loop3A_1523 : f32 to vector<16xf32>
        %parallel_loop3A_1525 = arith.maximumf %parallel_loop3A_1522, %parallel_loop3A_1524 : vector<16xf32>
        %parallel_loop3A_1526 = arith.mulf %get3A_117, %parallel_loop3A_1107 : vector<16xf32>
        %parallel_loop3A_1527 = arith.mulf %get3A_133, %parallel_loop3A_1427 : vector<16xf32>
        %parallel_loop3A_1528 = arith.addf %parallel_loop3A_1526, %parallel_loop3A_1527 : vector<16xf32>
        %parallel_loop3A_1529 = arith.constant 0.000000e+00 : f32
        %parallel_loop3A_1530 = vector.broadcast %parallel_loop3A_1529 : f32 to vector<16xf32>
        %parallel_loop3A_1531 = arith.maximumf %parallel_loop3A_1528, %parallel_loop3A_1530 : vector<16xf32>
        %parallel_loop3A_1532 = arith.mulf %get3A_105, %parallel_loop3A_1115 : vector<16xf32>
        %parallel_loop3A_1533 = arith.mulf %get3A_121, %parallel_loop3A_1435 : vector<16xf32>
        %parallel_loop3A_1534 = arith.addf %parallel_loop3A_1532, %parallel_loop3A_1533 : vector<16xf32>
        %parallel_loop3A_1535 = arith.constant 0.000000e+00 : f32
        %parallel_loop3A_1536 = vector.broadcast %parallel_loop3A_1535 : f32 to vector<16xf32>
        %parallel_loop3A_1537 = arith.maximumf %parallel_loop3A_1534, %parallel_loop3A_1536 : vector<16xf32>
        %parallel_loop3A_1538 = arith.mulf %get3A_109, %parallel_loop3A_1123 : vector<16xf32>
        %parallel_loop3A_1539 = arith.mulf %get3A_125, %parallel_loop3A_1443 : vector<16xf32>
        %parallel_loop3A_1540 = arith.addf %parallel_loop3A_1538, %parallel_loop3A_1539 : vector<16xf32>
        %parallel_loop3A_1541 = arith.constant 0.000000e+00 : f32
        %parallel_loop3A_1542 = vector.broadcast %parallel_loop3A_1541 : f32 to vector<16xf32>
        %parallel_loop3A_1543 = arith.maximumf %parallel_loop3A_1540, %parallel_loop3A_1542 : vector<16xf32>
        %parallel_loop3A_1544 = arith.mulf %get3A_113, %parallel_loop3A_1131 : vector<16xf32>
        %parallel_loop3A_1545 = arith.mulf %get3A_129, %parallel_loop3A_1451 : vector<16xf32>
        %parallel_loop3A_1546 = arith.addf %parallel_loop3A_1544, %parallel_loop3A_1545 : vector<16xf32>
        %parallel_loop3A_1547 = arith.constant 0.000000e+00 : f32
        %parallel_loop3A_1548 = vector.broadcast %parallel_loop3A_1547 : f32 to vector<16xf32>
        %parallel_loop3A_1549 = arith.maximumf %parallel_loop3A_1546, %parallel_loop3A_1548 : vector<16xf32>
        %parallel_loop3A_1550 = arith.mulf %get3A_117, %parallel_loop3A_1139 : vector<16xf32>
        %parallel_loop3A_1551 = arith.mulf %get3A_133, %parallel_loop3A_1459 : vector<16xf32>
        %parallel_loop3A_1552 = arith.addf %parallel_loop3A_1550, %parallel_loop3A_1551 : vector<16xf32>
        %parallel_loop3A_1553 = arith.constant 0.000000e+00 : f32
        %parallel_loop3A_1554 = vector.broadcast %parallel_loop3A_1553 : f32 to vector<16xf32>
        %parallel_loop3A_1555 = arith.maximumf %parallel_loop3A_1552, %parallel_loop3A_1554 : vector<16xf32>
        %parallel_loop3A_1556 = arith.constant 3 : i32
        %parallel_loop3A_1557 = arith.index_cast %select_n3A_196 : i32 to index
        %parallel_loop3A_1558 = arith.index_cast %parallel_loop3A_273 : i32 to index
        %parallel_loop3A_1559 = arith.index_cast %parallel_loop3A_1556 : i32 to index
        %parallel_loop3A_1560 = arith.constant 0 : index
        %parallel_loop3A_1561 = tpu.vector_load %arg10[%parallel_loop3A_1557, %parallel_loop3A_1558, %parallel_loop3A_1559, %parallel_loop3A_1560] {strides = array<i32>} : memref<2x8x50x64xf32, #tpu.memory_space<vmem>>, vector<16xf32>,
        tpu.vector_store %arg10[%parallel_loop3A_1557, %parallel_loop3A_1558, %parallel_loop3A_1559, %parallel_loop3A_1560], %parallel_loop3A_1465 {strides = array<i32>} : memref<2x8x50x64xf32, #tpu.memory_space<vmem>>, vector<16xf32>,
        %parallel_loop3A_1562 = arith.constant 3 : i32
        %parallel_loop3A_1563 = arith.index_cast %select_n3A_196 : i32 to index
        %parallel_loop3A_1564 = arith.index_cast %parallel_loop3A_273 : i32 to index
        %parallel_loop3A_1565 = arith.index_cast %parallel_loop3A_1562 : i32 to index
        %parallel_loop3A_1566 = arith.constant 16 : index
        %parallel_loop3A_1567 = tpu.vector_load %arg10[%parallel_loop3A_1563, %parallel_loop3A_1564, %parallel_loop3A_1565, %parallel_loop3A_1566] {strides = array<i32>} : memref<2x8x50x64xf32, #tpu.memory_space<vmem>>, vector<16xf32>,
        tpu.vector_store %arg10[%parallel_loop3A_1563, %parallel_loop3A_1564, %parallel_loop3A_1565, %parallel_loop3A_1566], %parallel_loop3A_1471 {strides = array<i32>} : memref<2x8x50x64xf32, #tpu.memory_space<vmem>>, vector<16xf32>,
        %parallel_loop3A_1568 = arith.constant 3 : i32
        %parallel_loop3A_1569 = arith.index_cast %select_n3A_196 : i32 to index
        %parallel_loop3A_1570 = arith.index_cast %parallel_loop3A_273 : i32 to index
        %parallel_loop3A_1571 = arith.index_cast %parallel_loop3A_1568 : i32 to index
        %parallel_loop3A_1572 = arith.constant 32 : index
        %parallel_loop3A_1573 = tpu.vector_load %arg10[%parallel_loop3A_1569, %parallel_loop3A_1570, %parallel_loop3A_1571, %parallel_loop3A_1572] {strides = array<i32>} : memref<2x8x50x64xf32, #tpu.memory_space<vmem>>, vector<16xf32>,
        tpu.vector_store %arg10[%parallel_loop3A_1569, %parallel_loop3A_1570, %parallel_loop3A_1571, %parallel_loop3A_1572], %parallel_loop3A_1477 {strides = array<i32>} : memref<2x8x50x64xf32, #tpu.memory_space<vmem>>, vector<16xf32>,
        %parallel_loop3A_1574 = arith.constant 3 : i32
        %parallel_loop3A_1575 = arith.index_cast %select_n3A_196 : i32 to index
        %parallel_loop3A_1576 = arith.index_cast %parallel_loop3A_273 : i32 to index
        %parallel_loop3A_1577 = arith.index_cast %parallel_loop3A_1574 : i32 to index
        %parallel_loop3A_1578 = arith.constant 48 : index
        %parallel_loop3A_1579 = tpu.vector_load %arg10[%parallel_loop3A_1575, %parallel_loop3A_1576, %parallel_loop3A_1577, %parallel_loop3A_1578] {strides = array<i32>} : memref<2x8x50x64xf32, #tpu.memory_space<vmem>>, vector<16xf32>,
        tpu.vector_store %arg10[%parallel_loop3A_1575, %parallel_loop3A_1576, %parallel_loop3A_1577, %parallel_loop3A_1578], %parallel_loop3A_1483 {strides = array<i32>} : memref<2x8x50x64xf32, #tpu.memory_space<vmem>>, vector<16xf32>,
        %parallel_loop3A_1580 = arith.constant 16 : i32
        %parallel_loop3A_1581 = arith.index_cast %select_n3A_196 : i32 to index
        %parallel_loop3A_1582 = arith.index_cast %parallel_loop3A_273 : i32 to index
        %parallel_loop3A_1583 = arith.index_cast %parallel_loop3A_1580 : i32 to index
        %parallel_loop3A_1584 = arith.constant 0 : index
        %parallel_loop3A_1585 = tpu.vector_load %arg10[%parallel_loop3A_1581, %parallel_loop3A_1582, %parallel_loop3A_1583, %parallel_loop3A_1584] {strides = array<i32>} : memref<2x8x50x64xf32, #tpu.memory_space<vmem>>, vector<16xf32>,
        tpu.vector_store %arg10[%parallel_loop3A_1581, %parallel_loop3A_1582, %parallel_loop3A_1583, %parallel_loop3A_1584], %parallel_loop3A_1489 {strides = array<i32>} : memref<2x8x50x64xf32, #tpu.memory_space<vmem>>, vector<16xf32>,
        %parallel_loop3A_1586 = arith.constant 16 : i32
        %parallel_loop3A_1587 = arith.index_cast %select_n3A_196 : i32 to index
        %parallel_loop3A_1588 = arith.index_cast %parallel_loop3A_273 : i32 to index
        %parallel_loop3A_1589 = arith.index_cast %parallel_loop3A_1586 : i32 to index
        %parallel_loop3A_1590 = arith.constant 16 : index
        %parallel_loop3A_1591 = tpu.vector_load %arg10[%parallel_loop3A_1587, %parallel_loop3A_1588, %parallel_loop3A_1589, %parallel_loop3A_1590] {strides = array<i32>} : memref<2x8x50x64xf32, #tpu.memory_space<vmem>>, vector<16xf32>,
        tpu.vector_store %arg10[%parallel_loop3A_1587, %parallel_loop3A_1588, %parallel_loop3A_1589, %parallel_loop3A_1590], %parallel_loop3A_1495 {strides = array<i32>} : memref<2x8x50x64xf32, #tpu.memory_space<vmem>>, vector<16xf32>,
        %parallel_loop3A_1592 = arith.constant 16 : i32
        %parallel_loop3A_1593 = arith.index_cast %select_n3A_196 : i32 to index
        %parallel_loop3A_1594 = arith.index_cast %parallel_loop3A_273 : i32 to index
        %parallel_loop3A_1595 = arith.index_cast %parallel_loop3A_1592 : i32 to index
        %parallel_loop3A_1596 = arith.constant 32 : index
        %parallel_loop3A_1597 = tpu.vector_load %arg10[%parallel_loop3A_1593, %parallel_loop3A_1594, %parallel_loop3A_1595, %parallel_loop3A_1596] {strides = array<i32>} : memref<2x8x50x64xf32, #tpu.memory_space<vmem>>, vector<16xf32>,
        tpu.vector_store %arg10[%parallel_loop3A_1593, %parallel_loop3A_1594, %parallel_loop3A_1595, %parallel_loop3A_1596], %parallel_loop3A_1501 {strides = array<i32>} : memref<2x8x50x64xf32, #tpu.memory_space<vmem>>, vector<16xf32>,
        %parallel_loop3A_1598 = arith.constant 16 : i32
        %parallel_loop3A_1599 = arith.index_cast %select_n3A_196 : i32 to index
        %parallel_loop3A_1600 = arith.index_cast %parallel_loop3A_273 : i32 to index
        %parallel_loop3A_1601 = arith.index_cast %parallel_loop3A_1598 : i32 to index
        %parallel_loop3A_1602 = arith.constant 48 : index
        %parallel_loop3A_1603 = tpu.vector_load %arg10[%parallel_loop3A_1599, %parallel_loop3A_1600, %parallel_loop3A_1601, %parallel_loop3A_1602] {strides = array<i32>} : memref<2x8x50x64xf32, #tpu.memory_space<vmem>>, vector<16xf32>,
        tpu.vector_store %arg10[%parallel_loop3A_1599, %parallel_loop3A_1600, %parallel_loop3A_1601, %parallel_loop3A_1602], %parallel_loop3A_1507 {strides = array<i32>} : memref<2x8x50x64xf32, #tpu.memory_space<vmem>>, vector<16xf32>,
        %parallel_loop3A_1604 = arith.constant 28 : i32
        %parallel_loop3A_1605 = arith.index_cast %select_n3A_196 : i32 to index
        %parallel_loop3A_1606 = arith.index_cast %parallel_loop3A_273 : i32 to index
        %parallel_loop3A_1607 = arith.index_cast %parallel_loop3A_1604 : i32 to index
        %parallel_loop3A_1608 = arith.constant 0 : index
        %parallel_loop3A_1609 = tpu.vector_load %arg10[%parallel_loop3A_1605, %parallel_loop3A_1606, %parallel_loop3A_1607, %parallel_loop3A_1608] {strides = array<i32>} : memref<2x8x50x64xf32, #tpu.memory_space<vmem>>, vector<16xf32>,
        tpu.vector_store %arg10[%parallel_loop3A_1605, %parallel_loop3A_1606, %parallel_loop3A_1607, %parallel_loop3A_1608], %parallel_loop3A_1513 {strides = array<i32>} : memref<2x8x50x64xf32, #tpu.memory_space<vmem>>, vector<16xf32>,
        %parallel_loop3A_1610 = arith.constant 28 : i32
        %parallel_loop3A_1611 = arith.index_cast %select_n3A_196 : i32 to index
        %parallel_loop3A_1612 = arith.index_cast %parallel_loop3A_273 : i32 to index
        %parallel_loop3A_1613 = arith.index_cast %parallel_loop3A_1610 : i32 to index
        %parallel_loop3A_1614 = arith.constant 16 : index
        %parallel_loop3A_1615 = tpu.vector_load %arg10[%parallel_loop3A_1611, %parallel_loop3A_1612, %parallel_loop3A_1613, %parallel_loop3A_1614] {strides = array<i32>} : memref<2x8x50x64xf32, #tpu.memory_space<vmem>>, vector<16xf32>,
        tpu.vector_store %arg10[%parallel_loop3A_1611, %parallel_loop3A_1612, %parallel_loop3A_1613, %parallel_loop3A_1614], %parallel_loop3A_1519 {strides = array<i32>} : memref<2x8x50x64xf32, #tpu.memory_space<vmem>>, vector<16xf32>,
        %parallel_loop3A_1616 = arith.constant 28 : i32
        %parallel_loop3A_1617 = arith.index_cast %select_n3A_196 : i32 to index
        %parallel_loop3A_1618 = arith.index_cast %parallel_loop3A_273 : i32 to index
        %parallel_loop3A_1619 = arith.index_cast %parallel_loop3A_1616 : i32 to index
        %parallel_loop3A_1620 = arith.constant 32 : index
        %parallel_loop3A_1621 = tpu.vector_load %arg10[%parallel_loop3A_1617, %parallel_loop3A_1618, %parallel_loop3A_1619, %parallel_loop3A_1620] {strides = array<i32>} : memref<2x8x50x64xf32, #tpu.memory_space<vmem>>, vector<16xf32>,
        tpu.vector_store %arg10[%parallel_loop3A_1617, %parallel_loop3A_1618, %parallel_loop3A_1619, %parallel_loop3A_1620], %parallel_loop3A_1525 {strides = array<i32>} : memref<2x8x50x64xf32, #tpu.memory_space<vmem>>, vector<16xf32>,
        %parallel_loop3A_1622 = arith.constant 28 : i32
        %parallel_loop3A_1623 = arith.index_cast %select_n3A_196 : i32 to index
        %parallel_loop3A_1624 = arith.index_cast %parallel_loop3A_273 : i32 to index
        %parallel_loop3A_1625 = arith.index_cast %parallel_loop3A_1622 : i32 to index
        %parallel_loop3A_1626 = arith.constant 48 : index
        %parallel_loop3A_1627 = tpu.vector_load %arg10[%parallel_loop3A_1623, %parallel_loop3A_1624, %parallel_loop3A_1625, %parallel_loop3A_1626] {strides = array<i32>} : memref<2x8x50x64xf32, #tpu.memory_space<vmem>>, vector<16xf32>,
        tpu.vector_store %arg10[%parallel_loop3A_1623, %parallel_loop3A_1624, %parallel_loop3A_1625, %parallel_loop3A_1626], %parallel_loop3A_1531 {strides = array<i32>} : memref<2x8x50x64xf32, #tpu.memory_space<vmem>>, vector<16xf32>,
        %parallel_loop3A_1628 = arith.constant 41 : i32
        %parallel_loop3A_1629 = arith.index_cast %select_n3A_196 : i32 to index
        %parallel_loop3A_1630 = arith.index_cast %parallel_loop3A_273 : i32 to index
        %parallel_loop3A_1631 = arith.index_cast %parallel_loop3A_1628 : i32 to index
        %parallel_loop3A_1632 = arith.constant 0 : index
        %parallel_loop3A_1633 = tpu.vector_load %arg10[%parallel_loop3A_1629, %parallel_loop3A_1630, %parallel_loop3A_1631, %parallel_loop3A_1632] {strides = array<i32>} : memref<2x8x50x64xf32, #tpu.memory_space<vmem>>, vector<16xf32>,
        tpu.vector_store %arg10[%parallel_loop3A_1629, %parallel_loop3A_1630, %parallel_loop3A_1631, %parallel_loop3A_1632], %parallel_loop3A_1537 {strides = array<i32>} : memref<2x8x50x64xf32, #tpu.memory_space<vmem>>, vector<16xf32>,
        %parallel_loop3A_1634 = arith.constant 41 : i32
        %parallel_loop3A_1635 = arith.index_cast %select_n3A_196 : i32 to index
        %parallel_loop3A_1636 = arith.index_cast %parallel_loop3A_273 : i32 to index
        %parallel_loop3A_1637 = arith.index_cast %parallel_loop3A_1634 : i32 to index
        %parallel_loop3A_1638 = arith.constant 16 : index
        %parallel_loop3A_1639 = tpu.vector_load %arg10[%parallel_loop3A_1635, %parallel_loop3A_1636, %parallel_loop3A_1637, %parallel_loop3A_1638] {strides = array<i32>} : memref<2x8x50x64xf32, #tpu.memory_space<vmem>>, vector<16xf32>,
        tpu.vector_store %arg10[%parallel_loop3A_1635, %parallel_loop3A_1636, %parallel_loop3A_1637, %parallel_loop3A_1638], %parallel_loop3A_1543 {strides = array<i32>} : memref<2x8x50x64xf32, #tpu.memory_space<vmem>>, vector<16xf32>,
        %parallel_loop3A_1640 = arith.constant 41 : i32
        %parallel_loop3A_1641 = arith.index_cast %select_n3A_196 : i32 to index
        %parallel_loop3A_1642 = arith.index_cast %parallel_loop3A_273 : i32 to index
        %parallel_loop3A_1643 = arith.index_cast %parallel_loop3A_1640 : i32 to index
        %parallel_loop3A_1644 = arith.constant 32 : index
        %parallel_loop3A_1645 = tpu.vector_load %arg10[%parallel_loop3A_1641, %parallel_loop3A_1642, %parallel_loop3A_1643, %parallel_loop3A_1644] {strides = array<i32>} : memref<2x8x50x64xf32, #tpu.memory_space<vmem>>, vector<16xf32>,
        tpu.vector_store %arg10[%parallel_loop3A_1641, %parallel_loop3A_1642, %parallel_loop3A_1643, %parallel_loop3A_1644], %parallel_loop3A_1549 {strides = array<i32>} : memref<2x8x50x64xf32, #tpu.memory_space<vmem>>, vector<16xf32>,
        %parallel_loop3A_1646 = arith.constant 41 : i32
        %parallel_loop3A_1647 = arith.index_cast %select_n3A_196 : i32 to index
        %parallel_loop3A_1648 = arith.index_cast %parallel_loop3A_273 : i32 to index
        %parallel_loop3A_1649 = arith.index_cast %parallel_loop3A_1646 : i32 to index
        %parallel_loop3A_1650 = arith.constant 48 : index
        %parallel_loop3A_1651 = tpu.vector_load %arg10[%parallel_loop3A_1647, %parallel_loop3A_1648, %parallel_loop3A_1649, %parallel_loop3A_1650] {strides = array<i32>} : memref<2x8x50x64xf32, #tpu.memory_space<vmem>>, vector<16xf32>,
        tpu.vector_store %arg10[%parallel_loop3A_1647, %parallel_loop3A_1648, %parallel_loop3A_1649, %parallel_loop3A_1650], %parallel_loop3A_1555 {strides = array<i32>} : memref<2x8x50x64xf32, #tpu.memory_space<vmem>>, vector<16xf32>,
        %parallel_loop3A_1652 = arith.constant 0 : i32
        %parallel_loop3A_1653 = arith.addi %parallel_loop3A_275, %parallel_loop3A_1652 : i32
        %parallel_loop3A_1654 = arith.constant 4 : i32
        %parallel_loop3A_1655 = arith.addi %parallel_loop3A_1653, %parallel_loop3A_1654 : i32
        %parallel_loop3A_1656 = arith.index_cast %select_n3A_196 : i32 to index
        %parallel_loop3A_1657 = arith.index_cast %parallel_loop3A_1655 : i32 to index
        %parallel_loop3A_1658 = arith.constant 0 : index
        %parallel_loop3A_1659 = tpu.vector_load %arg9[%parallel_loop3A_1656, %parallel_loop3A_1657, %parallel_loop3A_1658] {strides = array<i32>} : memref<2x400x64xf32, #tpu.memory_space<vmem>>, vector<16xf32>,
        %parallel_loop3A_1660 = arith.constant 0 : i32
        %parallel_loop3A_1661 = arith.addi %parallel_loop3A_275, %parallel_loop3A_1660 : i32
        %parallel_loop3A_1662 = arith.constant 4 : i32
        %parallel_loop3A_1663 = arith.addi %parallel_loop3A_1661, %parallel_loop3A_1662 : i32
        %parallel_loop3A_1664 = arith.index_cast %select_n3A_196 : i32 to index
        %parallel_loop3A_1665 = arith.index_cast %parallel_loop3A_1663 : i32 to index
        %parallel_loop3A_1666 = arith.constant 16 : index
        %parallel_loop3A_1667 = tpu.vector_load %arg9[%parallel_loop3A_1664, %parallel_loop3A_1665, %parallel_loop3A_1666] {strides = array<i32>} : memref<2x400x64xf32, #tpu.memory_space<vmem>>, vector<16xf32>,
        %parallel_loop3A_1668 = arith.constant 0 : i32
        %parallel_loop3A_1669 = arith.addi %parallel_loop3A_275, %parallel_loop3A_1668 : i32
        %parallel_loop3A_1670 = arith.constant 4 : i32
        %parallel_loop3A_1671 = arith.addi %parallel_loop3A_1669, %parallel_loop3A_1670 : i32
        %parallel_loop3A_1672 = arith.index_cast %select_n3A_196 : i32 to index
        %parallel_loop3A_1673 = arith.index_cast %parallel_loop3A_1671 : i32 to index
        %parallel_loop3A_1674 = arith.constant 32 : index
        %parallel_loop3A_1675 = tpu.vector_load %arg9[%parallel_loop3A_1672, %parallel_loop3A_1673, %parallel_loop3A_1674] {strides = array<i32>} : memref<2x400x64xf32, #tpu.memory_space<vmem>>, vector<16xf32>,
        %parallel_loop3A_1676 = arith.constant 0 : i32
        %parallel_loop3A_1677 = arith.addi %parallel_loop3A_275, %parallel_loop3A_1676 : i32
        %parallel_loop3A_1678 = arith.constant 4 : i32
        %parallel_loop3A_1679 = arith.addi %parallel_loop3A_1677, %parallel_loop3A_1678 : i32
        %parallel_loop3A_1680 = arith.index_cast %select_n3A_196 : i32 to index
        %parallel_loop3A_1681 = arith.index_cast %parallel_loop3A_1679 : i32 to index
        %parallel_loop3A_1682 = arith.constant 48 : index
        %parallel_loop3A_1683 = tpu.vector_load %arg9[%parallel_loop3A_1680, %parallel_loop3A_1681, %parallel_loop3A_1682] {strides = array<i32>} : memref<2x400x64xf32, #tpu.memory_space<vmem>>, vector<16xf32>,
        %parallel_loop3A_1684 = arith.constant 13 : i32
        %parallel_loop3A_1685 = arith.addi %parallel_loop3A_275, %parallel_loop3A_1684 : i32
        %parallel_loop3A_1686 = arith.constant 4 : i32
        %parallel_loop3A_1687 = arith.addi %parallel_loop3A_1685, %parallel_loop3A_1686 : i32
        %parallel_loop3A_1688 = arith.index_cast %select_n3A_196 : i32 to index
        %parallel_loop3A_1689 = arith.index_cast %parallel_loop3A_1687 : i32 to index
        %parallel_loop3A_1690 = arith.constant 0 : index
        %parallel_loop3A_1691 = tpu.vector_load %arg9[%parallel_loop3A_1688, %parallel_loop3A_1689, %parallel_loop3A_1690] {strides = array<i32>} : memref<2x400x64xf32, #tpu.memory_space<vmem>>, vector<16xf32>,
        %parallel_loop3A_1692 = arith.constant 13 : i32
        %parallel_loop3A_1693 = arith.addi %parallel_loop3A_275, %parallel_loop3A_1692 : i32
        %parallel_loop3A_1694 = arith.constant 4 : i32
        %parallel_loop3A_1695 = arith.addi %parallel_loop3A_1693, %parallel_loop3A_1694 : i32
        %parallel_loop3A_1696 = arith.index_cast %select_n3A_196 : i32 to index
        %parallel_loop3A_1697 = arith.index_cast %parallel_loop3A_1695 : i32 to index
        %parallel_loop3A_1698 = arith.constant 16 : index
        %parallel_loop3A_1699 = tpu.vector_load %arg9[%parallel_loop3A_1696, %parallel_loop3A_1697, %parallel_loop3A_1698] {strides = array<i32>} : memref<2x400x64xf32, #tpu.memory_space<vmem>>, vector<16xf32>,
        %parallel_loop3A_1700 = arith.constant 13 : i32
        %parallel_loop3A_1701 = arith.addi %parallel_loop3A_275, %parallel_loop3A_1700 : i32
        %parallel_loop3A_1702 = arith.constant 4 : i32
        %parallel_loop3A_1703 = arith.addi %parallel_loop3A_1701, %parallel_loop3A_1702 : i32
        %parallel_loop3A_1704 = arith.index_cast %select_n3A_196 : i32 to index
        %parallel_loop3A_1705 = arith.index_cast %parallel_loop3A_1703 : i32 to index
        %parallel_loop3A_1706 = arith.constant 32 : index
        %parallel_loop3A_1707 = tpu.vector_load %arg9[%parallel_loop3A_1704, %parallel_loop3A_1705, %parallel_loop3A_1706] {strides = array<i32>} : memref<2x400x64xf32, #tpu.memory_space<vmem>>, vector<16xf32>,
        %parallel_loop3A_1708 = arith.constant 13 : i32
        %parallel_loop3A_1709 = arith.addi %parallel_loop3A_275, %parallel_loop3A_1708 : i32
        %parallel_loop3A_1710 = arith.constant 4 : i32
        %parallel_loop3A_1711 = arith.addi %parallel_loop3A_1709, %parallel_loop3A_1710 : i32
        %parallel_loop3A_1712 = arith.index_cast %select_n3A_196 : i32 to index
        %parallel_loop3A_1713 = arith.index_cast %parallel_loop3A_1711 : i32 to index
        %parallel_loop3A_1714 = arith.constant 48 : index
        %parallel_loop3A_1715 = tpu.vector_load %arg9[%parallel_loop3A_1712, %parallel_loop3A_1713, %parallel_loop3A_1714] {strides = array<i32>} : memref<2x400x64xf32, #tpu.memory_space<vmem>>, vector<16xf32>,
        %parallel_loop3A_1716 = arith.constant 25 : i32
        %parallel_loop3A_1717 = arith.addi %parallel_loop3A_275, %parallel_loop3A_1716 : i32
        %parallel_loop3A_1718 = arith.constant 4 : i32
        %parallel_loop3A_1719 = arith.addi %parallel_loop3A_1717, %parallel_loop3A_1718 : i32
        %parallel_loop3A_1720 = arith.index_cast %select_n3A_196 : i32 to index
        %parallel_loop3A_1721 = arith.index_cast %parallel_loop3A_1719 : i32 to index
        %parallel_loop3A_1722 = arith.constant 0 : index
        %parallel_loop3A_1723 = tpu.vector_load %arg9[%parallel_loop3A_1720, %parallel_loop3A_1721, %parallel_loop3A_1722] {strides = array<i32>} : memref<2x400x64xf32, #tpu.memory_space<vmem>>, vector<16xf32>,
        %parallel_loop3A_1724 = arith.constant 25 : i32
        %parallel_loop3A_1725 = arith.addi %parallel_loop3A_275, %parallel_loop3A_1724 : i32
        %parallel_loop3A_1726 = arith.constant 4 : i32
        %parallel_loop3A_1727 = arith.addi %parallel_loop3A_1725, %parallel_loop3A_1726 : i32
        %parallel_loop3A_1728 = arith.index_cast %select_n3A_196 : i32 to index
        %parallel_loop3A_1729 = arith.index_cast %parallel_loop3A_1727 : i32 to index
        %parallel_loop3A_1730 = arith.constant 16 : index
        %parallel_loop3A_1731 = tpu.vector_load %arg9[%parallel_loop3A_1728, %parallel_loop3A_1729, %parallel_loop3A_1730] {strides = array<i32>} : memref<2x400x64xf32, #tpu.memory_space<vmem>>, vector<16xf32>,
        %parallel_loop3A_1732 = arith.constant 25 : i32
        %parallel_loop3A_1733 = arith.addi %parallel_loop3A_275, %parallel_loop3A_1732 : i32
        %parallel_loop3A_1734 = arith.constant 4 : i32
        %parallel_loop3A_1735 = arith.addi %parallel_loop3A_1733, %parallel_loop3A_1734 : i32
        %parallel_loop3A_1736 = arith.index_cast %select_n3A_196 : i32 to index
        %parallel_loop3A_1737 = arith.index_cast %parallel_loop3A_1735 : i32 to index
        %parallel_loop3A_1738 = arith.constant 32 : index
        %parallel_loop3A_1739 = tpu.vector_load %arg9[%parallel_loop3A_1736, %parallel_loop3A_1737, %parallel_loop3A_1738] {strides = array<i32>} : memref<2x400x64xf32, #tpu.memory_space<vmem>>, vector<16xf32>,
        %parallel_loop3A_1740 = arith.constant 25 : i32
        %parallel_loop3A_1741 = arith.addi %parallel_loop3A_275, %parallel_loop3A_1740 : i32
        %parallel_loop3A_1742 = arith.constant 4 : i32
        %parallel_loop3A_1743 = arith.addi %parallel_loop3A_1741, %parallel_loop3A_1742 : i32
        %parallel_loop3A_1744 = arith.index_cast %select_n3A_196 : i32 to index
        %parallel_loop3A_1745 = arith.index_cast %parallel_loop3A_1743 : i32 to index
        %parallel_loop3A_1746 = arith.constant 48 : index
        %parallel_loop3A_1747 = tpu.vector_load %arg9[%parallel_loop3A_1744, %parallel_loop3A_1745, %parallel_loop3A_1746] {strides = array<i32>} : memref<2x400x64xf32, #tpu.memory_space<vmem>>, vector<16xf32>,
        %parallel_loop3A_1748 = arith.constant 38 : i32
        %parallel_loop3A_1749 = arith.addi %parallel_loop3A_275, %parallel_loop3A_1748 : i32
        %parallel_loop3A_1750 = arith.constant 4 : i32
        %parallel_loop3A_1751 = arith.addi %parallel_loop3A_1749, %parallel_loop3A_1750 : i32
        %parallel_loop3A_1752 = arith.index_cast %select_n3A_196 : i32 to index
        %parallel_loop3A_1753 = arith.index_cast %parallel_loop3A_1751 : i32 to index
        %parallel_loop3A_1754 = arith.constant 0 : index
        %parallel_loop3A_1755 = tpu.vector_load %arg9[%parallel_loop3A_1752, %parallel_loop3A_1753, %parallel_loop3A_1754] {strides = array<i32>} : memref<2x400x64xf32, #tpu.memory_space<vmem>>, vector<16xf32>,
        %parallel_loop3A_1756 = arith.constant 38 : i32
        %parallel_loop3A_1757 = arith.addi %parallel_loop3A_275, %parallel_loop3A_1756 : i32
        %parallel_loop3A_1758 = arith.constant 4 : i32
        %parallel_loop3A_1759 = arith.addi %parallel_loop3A_1757, %parallel_loop3A_1758 : i32
        %parallel_loop3A_1760 = arith.index_cast %select_n3A_196 : i32 to index
        %parallel_loop3A_1761 = arith.index_cast %parallel_loop3A_1759 : i32 to index
        %parallel_loop3A_1762 = arith.constant 16 : index
        %parallel_loop3A_1763 = tpu.vector_load %arg9[%parallel_loop3A_1760, %parallel_loop3A_1761, %parallel_loop3A_1762] {strides = array<i32>} : memref<2x400x64xf32, #tpu.memory_space<vmem>>, vector<16xf32>,
        %parallel_loop3A_1764 = arith.constant 38 : i32
        %parallel_loop3A_1765 = arith.addi %parallel_loop3A_275, %parallel_loop3A_1764 : i32
        %parallel_loop3A_1766 = arith.constant 4 : i32
        %parallel_loop3A_1767 = arith.addi %parallel_loop3A_1765, %parallel_loop3A_1766 : i32
        %parallel_loop3A_1768 = arith.index_cast %select_n3A_196 : i32 to index
        %parallel_loop3A_1769 = arith.index_cast %parallel_loop3A_1767 : i32 to index
        %parallel_loop3A_1770 = arith.constant 32 : index
        %parallel_loop3A_1771 = tpu.vector_load %arg9[%parallel_loop3A_1768, %parallel_loop3A_1769, %parallel_loop3A_1770] {strides = array<i32>} : memref<2x400x64xf32, #tpu.memory_space<vmem>>, vector<16xf32>,
        %parallel_loop3A_1772 = arith.constant 38 : i32
        %parallel_loop3A_1773 = arith.addi %parallel_loop3A_275, %parallel_loop3A_1772 : i32
        %parallel_loop3A_1774 = arith.constant 4 : i32
        %parallel_loop3A_1775 = arith.addi %parallel_loop3A_1773, %parallel_loop3A_1774 : i32
        %parallel_loop3A_1776 = arith.index_cast %select_n3A_196 : i32 to index
        %parallel_loop3A_1777 = arith.index_cast %parallel_loop3A_1775 : i32 to index
        %parallel_loop3A_1778 = arith.constant 48 : index
        %parallel_loop3A_1779 = tpu.vector_load %arg9[%parallel_loop3A_1776, %parallel_loop3A_1777, %parallel_loop3A_1778] {strides = array<i32>} : memref<2x400x64xf32, #tpu.memory_space<vmem>>, vector<16xf32>,
        %parallel_loop3A_1780 = arith.mulf %get3A_105, %parallel_loop3A_1339 : vector<16xf32>
        %parallel_loop3A_1781 = arith.mulf %get3A_121, %parallel_loop3A_1659 : vector<16xf32>
        %parallel_loop3A_1782 = arith.addf %parallel_loop3A_1780, %parallel_loop3A_1781 : vector<16xf32>
        %parallel_loop3A_1783 = arith.constant 0.000000e+00 : f32
        %parallel_loop3A_1784 = vector.broadcast %parallel_loop3A_1783 : f32 to vector<16xf32>
        %parallel_loop3A_1785 = arith.maximumf %parallel_loop3A_1782, %parallel_loop3A_1784 : vector<16xf32>
        %parallel_loop3A_1786 = arith.mulf %get3A_109, %parallel_loop3A_1347 : vector<16xf32>
        %parallel_loop3A_1787 = arith.mulf %get3A_125, %parallel_loop3A_1667 : vector<16xf32>
        %parallel_loop3A_1788 = arith.addf %parallel_loop3A_1786, %parallel_loop3A_1787 : vector<16xf32>
        %parallel_loop3A_1789 = arith.constant 0.000000e+00 : f32
        %parallel_loop3A_1790 = vector.broadcast %parallel_loop3A_1789 : f32 to vector<16xf32>
        %parallel_loop3A_1791 = arith.maximumf %parallel_loop3A_1788, %parallel_loop3A_1790 : vector<16xf32>
        %parallel_loop3A_1792 = arith.mulf %get3A_113, %parallel_loop3A_1355 : vector<16xf32>
        %parallel_loop3A_1793 = arith.mulf %get3A_129, %parallel_loop3A_1675 : vector<16xf32>
        %parallel_loop3A_1794 = arith.addf %parallel_loop3A_1792, %parallel_loop3A_1793 : vector<16xf32>
        %parallel_loop3A_1795 = arith.constant 0.000000e+00 : f32
        %parallel_loop3A_1796 = vector.broadcast %parallel_loop3A_1795 : f32 to vector<16xf32>
        %parallel_loop3A_1797 = arith.maximumf %parallel_loop3A_1794, %parallel_loop3A_1796 : vector<16xf32>
        %parallel_loop3A_1798 = arith.mulf %get3A_117, %parallel_loop3A_1363 : vector<16xf32>
        %parallel_loop3A_1799 = arith.mulf %get3A_133, %parallel_loop3A_1683 : vector<16xf32>
        %parallel_loop3A_1800 = arith.addf %parallel_loop3A_1798, %parallel_loop3A_1799 : vector<16xf32>
        %parallel_loop3A_1801 = arith.constant 0.000000e+00 : f32
        %parallel_loop3A_1802 = vector.broadcast %parallel_loop3A_1801 : f32 to vector<16xf32>
        %parallel_loop3A_1803 = arith.maximumf %parallel_loop3A_1800, %parallel_loop3A_1802 : vector<16xf32>
        %parallel_loop3A_1804 = arith.mulf %get3A_105, %parallel_loop3A_1371 : vector<16xf32>
        %parallel_loop3A_1805 = arith.mulf %get3A_121, %parallel_loop3A_1691 : vector<16xf32>
        %parallel_loop3A_1806 = arith.addf %parallel_loop3A_1804, %parallel_loop3A_1805 : vector<16xf32>
        %parallel_loop3A_1807 = arith.constant 0.000000e+00 : f32
        %parallel_loop3A_1808 = vector.broadcast %parallel_loop3A_1807 : f32 to vector<16xf32>
        %parallel_loop3A_1809 = arith.maximumf %parallel_loop3A_1806, %parallel_loop3A_1808 : vector<16xf32>
        %parallel_loop3A_1810 = arith.mulf %get3A_109, %parallel_loop3A_1379 : vector<16xf32>
        %parallel_loop3A_1811 = arith.mulf %get3A_125, %parallel_loop3A_1699 : vector<16xf32>
        %parallel_loop3A_1812 = arith.addf %parallel_loop3A_1810, %parallel_loop3A_1811 : vector<16xf32>
        %parallel_loop3A_1813 = arith.constant 0.000000e+00 : f32
        %parallel_loop3A_1814 = vector.broadcast %parallel_loop3A_1813 : f32 to vector<16xf32>
        %parallel_loop3A_1815 = arith.maximumf %parallel_loop3A_1812, %parallel_loop3A_1814 : vector<16xf32>
        %parallel_loop3A_1816 = arith.mulf %get3A_113, %parallel_loop3A_1387 : vector<16xf32>
        %parallel_loop3A_1817 = arith.mulf %get3A_129, %parallel_loop3A_1707 : vector<16xf32>
        %parallel_loop3A_1818 = arith.addf %parallel_loop3A_1816, %parallel_loop3A_1817 : vector<16xf32>
        %parallel_loop3A_1819 = arith.constant 0.000000e+00 : f32
        %parallel_loop3A_1820 = vector.broadcast %parallel_loop3A_1819 : f32 to vector<16xf32>
        %parallel_loop3A_1821 = arith.maximumf %parallel_loop3A_1818, %parallel_loop3A_1820 : vector<16xf32>
        %parallel_loop3A_1822 = arith.mulf %get3A_117, %parallel_loop3A_1395 : vector<16xf32>
        %parallel_loop3A_1823 = arith.mulf %get3A_133, %parallel_loop3A_1715 : vector<16xf32>
        %parallel_loop3A_1824 = arith.addf %parallel_loop3A_1822, %parallel_loop3A_1823 : vector<16xf32>
        %parallel_loop3A_1825 = arith.constant 0.000000e+00 : f32
        %parallel_loop3A_1826 = vector.broadcast %parallel_loop3A_1825 : f32 to vector<16xf32>
        %parallel_loop3A_1827 = arith.maximumf %parallel_loop3A_1824, %parallel_loop3A_1826 : vector<16xf32>
        %parallel_loop3A_1828 = arith.mulf %get3A_105, %parallel_loop3A_1403 : vector<16xf32>
        %parallel_loop3A_1829 = arith.mulf %get3A_121, %parallel_loop3A_1723 : vector<16xf32>
        %parallel_loop3A_1830 = arith.addf %parallel_loop3A_1828, %parallel_loop3A_1829 : vector<16xf32>
        %parallel_loop3A_1831 = arith.constant 0.000000e+00 : f32
        %parallel_loop3A_1832 = vector.broadcast %parallel_loop3A_1831 : f32 to vector<16xf32>
        %parallel_loop3A_1833 = arith.maximumf %parallel_loop3A_1830, %parallel_loop3A_1832 : vector<16xf32>
        %parallel_loop3A_1834 = arith.mulf %get3A_109, %parallel_loop3A_1411 : vector<16xf32>
        %parallel_loop3A_1835 = arith.mulf %get3A_125, %parallel_loop3A_1731 : vector<16xf32>
        %parallel_loop3A_1836 = arith.addf %parallel_loop3A_1834, %parallel_loop3A_1835 : vector<16xf32>
        %parallel_loop3A_1837 = arith.constant 0.000000e+00 : f32
        %parallel_loop3A_1838 = vector.broadcast %parallel_loop3A_1837 : f32 to vector<16xf32>
        %parallel_loop3A_1839 = arith.maximumf %parallel_loop3A_1836, %parallel_loop3A_1838 : vector<16xf32>
        %parallel_loop3A_1840 = arith.mulf %get3A_113, %parallel_loop3A_1419 : vector<16xf32>
        %parallel_loop3A_1841 = arith.mulf %get3A_129, %parallel_loop3A_1739 : vector<16xf32>
        %parallel_loop3A_1842 = arith.addf %parallel_loop3A_1840, %parallel_loop3A_1841 : vector<16xf32>
        %parallel_loop3A_1843 = arith.constant 0.000000e+00 : f32
        %parallel_loop3A_1844 = vector.broadcast %parallel_loop3A_1843 : f32 to vector<16xf32>
        %parallel_loop3A_1845 = arith.maximumf %parallel_loop3A_1842, %parallel_loop3A_1844 : vector<16xf32>
        %parallel_loop3A_1846 = arith.mulf %get3A_117, %parallel_loop3A_1427 : vector<16xf32>
        %parallel_loop3A_1847 = arith.mulf %get3A_133, %parallel_loop3A_1747 : vector<16xf32>
        %parallel_loop3A_1848 = arith.addf %parallel_loop3A_1846, %parallel_loop3A_1847 : vector<16xf32>
        %parallel_loop3A_1849 = arith.constant 0.000000e+00 : f32
        %parallel_loop3A_1850 = vector.broadcast %parallel_loop3A_1849 : f32 to vector<16xf32>
        %parallel_loop3A_1851 = arith.maximumf %parallel_loop3A_1848, %parallel_loop3A_1850 : vector<16xf32>
        %parallel_loop3A_1852 = arith.mulf %get3A_105, %parallel_loop3A_1435 : vector<16xf32>
        %parallel_loop3A_1853 = arith.mulf %get3A_121, %parallel_loop3A_1755 : vector<16xf32>
        %parallel_loop3A_1854 = arith.addf %parallel_loop3A_1852, %parallel_loop3A_1853 : vector<16xf32>
        %parallel_loop3A_1855 = arith.constant 0.000000e+00 : f32
        %parallel_loop3A_1856 = vector.broadcast %parallel_loop3A_1855 : f32 to vector<16xf32>
        %parallel_loop3A_1857 = arith.maximumf %parallel_loop3A_1854, %parallel_loop3A_1856 : vector<16xf32>
        %parallel_loop3A_1858 = arith.mulf %get3A_109, %parallel_loop3A_1443 : vector<16xf32>
        %parallel_loop3A_1859 = arith.mulf %get3A_125, %parallel_loop3A_1763 : vector<16xf32>
        %parallel_loop3A_1860 = arith.addf %parallel_loop3A_1858, %parallel_loop3A_1859 : vector<16xf32>
        %parallel_loop3A_1861 = arith.constant 0.000000e+00 : f32
        %parallel_loop3A_1862 = vector.broadcast %parallel_loop3A_1861 : f32 to vector<16xf32>
        %parallel_loop3A_1863 = arith.maximumf %parallel_loop3A_1860, %parallel_loop3A_1862 : vector<16xf32>
        %parallel_loop3A_1864 = arith.mulf %get3A_113, %parallel_loop3A_1451 : vector<16xf32>
        %parallel_loop3A_1865 = arith.mulf %get3A_129, %parallel_loop3A_1771 : vector<16xf32>
        %parallel_loop3A_1866 = arith.addf %parallel_loop3A_1864, %parallel_loop3A_1865 : vector<16xf32>
        %parallel_loop3A_1867 = arith.constant 0.000000e+00 : f32
        %parallel_loop3A_1868 = vector.broadcast %parallel_loop3A_1867 : f32 to vector<16xf32>
        %parallel_loop3A_1869 = arith.maximumf %parallel_loop3A_1866, %parallel_loop3A_1868 : vector<16xf32>
        %parallel_loop3A_1870 = arith.mulf %get3A_117, %parallel_loop3A_1459 : vector<16xf32>
        %parallel_loop3A_1871 = arith.mulf %get3A_133, %parallel_loop3A_1779 : vector<16xf32>
        %parallel_loop3A_1872 = arith.addf %parallel_loop3A_1870, %parallel_loop3A_1871 : vector<16xf32>
        %parallel_loop3A_1873 = arith.constant 0.000000e+00 : f32
        %parallel_loop3A_1874 = vector.broadcast %parallel_loop3A_1873 : f32 to vector<16xf32>
        %parallel_loop3A_1875 = arith.maximumf %parallel_loop3A_1872, %parallel_loop3A_1874 : vector<16xf32>
        %parallel_loop3A_1876 = arith.constant 4 : i32
        %parallel_loop3A_1877 = arith.index_cast %select_n3A_196 : i32 to index
        %parallel_loop3A_1878 = arith.index_cast %parallel_loop3A_273 : i32 to index
        %parallel_loop3A_1879 = arith.index_cast %parallel_loop3A_1876 : i32 to index
        %parallel_loop3A_1880 = arith.constant 0 : index
        %parallel_loop3A_1881 = tpu.vector_load %arg10[%parallel_loop3A_1877, %parallel_loop3A_1878, %parallel_loop3A_1879, %parallel_loop3A_1880] {strides = array<i32>} : memref<2x8x50x64xf32, #tpu.memory_space<vmem>>, vector<16xf32>,
        tpu.vector_store %arg10[%parallel_loop3A_1877, %parallel_loop3A_1878, %parallel_loop3A_1879, %parallel_loop3A_1880], %parallel_loop3A_1785 {strides = array<i32>} : memref<2x8x50x64xf32, #tpu.memory_space<vmem>>, vector<16xf32>,
        %parallel_loop3A_1882 = arith.constant 4 : i32
        %parallel_loop3A_1883 = arith.index_cast %select_n3A_196 : i32 to index
        %parallel_loop3A_1884 = arith.index_cast %parallel_loop3A_273 : i32 to index
        %parallel_loop3A_1885 = arith.index_cast %parallel_loop3A_1882 : i32 to index
        %parallel_loop3A_1886 = arith.constant 16 : index
        %parallel_loop3A_1887 = tpu.vector_load %arg10[%parallel_loop3A_1883, %parallel_loop3A_1884, %parallel_loop3A_1885, %parallel_loop3A_1886] {strides = array<i32>} : memref<2x8x50x64xf32, #tpu.memory_space<vmem>>, vector<16xf32>,
        tpu.vector_store %arg10[%parallel_loop3A_1883, %parallel_loop3A_1884, %parallel_loop3A_1885, %parallel_loop3A_1886], %parallel_loop3A_1791 {strides = array<i32>} : memref<2x8x50x64xf32, #tpu.memory_space<vmem>>, vector<16xf32>,
        %parallel_loop3A_1888 = arith.constant 4 : i32
        %parallel_loop3A_1889 = arith.index_cast %select_n3A_196 : i32 to index
        %parallel_loop3A_1890 = arith.index_cast %parallel_loop3A_273 : i32 to index
        %parallel_loop3A_1891 = arith.index_cast %parallel_loop3A_1888 : i32 to index
        %parallel_loop3A_1892 = arith.constant 32 : index
        %parallel_loop3A_1893 = tpu.vector_load %arg10[%parallel_loop3A_1889, %parallel_loop3A_1890, %parallel_loop3A_1891, %parallel_loop3A_1892] {strides = array<i32>} : memref<2x8x50x64xf32, #tpu.memory_space<vmem>>, vector<16xf32>,
        tpu.vector_store %arg10[%parallel_loop3A_1889, %parallel_loop3A_1890, %parallel_loop3A_1891, %parallel_loop3A_1892], %parallel_loop3A_1797 {strides = array<i32>} : memref<2x8x50x64xf32, #tpu.memory_space<vmem>>, vector<16xf32>,
        %parallel_loop3A_1894 = arith.constant 4 : i32
        %parallel_loop3A_1895 = arith.index_cast %select_n3A_196 : i32 to index
        %parallel_loop3A_1896 = arith.index_cast %parallel_loop3A_273 : i32 to index
        %parallel_loop3A_1897 = arith.index_cast %parallel_loop3A_1894 : i32 to index
        %parallel_loop3A_1898 = arith.constant 48 : index
        %parallel_loop3A_1899 = tpu.vector_load %arg10[%parallel_loop3A_1895, %parallel_loop3A_1896, %parallel_loop3A_1897, %parallel_loop3A_1898] {strides = array<i32>} : memref<2x8x50x64xf32, #tpu.memory_space<vmem>>, vector<16xf32>,
        tpu.vector_store %arg10[%parallel_loop3A_1895, %parallel_loop3A_1896, %parallel_loop3A_1897, %parallel_loop3A_1898], %parallel_loop3A_1803 {strides = array<i32>} : memref<2x8x50x64xf32, #tpu.memory_space<vmem>>, vector<16xf32>,
        %parallel_loop3A_1900 = arith.constant 17 : i32
        %parallel_loop3A_1901 = arith.index_cast %select_n3A_196 : i32 to index
        %parallel_loop3A_1902 = arith.index_cast %parallel_loop3A_273 : i32 to index
        %parallel_loop3A_1903 = arith.index_cast %parallel_loop3A_1900 : i32 to index
        %parallel_loop3A_1904 = arith.constant 0 : index
        %parallel_loop3A_1905 = tpu.vector_load %arg10[%parallel_loop3A_1901, %parallel_loop3A_1902, %parallel_loop3A_1903, %parallel_loop3A_1904] {strides = array<i32>} : memref<2x8x50x64xf32, #tpu.memory_space<vmem>>, vector<16xf32>,
        tpu.vector_store %arg10[%parallel_loop3A_1901, %parallel_loop3A_1902, %parallel_loop3A_1903, %parallel_loop3A_1904], %parallel_loop3A_1809 {strides = array<i32>} : memref<2x8x50x64xf32, #tpu.memory_space<vmem>>, vector<16xf32>,
        %parallel_loop3A_1906 = arith.constant 17 : i32
        %parallel_loop3A_1907 = arith.index_cast %select_n3A_196 : i32 to index
        %parallel_loop3A_1908 = arith.index_cast %parallel_loop3A_273 : i32 to index
        %parallel_loop3A_1909 = arith.index_cast %parallel_loop3A_1906 : i32 to index
        %parallel_loop3A_1910 = arith.constant 16 : index
        %parallel_loop3A_1911 = tpu.vector_load %arg10[%parallel_loop3A_1907, %parallel_loop3A_1908, %parallel_loop3A_1909, %parallel_loop3A_1910] {strides = array<i32>} : memref<2x8x50x64xf32, #tpu.memory_space<vmem>>, vector<16xf32>,
        tpu.vector_store %arg10[%parallel_loop3A_1907, %parallel_loop3A_1908, %parallel_loop3A_1909, %parallel_loop3A_1910], %parallel_loop3A_1815 {strides = array<i32>} : memref<2x8x50x64xf32, #tpu.memory_space<vmem>>, vector<16xf32>,
        %parallel_loop3A_1912 = arith.constant 17 : i32
        %parallel_loop3A_1913 = arith.index_cast %select_n3A_196 : i32 to index
        %parallel_loop3A_1914 = arith.index_cast %parallel_loop3A_273 : i32 to index
        %parallel_loop3A_1915 = arith.index_cast %parallel_loop3A_1912 : i32 to index
        %parallel_loop3A_1916 = arith.constant 32 : index
        %parallel_loop3A_1917 = tpu.vector_load %arg10[%parallel_loop3A_1913, %parallel_loop3A_1914, %parallel_loop3A_1915, %parallel_loop3A_1916] {strides = array<i32>} : memref<2x8x50x64xf32, #tpu.memory_space<vmem>>, vector<16xf32>,
        tpu.vector_store %arg10[%parallel_loop3A_1913, %parallel_loop3A_1914, %parallel_loop3A_1915, %parallel_loop3A_1916], %parallel_loop3A_1821 {strides = array<i32>} : memref<2x8x50x64xf32, #tpu.memory_space<vmem>>, vector<16xf32>,
        %parallel_loop3A_1918 = arith.constant 17 : i32
        %parallel_loop3A_1919 = arith.index_cast %select_n3A_196 : i32 to index
        %parallel_loop3A_1920 = arith.index_cast %parallel_loop3A_273 : i32 to index
        %parallel_loop3A_1921 = arith.index_cast %parallel_loop3A_1918 : i32 to index
        %parallel_loop3A_1922 = arith.constant 48 : index
        %parallel_loop3A_1923 = tpu.vector_load %arg10[%parallel_loop3A_1919, %parallel_loop3A_1920, %parallel_loop3A_1921, %parallel_loop3A_1922] {strides = array<i32>} : memref<2x8x50x64xf32, #tpu.memory_space<vmem>>, vector<16xf32>,
        tpu.vector_store %arg10[%parallel_loop3A_1919, %parallel_loop3A_1920, %parallel_loop3A_1921, %parallel_loop3A_1922], %parallel_loop3A_1827 {strides = array<i32>} : memref<2x8x50x64xf32, #tpu.memory_space<vmem>>, vector<16xf32>,
        %parallel_loop3A_1924 = arith.constant 29 : i32
        %parallel_loop3A_1925 = arith.index_cast %select_n3A_196 : i32 to index
        %parallel_loop3A_1926 = arith.index_cast %parallel_loop3A_273 : i32 to index
        %parallel_loop3A_1927 = arith.index_cast %parallel_loop3A_1924 : i32 to index
        %parallel_loop3A_1928 = arith.constant 0 : index
        %parallel_loop3A_1929 = tpu.vector_load %arg10[%parallel_loop3A_1925, %parallel_loop3A_1926, %parallel_loop3A_1927, %parallel_loop3A_1928] {strides = array<i32>} : memref<2x8x50x64xf32, #tpu.memory_space<vmem>>, vector<16xf32>,
        tpu.vector_store %arg10[%parallel_loop3A_1925, %parallel_loop3A_1926, %parallel_loop3A_1927, %parallel_loop3A_1928], %parallel_loop3A_1833 {strides = array<i32>} : memref<2x8x50x64xf32, #tpu.memory_space<vmem>>, vector<16xf32>,
        %parallel_loop3A_1930 = arith.constant 29 : i32
        %parallel_loop3A_1931 = arith.index_cast %select_n3A_196 : i32 to index
        %parallel_loop3A_1932 = arith.index_cast %parallel_loop3A_273 : i32 to index
        %parallel_loop3A_1933 = arith.index_cast %parallel_loop3A_1930 : i32 to index
        %parallel_loop3A_1934 = arith.constant 16 : index
        %parallel_loop3A_1935 = tpu.vector_load %arg10[%parallel_loop3A_1931, %parallel_loop3A_1932, %parallel_loop3A_1933, %parallel_loop3A_1934] {strides = array<i32>} : memref<2x8x50x64xf32, #tpu.memory_space<vmem>>, vector<16xf32>,
        tpu.vector_store %arg10[%parallel_loop3A_1931, %parallel_loop3A_1932, %parallel_loop3A_1933, %parallel_loop3A_1934], %parallel_loop3A_1839 {strides = array<i32>} : memref<2x8x50x64xf32, #tpu.memory_space<vmem>>, vector<16xf32>,
        %parallel_loop3A_1936 = arith.constant 29 : i32
        %parallel_loop3A_1937 = arith.index_cast %select_n3A_196 : i32 to index
        %parallel_loop3A_1938 = arith.index_cast %parallel_loop3A_273 : i32 to index
        %parallel_loop3A_1939 = arith.index_cast %parallel_loop3A_1936 : i32 to index
        %parallel_loop3A_1940 = arith.constant 32 : index
        %parallel_loop3A_1941 = tpu.vector_load %arg10[%parallel_loop3A_1937, %parallel_loop3A_1938, %parallel_loop3A_1939, %parallel_loop3A_1940] {strides = array<i32>} : memref<2x8x50x64xf32, #tpu.memory_space<vmem>>, vector<16xf32>,
        tpu.vector_store %arg10[%parallel_loop3A_1937, %parallel_loop3A_1938, %parallel_loop3A_1939, %parallel_loop3A_1940], %parallel_loop3A_1845 {strides = array<i32>} : memref<2x8x50x64xf32, #tpu.memory_space<vmem>>, vector<16xf32>,
        %parallel_loop3A_1942 = arith.constant 29 : i32
        %parallel_loop3A_1943 = arith.index_cast %select_n3A_196 : i32 to index
        %parallel_loop3A_1944 = arith.index_cast %parallel_loop3A_273 : i32 to index
        %parallel_loop3A_1945 = arith.index_cast %parallel_loop3A_1942 : i32 to index
        %parallel_loop3A_1946 = arith.constant 48 : index
        %parallel_loop3A_1947 = tpu.vector_load %arg10[%parallel_loop3A_1943, %parallel_loop3A_1944, %parallel_loop3A_1945, %parallel_loop3A_1946] {strides = array<i32>} : memref<2x8x50x64xf32, #tpu.memory_space<vmem>>, vector<16xf32>,
        tpu.vector_store %arg10[%parallel_loop3A_1943, %parallel_loop3A_1944, %parallel_loop3A_1945, %parallel_loop3A_1946], %parallel_loop3A_1851 {strides = array<i32>} : memref<2x8x50x64xf32, #tpu.memory_space<vmem>>, vector<16xf32>,
        %parallel_loop3A_1948 = arith.constant 42 : i32
        %parallel_loop3A_1949 = arith.index_cast %select_n3A_196 : i32 to index
        %parallel_loop3A_1950 = arith.index_cast %parallel_loop3A_273 : i32 to index
        %parallel_loop3A_1951 = arith.index_cast %parallel_loop3A_1948 : i32 to index
        %parallel_loop3A_1952 = arith.constant 0 : index
        %parallel_loop3A_1953 = tpu.vector_load %arg10[%parallel_loop3A_1949, %parallel_loop3A_1950, %parallel_loop3A_1951, %parallel_loop3A_1952] {strides = array<i32>} : memref<2x8x50x64xf32, #tpu.memory_space<vmem>>, vector<16xf32>,
        tpu.vector_store %arg10[%parallel_loop3A_1949, %parallel_loop3A_1950, %parallel_loop3A_1951, %parallel_loop3A_1952], %parallel_loop3A_1857 {strides = array<i32>} : memref<2x8x50x64xf32, #tpu.memory_space<vmem>>, vector<16xf32>,
        %parallel_loop3A_1954 = arith.constant 42 : i32
        %parallel_loop3A_1955 = arith.index_cast %select_n3A_196 : i32 to index
        %parallel_loop3A_1956 = arith.index_cast %parallel_loop3A_273 : i32 to index
        %parallel_loop3A_1957 = arith.index_cast %parallel_loop3A_1954 : i32 to index
        %parallel_loop3A_1958 = arith.constant 16 : index
        %parallel_loop3A_1959 = tpu.vector_load %arg10[%parallel_loop3A_1955, %parallel_loop3A_1956, %parallel_loop3A_1957, %parallel_loop3A_1958] {strides = array<i32>} : memref<2x8x50x64xf32, #tpu.memory_space<vmem>>, vector<16xf32>,
        tpu.vector_store %arg10[%parallel_loop3A_1955, %parallel_loop3A_1956, %parallel_loop3A_1957, %parallel_loop3A_1958], %parallel_loop3A_1863 {strides = array<i32>} : memref<2x8x50x64xf32, #tpu.memory_space<vmem>>, vector<16xf32>,
        %parallel_loop3A_1960 = arith.constant 42 : i32
        %parallel_loop3A_1961 = arith.index_cast %select_n3A_196 : i32 to index
        %parallel_loop3A_1962 = arith.index_cast %parallel_loop3A_273 : i32 to index
        %parallel_loop3A_1963 = arith.index_cast %parallel_loop3A_1960 : i32 to index
        %parallel_loop3A_1964 = arith.constant 32 : index
        %parallel_loop3A_1965 = tpu.vector_load %arg10[%parallel_loop3A_1961, %parallel_loop3A_1962, %parallel_loop3A_1963, %parallel_loop3A_1964] {strides = array<i32>} : memref<2x8x50x64xf32, #tpu.memory_space<vmem>>, vector<16xf32>,
        tpu.vector_store %arg10[%parallel_loop3A_1961, %parallel_loop3A_1962, %parallel_loop3A_1963, %parallel_loop3A_1964], %parallel_loop3A_1869 {strides = array<i32>} : memref<2x8x50x64xf32, #tpu.memory_space<vmem>>, vector<16xf32>,
        %parallel_loop3A_1966 = arith.constant 42 : i32
        %parallel_loop3A_1967 = arith.index_cast %select_n3A_196 : i32 to index
        %parallel_loop3A_1968 = arith.index_cast %parallel_loop3A_273 : i32 to index
        %parallel_loop3A_1969 = arith.index_cast %parallel_loop3A_1966 : i32 to index
        %parallel_loop3A_1970 = arith.constant 48 : index
        %parallel_loop3A_1971 = tpu.vector_load %arg10[%parallel_loop3A_1967, %parallel_loop3A_1968, %parallel_loop3A_1969, %parallel_loop3A_1970] {strides = array<i32>} : memref<2x8x50x64xf32, #tpu.memory_space<vmem>>, vector<16xf32>,
        tpu.vector_store %arg10[%parallel_loop3A_1967, %parallel_loop3A_1968, %parallel_loop3A_1969, %parallel_loop3A_1970], %parallel_loop3A_1875 {strides = array<i32>} : memref<2x8x50x64xf32, #tpu.memory_space<vmem>>, vector<16xf32>,
        %parallel_loop3A_1972 = arith.constant 0 : i32
        %parallel_loop3A_1973 = arith.addi %parallel_loop3A_275, %parallel_loop3A_1972 : i32
        %parallel_loop3A_1974 = arith.constant 5 : i32
        %parallel_loop3A_1975 = arith.addi %parallel_loop3A_1973, %parallel_loop3A_1974 : i32
        %parallel_loop3A_1976 = arith.index_cast %select_n3A_196 : i32 to index
        %parallel_loop3A_1977 = arith.index_cast %parallel_loop3A_1975 : i32 to index
        %parallel_loop3A_1978 = arith.constant 0 : index
        %parallel_loop3A_1979 = tpu.vector_load %arg9[%parallel_loop3A_1976, %parallel_loop3A_1977, %parallel_loop3A_1978] {strides = array<i32>} : memref<2x400x64xf32, #tpu.memory_space<vmem>>, vector<16xf32>,
        %parallel_loop3A_1980 = arith.constant 0 : i32
        %parallel_loop3A_1981 = arith.addi %parallel_loop3A_275, %parallel_loop3A_1980 : i32
        %parallel_loop3A_1982 = arith.constant 5 : i32
        %parallel_loop3A_1983 = arith.addi %parallel_loop3A_1981, %parallel_loop3A_1982 : i32
        %parallel_loop3A_1984 = arith.index_cast %select_n3A_196 : i32 to index
        %parallel_loop3A_1985 = arith.index_cast %parallel_loop3A_1983 : i32 to index
        %parallel_loop3A_1986 = arith.constant 16 : index
        %parallel_loop3A_1987 = tpu.vector_load %arg9[%parallel_loop3A_1984, %parallel_loop3A_1985, %parallel_loop3A_1986] {strides = array<i32>} : memref<2x400x64xf32, #tpu.memory_space<vmem>>, vector<16xf32>,
        %parallel_loop3A_1988 = arith.constant 0 : i32
        %parallel_loop3A_1989 = arith.addi %parallel_loop3A_275, %parallel_loop3A_1988 : i32
        %parallel_loop3A_1990 = arith.constant 5 : i32
        %parallel_loop3A_1991 = arith.addi %parallel_loop3A_1989, %parallel_loop3A_1990 : i32
        %parallel_loop3A_1992 = arith.index_cast %select_n3A_196 : i32 to index
        %parallel_loop3A_1993 = arith.index_cast %parallel_loop3A_1991 : i32 to index
        %parallel_loop3A_1994 = arith.constant 32 : index
        %parallel_loop3A_1995 = tpu.vector_load %arg9[%parallel_loop3A_1992, %parallel_loop3A_1993, %parallel_loop3A_1994] {strides = array<i32>} : memref<2x400x64xf32, #tpu.memory_space<vmem>>, vector<16xf32>,
        %parallel_loop3A_1996 = arith.constant 0 : i32
        %parallel_loop3A_1997 = arith.addi %parallel_loop3A_275, %parallel_loop3A_1996 : i32
        %parallel_loop3A_1998 = arith.constant 5 : i32
        %parallel_loop3A_1999 = arith.addi %parallel_loop3A_1997, %parallel_loop3A_1998 : i32
        %parallel_loop3A_2000 = arith.index_cast %select_n3A_196 : i32 to index
        %parallel_loop3A_2001 = arith.index_cast %parallel_loop3A_1999 : i32 to index
        %parallel_loop3A_2002 = arith.constant 48 : index
        %parallel_loop3A_2003 = tpu.vector_load %arg9[%parallel_loop3A_2000, %parallel_loop3A_2001, %parallel_loop3A_2002] {strides = array<i32>} : memref<2x400x64xf32, #tpu.memory_space<vmem>>, vector<16xf32>,
        %parallel_loop3A_2004 = arith.constant 13 : i32
        %parallel_loop3A_2005 = arith.addi %parallel_loop3A_275, %parallel_loop3A_2004 : i32
        %parallel_loop3A_2006 = arith.constant 5 : i32
        %parallel_loop3A_2007 = arith.addi %parallel_loop3A_2005, %parallel_loop3A_2006 : i32
        %parallel_loop3A_2008 = arith.index_cast %select_n3A_196 : i32 to index
        %parallel_loop3A_2009 = arith.index_cast %parallel_loop3A_2007 : i32 to index
        %parallel_loop3A_2010 = arith.constant 0 : index
        %parallel_loop3A_2011 = tpu.vector_load %arg9[%parallel_loop3A_2008, %parallel_loop3A_2009, %parallel_loop3A_2010] {strides = array<i32>} : memref<2x400x64xf32, #tpu.memory_space<vmem>>, vector<16xf32>,
        %parallel_loop3A_2012 = arith.constant 13 : i32
        %parallel_loop3A_2013 = arith.addi %parallel_loop3A_275, %parallel_loop3A_2012 : i32
        %parallel_loop3A_2014 = arith.constant 5 : i32
        %parallel_loop3A_2015 = arith.addi %parallel_loop3A_2013, %parallel_loop3A_2014 : i32
        %parallel_loop3A_2016 = arith.index_cast %select_n3A_196 : i32 to index
        %parallel_loop3A_2017 = arith.index_cast %parallel_loop3A_2015 : i32 to index
        %parallel_loop3A_2018 = arith.constant 16 : index
        %parallel_loop3A_2019 = tpu.vector_load %arg9[%parallel_loop3A_2016, %parallel_loop3A_2017, %parallel_loop3A_2018] {strides = array<i32>} : memref<2x400x64xf32, #tpu.memory_space<vmem>>, vector<16xf32>,
        %parallel_loop3A_2020 = arith.constant 13 : i32
        %parallel_loop3A_2021 = arith.addi %parallel_loop3A_275, %parallel_loop3A_2020 : i32
        %parallel_loop3A_2022 = arith.constant 5 : i32
        %parallel_loop3A_2023 = arith.addi %parallel_loop3A_2021, %parallel_loop3A_2022 : i32
        %parallel_loop3A_2024 = arith.index_cast %select_n3A_196 : i32 to index
        %parallel_loop3A_2025 = arith.index_cast %parallel_loop3A_2023 : i32 to index
        %parallel_loop3A_2026 = arith.constant 32 : index
        %parallel_loop3A_2027 = tpu.vector_load %arg9[%parallel_loop3A_2024, %parallel_loop3A_2025, %parallel_loop3A_2026] {strides = array<i32>} : memref<2x400x64xf32, #tpu.memory_space<vmem>>, vector<16xf32>,
        %parallel_loop3A_2028 = arith.constant 13 : i32
        %parallel_loop3A_2029 = arith.addi %parallel_loop3A_275, %parallel_loop3A_2028 : i32
        %parallel_loop3A_2030 = arith.constant 5 : i32
        %parallel_loop3A_2031 = arith.addi %parallel_loop3A_2029, %parallel_loop3A_2030 : i32
        %parallel_loop3A_2032 = arith.index_cast %select_n3A_196 : i32 to index
        %parallel_loop3A_2033 = arith.index_cast %parallel_loop3A_2031 : i32 to index
        %parallel_loop3A_2034 = arith.constant 48 : index
        %parallel_loop3A_2035 = tpu.vector_load %arg9[%parallel_loop3A_2032, %parallel_loop3A_2033, %parallel_loop3A_2034] {strides = array<i32>} : memref<2x400x64xf32, #tpu.memory_space<vmem>>, vector<16xf32>,
        %parallel_loop3A_2036 = arith.constant 25 : i32
        %parallel_loop3A_2037 = arith.addi %parallel_loop3A_275, %parallel_loop3A_2036 : i32
        %parallel_loop3A_2038 = arith.constant 5 : i32
        %parallel_loop3A_2039 = arith.addi %parallel_loop3A_2037, %parallel_loop3A_2038 : i32
        %parallel_loop3A_2040 = arith.index_cast %select_n3A_196 : i32 to index
        %parallel_loop3A_2041 = arith.index_cast %parallel_loop3A_2039 : i32 to index
        %parallel_loop3A_2042 = arith.constant 0 : index
        %parallel_loop3A_2043 = tpu.vector_load %arg9[%parallel_loop3A_2040, %parallel_loop3A_2041, %parallel_loop3A_2042] {strides = array<i32>} : memref<2x400x64xf32, #tpu.memory_space<vmem>>, vector<16xf32>,
        %parallel_loop3A_2044 = arith.constant 25 : i32
        %parallel_loop3A_2045 = arith.addi %parallel_loop3A_275, %parallel_loop3A_2044 : i32
        %parallel_loop3A_2046 = arith.constant 5 : i32
        %parallel_loop3A_2047 = arith.addi %parallel_loop3A_2045, %parallel_loop3A_2046 : i32
        %parallel_loop3A_2048 = arith.index_cast %select_n3A_196 : i32 to index
        %parallel_loop3A_2049 = arith.index_cast %parallel_loop3A_2047 : i32 to index
        %parallel_loop3A_2050 = arith.constant 16 : index
        %parallel_loop3A_2051 = tpu.vector_load %arg9[%parallel_loop3A_2048, %parallel_loop3A_2049, %parallel_loop3A_2050] {strides = array<i32>} : memref<2x400x64xf32, #tpu.memory_space<vmem>>, vector<16xf32>,
        %parallel_loop3A_2052 = arith.constant 25 : i32
        %parallel_loop3A_2053 = arith.addi %parallel_loop3A_275, %parallel_loop3A_2052 : i32
        %parallel_loop3A_2054 = arith.constant 5 : i32
        %parallel_loop3A_2055 = arith.addi %parallel_loop3A_2053, %parallel_loop3A_2054 : i32
        %parallel_loop3A_2056 = arith.index_cast %select_n3A_196 : i32 to index
        %parallel_loop3A_2057 = arith.index_cast %parallel_loop3A_2055 : i32 to index
        %parallel_loop3A_2058 = arith.constant 32 : index
        %parallel_loop3A_2059 = tpu.vector_load %arg9[%parallel_loop3A_2056, %parallel_loop3A_2057, %parallel_loop3A_2058] {strides = array<i32>} : memref<2x400x64xf32, #tpu.memory_space<vmem>>, vector<16xf32>,
        %parallel_loop3A_2060 = arith.constant 25 : i32
        %parallel_loop3A_2061 = arith.addi %parallel_loop3A_275, %parallel_loop3A_2060 : i32
        %parallel_loop3A_2062 = arith.constant 5 : i32
        %parallel_loop3A_2063 = arith.addi %parallel_loop3A_2061, %parallel_loop3A_2062 : i32
        %parallel_loop3A_2064 = arith.index_cast %select_n3A_196 : i32 to index
        %parallel_loop3A_2065 = arith.index_cast %parallel_loop3A_2063 : i32 to index
        %parallel_loop3A_2066 = arith.constant 48 : index
        %parallel_loop3A_2067 = tpu.vector_load %arg9[%parallel_loop3A_2064, %parallel_loop3A_2065, %parallel_loop3A_2066] {strides = array<i32>} : memref<2x400x64xf32, #tpu.memory_space<vmem>>, vector<16xf32>,
        %parallel_loop3A_2068 = arith.constant 38 : i32
        %parallel_loop3A_2069 = arith.addi %parallel_loop3A_275, %parallel_loop3A_2068 : i32
        %parallel_loop3A_2070 = arith.constant 5 : i32
        %parallel_loop3A_2071 = arith.addi %parallel_loop3A_2069, %parallel_loop3A_2070 : i32
        %parallel_loop3A_2072 = arith.index_cast %select_n3A_196 : i32 to index
        %parallel_loop3A_2073 = arith.index_cast %parallel_loop3A_2071 : i32 to index
        %parallel_loop3A_2074 = arith.constant 0 : index
        %parallel_loop3A_2075 = tpu.vector_load %arg9[%parallel_loop3A_2072, %parallel_loop3A_2073, %parallel_loop3A_2074] {strides = array<i32>} : memref<2x400x64xf32, #tpu.memory_space<vmem>>, vector<16xf32>,
        %parallel_loop3A_2076 = arith.constant 38 : i32
        %parallel_loop3A_2077 = arith.addi %parallel_loop3A_275, %parallel_loop3A_2076 : i32
        %parallel_loop3A_2078 = arith.constant 5 : i32
        %parallel_loop3A_2079 = arith.addi %parallel_loop3A_2077, %parallel_loop3A_2078 : i32
        %parallel_loop3A_2080 = arith.index_cast %select_n3A_196 : i32 to index
        %parallel_loop3A_2081 = arith.index_cast %parallel_loop3A_2079 : i32 to index
        %parallel_loop3A_2082 = arith.constant 16 : index
        %parallel_loop3A_2083 = tpu.vector_load %arg9[%parallel_loop3A_2080, %parallel_loop3A_2081, %parallel_loop3A_2082] {strides = array<i32>} : memref<2x400x64xf32, #tpu.memory_space<vmem>>, vector<16xf32>,
        %parallel_loop3A_2084 = arith.constant 38 : i32
        %parallel_loop3A_2085 = arith.addi %parallel_loop3A_275, %parallel_loop3A_2084 : i32
        %parallel_loop3A_2086 = arith.constant 5 : i32
        %parallel_loop3A_2087 = arith.addi %parallel_loop3A_2085, %parallel_loop3A_2086 : i32
        %parallel_loop3A_2088 = arith.index_cast %select_n3A_196 : i32 to index
        %parallel_loop3A_2089 = arith.index_cast %parallel_loop3A_2087 : i32 to index
        %parallel_loop3A_2090 = arith.constant 32 : index
        %parallel_loop3A_2091 = tpu.vector_load %arg9[%parallel_loop3A_2088, %parallel_loop3A_2089, %parallel_loop3A_2090] {strides = array<i32>} : memref<2x400x64xf32, #tpu.memory_space<vmem>>, vector<16xf32>,
        %parallel_loop3A_2092 = arith.constant 38 : i32
        %parallel_loop3A_2093 = arith.addi %parallel_loop3A_275, %parallel_loop3A_2092 : i32
        %parallel_loop3A_2094 = arith.constant 5 : i32
        %parallel_loop3A_2095 = arith.addi %parallel_loop3A_2093, %parallel_loop3A_2094 : i32
        %parallel_loop3A_2096 = arith.index_cast %select_n3A_196 : i32 to index
        %parallel_loop3A_2097 = arith.index_cast %parallel_loop3A_2095 : i32 to index
        %parallel_loop3A_2098 = arith.constant 48 : index
        %parallel_loop3A_2099 = tpu.vector_load %arg9[%parallel_loop3A_2096, %parallel_loop3A_2097, %parallel_loop3A_2098] {strides = array<i32>} : memref<2x400x64xf32, #tpu.memory_space<vmem>>, vector<16xf32>,
        %parallel_loop3A_2100 = arith.mulf %get3A_105, %parallel_loop3A_1659 : vector<16xf32>
        %parallel_loop3A_2101 = arith.mulf %get3A_121, %parallel_loop3A_1979 : vector<16xf32>
        %parallel_loop3A_2102 = arith.addf %parallel_loop3A_2100, %parallel_loop3A_2101 : vector<16xf32>
        %parallel_loop3A_2103 = arith.constant 0.000000e+00 : f32
        %parallel_loop3A_2104 = vector.broadcast %parallel_loop3A_2103 : f32 to vector<16xf32>
        %parallel_loop3A_2105 = arith.maximumf %parallel_loop3A_2102, %parallel_loop3A_2104 : vector<16xf32>
        %parallel_loop3A_2106 = arith.mulf %get3A_109, %parallel_loop3A_1667 : vector<16xf32>
        %parallel_loop3A_2107 = arith.mulf %get3A_125, %parallel_loop3A_1987 : vector<16xf32>
        %parallel_loop3A_2108 = arith.addf %parallel_loop3A_2106, %parallel_loop3A_2107 : vector<16xf32>
        %parallel_loop3A_2109 = arith.constant 0.000000e+00 : f32
        %parallel_loop3A_2110 = vector.broadcast %parallel_loop3A_2109 : f32 to vector<16xf32>
        %parallel_loop3A_2111 = arith.maximumf %parallel_loop3A_2108, %parallel_loop3A_2110 : vector<16xf32>
        %parallel_loop3A_2112 = arith.mulf %get3A_113, %parallel_loop3A_1675 : vector<16xf32>
        %parallel_loop3A_2113 = arith.mulf %get3A_129, %parallel_loop3A_1995 : vector<16xf32>
        %parallel_loop3A_2114 = arith.addf %parallel_loop3A_2112, %parallel_loop3A_2113 : vector<16xf32>
        %parallel_loop3A_2115 = arith.constant 0.000000e+00 : f32
        %parallel_loop3A_2116 = vector.broadcast %parallel_loop3A_2115 : f32 to vector<16xf32>
        %parallel_loop3A_2117 = arith.maximumf %parallel_loop3A_2114, %parallel_loop3A_2116 : vector<16xf32>
        %parallel_loop3A_2118 = arith.mulf %get3A_117, %parallel_loop3A_1683 : vector<16xf32>
        %parallel_loop3A_2119 = arith.mulf %get3A_133, %parallel_loop3A_2003 : vector<16xf32>
        %parallel_loop3A_2120 = arith.addf %parallel_loop3A_2118, %parallel_loop3A_2119 : vector<16xf32>
        %parallel_loop3A_2121 = arith.constant 0.000000e+00 : f32
        %parallel_loop3A_2122 = vector.broadcast %parallel_loop3A_2121 : f32 to vector<16xf32>
        %parallel_loop3A_2123 = arith.maximumf %parallel_loop3A_2120, %parallel_loop3A_2122 : vector<16xf32>
        %parallel_loop3A_2124 = arith.mulf %get3A_105, %parallel_loop3A_1691 : vector<16xf32>
        %parallel_loop3A_2125 = arith.mulf %get3A_121, %parallel_loop3A_2011 : vector<16xf32>
        %parallel_loop3A_2126 = arith.addf %parallel_loop3A_2124, %parallel_loop3A_2125 : vector<16xf32>
        %parallel_loop3A_2127 = arith.constant 0.000000e+00 : f32
        %parallel_loop3A_2128 = vector.broadcast %parallel_loop3A_2127 : f32 to vector<16xf32>
        %parallel_loop3A_2129 = arith.maximumf %parallel_loop3A_2126, %parallel_loop3A_2128 : vector<16xf32>
        %parallel_loop3A_2130 = arith.mulf %get3A_109, %parallel_loop3A_1699 : vector<16xf32>
        %parallel_loop3A_2131 = arith.mulf %get3A_125, %parallel_loop3A_2019 : vector<16xf32>
        %parallel_loop3A_2132 = arith.addf %parallel_loop3A_2130, %parallel_loop3A_2131 : vector<16xf32>
        %parallel_loop3A_2133 = arith.constant 0.000000e+00 : f32
        %parallel_loop3A_2134 = vector.broadcast %parallel_loop3A_2133 : f32 to vector<16xf32>
        %parallel_loop3A_2135 = arith.maximumf %parallel_loop3A_2132, %parallel_loop3A_2134 : vector<16xf32>
        %parallel_loop3A_2136 = arith.mulf %get3A_113, %parallel_loop3A_1707 : vector<16xf32>
        %parallel_loop3A_2137 = arith.mulf %get3A_129, %parallel_loop3A_2027 : vector<16xf32>
        %parallel_loop3A_2138 = arith.addf %parallel_loop3A_2136, %parallel_loop3A_2137 : vector<16xf32>
        %parallel_loop3A_2139 = arith.constant 0.000000e+00 : f32
        %parallel_loop3A_2140 = vector.broadcast %parallel_loop3A_2139 : f32 to vector<16xf32>
        %parallel_loop3A_2141 = arith.maximumf %parallel_loop3A_2138, %parallel_loop3A_2140 : vector<16xf32>
        %parallel_loop3A_2142 = arith.mulf %get3A_117, %parallel_loop3A_1715 : vector<16xf32>
        %parallel_loop3A_2143 = arith.mulf %get3A_133, %parallel_loop3A_2035 : vector<16xf32>
        %parallel_loop3A_2144 = arith.addf %parallel_loop3A_2142, %parallel_loop3A_2143 : vector<16xf32>
        %parallel_loop3A_2145 = arith.constant 0.000000e+00 : f32
        %parallel_loop3A_2146 = vector.broadcast %parallel_loop3A_2145 : f32 to vector<16xf32>
        %parallel_loop3A_2147 = arith.maximumf %parallel_loop3A_2144, %parallel_loop3A_2146 : vector<16xf32>
        %parallel_loop3A_2148 = arith.mulf %get3A_105, %parallel_loop3A_1723 : vector<16xf32>
        %parallel_loop3A_2149 = arith.mulf %get3A_121, %parallel_loop3A_2043 : vector<16xf32>
        %parallel_loop3A_2150 = arith.addf %parallel_loop3A_2148, %parallel_loop3A_2149 : vector<16xf32>
        %parallel_loop3A_2151 = arith.constant 0.000000e+00 : f32
        %parallel_loop3A_2152 = vector.broadcast %parallel_loop3A_2151 : f32 to vector<16xf32>
        %parallel_loop3A_2153 = arith.maximumf %parallel_loop3A_2150, %parallel_loop3A_2152 : vector<16xf32>
        %parallel_loop3A_2154 = arith.mulf %get3A_109, %parallel_loop3A_1731 : vector<16xf32>
        %parallel_loop3A_2155 = arith.mulf %get3A_125, %parallel_loop3A_2051 : vector<16xf32>
        %parallel_loop3A_2156 = arith.addf %parallel_loop3A_2154, %parallel_loop3A_2155 : vector<16xf32>
        %parallel_loop3A_2157 = arith.constant 0.000000e+00 : f32
        %parallel_loop3A_2158 = vector.broadcast %parallel_loop3A_2157 : f32 to vector<16xf32>
        %parallel_loop3A_2159 = arith.maximumf %parallel_loop3A_2156, %parallel_loop3A_2158 : vector<16xf32>
        %parallel_loop3A_2160 = arith.mulf %get3A_113, %parallel_loop3A_1739 : vector<16xf32>
        %parallel_loop3A_2161 = arith.mulf %get3A_129, %parallel_loop3A_2059 : vector<16xf32>
        %parallel_loop3A_2162 = arith.addf %parallel_loop3A_2160, %parallel_loop3A_2161 : vector<16xf32>
        %parallel_loop3A_2163 = arith.constant 0.000000e+00 : f32
        %parallel_loop3A_2164 = vector.broadcast %parallel_loop3A_2163 : f32 to vector<16xf32>
        %parallel_loop3A_2165 = arith.maximumf %parallel_loop3A_2162, %parallel_loop3A_2164 : vector<16xf32>
        %parallel_loop3A_2166 = arith.mulf %get3A_117, %parallel_loop3A_1747 : vector<16xf32>
        %parallel_loop3A_2167 = arith.mulf %get3A_133, %parallel_loop3A_2067 : vector<16xf32>
        %parallel_loop3A_2168 = arith.addf %parallel_loop3A_2166, %parallel_loop3A_2167 : vector<16xf32>
        %parallel_loop3A_2169 = arith.constant 0.000000e+00 : f32
        %parallel_loop3A_2170 = vector.broadcast %parallel_loop3A_2169 : f32 to vector<16xf32>
        %parallel_loop3A_2171 = arith.maximumf %parallel_loop3A_2168, %parallel_loop3A_2170 : vector<16xf32>
        %parallel_loop3A_2172 = arith.mulf %get3A_105, %parallel_loop3A_1755 : vector<16xf32>
        %parallel_loop3A_2173 = arith.mulf %get3A_121, %parallel_loop3A_2075 : vector<16xf32>
        %parallel_loop3A_2174 = arith.addf %parallel_loop3A_2172, %parallel_loop3A_2173 : vector<16xf32>
        %parallel_loop3A_2175 = arith.constant 0.000000e+00 : f32
        %parallel_loop3A_2176 = vector.broadcast %parallel_loop3A_2175 : f32 to vector<16xf32>
        %parallel_loop3A_2177 = arith.maximumf %parallel_loop3A_2174, %parallel_loop3A_2176 : vector<16xf32>
        %parallel_loop3A_2178 = arith.mulf %get3A_109, %parallel_loop3A_1763 : vector<16xf32>
        %parallel_loop3A_2179 = arith.mulf %get3A_125, %parallel_loop3A_2083 : vector<16xf32>
        %parallel_loop3A_2180 = arith.addf %parallel_loop3A_2178, %parallel_loop3A_2179 : vector<16xf32>
        %parallel_loop3A_2181 = arith.constant 0.000000e+00 : f32
        %parallel_loop3A_2182 = vector.broadcast %parallel_loop3A_2181 : f32 to vector<16xf32>
        %parallel_loop3A_2183 = arith.maximumf %parallel_loop3A_2180, %parallel_loop3A_2182 : vector<16xf32>
        %parallel_loop3A_2184 = arith.mulf %get3A_113, %parallel_loop3A_1771 : vector<16xf32>
        %parallel_loop3A_2185 = arith.mulf %get3A_129, %parallel_loop3A_2091 : vector<16xf32>
        %parallel_loop3A_2186 = arith.addf %parallel_loop3A_2184, %parallel_loop3A_2185 : vector<16xf32>
        %parallel_loop3A_2187 = arith.constant 0.000000e+00 : f32
        %parallel_loop3A_2188 = vector.broadcast %parallel_loop3A_2187 : f32 to vector<16xf32>
        %parallel_loop3A_2189 = arith.maximumf %parallel_loop3A_2186, %parallel_loop3A_2188 : vector<16xf32>
        %parallel_loop3A_2190 = arith.mulf %get3A_117, %parallel_loop3A_1779 : vector<16xf32>
        %parallel_loop3A_2191 = arith.mulf %get3A_133, %parallel_loop3A_2099 : vector<16xf32>
        %parallel_loop3A_2192 = arith.addf %parallel_loop3A_2190, %parallel_loop3A_2191 : vector<16xf32>
        %parallel_loop3A_2193 = arith.constant 0.000000e+00 : f32
        %parallel_loop3A_2194 = vector.broadcast %parallel_loop3A_2193 : f32 to vector<16xf32>
        %parallel_loop3A_2195 = arith.maximumf %parallel_loop3A_2192, %parallel_loop3A_2194 : vector<16xf32>
        %parallel_loop3A_2196 = arith.constant 5 : i32
        %parallel_loop3A_2197 = arith.index_cast %select_n3A_196 : i32 to index
        %parallel_loop3A_2198 = arith.index_cast %parallel_loop3A_273 : i32 to index
        %parallel_loop3A_2199 = arith.index_cast %parallel_loop3A_2196 : i32 to index
        %parallel_loop3A_2200 = arith.constant 0 : index
        %parallel_loop3A_2201 = tpu.vector_load %arg10[%parallel_loop3A_2197, %parallel_loop3A_2198, %parallel_loop3A_2199, %parallel_loop3A_2200] {strides = array<i32>} : memref<2x8x50x64xf32, #tpu.memory_space<vmem>>, vector<16xf32>,
        tpu.vector_store %arg10[%parallel_loop3A_2197, %parallel_loop3A_2198, %parallel_loop3A_2199, %parallel_loop3A_2200], %parallel_loop3A_2105 {strides = array<i32>} : memref<2x8x50x64xf32, #tpu.memory_space<vmem>>, vector<16xf32>,
        %parallel_loop3A_2202 = arith.constant 5 : i32
        %parallel_loop3A_2203 = arith.index_cast %select_n3A_196 : i32 to index
        %parallel_loop3A_2204 = arith.index_cast %parallel_loop3A_273 : i32 to index
        %parallel_loop3A_2205 = arith.index_cast %parallel_loop3A_2202 : i32 to index
        %parallel_loop3A_2206 = arith.constant 16 : index
        %parallel_loop3A_2207 = tpu.vector_load %arg10[%parallel_loop3A_2203, %parallel_loop3A_2204, %parallel_loop3A_2205, %parallel_loop3A_2206] {strides = array<i32>} : memref<2x8x50x64xf32, #tpu.memory_space<vmem>>, vector<16xf32>,
        tpu.vector_store %arg10[%parallel_loop3A_2203, %parallel_loop3A_2204, %parallel_loop3A_2205, %parallel_loop3A_2206], %parallel_loop3A_2111 {strides = array<i32>} : memref<2x8x50x64xf32, #tpu.memory_space<vmem>>, vector<16xf32>,
        %parallel_loop3A_2208 = arith.constant 5 : i32
        %parallel_loop3A_2209 = arith.index_cast %select_n3A_196 : i32 to index
        %parallel_loop3A_2210 = arith.index_cast %parallel_loop3A_273 : i32 to index
        %parallel_loop3A_2211 = arith.index_cast %parallel_loop3A_2208 : i32 to index
        %parallel_loop3A_2212 = arith.constant 32 : index
        %parallel_loop3A_2213 = tpu.vector_load %arg10[%parallel_loop3A_2209, %parallel_loop3A_2210, %parallel_loop3A_2211, %parallel_loop3A_2212] {strides = array<i32>} : memref<2x8x50x64xf32, #tpu.memory_space<vmem>>, vector<16xf32>,
        tpu.vector_store %arg10[%parallel_loop3A_2209, %parallel_loop3A_2210, %parallel_loop3A_2211, %parallel_loop3A_2212], %parallel_loop3A_2117 {strides = array<i32>} : memref<2x8x50x64xf32, #tpu.memory_space<vmem>>, vector<16xf32>,
        %parallel_loop3A_2214 = arith.constant 5 : i32
        %parallel_loop3A_2215 = arith.index_cast %select_n3A_196 : i32 to index
        %parallel_loop3A_2216 = arith.index_cast %parallel_loop3A_273 : i32 to index
        %parallel_loop3A_2217 = arith.index_cast %parallel_loop3A_2214 : i32 to index
        %parallel_loop3A_2218 = arith.constant 48 : index
        %parallel_loop3A_2219 = tpu.vector_load %arg10[%parallel_loop3A_2215, %parallel_loop3A_2216, %parallel_loop3A_2217, %parallel_loop3A_2218] {strides = array<i32>} : memref<2x8x50x64xf32, #tpu.memory_space<vmem>>, vector<16xf32>,
        tpu.vector_store %arg10[%parallel_loop3A_2215, %parallel_loop3A_2216, %parallel_loop3A_2217, %parallel_loop3A_2218], %parallel_loop3A_2123 {strides = array<i32>} : memref<2x8x50x64xf32, #tpu.memory_space<vmem>>, vector<16xf32>,
        %parallel_loop3A_2220 = arith.constant 18 : i32
        %parallel_loop3A_2221 = arith.index_cast %select_n3A_196 : i32 to index
        %parallel_loop3A_2222 = arith.index_cast %parallel_loop3A_273 : i32 to index
        %parallel_loop3A_2223 = arith.index_cast %parallel_loop3A_2220 : i32 to index
        %parallel_loop3A_2224 = arith.constant 0 : index
        %parallel_loop3A_2225 = tpu.vector_load %arg10[%parallel_loop3A_2221, %parallel_loop3A_2222, %parallel_loop3A_2223, %parallel_loop3A_2224] {strides = array<i32>} : memref<2x8x50x64xf32, #tpu.memory_space<vmem>>, vector<16xf32>,
        tpu.vector_store %arg10[%parallel_loop3A_2221, %parallel_loop3A_2222, %parallel_loop3A_2223, %parallel_loop3A_2224], %parallel_loop3A_2129 {strides = array<i32>} : memref<2x8x50x64xf32, #tpu.memory_space<vmem>>, vector<16xf32>,
        %parallel_loop3A_2226 = arith.constant 18 : i32
        %parallel_loop3A_2227 = arith.index_cast %select_n3A_196 : i32 to index
        %parallel_loop3A_2228 = arith.index_cast %parallel_loop3A_273 : i32 to index
        %parallel_loop3A_2229 = arith.index_cast %parallel_loop3A_2226 : i32 to index
        %parallel_loop3A_2230 = arith.constant 16 : index
        %parallel_loop3A_2231 = tpu.vector_load %arg10[%parallel_loop3A_2227, %parallel_loop3A_2228, %parallel_loop3A_2229, %parallel_loop3A_2230] {strides = array<i32>} : memref<2x8x50x64xf32, #tpu.memory_space<vmem>>, vector<16xf32>,
        tpu.vector_store %arg10[%parallel_loop3A_2227, %parallel_loop3A_2228, %parallel_loop3A_2229, %parallel_loop3A_2230], %parallel_loop3A_2135 {strides = array<i32>} : memref<2x8x50x64xf32, #tpu.memory_space<vmem>>, vector<16xf32>,
        %parallel_loop3A_2232 = arith.constant 18 : i32
        %parallel_loop3A_2233 = arith.index_cast %select_n3A_196 : i32 to index
        %parallel_loop3A_2234 = arith.index_cast %parallel_loop3A_273 : i32 to index
        %parallel_loop3A_2235 = arith.index_cast %parallel_loop3A_2232 : i32 to index
        %parallel_loop3A_2236 = arith.constant 32 : index
        %parallel_loop3A_2237 = tpu.vector_load %arg10[%parallel_loop3A_2233, %parallel_loop3A_2234, %parallel_loop3A_2235, %parallel_loop3A_2236] {strides = array<i32>} : memref<2x8x50x64xf32, #tpu.memory_space<vmem>>, vector<16xf32>,
        tpu.vector_store %arg10[%parallel_loop3A_2233, %parallel_loop3A_2234, %parallel_loop3A_2235, %parallel_loop3A_2236], %parallel_loop3A_2141 {strides = array<i32>} : memref<2x8x50x64xf32, #tpu.memory_space<vmem>>, vector<16xf32>,
        %parallel_loop3A_2238 = arith.constant 18 : i32
        %parallel_loop3A_2239 = arith.index_cast %select_n3A_196 : i32 to index
        %parallel_loop3A_2240 = arith.index_cast %parallel_loop3A_273 : i32 to index
        %parallel_loop3A_2241 = arith.index_cast %parallel_loop3A_2238 : i32 to index
        %parallel_loop3A_2242 = arith.constant 48 : index
        %parallel_loop3A_2243 = tpu.vector_load %arg10[%parallel_loop3A_2239, %parallel_loop3A_2240, %parallel_loop3A_2241, %parallel_loop3A_2242] {strides = array<i32>} : memref<2x8x50x64xf32, #tpu.memory_space<vmem>>, vector<16xf32>,
        tpu.vector_store %arg10[%parallel_loop3A_2239, %parallel_loop3A_2240, %parallel_loop3A_2241, %parallel_loop3A_2242], %parallel_loop3A_2147 {strides = array<i32>} : memref<2x8x50x64xf32, #tpu.memory_space<vmem>>, vector<16xf32>,
        %parallel_loop3A_2244 = arith.constant 30 : i32
        %parallel_loop3A_2245 = arith.index_cast %select_n3A_196 : i32 to index
        %parallel_loop3A_2246 = arith.index_cast %parallel_loop3A_273 : i32 to index
        %parallel_loop3A_2247 = arith.index_cast %parallel_loop3A_2244 : i32 to index
        %parallel_loop3A_2248 = arith.constant 0 : index
        %parallel_loop3A_2249 = tpu.vector_load %arg10[%parallel_loop3A_2245, %parallel_loop3A_2246, %parallel_loop3A_2247, %parallel_loop3A_2248] {strides = array<i32>} : memref<2x8x50x64xf32, #tpu.memory_space<vmem>>, vector<16xf32>,
        tpu.vector_store %arg10[%parallel_loop3A_2245, %parallel_loop3A_2246, %parallel_loop3A_2247, %parallel_loop3A_2248], %parallel_loop3A_2153 {strides = array<i32>} : memref<2x8x50x64xf32, #tpu.memory_space<vmem>>, vector<16xf32>,
        %parallel_loop3A_2250 = arith.constant 30 : i32
        %parallel_loop3A_2251 = arith.index_cast %select_n3A_196 : i32 to index
        %parallel_loop3A_2252 = arith.index_cast %parallel_loop3A_273 : i32 to index
        %parallel_loop3A_2253 = arith.index_cast %parallel_loop3A_2250 : i32 to index
        %parallel_loop3A_2254 = arith.constant 16 : index
        %parallel_loop3A_2255 = tpu.vector_load %arg10[%parallel_loop3A_2251, %parallel_loop3A_2252, %parallel_loop3A_2253, %parallel_loop3A_2254] {strides = array<i32>} : memref<2x8x50x64xf32, #tpu.memory_space<vmem>>, vector<16xf32>,
        tpu.vector_store %arg10[%parallel_loop3A_2251, %parallel_loop3A_2252, %parallel_loop3A_2253, %parallel_loop3A_2254], %parallel_loop3A_2159 {strides = array<i32>} : memref<2x8x50x64xf32, #tpu.memory_space<vmem>>, vector<16xf32>,
        %parallel_loop3A_2256 = arith.constant 30 : i32
        %parallel_loop3A_2257 = arith.index_cast %select_n3A_196 : i32 to index
        %parallel_loop3A_2258 = arith.index_cast %parallel_loop3A_273 : i32 to index
        %parallel_loop3A_2259 = arith.index_cast %parallel_loop3A_2256 : i32 to index
        %parallel_loop3A_2260 = arith.constant 32 : index
        %parallel_loop3A_2261 = tpu.vector_load %arg10[%parallel_loop3A_2257, %parallel_loop3A_2258, %parallel_loop3A_2259, %parallel_loop3A_2260] {strides = array<i32>} : memref<2x8x50x64xf32, #tpu.memory_space<vmem>>, vector<16xf32>,
        tpu.vector_store %arg10[%parallel_loop3A_2257, %parallel_loop3A_2258, %parallel_loop3A_2259, %parallel_loop3A_2260], %parallel_loop3A_2165 {strides = array<i32>} : memref<2x8x50x64xf32, #tpu.memory_space<vmem>>, vector<16xf32>,
        %parallel_loop3A_2262 = arith.constant 30 : i32
        %parallel_loop3A_2263 = arith.index_cast %select_n3A_196 : i32 to index
        %parallel_loop3A_2264 = arith.index_cast %parallel_loop3A_273 : i32 to index
        %parallel_loop3A_2265 = arith.index_cast %parallel_loop3A_2262 : i32 to index
        %parallel_loop3A_2266 = arith.constant 48 : index
        %parallel_loop3A_2267 = tpu.vector_load %arg10[%parallel_loop3A_2263, %parallel_loop3A_2264, %parallel_loop3A_2265, %parallel_loop3A_2266] {strides = array<i32>} : memref<2x8x50x64xf32, #tpu.memory_space<vmem>>, vector<16xf32>,
        tpu.vector_store %arg10[%parallel_loop3A_2263, %parallel_loop3A_2264, %parallel_loop3A_2265, %parallel_loop3A_2266], %parallel_loop3A_2171 {strides = array<i32>} : memref<2x8x50x64xf32, #tpu.memory_space<vmem>>, vector<16xf32>,
        %parallel_loop3A_2268 = arith.constant 43 : i32
        %parallel_loop3A_2269 = arith.index_cast %select_n3A_196 : i32 to index
        %parallel_loop3A_2270 = arith.index_cast %parallel_loop3A_273 : i32 to index
        %parallel_loop3A_2271 = arith.index_cast %parallel_loop3A_2268 : i32 to index
        %parallel_loop3A_2272 = arith.constant 0 : index
        %parallel_loop3A_2273 = tpu.vector_load %arg10[%parallel_loop3A_2269, %parallel_loop3A_2270, %parallel_loop3A_2271, %parallel_loop3A_2272] {strides = array<i32>} : memref<2x8x50x64xf32, #tpu.memory_space<vmem>>, vector<16xf32>,
        tpu.vector_store %arg10[%parallel_loop3A_2269, %parallel_loop3A_2270, %parallel_loop3A_2271, %parallel_loop3A_2272], %parallel_loop3A_2177 {strides = array<i32>} : memref<2x8x50x64xf32, #tpu.memory_space<vmem>>, vector<16xf32>,
        %parallel_loop3A_2274 = arith.constant 43 : i32
        %parallel_loop3A_2275 = arith.index_cast %select_n3A_196 : i32 to index
        %parallel_loop3A_2276 = arith.index_cast %parallel_loop3A_273 : i32 to index
        %parallel_loop3A_2277 = arith.index_cast %parallel_loop3A_2274 : i32 to index
        %parallel_loop3A_2278 = arith.constant 16 : index
        %parallel_loop3A_2279 = tpu.vector_load %arg10[%parallel_loop3A_2275, %parallel_loop3A_2276, %parallel_loop3A_2277, %parallel_loop3A_2278] {strides = array<i32>} : memref<2x8x50x64xf32, #tpu.memory_space<vmem>>, vector<16xf32>,
        tpu.vector_store %arg10[%parallel_loop3A_2275, %parallel_loop3A_2276, %parallel_loop3A_2277, %parallel_loop3A_2278], %parallel_loop3A_2183 {strides = array<i32>} : memref<2x8x50x64xf32, #tpu.memory_space<vmem>>, vector<16xf32>,
        %parallel_loop3A_2280 = arith.constant 43 : i32
        %parallel_loop3A_2281 = arith.index_cast %select_n3A_196 : i32 to index
        %parallel_loop3A_2282 = arith.index_cast %parallel_loop3A_273 : i32 to index
        %parallel_loop3A_2283 = arith.index_cast %parallel_loop3A_2280 : i32 to index
        %parallel_loop3A_2284 = arith.constant 32 : index
        %parallel_loop3A_2285 = tpu.vector_load %arg10[%parallel_loop3A_2281, %parallel_loop3A_2282, %parallel_loop3A_2283, %parallel_loop3A_2284] {strides = array<i32>} : memref<2x8x50x64xf32, #tpu.memory_space<vmem>>, vector<16xf32>,
        tpu.vector_store %arg10[%parallel_loop3A_2281, %parallel_loop3A_2282, %parallel_loop3A_2283, %parallel_loop3A_2284], %parallel_loop3A_2189 {strides = array<i32>} : memref<2x8x50x64xf32, #tpu.memory_space<vmem>>, vector<16xf32>,
        %parallel_loop3A_2286 = arith.constant 43 : i32
        %parallel_loop3A_2287 = arith.index_cast %select_n3A_196 : i32 to index
        %parallel_loop3A_2288 = arith.index_cast %parallel_loop3A_273 : i32 to index
        %parallel_loop3A_2289 = arith.index_cast %parallel_loop3A_2286 : i32 to index
        %parallel_loop3A_2290 = arith.constant 48 : index
        %parallel_loop3A_2291 = tpu.vector_load %arg10[%parallel_loop3A_2287, %parallel_loop3A_2288, %parallel_loop3A_2289, %parallel_loop3A_2290] {strides = array<i32>} : memref<2x8x50x64xf32, #tpu.memory_space<vmem>>, vector<16xf32>,
        tpu.vector_store %arg10[%parallel_loop3A_2287, %parallel_loop3A_2288, %parallel_loop3A_2289, %parallel_loop3A_2290], %parallel_loop3A_2195 {strides = array<i32>} : memref<2x8x50x64xf32, #tpu.memory_space<vmem>>, vector<16xf32>,
        %parallel_loop3A_2292 = arith.constant 0 : i32
        %parallel_loop3A_2293 = arith.addi %parallel_loop3A_275, %parallel_loop3A_2292 : i32
        %parallel_loop3A_2294 = arith.constant 6 : i32
        %parallel_loop3A_2295 = arith.addi %parallel_loop3A_2293, %parallel_loop3A_2294 : i32
        %parallel_loop3A_2296 = arith.index_cast %select_n3A_196 : i32 to index
        %parallel_loop3A_2297 = arith.index_cast %parallel_loop3A_2295 : i32 to index
        %parallel_loop3A_2298 = arith.constant 0 : index
        %parallel_loop3A_2299 = tpu.vector_load %arg9[%parallel_loop3A_2296, %parallel_loop3A_2297, %parallel_loop3A_2298] {strides = array<i32>} : memref<2x400x64xf32, #tpu.memory_space<vmem>>, vector<16xf32>,
        %parallel_loop3A_2300 = arith.constant 0 : i32
        %parallel_loop3A_2301 = arith.addi %parallel_loop3A_275, %parallel_loop3A_2300 : i32
        %parallel_loop3A_2302 = arith.constant 6 : i32
        %parallel_loop3A_2303 = arith.addi %parallel_loop3A_2301, %parallel_loop3A_2302 : i32
        %parallel_loop3A_2304 = arith.index_cast %select_n3A_196 : i32 to index
        %parallel_loop3A_2305 = arith.index_cast %parallel_loop3A_2303 : i32 to index
        %parallel_loop3A_2306 = arith.constant 16 : index
        %parallel_loop3A_2307 = tpu.vector_load %arg9[%parallel_loop3A_2304, %parallel_loop3A_2305, %parallel_loop3A_2306] {strides = array<i32>} : memref<2x400x64xf32, #tpu.memory_space<vmem>>, vector<16xf32>,
        %parallel_loop3A_2308 = arith.constant 0 : i32
        %parallel_loop3A_2309 = arith.addi %parallel_loop3A_275, %parallel_loop3A_2308 : i32
        %parallel_loop3A_2310 = arith.constant 6 : i32
        %parallel_loop3A_2311 = arith.addi %parallel_loop3A_2309, %parallel_loop3A_2310 : i32
        %parallel_loop3A_2312 = arith.index_cast %select_n3A_196 : i32 to index
        %parallel_loop3A_2313 = arith.index_cast %parallel_loop3A_2311 : i32 to index
        %parallel_loop3A_2314 = arith.constant 32 : index
        %parallel_loop3A_2315 = tpu.vector_load %arg9[%parallel_loop3A_2312, %parallel_loop3A_2313, %parallel_loop3A_2314] {strides = array<i32>} : memref<2x400x64xf32, #tpu.memory_space<vmem>>, vector<16xf32>,
        %parallel_loop3A_2316 = arith.constant 0 : i32
        %parallel_loop3A_2317 = arith.addi %parallel_loop3A_275, %parallel_loop3A_2316 : i32
        %parallel_loop3A_2318 = arith.constant 6 : i32
        %parallel_loop3A_2319 = arith.addi %parallel_loop3A_2317, %parallel_loop3A_2318 : i32
        %parallel_loop3A_2320 = arith.index_cast %select_n3A_196 : i32 to index
        %parallel_loop3A_2321 = arith.index_cast %parallel_loop3A_2319 : i32 to index
        %parallel_loop3A_2322 = arith.constant 48 : index
        %parallel_loop3A_2323 = tpu.vector_load %arg9[%parallel_loop3A_2320, %parallel_loop3A_2321, %parallel_loop3A_2322] {strides = array<i32>} : memref<2x400x64xf32, #tpu.memory_space<vmem>>, vector<16xf32>,
        %parallel_loop3A_2324 = arith.constant 13 : i32
        %parallel_loop3A_2325 = arith.addi %parallel_loop3A_275, %parallel_loop3A_2324 : i32
        %parallel_loop3A_2326 = arith.constant 6 : i32
        %parallel_loop3A_2327 = arith.addi %parallel_loop3A_2325, %parallel_loop3A_2326 : i32
        %parallel_loop3A_2328 = arith.index_cast %select_n3A_196 : i32 to index
        %parallel_loop3A_2329 = arith.index_cast %parallel_loop3A_2327 : i32 to index
        %parallel_loop3A_2330 = arith.constant 0 : index
        %parallel_loop3A_2331 = tpu.vector_load %arg9[%parallel_loop3A_2328, %parallel_loop3A_2329, %parallel_loop3A_2330] {strides = array<i32>} : memref<2x400x64xf32, #tpu.memory_space<vmem>>, vector<16xf32>,
        %parallel_loop3A_2332 = arith.constant 13 : i32
        %parallel_loop3A_2333 = arith.addi %parallel_loop3A_275, %parallel_loop3A_2332 : i32
        %parallel_loop3A_2334 = arith.constant 6 : i32
        %parallel_loop3A_2335 = arith.addi %parallel_loop3A_2333, %parallel_loop3A_2334 : i32
        %parallel_loop3A_2336 = arith.index_cast %select_n3A_196 : i32 to index
        %parallel_loop3A_2337 = arith.index_cast %parallel_loop3A_2335 : i32 to index
        %parallel_loop3A_2338 = arith.constant 16 : index
        %parallel_loop3A_2339 = tpu.vector_load %arg9[%parallel_loop3A_2336, %parallel_loop3A_2337, %parallel_loop3A_2338] {strides = array<i32>} : memref<2x400x64xf32, #tpu.memory_space<vmem>>, vector<16xf32>,
        %parallel_loop3A_2340 = arith.constant 13 : i32
        %parallel_loop3A_2341 = arith.addi %parallel_loop3A_275, %parallel_loop3A_2340 : i32
        %parallel_loop3A_2342 = arith.constant 6 : i32
        %parallel_loop3A_2343 = arith.addi %parallel_loop3A_2341, %parallel_loop3A_2342 : i32
        %parallel_loop3A_2344 = arith.index_cast %select_n3A_196 : i32 to index
        %parallel_loop3A_2345 = arith.index_cast %parallel_loop3A_2343 : i32 to index
        %parallel_loop3A_2346 = arith.constant 32 : index
        %parallel_loop3A_2347 = tpu.vector_load %arg9[%parallel_loop3A_2344, %parallel_loop3A_2345, %parallel_loop3A_2346] {strides = array<i32>} : memref<2x400x64xf32, #tpu.memory_space<vmem>>, vector<16xf32>,
        %parallel_loop3A_2348 = arith.constant 13 : i32
        %parallel_loop3A_2349 = arith.addi %parallel_loop3A_275, %parallel_loop3A_2348 : i32
        %parallel_loop3A_2350 = arith.constant 6 : i32
        %parallel_loop3A_2351 = arith.addi %parallel_loop3A_2349, %parallel_loop3A_2350 : i32
        %parallel_loop3A_2352 = arith.index_cast %select_n3A_196 : i32 to index
        %parallel_loop3A_2353 = arith.index_cast %parallel_loop3A_2351 : i32 to index
        %parallel_loop3A_2354 = arith.constant 48 : index
        %parallel_loop3A_2355 = tpu.vector_load %arg9[%parallel_loop3A_2352, %parallel_loop3A_2353, %parallel_loop3A_2354] {strides = array<i32>} : memref<2x400x64xf32, #tpu.memory_space<vmem>>, vector<16xf32>,
        %parallel_loop3A_2356 = arith.constant 25 : i32
        %parallel_loop3A_2357 = arith.addi %parallel_loop3A_275, %parallel_loop3A_2356 : i32
        %parallel_loop3A_2358 = arith.constant 6 : i32
        %parallel_loop3A_2359 = arith.addi %parallel_loop3A_2357, %parallel_loop3A_2358 : i32
        %parallel_loop3A_2360 = arith.index_cast %select_n3A_196 : i32 to index
        %parallel_loop3A_2361 = arith.index_cast %parallel_loop3A_2359 : i32 to index
        %parallel_loop3A_2362 = arith.constant 0 : index
        %parallel_loop3A_2363 = tpu.vector_load %arg9[%parallel_loop3A_2360, %parallel_loop3A_2361, %parallel_loop3A_2362] {strides = array<i32>} : memref<2x400x64xf32, #tpu.memory_space<vmem>>, vector<16xf32>,
        %parallel_loop3A_2364 = arith.constant 25 : i32
        %parallel_loop3A_2365 = arith.addi %parallel_loop3A_275, %parallel_loop3A_2364 : i32
        %parallel_loop3A_2366 = arith.constant 6 : i32
        %parallel_loop3A_2367 = arith.addi %parallel_loop3A_2365, %parallel_loop3A_2366 : i32
        %parallel_loop3A_2368 = arith.index_cast %select_n3A_196 : i32 to index
        %parallel_loop3A_2369 = arith.index_cast %parallel_loop3A_2367 : i32 to index
        %parallel_loop3A_2370 = arith.constant 16 : index
        %parallel_loop3A_2371 = tpu.vector_load %arg9[%parallel_loop3A_2368, %parallel_loop3A_2369, %parallel_loop3A_2370] {strides = array<i32>} : memref<2x400x64xf32, #tpu.memory_space<vmem>>, vector<16xf32>,
        %parallel_loop3A_2372 = arith.constant 25 : i32
        %parallel_loop3A_2373 = arith.addi %parallel_loop3A_275, %parallel_loop3A_2372 : i32
        %parallel_loop3A_2374 = arith.constant 6 : i32
        %parallel_loop3A_2375 = arith.addi %parallel_loop3A_2373, %parallel_loop3A_2374 : i32
        %parallel_loop3A_2376 = arith.index_cast %select_n3A_196 : i32 to index
        %parallel_loop3A_2377 = arith.index_cast %parallel_loop3A_2375 : i32 to index
        %parallel_loop3A_2378 = arith.constant 32 : index
        %parallel_loop3A_2379 = tpu.vector_load %arg9[%parallel_loop3A_2376, %parallel_loop3A_2377, %parallel_loop3A_2378] {strides = array<i32>} : memref<2x400x64xf32, #tpu.memory_space<vmem>>, vector<16xf32>,
        %parallel_loop3A_2380 = arith.constant 25 : i32
        %parallel_loop3A_2381 = arith.addi %parallel_loop3A_275, %parallel_loop3A_2380 : i32
        %parallel_loop3A_2382 = arith.constant 6 : i32
        %parallel_loop3A_2383 = arith.addi %parallel_loop3A_2381, %parallel_loop3A_2382 : i32
        %parallel_loop3A_2384 = arith.index_cast %select_n3A_196 : i32 to index
        %parallel_loop3A_2385 = arith.index_cast %parallel_loop3A_2383 : i32 to index
        %parallel_loop3A_2386 = arith.constant 48 : index
        %parallel_loop3A_2387 = tpu.vector_load %arg9[%parallel_loop3A_2384, %parallel_loop3A_2385, %parallel_loop3A_2386] {strides = array<i32>} : memref<2x400x64xf32, #tpu.memory_space<vmem>>, vector<16xf32>,
        %parallel_loop3A_2388 = arith.constant 38 : i32
        %parallel_loop3A_2389 = arith.addi %parallel_loop3A_275, %parallel_loop3A_2388 : i32
        %parallel_loop3A_2390 = arith.constant 6 : i32
        %parallel_loop3A_2391 = arith.addi %parallel_loop3A_2389, %parallel_loop3A_2390 : i32
        %parallel_loop3A_2392 = arith.index_cast %select_n3A_196 : i32 to index
        %parallel_loop3A_2393 = arith.index_cast %parallel_loop3A_2391 : i32 to index
        %parallel_loop3A_2394 = arith.constant 0 : index
        %parallel_loop3A_2395 = tpu.vector_load %arg9[%parallel_loop3A_2392, %parallel_loop3A_2393, %parallel_loop3A_2394] {strides = array<i32>} : memref<2x400x64xf32, #tpu.memory_space<vmem>>, vector<16xf32>,
        %parallel_loop3A_2396 = arith.constant 38 : i32
        %parallel_loop3A_2397 = arith.addi %parallel_loop3A_275, %parallel_loop3A_2396 : i32
        %parallel_loop3A_2398 = arith.constant 6 : i32
        %parallel_loop3A_2399 = arith.addi %parallel_loop3A_2397, %parallel_loop3A_2398 : i32
        %parallel_loop3A_2400 = arith.index_cast %select_n3A_196 : i32 to index
        %parallel_loop3A_2401 = arith.index_cast %parallel_loop3A_2399 : i32 to index
        %parallel_loop3A_2402 = arith.constant 16 : index
        %parallel_loop3A_2403 = tpu.vector_load %arg9[%parallel_loop3A_2400, %parallel_loop3A_2401, %parallel_loop3A_2402] {strides = array<i32>} : memref<2x400x64xf32, #tpu.memory_space<vmem>>, vector<16xf32>,
        %parallel_loop3A_2404 = arith.constant 38 : i32
        %parallel_loop3A_2405 = arith.addi %parallel_loop3A_275, %parallel_loop3A_2404 : i32
        %parallel_loop3A_2406 = arith.constant 6 : i32
        %parallel_loop3A_2407 = arith.addi %parallel_loop3A_2405, %parallel_loop3A_2406 : i32
        %parallel_loop3A_2408 = arith.index_cast %select_n3A_196 : i32 to index
        %parallel_loop3A_2409 = arith.index_cast %parallel_loop3A_2407 : i32 to index
        %parallel_loop3A_2410 = arith.constant 32 : index
        %parallel_loop3A_2411 = tpu.vector_load %arg9[%parallel_loop3A_2408, %parallel_loop3A_2409, %parallel_loop3A_2410] {strides = array<i32>} : memref<2x400x64xf32, #tpu.memory_space<vmem>>, vector<16xf32>,
        %parallel_loop3A_2412 = arith.constant 38 : i32
        %parallel_loop3A_2413 = arith.addi %parallel_loop3A_275, %parallel_loop3A_2412 : i32
        %parallel_loop3A_2414 = arith.constant 6 : i32
        %parallel_loop3A_2415 = arith.addi %parallel_loop3A_2413, %parallel_loop3A_2414 : i32
        %parallel_loop3A_2416 = arith.index_cast %select_n3A_196 : i32 to index
        %parallel_loop3A_2417 = arith.index_cast %parallel_loop3A_2415 : i32 to index
        %parallel_loop3A_2418 = arith.constant 48 : index
        %parallel_loop3A_2419 = tpu.vector_load %arg9[%parallel_loop3A_2416, %parallel_loop3A_2417, %parallel_loop3A_2418] {strides = array<i32>} : memref<2x400x64xf32, #tpu.memory_space<vmem>>, vector<16xf32>,
        %parallel_loop3A_2420 = arith.mulf %get3A_105, %parallel_loop3A_1979 : vector<16xf32>
        %parallel_loop3A_2421 = arith.mulf %get3A_121, %parallel_loop3A_2299 : vector<16xf32>
        %parallel_loop3A_2422 = arith.addf %parallel_loop3A_2420, %parallel_loop3A_2421 : vector<16xf32>
        %parallel_loop3A_2423 = arith.constant 0.000000e+00 : f32
        %parallel_loop3A_2424 = vector.broadcast %parallel_loop3A_2423 : f32 to vector<16xf32>
        %parallel_loop3A_2425 = arith.maximumf %parallel_loop3A_2422, %parallel_loop3A_2424 : vector<16xf32>
        %parallel_loop3A_2426 = arith.mulf %get3A_109, %parallel_loop3A_1987 : vector<16xf32>
        %parallel_loop3A_2427 = arith.mulf %get3A_125, %parallel_loop3A_2307 : vector<16xf32>
        %parallel_loop3A_2428 = arith.addf %parallel_loop3A_2426, %parallel_loop3A_2427 : vector<16xf32>
        %parallel_loop3A_2429 = arith.constant 0.000000e+00 : f32
        %parallel_loop3A_2430 = vector.broadcast %parallel_loop3A_2429 : f32 to vector<16xf32>
        %parallel_loop3A_2431 = arith.maximumf %parallel_loop3A_2428, %parallel_loop3A_2430 : vector<16xf32>
        %parallel_loop3A_2432 = arith.mulf %get3A_113, %parallel_loop3A_1995 : vector<16xf32>
        %parallel_loop3A_2433 = arith.mulf %get3A_129, %parallel_loop3A_2315 : vector<16xf32>
        %parallel_loop3A_2434 = arith.addf %parallel_loop3A_2432, %parallel_loop3A_2433 : vector<16xf32>
        %parallel_loop3A_2435 = arith.constant 0.000000e+00 : f32
        %parallel_loop3A_2436 = vector.broadcast %parallel_loop3A_2435 : f32 to vector<16xf32>
        %parallel_loop3A_2437 = arith.maximumf %parallel_loop3A_2434, %parallel_loop3A_2436 : vector<16xf32>
        %parallel_loop3A_2438 = arith.mulf %get3A_117, %parallel_loop3A_2003 : vector<16xf32>
        %parallel_loop3A_2439 = arith.mulf %get3A_133, %parallel_loop3A_2323 : vector<16xf32>
        %parallel_loop3A_2440 = arith.addf %parallel_loop3A_2438, %parallel_loop3A_2439 : vector<16xf32>
        %parallel_loop3A_2441 = arith.constant 0.000000e+00 : f32
        %parallel_loop3A_2442 = vector.broadcast %parallel_loop3A_2441 : f32 to vector<16xf32>
        %parallel_loop3A_2443 = arith.maximumf %parallel_loop3A_2440, %parallel_loop3A_2442 : vector<16xf32>
        %parallel_loop3A_2444 = arith.mulf %get3A_105, %parallel_loop3A_2011 : vector<16xf32>
        %parallel_loop3A_2445 = arith.mulf %get3A_121, %parallel_loop3A_2331 : vector<16xf32>
        %parallel_loop3A_2446 = arith.addf %parallel_loop3A_2444, %parallel_loop3A_2445 : vector<16xf32>
        %parallel_loop3A_2447 = arith.constant 0.000000e+00 : f32
        %parallel_loop3A_2448 = vector.broadcast %parallel_loop3A_2447 : f32 to vector<16xf32>
        %parallel_loop3A_2449 = arith.maximumf %parallel_loop3A_2446, %parallel_loop3A_2448 : vector<16xf32>
        %parallel_loop3A_2450 = arith.mulf %get3A_109, %parallel_loop3A_2019 : vector<16xf32>
        %parallel_loop3A_2451 = arith.mulf %get3A_125, %parallel_loop3A_2339 : vector<16xf32>
        %parallel_loop3A_2452 = arith.addf %parallel_loop3A_2450, %parallel_loop3A_2451 : vector<16xf32>
        %parallel_loop3A_2453 = arith.constant 0.000000e+00 : f32
        %parallel_loop3A_2454 = vector.broadcast %parallel_loop3A_2453 : f32 to vector<16xf32>
        %parallel_loop3A_2455 = arith.maximumf %parallel_loop3A_2452, %parallel_loop3A_2454 : vector<16xf32>
        %parallel_loop3A_2456 = arith.mulf %get3A_113, %parallel_loop3A_2027 : vector<16xf32>
        %parallel_loop3A_2457 = arith.mulf %get3A_129, %parallel_loop3A_2347 : vector<16xf32>
        %parallel_loop3A_2458 = arith.addf %parallel_loop3A_2456, %parallel_loop3A_2457 : vector<16xf32>
        %parallel_loop3A_2459 = arith.constant 0.000000e+00 : f32
        %parallel_loop3A_2460 = vector.broadcast %parallel_loop3A_2459 : f32 to vector<16xf32>
        %parallel_loop3A_2461 = arith.maximumf %parallel_loop3A_2458, %parallel_loop3A_2460 : vector<16xf32>
        %parallel_loop3A_2462 = arith.mulf %get3A_117, %parallel_loop3A_2035 : vector<16xf32>
        %parallel_loop3A_2463 = arith.mulf %get3A_133, %parallel_loop3A_2355 : vector<16xf32>
        %parallel_loop3A_2464 = arith.addf %parallel_loop3A_2462, %parallel_loop3A_2463 : vector<16xf32>
        %parallel_loop3A_2465 = arith.constant 0.000000e+00 : f32
        %parallel_loop3A_2466 = vector.broadcast %parallel_loop3A_2465 : f32 to vector<16xf32>
        %parallel_loop3A_2467 = arith.maximumf %parallel_loop3A_2464, %parallel_loop3A_2466 : vector<16xf32>
        %parallel_loop3A_2468 = arith.mulf %get3A_105, %parallel_loop3A_2043 : vector<16xf32>
        %parallel_loop3A_2469 = arith.mulf %get3A_121, %parallel_loop3A_2363 : vector<16xf32>
        %parallel_loop3A_2470 = arith.addf %parallel_loop3A_2468, %parallel_loop3A_2469 : vector<16xf32>
        %parallel_loop3A_2471 = arith.constant 0.000000e+00 : f32
        %parallel_loop3A_2472 = vector.broadcast %parallel_loop3A_2471 : f32 to vector<16xf32>
        %parallel_loop3A_2473 = arith.maximumf %parallel_loop3A_2470, %parallel_loop3A_2472 : vector<16xf32>
        %parallel_loop3A_2474 = arith.mulf %get3A_109, %parallel_loop3A_2051 : vector<16xf32>
        %parallel_loop3A_2475 = arith.mulf %get3A_125, %parallel_loop3A_2371 : vector<16xf32>
        %parallel_loop3A_2476 = arith.addf %parallel_loop3A_2474, %parallel_loop3A_2475 : vector<16xf32>
        %parallel_loop3A_2477 = arith.constant 0.000000e+00 : f32
        %parallel_loop3A_2478 = vector.broadcast %parallel_loop3A_2477 : f32 to vector<16xf32>
        %parallel_loop3A_2479 = arith.maximumf %parallel_loop3A_2476, %parallel_loop3A_2478 : vector<16xf32>
        %parallel_loop3A_2480 = arith.mulf %get3A_113, %parallel_loop3A_2059 : vector<16xf32>
        %parallel_loop3A_2481 = arith.mulf %get3A_129, %parallel_loop3A_2379 : vector<16xf32>
        %parallel_loop3A_2482 = arith.addf %parallel_loop3A_2480, %parallel_loop3A_2481 : vector<16xf32>
        %parallel_loop3A_2483 = arith.constant 0.000000e+00 : f32
        %parallel_loop3A_2484 = vector.broadcast %parallel_loop3A_2483 : f32 to vector<16xf32>
        %parallel_loop3A_2485 = arith.maximumf %parallel_loop3A_2482, %parallel_loop3A_2484 : vector<16xf32>
        %parallel_loop3A_2486 = arith.mulf %get3A_117, %parallel_loop3A_2067 : vector<16xf32>
        %parallel_loop3A_2487 = arith.mulf %get3A_133, %parallel_loop3A_2387 : vector<16xf32>
        %parallel_loop3A_2488 = arith.addf %parallel_loop3A_2486, %parallel_loop3A_2487 : vector<16xf32>
        %parallel_loop3A_2489 = arith.constant 0.000000e+00 : f32
        %parallel_loop3A_2490 = vector.broadcast %parallel_loop3A_2489 : f32 to vector<16xf32>
        %parallel_loop3A_2491 = arith.maximumf %parallel_loop3A_2488, %parallel_loop3A_2490 : vector<16xf32>
        %parallel_loop3A_2492 = arith.mulf %get3A_105, %parallel_loop3A_2075 : vector<16xf32>
        %parallel_loop3A_2493 = arith.mulf %get3A_121, %parallel_loop3A_2395 : vector<16xf32>
        %parallel_loop3A_2494 = arith.addf %parallel_loop3A_2492, %parallel_loop3A_2493 : vector<16xf32>
        %parallel_loop3A_2495 = arith.constant 0.000000e+00 : f32
        %parallel_loop3A_2496 = vector.broadcast %parallel_loop3A_2495 : f32 to vector<16xf32>
        %parallel_loop3A_2497 = arith.maximumf %parallel_loop3A_2494, %parallel_loop3A_2496 : vector<16xf32>
        %parallel_loop3A_2498 = arith.mulf %get3A_109, %parallel_loop3A_2083 : vector<16xf32>
        %parallel_loop3A_2499 = arith.mulf %get3A_125, %parallel_loop3A_2403 : vector<16xf32>
        %parallel_loop3A_2500 = arith.addf %parallel_loop3A_2498, %parallel_loop3A_2499 : vector<16xf32>
        %parallel_loop3A_2501 = arith.constant 0.000000e+00 : f32
        %parallel_loop3A_2502 = vector.broadcast %parallel_loop3A_2501 : f32 to vector<16xf32>
        %parallel_loop3A_2503 = arith.maximumf %parallel_loop3A_2500, %parallel_loop3A_2502 : vector<16xf32>
        %parallel_loop3A_2504 = arith.mulf %get3A_113, %parallel_loop3A_2091 : vector<16xf32>
        %parallel_loop3A_2505 = arith.mulf %get3A_129, %parallel_loop3A_2411 : vector<16xf32>
        %parallel_loop3A_2506 = arith.addf %parallel_loop3A_2504, %parallel_loop3A_2505 : vector<16xf32>
        %parallel_loop3A_2507 = arith.constant 0.000000e+00 : f32
        %parallel_loop3A_2508 = vector.broadcast %parallel_loop3A_2507 : f32 to vector<16xf32>
        %parallel_loop3A_2509 = arith.maximumf %parallel_loop3A_2506, %parallel_loop3A_2508 : vector<16xf32>
        %parallel_loop3A_2510 = arith.mulf %get3A_117, %parallel_loop3A_2099 : vector<16xf32>
        %parallel_loop3A_2511 = arith.mulf %get3A_133, %parallel_loop3A_2419 : vector<16xf32>
        %parallel_loop3A_2512 = arith.addf %parallel_loop3A_2510, %parallel_loop3A_2511 : vector<16xf32>
        %parallel_loop3A_2513 = arith.constant 0.000000e+00 : f32
        %parallel_loop3A_2514 = vector.broadcast %parallel_loop3A_2513 : f32 to vector<16xf32>
        %parallel_loop3A_2515 = arith.maximumf %parallel_loop3A_2512, %parallel_loop3A_2514 : vector<16xf32>
        %parallel_loop3A_2516 = arith.constant 6 : i32
        %parallel_loop3A_2517 = arith.index_cast %select_n3A_196 : i32 to index
        %parallel_loop3A_2518 = arith.index_cast %parallel_loop3A_273 : i32 to index
        %parallel_loop3A_2519 = arith.index_cast %parallel_loop3A_2516 : i32 to index
        %parallel_loop3A_2520 = arith.constant 0 : index
        %parallel_loop3A_2521 = tpu.vector_load %arg10[%parallel_loop3A_2517, %parallel_loop3A_2518, %parallel_loop3A_2519, %parallel_loop3A_2520] {strides = array<i32>} : memref<2x8x50x64xf32, #tpu.memory_space<vmem>>, vector<16xf32>,
        tpu.vector_store %arg10[%parallel_loop3A_2517, %parallel_loop3A_2518, %parallel_loop3A_2519, %parallel_loop3A_2520], %parallel_loop3A_2425 {strides = array<i32>} : memref<2x8x50x64xf32, #tpu.memory_space<vmem>>, vector<16xf32>,
        %parallel_loop3A_2522 = arith.constant 6 : i32
        %parallel_loop3A_2523 = arith.index_cast %select_n3A_196 : i32 to index
        %parallel_loop3A_2524 = arith.index_cast %parallel_loop3A_273 : i32 to index
        %parallel_loop3A_2525 = arith.index_cast %parallel_loop3A_2522 : i32 to index
        %parallel_loop3A_2526 = arith.constant 16 : index
        %parallel_loop3A_2527 = tpu.vector_load %arg10[%parallel_loop3A_2523, %parallel_loop3A_2524, %parallel_loop3A_2525, %parallel_loop3A_2526] {strides = array<i32>} : memref<2x8x50x64xf32, #tpu.memory_space<vmem>>, vector<16xf32>,
        tpu.vector_store %arg10[%parallel_loop3A_2523, %parallel_loop3A_2524, %parallel_loop3A_2525, %parallel_loop3A_2526], %parallel_loop3A_2431 {strides = array<i32>} : memref<2x8x50x64xf32, #tpu.memory_space<vmem>>, vector<16xf32>,
        %parallel_loop3A_2528 = arith.constant 6 : i32
        %parallel_loop3A_2529 = arith.index_cast %select_n3A_196 : i32 to index
        %parallel_loop3A_2530 = arith.index_cast %parallel_loop3A_273 : i32 to index
        %parallel_loop3A_2531 = arith.index_cast %parallel_loop3A_2528 : i32 to index
        %parallel_loop3A_2532 = arith.constant 32 : index
        %parallel_loop3A_2533 = tpu.vector_load %arg10[%parallel_loop3A_2529, %parallel_loop3A_2530, %parallel_loop3A_2531, %parallel_loop3A_2532] {strides = array<i32>} : memref<2x8x50x64xf32, #tpu.memory_space<vmem>>, vector<16xf32>,
        tpu.vector_store %arg10[%parallel_loop3A_2529, %parallel_loop3A_2530, %parallel_loop3A_2531, %parallel_loop3A_2532], %parallel_loop3A_2437 {strides = array<i32>} : memref<2x8x50x64xf32, #tpu.memory_space<vmem>>, vector<16xf32>,
        %parallel_loop3A_2534 = arith.constant 6 : i32
        %parallel_loop3A_2535 = arith.index_cast %select_n3A_196 : i32 to index
        %parallel_loop3A_2536 = arith.index_cast %parallel_loop3A_273 : i32 to index
        %parallel_loop3A_2537 = arith.index_cast %parallel_loop3A_2534 : i32 to index
        %parallel_loop3A_2538 = arith.constant 48 : index
        %parallel_loop3A_2539 = tpu.vector_load %arg10[%parallel_loop3A_2535, %parallel_loop3A_2536, %parallel_loop3A_2537, %parallel_loop3A_2538] {strides = array<i32>} : memref<2x8x50x64xf32, #tpu.memory_space<vmem>>, vector<16xf32>,
        tpu.vector_store %arg10[%parallel_loop3A_2535, %parallel_loop3A_2536, %parallel_loop3A_2537, %parallel_loop3A_2538], %parallel_loop3A_2443 {strides = array<i32>} : memref<2x8x50x64xf32, #tpu.memory_space<vmem>>, vector<16xf32>,
        %parallel_loop3A_2540 = arith.constant 19 : i32
        %parallel_loop3A_2541 = arith.index_cast %select_n3A_196 : i32 to index
        %parallel_loop3A_2542 = arith.index_cast %parallel_loop3A_273 : i32 to index
        %parallel_loop3A_2543 = arith.index_cast %parallel_loop3A_2540 : i32 to index
        %parallel_loop3A_2544 = arith.constant 0 : index
        %parallel_loop3A_2545 = tpu.vector_load %arg10[%parallel_loop3A_2541, %parallel_loop3A_2542, %parallel_loop3A_2543, %parallel_loop3A_2544] {strides = array<i32>} : memref<2x8x50x64xf32, #tpu.memory_space<vmem>>, vector<16xf32>,
        tpu.vector_store %arg10[%parallel_loop3A_2541, %parallel_loop3A_2542, %parallel_loop3A_2543, %parallel_loop3A_2544], %parallel_loop3A_2449 {strides = array<i32>} : memref<2x8x50x64xf32, #tpu.memory_space<vmem>>, vector<16xf32>,
        %parallel_loop3A_2546 = arith.constant 19 : i32
        %parallel_loop3A_2547 = arith.index_cast %select_n3A_196 : i32 to index
        %parallel_loop3A_2548 = arith.index_cast %parallel_loop3A_273 : i32 to index
        %parallel_loop3A_2549 = arith.index_cast %parallel_loop3A_2546 : i32 to index
        %parallel_loop3A_2550 = arith.constant 16 : index
        %parallel_loop3A_2551 = tpu.vector_load %arg10[%parallel_loop3A_2547, %parallel_loop3A_2548, %parallel_loop3A_2549, %parallel_loop3A_2550] {strides = array<i32>} : memref<2x8x50x64xf32, #tpu.memory_space<vmem>>, vector<16xf32>,
        tpu.vector_store %arg10[%parallel_loop3A_2547, %parallel_loop3A_2548, %parallel_loop3A_2549, %parallel_loop3A_2550], %parallel_loop3A_2455 {strides = array<i32>} : memref<2x8x50x64xf32, #tpu.memory_space<vmem>>, vector<16xf32>,
        %parallel_loop3A_2552 = arith.constant 19 : i32
        %parallel_loop3A_2553 = arith.index_cast %select_n3A_196 : i32 to index
        %parallel_loop3A_2554 = arith.index_cast %parallel_loop3A_273 : i32 to index
        %parallel_loop3A_2555 = arith.index_cast %parallel_loop3A_2552 : i32 to index
        %parallel_loop3A_2556 = arith.constant 32 : index
        %parallel_loop3A_2557 = tpu.vector_load %arg10[%parallel_loop3A_2553, %parallel_loop3A_2554, %parallel_loop3A_2555, %parallel_loop3A_2556] {strides = array<i32>} : memref<2x8x50x64xf32, #tpu.memory_space<vmem>>, vector<16xf32>,
        tpu.vector_store %arg10[%parallel_loop3A_2553, %parallel_loop3A_2554, %parallel_loop3A_2555, %parallel_loop3A_2556], %parallel_loop3A_2461 {strides = array<i32>} : memref<2x8x50x64xf32, #tpu.memory_space<vmem>>, vector<16xf32>,
        %parallel_loop3A_2558 = arith.constant 19 : i32
        %parallel_loop3A_2559 = arith.index_cast %select_n3A_196 : i32 to index
        %parallel_loop3A_2560 = arith.index_cast %parallel_loop3A_273 : i32 to index
        %parallel_loop3A_2561 = arith.index_cast %parallel_loop3A_2558 : i32 to index
        %parallel_loop3A_2562 = arith.constant 48 : index
        %parallel_loop3A_2563 = tpu.vector_load %arg10[%parallel_loop3A_2559, %parallel_loop3A_2560, %parallel_loop3A_2561, %parallel_loop3A_2562] {strides = array<i32>} : memref<2x8x50x64xf32, #tpu.memory_space<vmem>>, vector<16xf32>,
        tpu.vector_store %arg10[%parallel_loop3A_2559, %parallel_loop3A_2560, %parallel_loop3A_2561, %parallel_loop3A_2562], %parallel_loop3A_2467 {strides = array<i32>} : memref<2x8x50x64xf32, #tpu.memory_space<vmem>>, vector<16xf32>,
        %parallel_loop3A_2564 = arith.constant 31 : i32
        %parallel_loop3A_2565 = arith.index_cast %select_n3A_196 : i32 to index
        %parallel_loop3A_2566 = arith.index_cast %parallel_loop3A_273 : i32 to index
        %parallel_loop3A_2567 = arith.index_cast %parallel_loop3A_2564 : i32 to index
        %parallel_loop3A_2568 = arith.constant 0 : index
        %parallel_loop3A_2569 = tpu.vector_load %arg10[%parallel_loop3A_2565, %parallel_loop3A_2566, %parallel_loop3A_2567, %parallel_loop3A_2568] {strides = array<i32>} : memref<2x8x50x64xf32, #tpu.memory_space<vmem>>, vector<16xf32>,
        tpu.vector_store %arg10[%parallel_loop3A_2565, %parallel_loop3A_2566, %parallel_loop3A_2567, %parallel_loop3A_2568], %parallel_loop3A_2473 {strides = array<i32>} : memref<2x8x50x64xf32, #tpu.memory_space<vmem>>, vector<16xf32>,
        %parallel_loop3A_2570 = arith.constant 31 : i32
        %parallel_loop3A_2571 = arith.index_cast %select_n3A_196 : i32 to index
        %parallel_loop3A_2572 = arith.index_cast %parallel_loop3A_273 : i32 to index
        %parallel_loop3A_2573 = arith.index_cast %parallel_loop3A_2570 : i32 to index
        %parallel_loop3A_2574 = arith.constant 16 : index
        %parallel_loop3A_2575 = tpu.vector_load %arg10[%parallel_loop3A_2571, %parallel_loop3A_2572, %parallel_loop3A_2573, %parallel_loop3A_2574] {strides = array<i32>} : memref<2x8x50x64xf32, #tpu.memory_space<vmem>>, vector<16xf32>,
        tpu.vector_store %arg10[%parallel_loop3A_2571, %parallel_loop3A_2572, %parallel_loop3A_2573, %parallel_loop3A_2574], %parallel_loop3A_2479 {strides = array<i32>} : memref<2x8x50x64xf32, #tpu.memory_space<vmem>>, vector<16xf32>,
        %parallel_loop3A_2576 = arith.constant 31 : i32
        %parallel_loop3A_2577 = arith.index_cast %select_n3A_196 : i32 to index
        %parallel_loop3A_2578 = arith.index_cast %parallel_loop3A_273 : i32 to index
        %parallel_loop3A_2579 = arith.index_cast %parallel_loop3A_2576 : i32 to index
        %parallel_loop3A_2580 = arith.constant 32 : index
        %parallel_loop3A_2581 = tpu.vector_load %arg10[%parallel_loop3A_2577, %parallel_loop3A_2578, %parallel_loop3A_2579, %parallel_loop3A_2580] {strides = array<i32>} : memref<2x8x50x64xf32, #tpu.memory_space<vmem>>, vector<16xf32>,
        tpu.vector_store %arg10[%parallel_loop3A_2577, %parallel_loop3A_2578, %parallel_loop3A_2579, %parallel_loop3A_2580], %parallel_loop3A_2485 {strides = array<i32>} : memref<2x8x50x64xf32, #tpu.memory_space<vmem>>, vector<16xf32>,
        %parallel_loop3A_2582 = arith.constant 31 : i32
        %parallel_loop3A_2583 = arith.index_cast %select_n3A_196 : i32 to index
        %parallel_loop3A_2584 = arith.index_cast %parallel_loop3A_273 : i32 to index
        %parallel_loop3A_2585 = arith.index_cast %parallel_loop3A_2582 : i32 to index
        %parallel_loop3A_2586 = arith.constant 48 : index
        %parallel_loop3A_2587 = tpu.vector_load %arg10[%parallel_loop3A_2583, %parallel_loop3A_2584, %parallel_loop3A_2585, %parallel_loop3A_2586] {strides = array<i32>} : memref<2x8x50x64xf32, #tpu.memory_space<vmem>>, vector<16xf32>,
        tpu.vector_store %arg10[%parallel_loop3A_2583, %parallel_loop3A_2584, %parallel_loop3A_2585, %parallel_loop3A_2586], %parallel_loop3A_2491 {strides = array<i32>} : memref<2x8x50x64xf32, #tpu.memory_space<vmem>>, vector<16xf32>,
        %parallel_loop3A_2588 = arith.constant 44 : i32
        %parallel_loop3A_2589 = arith.index_cast %select_n3A_196 : i32 to index
        %parallel_loop3A_2590 = arith.index_cast %parallel_loop3A_273 : i32 to index
        %parallel_loop3A_2591 = arith.index_cast %parallel_loop3A_2588 : i32 to index
        %parallel_loop3A_2592 = arith.constant 0 : index
        %parallel_loop3A_2593 = tpu.vector_load %arg10[%parallel_loop3A_2589, %parallel_loop3A_2590, %parallel_loop3A_2591, %parallel_loop3A_2592] {strides = array<i32>} : memref<2x8x50x64xf32, #tpu.memory_space<vmem>>, vector<16xf32>,
        tpu.vector_store %arg10[%parallel_loop3A_2589, %parallel_loop3A_2590, %parallel_loop3A_2591, %parallel_loop3A_2592], %parallel_loop3A_2497 {strides = array<i32>} : memref<2x8x50x64xf32, #tpu.memory_space<vmem>>, vector<16xf32>,
        %parallel_loop3A_2594 = arith.constant 44 : i32
        %parallel_loop3A_2595 = arith.index_cast %select_n3A_196 : i32 to index
        %parallel_loop3A_2596 = arith.index_cast %parallel_loop3A_273 : i32 to index
        %parallel_loop3A_2597 = arith.index_cast %parallel_loop3A_2594 : i32 to index
        %parallel_loop3A_2598 = arith.constant 16 : index
        %parallel_loop3A_2599 = tpu.vector_load %arg10[%parallel_loop3A_2595, %parallel_loop3A_2596, %parallel_loop3A_2597, %parallel_loop3A_2598] {strides = array<i32>} : memref<2x8x50x64xf32, #tpu.memory_space<vmem>>, vector<16xf32>,
        tpu.vector_store %arg10[%parallel_loop3A_2595, %parallel_loop3A_2596, %parallel_loop3A_2597, %parallel_loop3A_2598], %parallel_loop3A_2503 {strides = array<i32>} : memref<2x8x50x64xf32, #tpu.memory_space<vmem>>, vector<16xf32>,
        %parallel_loop3A_2600 = arith.constant 44 : i32
        %parallel_loop3A_2601 = arith.index_cast %select_n3A_196 : i32 to index
        %parallel_loop3A_2602 = arith.index_cast %parallel_loop3A_273 : i32 to index
        %parallel_loop3A_2603 = arith.index_cast %parallel_loop3A_2600 : i32 to index
        %parallel_loop3A_2604 = arith.constant 32 : index
        %parallel_loop3A_2605 = tpu.vector_load %arg10[%parallel_loop3A_2601, %parallel_loop3A_2602, %parallel_loop3A_2603, %parallel_loop3A_2604] {strides = array<i32>} : memref<2x8x50x64xf32, #tpu.memory_space<vmem>>, vector<16xf32>,
        tpu.vector_store %arg10[%parallel_loop3A_2601, %parallel_loop3A_2602, %parallel_loop3A_2603, %parallel_loop3A_2604], %parallel_loop3A_2509 {strides = array<i32>} : memref<2x8x50x64xf32, #tpu.memory_space<vmem>>, vector<16xf32>,
        %parallel_loop3A_2606 = arith.constant 44 : i32
        %parallel_loop3A_2607 = arith.index_cast %select_n3A_196 : i32 to index
        %parallel_loop3A_2608 = arith.index_cast %parallel_loop3A_273 : i32 to index
        %parallel_loop3A_2609 = arith.index_cast %parallel_loop3A_2606 : i32 to index
        %parallel_loop3A_2610 = arith.constant 48 : index
        %parallel_loop3A_2611 = tpu.vector_load %arg10[%parallel_loop3A_2607, %parallel_loop3A_2608, %parallel_loop3A_2609, %parallel_loop3A_2610] {strides = array<i32>} : memref<2x8x50x64xf32, #tpu.memory_space<vmem>>, vector<16xf32>,
        tpu.vector_store %arg10[%parallel_loop3A_2607, %parallel_loop3A_2608, %parallel_loop3A_2609, %parallel_loop3A_2610], %parallel_loop3A_2515 {strides = array<i32>} : memref<2x8x50x64xf32, #tpu.memory_space<vmem>>, vector<16xf32>,
        %parallel_loop3A_2612 = arith.constant 0 : i32
        %parallel_loop3A_2613 = arith.addi %parallel_loop3A_275, %parallel_loop3A_2612 : i32
        %parallel_loop3A_2614 = arith.constant 7 : i32
        %parallel_loop3A_2615 = arith.addi %parallel_loop3A_2613, %parallel_loop3A_2614 : i32
        %parallel_loop3A_2616 = arith.index_cast %select_n3A_196 : i32 to index
        %parallel_loop3A_2617 = arith.index_cast %parallel_loop3A_2615 : i32 to index
        %parallel_loop3A_2618 = arith.constant 0 : index
        %parallel_loop3A_2619 = tpu.vector_load %arg9[%parallel_loop3A_2616, %parallel_loop3A_2617, %parallel_loop3A_2618] {strides = array<i32>} : memref<2x400x64xf32, #tpu.memory_space<vmem>>, vector<16xf32>,
        %parallel_loop3A_2620 = arith.constant 0 : i32
        %parallel_loop3A_2621 = arith.addi %parallel_loop3A_275, %parallel_loop3A_2620 : i32
        %parallel_loop3A_2622 = arith.constant 7 : i32
        %parallel_loop3A_2623 = arith.addi %parallel_loop3A_2621, %parallel_loop3A_2622 : i32
        %parallel_loop3A_2624 = arith.index_cast %select_n3A_196 : i32 to index
        %parallel_loop3A_2625 = arith.index_cast %parallel_loop3A_2623 : i32 to index
        %parallel_loop3A_2626 = arith.constant 16 : index
        %parallel_loop3A_2627 = tpu.vector_load %arg9[%parallel_loop3A_2624, %parallel_loop3A_2625, %parallel_loop3A_2626] {strides = array<i32>} : memref<2x400x64xf32, #tpu.memory_space<vmem>>, vector<16xf32>,
        %parallel_loop3A_2628 = arith.constant 0 : i32
        %parallel_loop3A_2629 = arith.addi %parallel_loop3A_275, %parallel_loop3A_2628 : i32
        %parallel_loop3A_2630 = arith.constant 7 : i32
        %parallel_loop3A_2631 = arith.addi %parallel_loop3A_2629, %parallel_loop3A_2630 : i32
        %parallel_loop3A_2632 = arith.index_cast %select_n3A_196 : i32 to index
        %parallel_loop3A_2633 = arith.index_cast %parallel_loop3A_2631 : i32 to index
        %parallel_loop3A_2634 = arith.constant 32 : index
        %parallel_loop3A_2635 = tpu.vector_load %arg9[%parallel_loop3A_2632, %parallel_loop3A_2633, %parallel_loop3A_2634] {strides = array<i32>} : memref<2x400x64xf32, #tpu.memory_space<vmem>>, vector<16xf32>,
        %parallel_loop3A_2636 = arith.constant 0 : i32
        %parallel_loop3A_2637 = arith.addi %parallel_loop3A_275, %parallel_loop3A_2636 : i32
        %parallel_loop3A_2638 = arith.constant 7 : i32
        %parallel_loop3A_2639 = arith.addi %parallel_loop3A_2637, %parallel_loop3A_2638 : i32
        %parallel_loop3A_2640 = arith.index_cast %select_n3A_196 : i32 to index
        %parallel_loop3A_2641 = arith.index_cast %parallel_loop3A_2639 : i32 to index
        %parallel_loop3A_2642 = arith.constant 48 : index
        %parallel_loop3A_2643 = tpu.vector_load %arg9[%parallel_loop3A_2640, %parallel_loop3A_2641, %parallel_loop3A_2642] {strides = array<i32>} : memref<2x400x64xf32, #tpu.memory_space<vmem>>, vector<16xf32>,
        %parallel_loop3A_2644 = arith.constant 13 : i32
        %parallel_loop3A_2645 = arith.addi %parallel_loop3A_275, %parallel_loop3A_2644 : i32
        %parallel_loop3A_2646 = arith.constant 7 : i32
        %parallel_loop3A_2647 = arith.addi %parallel_loop3A_2645, %parallel_loop3A_2646 : i32
        %parallel_loop3A_2648 = arith.index_cast %select_n3A_196 : i32 to index
        %parallel_loop3A_2649 = arith.index_cast %parallel_loop3A_2647 : i32 to index
        %parallel_loop3A_2650 = arith.constant 0 : index
        %parallel_loop3A_2651 = tpu.vector_load %arg9[%parallel_loop3A_2648, %parallel_loop3A_2649, %parallel_loop3A_2650] {strides = array<i32>} : memref<2x400x64xf32, #tpu.memory_space<vmem>>, vector<16xf32>,
        %parallel_loop3A_2652 = arith.constant 13 : i32
        %parallel_loop3A_2653 = arith.addi %parallel_loop3A_275, %parallel_loop3A_2652 : i32
        %parallel_loop3A_2654 = arith.constant 7 : i32
        %parallel_loop3A_2655 = arith.addi %parallel_loop3A_2653, %parallel_loop3A_2654 : i32
        %parallel_loop3A_2656 = arith.index_cast %select_n3A_196 : i32 to index
        %parallel_loop3A_2657 = arith.index_cast %parallel_loop3A_2655 : i32 to index
        %parallel_loop3A_2658 = arith.constant 16 : index
        %parallel_loop3A_2659 = tpu.vector_load %arg9[%parallel_loop3A_2656, %parallel_loop3A_2657, %parallel_loop3A_2658] {strides = array<i32>} : memref<2x400x64xf32, #tpu.memory_space<vmem>>, vector<16xf32>,
        %parallel_loop3A_2660 = arith.constant 13 : i32
        %parallel_loop3A_2661 = arith.addi %parallel_loop3A_275, %parallel_loop3A_2660 : i32
        %parallel_loop3A_2662 = arith.constant 7 : i32
        %parallel_loop3A_2663 = arith.addi %parallel_loop3A_2661, %parallel_loop3A_2662 : i32
        %parallel_loop3A_2664 = arith.index_cast %select_n3A_196 : i32 to index
        %parallel_loop3A_2665 = arith.index_cast %parallel_loop3A_2663 : i32 to index
        %parallel_loop3A_2666 = arith.constant 32 : index
        %parallel_loop3A_2667 = tpu.vector_load %arg9[%parallel_loop3A_2664, %parallel_loop3A_2665, %parallel_loop3A_2666] {strides = array<i32>} : memref<2x400x64xf32, #tpu.memory_space<vmem>>, vector<16xf32>,
        %parallel_loop3A_2668 = arith.constant 13 : i32
        %parallel_loop3A_2669 = arith.addi %parallel_loop3A_275, %parallel_loop3A_2668 : i32
        %parallel_loop3A_2670 = arith.constant 7 : i32
        %parallel_loop3A_2671 = arith.addi %parallel_loop3A_2669, %parallel_loop3A_2670 : i32
        %parallel_loop3A_2672 = arith.index_cast %select_n3A_196 : i32 to index
        %parallel_loop3A_2673 = arith.index_cast %parallel_loop3A_2671 : i32 to index
        %parallel_loop3A_2674 = arith.constant 48 : index
        %parallel_loop3A_2675 = tpu.vector_load %arg9[%parallel_loop3A_2672, %parallel_loop3A_2673, %parallel_loop3A_2674] {strides = array<i32>} : memref<2x400x64xf32, #tpu.memory_space<vmem>>, vector<16xf32>,
        %parallel_loop3A_2676 = arith.constant 25 : i32
        %parallel_loop3A_2677 = arith.addi %parallel_loop3A_275, %parallel_loop3A_2676 : i32
        %parallel_loop3A_2678 = arith.constant 7 : i32
        %parallel_loop3A_2679 = arith.addi %parallel_loop3A_2677, %parallel_loop3A_2678 : i32
        %parallel_loop3A_2680 = arith.index_cast %select_n3A_196 : i32 to index
        %parallel_loop3A_2681 = arith.index_cast %parallel_loop3A_2679 : i32 to index
        %parallel_loop3A_2682 = arith.constant 0 : index
        %parallel_loop3A_2683 = tpu.vector_load %arg9[%parallel_loop3A_2680, %parallel_loop3A_2681, %parallel_loop3A_2682] {strides = array<i32>} : memref<2x400x64xf32, #tpu.memory_space<vmem>>, vector<16xf32>,
        %parallel_loop3A_2684 = arith.constant 25 : i32
        %parallel_loop3A_2685 = arith.addi %parallel_loop3A_275, %parallel_loop3A_2684 : i32
        %parallel_loop3A_2686 = arith.constant 7 : i32
        %parallel_loop3A_2687 = arith.addi %parallel_loop3A_2685, %parallel_loop3A_2686 : i32
        %parallel_loop3A_2688 = arith.index_cast %select_n3A_196 : i32 to index
        %parallel_loop3A_2689 = arith.index_cast %parallel_loop3A_2687 : i32 to index
        %parallel_loop3A_2690 = arith.constant 16 : index
        %parallel_loop3A_2691 = tpu.vector_load %arg9[%parallel_loop3A_2688, %parallel_loop3A_2689, %parallel_loop3A_2690] {strides = array<i32>} : memref<2x400x64xf32, #tpu.memory_space<vmem>>, vector<16xf32>,
        %parallel_loop3A_2692 = arith.constant 25 : i32
        %parallel_loop3A_2693 = arith.addi %parallel_loop3A_275, %parallel_loop3A_2692 : i32
        %parallel_loop3A_2694 = arith.constant 7 : i32
        %parallel_loop3A_2695 = arith.addi %parallel_loop3A_2693, %parallel_loop3A_2694 : i32
        %parallel_loop3A_2696 = arith.index_cast %select_n3A_196 : i32 to index
        %parallel_loop3A_2697 = arith.index_cast %parallel_loop3A_2695 : i32 to index
        %parallel_loop3A_2698 = arith.constant 32 : index
        %parallel_loop3A_2699 = tpu.vector_load %arg9[%parallel_loop3A_2696, %parallel_loop3A_2697, %parallel_loop3A_2698] {strides = array<i32>} : memref<2x400x64xf32, #tpu.memory_space<vmem>>, vector<16xf32>,
        %parallel_loop3A_2700 = arith.constant 25 : i32
        %parallel_loop3A_2701 = arith.addi %parallel_loop3A_275, %parallel_loop3A_2700 : i32
        %parallel_loop3A_2702 = arith.constant 7 : i32
        %parallel_loop3A_2703 = arith.addi %parallel_loop3A_2701, %parallel_loop3A_2702 : i32
        %parallel_loop3A_2704 = arith.index_cast %select_n3A_196 : i32 to index
        %parallel_loop3A_2705 = arith.index_cast %parallel_loop3A_2703 : i32 to index
        %parallel_loop3A_2706 = arith.constant 48 : index
        %parallel_loop3A_2707 = tpu.vector_load %arg9[%parallel_loop3A_2704, %parallel_loop3A_2705, %parallel_loop3A_2706] {strides = array<i32>} : memref<2x400x64xf32, #tpu.memory_space<vmem>>, vector<16xf32>,
        %parallel_loop3A_2708 = arith.constant 38 : i32
        %parallel_loop3A_2709 = arith.addi %parallel_loop3A_275, %parallel_loop3A_2708 : i32
        %parallel_loop3A_2710 = arith.constant 7 : i32
        %parallel_loop3A_2711 = arith.addi %parallel_loop3A_2709, %parallel_loop3A_2710 : i32
        %parallel_loop3A_2712 = arith.index_cast %select_n3A_196 : i32 to index
        %parallel_loop3A_2713 = arith.index_cast %parallel_loop3A_2711 : i32 to index
        %parallel_loop3A_2714 = arith.constant 0 : index
        %parallel_loop3A_2715 = tpu.vector_load %arg9[%parallel_loop3A_2712, %parallel_loop3A_2713, %parallel_loop3A_2714] {strides = array<i32>} : memref<2x400x64xf32, #tpu.memory_space<vmem>>, vector<16xf32>,
        %parallel_loop3A_2716 = arith.constant 38 : i32
        %parallel_loop3A_2717 = arith.addi %parallel_loop3A_275, %parallel_loop3A_2716 : i32
        %parallel_loop3A_2718 = arith.constant 7 : i32
        %parallel_loop3A_2719 = arith.addi %parallel_loop3A_2717, %parallel_loop3A_2718 : i32
        %parallel_loop3A_2720 = arith.index_cast %select_n3A_196 : i32 to index
        %parallel_loop3A_2721 = arith.index_cast %parallel_loop3A_2719 : i32 to index
        %parallel_loop3A_2722 = arith.constant 16 : index
        %parallel_loop3A_2723 = tpu.vector_load %arg9[%parallel_loop3A_2720, %parallel_loop3A_2721, %parallel_loop3A_2722] {strides = array<i32>} : memref<2x400x64xf32, #tpu.memory_space<vmem>>, vector<16xf32>,
        %parallel_loop3A_2724 = arith.constant 38 : i32
        %parallel_loop3A_2725 = arith.addi %parallel_loop3A_275, %parallel_loop3A_2724 : i32
        %parallel_loop3A_2726 = arith.constant 7 : i32
        %parallel_loop3A_2727 = arith.addi %parallel_loop3A_2725, %parallel_loop3A_2726 : i32
        %parallel_loop3A_2728 = arith.index_cast %select_n3A_196 : i32 to index
        %parallel_loop3A_2729 = arith.index_cast %parallel_loop3A_2727 : i32 to index
        %parallel_loop3A_2730 = arith.constant 32 : index
        %parallel_loop3A_2731 = tpu.vector_load %arg9[%parallel_loop3A_2728, %parallel_loop3A_2729, %parallel_loop3A_2730] {strides = array<i32>} : memref<2x400x64xf32, #tpu.memory_space<vmem>>, vector<16xf32>,
        %parallel_loop3A_2732 = arith.constant 38 : i32
        %parallel_loop3A_2733 = arith.addi %parallel_loop3A_275, %parallel_loop3A_2732 : i32
        %parallel_loop3A_2734 = arith.constant 7 : i32
        %parallel_loop3A_2735 = arith.addi %parallel_loop3A_2733, %parallel_loop3A_2734 : i32
        %parallel_loop3A_2736 = arith.index_cast %select_n3A_196 : i32 to index
        %parallel_loop3A_2737 = arith.index_cast %parallel_loop3A_2735 : i32 to index
        %parallel_loop3A_2738 = arith.constant 48 : index
        %parallel_loop3A_2739 = tpu.vector_load %arg9[%parallel_loop3A_2736, %parallel_loop3A_2737, %parallel_loop3A_2738] {strides = array<i32>} : memref<2x400x64xf32, #tpu.memory_space<vmem>>, vector<16xf32>,
        %parallel_loop3A_2740 = arith.mulf %get3A_105, %parallel_loop3A_2299 : vector<16xf32>
        %parallel_loop3A_2741 = arith.mulf %get3A_121, %parallel_loop3A_2619 : vector<16xf32>
        %parallel_loop3A_2742 = arith.addf %parallel_loop3A_2740, %parallel_loop3A_2741 : vector<16xf32>
        %parallel_loop3A_2743 = arith.constant 0.000000e+00 : f32
        %parallel_loop3A_2744 = vector.broadcast %parallel_loop3A_2743 : f32 to vector<16xf32>
        %parallel_loop3A_2745 = arith.maximumf %parallel_loop3A_2742, %parallel_loop3A_2744 : vector<16xf32>
        %parallel_loop3A_2746 = arith.mulf %get3A_109, %parallel_loop3A_2307 : vector<16xf32>
        %parallel_loop3A_2747 = arith.mulf %get3A_125, %parallel_loop3A_2627 : vector<16xf32>
        %parallel_loop3A_2748 = arith.addf %parallel_loop3A_2746, %parallel_loop3A_2747 : vector<16xf32>
        %parallel_loop3A_2749 = arith.constant 0.000000e+00 : f32
        %parallel_loop3A_2750 = vector.broadcast %parallel_loop3A_2749 : f32 to vector<16xf32>
        %parallel_loop3A_2751 = arith.maximumf %parallel_loop3A_2748, %parallel_loop3A_2750 : vector<16xf32>
        %parallel_loop3A_2752 = arith.mulf %get3A_113, %parallel_loop3A_2315 : vector<16xf32>
        %parallel_loop3A_2753 = arith.mulf %get3A_129, %parallel_loop3A_2635 : vector<16xf32>
        %parallel_loop3A_2754 = arith.addf %parallel_loop3A_2752, %parallel_loop3A_2753 : vector<16xf32>
        %parallel_loop3A_2755 = arith.constant 0.000000e+00 : f32
        %parallel_loop3A_2756 = vector.broadcast %parallel_loop3A_2755 : f32 to vector<16xf32>
        %parallel_loop3A_2757 = arith.maximumf %parallel_loop3A_2754, %parallel_loop3A_2756 : vector<16xf32>
        %parallel_loop3A_2758 = arith.mulf %get3A_117, %parallel_loop3A_2323 : vector<16xf32>
        %parallel_loop3A_2759 = arith.mulf %get3A_133, %parallel_loop3A_2643 : vector<16xf32>
        %parallel_loop3A_2760 = arith.addf %parallel_loop3A_2758, %parallel_loop3A_2759 : vector<16xf32>
        %parallel_loop3A_2761 = arith.constant 0.000000e+00 : f32
        %parallel_loop3A_2762 = vector.broadcast %parallel_loop3A_2761 : f32 to vector<16xf32>
        %parallel_loop3A_2763 = arith.maximumf %parallel_loop3A_2760, %parallel_loop3A_2762 : vector<16xf32>
        %parallel_loop3A_2764 = arith.mulf %get3A_105, %parallel_loop3A_2331 : vector<16xf32>
        %parallel_loop3A_2765 = arith.mulf %get3A_121, %parallel_loop3A_2651 : vector<16xf32>
        %parallel_loop3A_2766 = arith.addf %parallel_loop3A_2764, %parallel_loop3A_2765 : vector<16xf32>
        %parallel_loop3A_2767 = arith.constant 0.000000e+00 : f32
        %parallel_loop3A_2768 = vector.broadcast %parallel_loop3A_2767 : f32 to vector<16xf32>
        %parallel_loop3A_2769 = arith.maximumf %parallel_loop3A_2766, %parallel_loop3A_2768 : vector<16xf32>
        %parallel_loop3A_2770 = arith.mulf %get3A_109, %parallel_loop3A_2339 : vector<16xf32>
        %parallel_loop3A_2771 = arith.mulf %get3A_125, %parallel_loop3A_2659 : vector<16xf32>
        %parallel_loop3A_2772 = arith.addf %parallel_loop3A_2770, %parallel_loop3A_2771 : vector<16xf32>
        %parallel_loop3A_2773 = arith.constant 0.000000e+00 : f32
        %parallel_loop3A_2774 = vector.broadcast %parallel_loop3A_2773 : f32 to vector<16xf32>
        %parallel_loop3A_2775 = arith.maximumf %parallel_loop3A_2772, %parallel_loop3A_2774 : vector<16xf32>
        %parallel_loop3A_2776 = arith.mulf %get3A_113, %parallel_loop3A_2347 : vector<16xf32>
        %parallel_loop3A_2777 = arith.mulf %get3A_129, %parallel_loop3A_2667 : vector<16xf32>
        %parallel_loop3A_2778 = arith.addf %parallel_loop3A_2776, %parallel_loop3A_2777 : vector<16xf32>
        %parallel_loop3A_2779 = arith.constant 0.000000e+00 : f32
        %parallel_loop3A_2780 = vector.broadcast %parallel_loop3A_2779 : f32 to vector<16xf32>
        %parallel_loop3A_2781 = arith.maximumf %parallel_loop3A_2778, %parallel_loop3A_2780 : vector<16xf32>
        %parallel_loop3A_2782 = arith.mulf %get3A_117, %parallel_loop3A_2355 : vector<16xf32>
        %parallel_loop3A_2783 = arith.mulf %get3A_133, %parallel_loop3A_2675 : vector<16xf32>
        %parallel_loop3A_2784 = arith.addf %parallel_loop3A_2782, %parallel_loop3A_2783 : vector<16xf32>
        %parallel_loop3A_2785 = arith.constant 0.000000e+00 : f32
        %parallel_loop3A_2786 = vector.broadcast %parallel_loop3A_2785 : f32 to vector<16xf32>
        %parallel_loop3A_2787 = arith.maximumf %parallel_loop3A_2784, %parallel_loop3A_2786 : vector<16xf32>
        %parallel_loop3A_2788 = arith.mulf %get3A_105, %parallel_loop3A_2363 : vector<16xf32>
        %parallel_loop3A_2789 = arith.mulf %get3A_121, %parallel_loop3A_2683 : vector<16xf32>
        %parallel_loop3A_2790 = arith.addf %parallel_loop3A_2788, %parallel_loop3A_2789 : vector<16xf32>
        %parallel_loop3A_2791 = arith.constant 0.000000e+00 : f32
        %parallel_loop3A_2792 = vector.broadcast %parallel_loop3A_2791 : f32 to vector<16xf32>
        %parallel_loop3A_2793 = arith.maximumf %parallel_loop3A_2790, %parallel_loop3A_2792 : vector<16xf32>
        %parallel_loop3A_2794 = arith.mulf %get3A_109, %parallel_loop3A_2371 : vector<16xf32>
        %parallel_loop3A_2795 = arith.mulf %get3A_125, %parallel_loop3A_2691 : vector<16xf32>
        %parallel_loop3A_2796 = arith.addf %parallel_loop3A_2794, %parallel_loop3A_2795 : vector<16xf32>
        %parallel_loop3A_2797 = arith.constant 0.000000e+00 : f32
        %parallel_loop3A_2798 = vector.broadcast %parallel_loop3A_2797 : f32 to vector<16xf32>
        %parallel_loop3A_2799 = arith.maximumf %parallel_loop3A_2796, %parallel_loop3A_2798 : vector<16xf32>
        %parallel_loop3A_2800 = arith.mulf %get3A_113, %parallel_loop3A_2379 : vector<16xf32>
        %parallel_loop3A_2801 = arith.mulf %get3A_129, %parallel_loop3A_2699 : vector<16xf32>
        %parallel_loop3A_2802 = arith.addf %parallel_loop3A_2800, %parallel_loop3A_2801 : vector<16xf32>
        %parallel_loop3A_2803 = arith.constant 0.000000e+00 : f32
        %parallel_loop3A_2804 = vector.broadcast %parallel_loop3A_2803 : f32 to vector<16xf32>
        %parallel_loop3A_2805 = arith.maximumf %parallel_loop3A_2802, %parallel_loop3A_2804 : vector<16xf32>
        %parallel_loop3A_2806 = arith.mulf %get3A_117, %parallel_loop3A_2387 : vector<16xf32>
        %parallel_loop3A_2807 = arith.mulf %get3A_133, %parallel_loop3A_2707 : vector<16xf32>
        %parallel_loop3A_2808 = arith.addf %parallel_loop3A_2806, %parallel_loop3A_2807 : vector<16xf32>
        %parallel_loop3A_2809 = arith.constant 0.000000e+00 : f32
        %parallel_loop3A_2810 = vector.broadcast %parallel_loop3A_2809 : f32 to vector<16xf32>
        %parallel_loop3A_2811 = arith.maximumf %parallel_loop3A_2808, %parallel_loop3A_2810 : vector<16xf32>
        %parallel_loop3A_2812 = arith.mulf %get3A_105, %parallel_loop3A_2395 : vector<16xf32>
        %parallel_loop3A_2813 = arith.mulf %get3A_121, %parallel_loop3A_2715 : vector<16xf32>
        %parallel_loop3A_2814 = arith.addf %parallel_loop3A_2812, %parallel_loop3A_2813 : vector<16xf32>
        %parallel_loop3A_2815 = arith.constant 0.000000e+00 : f32
        %parallel_loop3A_2816 = vector.broadcast %parallel_loop3A_2815 : f32 to vector<16xf32>
        %parallel_loop3A_2817 = arith.maximumf %parallel_loop3A_2814, %parallel_loop3A_2816 : vector<16xf32>
        %parallel_loop3A_2818 = arith.mulf %get3A_109, %parallel_loop3A_2403 : vector<16xf32>
        %parallel_loop3A_2819 = arith.mulf %get3A_125, %parallel_loop3A_2723 : vector<16xf32>
        %parallel_loop3A_2820 = arith.addf %parallel_loop3A_2818, %parallel_loop3A_2819 : vector<16xf32>
        %parallel_loop3A_2821 = arith.constant 0.000000e+00 : f32
        %parallel_loop3A_2822 = vector.broadcast %parallel_loop3A_2821 : f32 to vector<16xf32>
        %parallel_loop3A_2823 = arith.maximumf %parallel_loop3A_2820, %parallel_loop3A_2822 : vector<16xf32>
        %parallel_loop3A_2824 = arith.mulf %get3A_113, %parallel_loop3A_2411 : vector<16xf32>
        %parallel_loop3A_2825 = arith.mulf %get3A_129, %parallel_loop3A_2731 : vector<16xf32>
        %parallel_loop3A_2826 = arith.addf %parallel_loop3A_2824, %parallel_loop3A_2825 : vector<16xf32>
        %parallel_loop3A_2827 = arith.constant 0.000000e+00 : f32
        %parallel_loop3A_2828 = vector.broadcast %parallel_loop3A_2827 : f32 to vector<16xf32>
        %parallel_loop3A_2829 = arith.maximumf %parallel_loop3A_2826, %parallel_loop3A_2828 : vector<16xf32>
        %parallel_loop3A_2830 = arith.mulf %get3A_117, %parallel_loop3A_2419 : vector<16xf32>
        %parallel_loop3A_2831 = arith.mulf %get3A_133, %parallel_loop3A_2739 : vector<16xf32>
        %parallel_loop3A_2832 = arith.addf %parallel_loop3A_2830, %parallel_loop3A_2831 : vector<16xf32>
        %parallel_loop3A_2833 = arith.constant 0.000000e+00 : f32
        %parallel_loop3A_2834 = vector.broadcast %parallel_loop3A_2833 : f32 to vector<16xf32>
        %parallel_loop3A_2835 = arith.maximumf %parallel_loop3A_2832, %parallel_loop3A_2834 : vector<16xf32>
        %parallel_loop3A_2836 = arith.constant 7 : i32
        %parallel_loop3A_2837 = arith.index_cast %select_n3A_196 : i32 to index
        %parallel_loop3A_2838 = arith.index_cast %parallel_loop3A_273 : i32 to index
        %parallel_loop3A_2839 = arith.index_cast %parallel_loop3A_2836 : i32 to index
        %parallel_loop3A_2840 = arith.constant 0 : index
        %parallel_loop3A_2841 = tpu.vector_load %arg10[%parallel_loop3A_2837, %parallel_loop3A_2838, %parallel_loop3A_2839, %parallel_loop3A_2840] {strides = array<i32>} : memref<2x8x50x64xf32, #tpu.memory_space<vmem>>, vector<16xf32>,
        tpu.vector_store %arg10[%parallel_loop3A_2837, %parallel_loop3A_2838, %parallel_loop3A_2839, %parallel_loop3A_2840], %parallel_loop3A_2745 {strides = array<i32>} : memref<2x8x50x64xf32, #tpu.memory_space<vmem>>, vector<16xf32>,
        %parallel_loop3A_2842 = arith.constant 7 : i32
        %parallel_loop3A_2843 = arith.index_cast %select_n3A_196 : i32 to index
        %parallel_loop3A_2844 = arith.index_cast %parallel_loop3A_273 : i32 to index
        %parallel_loop3A_2845 = arith.index_cast %parallel_loop3A_2842 : i32 to index
        %parallel_loop3A_2846 = arith.constant 16 : index
        %parallel_loop3A_2847 = tpu.vector_load %arg10[%parallel_loop3A_2843, %parallel_loop3A_2844, %parallel_loop3A_2845, %parallel_loop3A_2846] {strides = array<i32>} : memref<2x8x50x64xf32, #tpu.memory_space<vmem>>, vector<16xf32>,
        tpu.vector_store %arg10[%parallel_loop3A_2843, %parallel_loop3A_2844, %parallel_loop3A_2845, %parallel_loop3A_2846], %parallel_loop3A_2751 {strides = array<i32>} : memref<2x8x50x64xf32, #tpu.memory_space<vmem>>, vector<16xf32>,
        %parallel_loop3A_2848 = arith.constant 7 : i32
        %parallel_loop3A_2849 = arith.index_cast %select_n3A_196 : i32 to index
        %parallel_loop3A_2850 = arith.index_cast %parallel_loop3A_273 : i32 to index
        %parallel_loop3A_2851 = arith.index_cast %parallel_loop3A_2848 : i32 to index
        %parallel_loop3A_2852 = arith.constant 32 : index
        %parallel_loop3A_2853 = tpu.vector_load %arg10[%parallel_loop3A_2849, %parallel_loop3A_2850, %parallel_loop3A_2851, %parallel_loop3A_2852] {strides = array<i32>} : memref<2x8x50x64xf32, #tpu.memory_space<vmem>>, vector<16xf32>,
        tpu.vector_store %arg10[%parallel_loop3A_2849, %parallel_loop3A_2850, %parallel_loop3A_2851, %parallel_loop3A_2852], %parallel_loop3A_2757 {strides = array<i32>} : memref<2x8x50x64xf32, #tpu.memory_space<vmem>>, vector<16xf32>,
        %parallel_loop3A_2854 = arith.constant 7 : i32
        %parallel_loop3A_2855 = arith.index_cast %select_n3A_196 : i32 to index
        %parallel_loop3A_2856 = arith.index_cast %parallel_loop3A_273 : i32 to index
        %parallel_loop3A_2857 = arith.index_cast %parallel_loop3A_2854 : i32 to index
        %parallel_loop3A_2858 = arith.constant 48 : index
        %parallel_loop3A_2859 = tpu.vector_load %arg10[%parallel_loop3A_2855, %parallel_loop3A_2856, %parallel_loop3A_2857, %parallel_loop3A_2858] {strides = array<i32>} : memref<2x8x50x64xf32, #tpu.memory_space<vmem>>, vector<16xf32>,
        tpu.vector_store %arg10[%parallel_loop3A_2855, %parallel_loop3A_2856, %parallel_loop3A_2857, %parallel_loop3A_2858], %parallel_loop3A_2763 {strides = array<i32>} : memref<2x8x50x64xf32, #tpu.memory_space<vmem>>, vector<16xf32>,
        %parallel_loop3A_2860 = arith.constant 20 : i32
        %parallel_loop3A_2861 = arith.index_cast %select_n3A_196 : i32 to index
        %parallel_loop3A_2862 = arith.index_cast %parallel_loop3A_273 : i32 to index
        %parallel_loop3A_2863 = arith.index_cast %parallel_loop3A_2860 : i32 to index
        %parallel_loop3A_2864 = arith.constant 0 : index
        %parallel_loop3A_2865 = tpu.vector_load %arg10[%parallel_loop3A_2861, %parallel_loop3A_2862, %parallel_loop3A_2863, %parallel_loop3A_2864] {strides = array<i32>} : memref<2x8x50x64xf32, #tpu.memory_space<vmem>>, vector<16xf32>,
        tpu.vector_store %arg10[%parallel_loop3A_2861, %parallel_loop3A_2862, %parallel_loop3A_2863, %parallel_loop3A_2864], %parallel_loop3A_2769 {strides = array<i32>} : memref<2x8x50x64xf32, #tpu.memory_space<vmem>>, vector<16xf32>,
        %parallel_loop3A_2866 = arith.constant 20 : i32
        %parallel_loop3A_2867 = arith.index_cast %select_n3A_196 : i32 to index
        %parallel_loop3A_2868 = arith.index_cast %parallel_loop3A_273 : i32 to index
        %parallel_loop3A_2869 = arith.index_cast %parallel_loop3A_2866 : i32 to index
        %parallel_loop3A_2870 = arith.constant 16 : index
        %parallel_loop3A_2871 = tpu.vector_load %arg10[%parallel_loop3A_2867, %parallel_loop3A_2868, %parallel_loop3A_2869, %parallel_loop3A_2870] {strides = array<i32>} : memref<2x8x50x64xf32, #tpu.memory_space<vmem>>, vector<16xf32>,
        tpu.vector_store %arg10[%parallel_loop3A_2867, %parallel_loop3A_2868, %parallel_loop3A_2869, %parallel_loop3A_2870], %parallel_loop3A_2775 {strides = array<i32>} : memref<2x8x50x64xf32, #tpu.memory_space<vmem>>, vector<16xf32>,
        %parallel_loop3A_2872 = arith.constant 20 : i32
        %parallel_loop3A_2873 = arith.index_cast %select_n3A_196 : i32 to index
        %parallel_loop3A_2874 = arith.index_cast %parallel_loop3A_273 : i32 to index
        %parallel_loop3A_2875 = arith.index_cast %parallel_loop3A_2872 : i32 to index
        %parallel_loop3A_2876 = arith.constant 32 : index
        %parallel_loop3A_2877 = tpu.vector_load %arg10[%parallel_loop3A_2873, %parallel_loop3A_2874, %parallel_loop3A_2875, %parallel_loop3A_2876] {strides = array<i32>} : memref<2x8x50x64xf32, #tpu.memory_space<vmem>>, vector<16xf32>,
        tpu.vector_store %arg10[%parallel_loop3A_2873, %parallel_loop3A_2874, %parallel_loop3A_2875, %parallel_loop3A_2876], %parallel_loop3A_2781 {strides = array<i32>} : memref<2x8x50x64xf32, #tpu.memory_space<vmem>>, vector<16xf32>,
        %parallel_loop3A_2878 = arith.constant 20 : i32
        %parallel_loop3A_2879 = arith.index_cast %select_n3A_196 : i32 to index
        %parallel_loop3A_2880 = arith.index_cast %parallel_loop3A_273 : i32 to index
        %parallel_loop3A_2881 = arith.index_cast %parallel_loop3A_2878 : i32 to index
        %parallel_loop3A_2882 = arith.constant 48 : index
        %parallel_loop3A_2883 = tpu.vector_load %arg10[%parallel_loop3A_2879, %parallel_loop3A_2880, %parallel_loop3A_2881, %parallel_loop3A_2882] {strides = array<i32>} : memref<2x8x50x64xf32, #tpu.memory_space<vmem>>, vector<16xf32>,
        tpu.vector_store %arg10[%parallel_loop3A_2879, %parallel_loop3A_2880, %parallel_loop3A_2881, %parallel_loop3A_2882], %parallel_loop3A_2787 {strides = array<i32>} : memref<2x8x50x64xf32, #tpu.memory_space<vmem>>, vector<16xf32>,
        %parallel_loop3A_2884 = arith.constant 32 : i32
        %parallel_loop3A_2885 = arith.index_cast %select_n3A_196 : i32 to index
        %parallel_loop3A_2886 = arith.index_cast %parallel_loop3A_273 : i32 to index
        %parallel_loop3A_2887 = arith.index_cast %parallel_loop3A_2884 : i32 to index
        %parallel_loop3A_2888 = arith.constant 0 : index
        %parallel_loop3A_2889 = tpu.vector_load %arg10[%parallel_loop3A_2885, %parallel_loop3A_2886, %parallel_loop3A_2887, %parallel_loop3A_2888] {strides = array<i32>} : memref<2x8x50x64xf32, #tpu.memory_space<vmem>>, vector<16xf32>,
        tpu.vector_store %arg10[%parallel_loop3A_2885, %parallel_loop3A_2886, %parallel_loop3A_2887, %parallel_loop3A_2888], %parallel_loop3A_2793 {strides = array<i32>} : memref<2x8x50x64xf32, #tpu.memory_space<vmem>>, vector<16xf32>,
        %parallel_loop3A_2890 = arith.constant 32 : i32
        %parallel_loop3A_2891 = arith.index_cast %select_n3A_196 : i32 to index
        %parallel_loop3A_2892 = arith.index_cast %parallel_loop3A_273 : i32 to index
        %parallel_loop3A_2893 = arith.index_cast %parallel_loop3A_2890 : i32 to index
        %parallel_loop3A_2894 = arith.constant 16 : index
        %parallel_loop3A_2895 = tpu.vector_load %arg10[%parallel_loop3A_2891, %parallel_loop3A_2892, %parallel_loop3A_2893, %parallel_loop3A_2894] {strides = array<i32>} : memref<2x8x50x64xf32, #tpu.memory_space<vmem>>, vector<16xf32>,
        tpu.vector_store %arg10[%parallel_loop3A_2891, %parallel_loop3A_2892, %parallel_loop3A_2893, %parallel_loop3A_2894], %parallel_loop3A_2799 {strides = array<i32>} : memref<2x8x50x64xf32, #tpu.memory_space<vmem>>, vector<16xf32>,
        %parallel_loop3A_2896 = arith.constant 32 : i32
        %parallel_loop3A_2897 = arith.index_cast %select_n3A_196 : i32 to index
        %parallel_loop3A_2898 = arith.index_cast %parallel_loop3A_273 : i32 to index
        %parallel_loop3A_2899 = arith.index_cast %parallel_loop3A_2896 : i32 to index
        %parallel_loop3A_2900 = arith.constant 32 : index
        %parallel_loop3A_2901 = tpu.vector_load %arg10[%parallel_loop3A_2897, %parallel_loop3A_2898, %parallel_loop3A_2899, %parallel_loop3A_2900] {strides = array<i32>} : memref<2x8x50x64xf32, #tpu.memory_space<vmem>>, vector<16xf32>,
        tpu.vector_store %arg10[%parallel_loop3A_2897, %parallel_loop3A_2898, %parallel_loop3A_2899, %parallel_loop3A_2900], %parallel_loop3A_2805 {strides = array<i32>} : memref<2x8x50x64xf32, #tpu.memory_space<vmem>>, vector<16xf32>,
        %parallel_loop3A_2902 = arith.constant 32 : i32
        %parallel_loop3A_2903 = arith.index_cast %select_n3A_196 : i32 to index
        %parallel_loop3A_2904 = arith.index_cast %parallel_loop3A_273 : i32 to index
        %parallel_loop3A_2905 = arith.index_cast %parallel_loop3A_2902 : i32 to index
        %parallel_loop3A_2906 = arith.constant 48 : index
        %parallel_loop3A_2907 = tpu.vector_load %arg10[%parallel_loop3A_2903, %parallel_loop3A_2904, %parallel_loop3A_2905, %parallel_loop3A_2906] {strides = array<i32>} : memref<2x8x50x64xf32, #tpu.memory_space<vmem>>, vector<16xf32>,
        tpu.vector_store %arg10[%parallel_loop3A_2903, %parallel_loop3A_2904, %parallel_loop3A_2905, %parallel_loop3A_2906], %parallel_loop3A_2811 {strides = array<i32>} : memref<2x8x50x64xf32, #tpu.memory_space<vmem>>, vector<16xf32>,
        %parallel_loop3A_2908 = arith.constant 45 : i32
        %parallel_loop3A_2909 = arith.index_cast %select_n3A_196 : i32 to index
        %parallel_loop3A_2910 = arith.index_cast %parallel_loop3A_273 : i32 to index
        %parallel_loop3A_2911 = arith.index_cast %parallel_loop3A_2908 : i32 to index
        %parallel_loop3A_2912 = arith.constant 0 : index
        %parallel_loop3A_2913 = tpu.vector_load %arg10[%parallel_loop3A_2909, %parallel_loop3A_2910, %parallel_loop3A_2911, %parallel_loop3A_2912] {strides = array<i32>} : memref<2x8x50x64xf32, #tpu.memory_space<vmem>>, vector<16xf32>,
        tpu.vector_store %arg10[%parallel_loop3A_2909, %parallel_loop3A_2910, %parallel_loop3A_2911, %parallel_loop3A_2912], %parallel_loop3A_2817 {strides = array<i32>} : memref<2x8x50x64xf32, #tpu.memory_space<vmem>>, vector<16xf32>,
        %parallel_loop3A_2914 = arith.constant 45 : i32
        %parallel_loop3A_2915 = arith.index_cast %select_n3A_196 : i32 to index
        %parallel_loop3A_2916 = arith.index_cast %parallel_loop3A_273 : i32 to index
        %parallel_loop3A_2917 = arith.index_cast %parallel_loop3A_2914 : i32 to index
        %parallel_loop3A_2918 = arith.constant 16 : index
        %parallel_loop3A_2919 = tpu.vector_load %arg10[%parallel_loop3A_2915, %parallel_loop3A_2916, %parallel_loop3A_2917, %parallel_loop3A_2918] {strides = array<i32>} : memref<2x8x50x64xf32, #tpu.memory_space<vmem>>, vector<16xf32>,
        tpu.vector_store %arg10[%parallel_loop3A_2915, %parallel_loop3A_2916, %parallel_loop3A_2917, %parallel_loop3A_2918], %parallel_loop3A_2823 {strides = array<i32>} : memref<2x8x50x64xf32, #tpu.memory_space<vmem>>, vector<16xf32>,
        %parallel_loop3A_2920 = arith.constant 45 : i32
        %parallel_loop3A_2921 = arith.index_cast %select_n3A_196 : i32 to index
        %parallel_loop3A_2922 = arith.index_cast %parallel_loop3A_273 : i32 to index
        %parallel_loop3A_2923 = arith.index_cast %parallel_loop3A_2920 : i32 to index
        %parallel_loop3A_2924 = arith.constant 32 : index
        %parallel_loop3A_2925 = tpu.vector_load %arg10[%parallel_loop3A_2921, %parallel_loop3A_2922, %parallel_loop3A_2923, %parallel_loop3A_2924] {strides = array<i32>} : memref<2x8x50x64xf32, #tpu.memory_space<vmem>>, vector<16xf32>,
        tpu.vector_store %arg10[%parallel_loop3A_2921, %parallel_loop3A_2922, %parallel_loop3A_2923, %parallel_loop3A_2924], %parallel_loop3A_2829 {strides = array<i32>} : memref<2x8x50x64xf32, #tpu.memory_space<vmem>>, vector<16xf32>,
        %parallel_loop3A_2926 = arith.constant 45 : i32
        %parallel_loop3A_2927 = arith.index_cast %select_n3A_196 : i32 to index
        %parallel_loop3A_2928 = arith.index_cast %parallel_loop3A_273 : i32 to index
        %parallel_loop3A_2929 = arith.index_cast %parallel_loop3A_2926 : i32 to index
        %parallel_loop3A_2930 = arith.constant 48 : index
        %parallel_loop3A_2931 = tpu.vector_load %arg10[%parallel_loop3A_2927, %parallel_loop3A_2928, %parallel_loop3A_2929, %parallel_loop3A_2930] {strides = array<i32>} : memref<2x8x50x64xf32, #tpu.memory_space<vmem>>, vector<16xf32>,
        tpu.vector_store %arg10[%parallel_loop3A_2927, %parallel_loop3A_2928, %parallel_loop3A_2929, %parallel_loop3A_2930], %parallel_loop3A_2835 {strides = array<i32>} : memref<2x8x50x64xf32, #tpu.memory_space<vmem>>, vector<16xf32>,
        %parallel_loop3A_2932 = arith.constant 0 : i32
        %parallel_loop3A_2933 = arith.addi %parallel_loop3A_275, %parallel_loop3A_2932 : i32
        %parallel_loop3A_2934 = arith.constant 8 : i32
        %parallel_loop3A_2935 = arith.addi %parallel_loop3A_2933, %parallel_loop3A_2934 : i32
        %parallel_loop3A_2936 = arith.index_cast %select_n3A_196 : i32 to index
        %parallel_loop3A_2937 = arith.index_cast %parallel_loop3A_2935 : i32 to index
        %parallel_loop3A_2938 = arith.constant 0 : index
        %parallel_loop3A_2939 = tpu.vector_load %arg9[%parallel_loop3A_2936, %parallel_loop3A_2937, %parallel_loop3A_2938] {strides = array<i32>} : memref<2x400x64xf32, #tpu.memory_space<vmem>>, vector<16xf32>,
        %parallel_loop3A_2940 = arith.constant 0 : i32
        %parallel_loop3A_2941 = arith.addi %parallel_loop3A_275, %parallel_loop3A_2940 : i32
        %parallel_loop3A_2942 = arith.constant 8 : i32
        %parallel_loop3A_2943 = arith.addi %parallel_loop3A_2941, %parallel_loop3A_2942 : i32
        %parallel_loop3A_2944 = arith.index_cast %select_n3A_196 : i32 to index
        %parallel_loop3A_2945 = arith.index_cast %parallel_loop3A_2943 : i32 to index
        %parallel_loop3A_2946 = arith.constant 16 : index
        %parallel_loop3A_2947 = tpu.vector_load %arg9[%parallel_loop3A_2944, %parallel_loop3A_2945, %parallel_loop3A_2946] {strides = array<i32>} : memref<2x400x64xf32, #tpu.memory_space<vmem>>, vector<16xf32>,
        %parallel_loop3A_2948 = arith.constant 0 : i32
        %parallel_loop3A_2949 = arith.addi %parallel_loop3A_275, %parallel_loop3A_2948 : i32
        %parallel_loop3A_2950 = arith.constant 8 : i32
        %parallel_loop3A_2951 = arith.addi %parallel_loop3A_2949, %parallel_loop3A_2950 : i32
        %parallel_loop3A_2952 = arith.index_cast %select_n3A_196 : i32 to index
        %parallel_loop3A_2953 = arith.index_cast %parallel_loop3A_2951 : i32 to index
        %parallel_loop3A_2954 = arith.constant 32 : index
        %parallel_loop3A_2955 = tpu.vector_load %arg9[%parallel_loop3A_2952, %parallel_loop3A_2953, %parallel_loop3A_2954] {strides = array<i32>} : memref<2x400x64xf32, #tpu.memory_space<vmem>>, vector<16xf32>,
        %parallel_loop3A_2956 = arith.constant 0 : i32
        %parallel_loop3A_2957 = arith.addi %parallel_loop3A_275, %parallel_loop3A_2956 : i32
        %parallel_loop3A_2958 = arith.constant 8 : i32
        %parallel_loop3A_2959 = arith.addi %parallel_loop3A_2957, %parallel_loop3A_2958 : i32
        %parallel_loop3A_2960 = arith.index_cast %select_n3A_196 : i32 to index
        %parallel_loop3A_2961 = arith.index_cast %parallel_loop3A_2959 : i32 to index
        %parallel_loop3A_2962 = arith.constant 48 : index
        %parallel_loop3A_2963 = tpu.vector_load %arg9[%parallel_loop3A_2960, %parallel_loop3A_2961, %parallel_loop3A_2962] {strides = array<i32>} : memref<2x400x64xf32, #tpu.memory_space<vmem>>, vector<16xf32>,
        %parallel_loop3A_2964 = arith.constant 13 : i32
        %parallel_loop3A_2965 = arith.addi %parallel_loop3A_275, %parallel_loop3A_2964 : i32
        %parallel_loop3A_2966 = arith.constant 8 : i32
        %parallel_loop3A_2967 = arith.addi %parallel_loop3A_2965, %parallel_loop3A_2966 : i32
        %parallel_loop3A_2968 = arith.index_cast %select_n3A_196 : i32 to index
        %parallel_loop3A_2969 = arith.index_cast %parallel_loop3A_2967 : i32 to index
        %parallel_loop3A_2970 = arith.constant 0 : index
        %parallel_loop3A_2971 = tpu.vector_load %arg9[%parallel_loop3A_2968, %parallel_loop3A_2969, %parallel_loop3A_2970] {strides = array<i32>} : memref<2x400x64xf32, #tpu.memory_space<vmem>>, vector<16xf32>,
        %parallel_loop3A_2972 = arith.constant 13 : i32
        %parallel_loop3A_2973 = arith.addi %parallel_loop3A_275, %parallel_loop3A_2972 : i32
        %parallel_loop3A_2974 = arith.constant 8 : i32
        %parallel_loop3A_2975 = arith.addi %parallel_loop3A_2973, %parallel_loop3A_2974 : i32
        %parallel_loop3A_2976 = arith.index_cast %select_n3A_196 : i32 to index
        %parallel_loop3A_2977 = arith.index_cast %parallel_loop3A_2975 : i32 to index
        %parallel_loop3A_2978 = arith.constant 16 : index
        %parallel_loop3A_2979 = tpu.vector_load %arg9[%parallel_loop3A_2976, %parallel_loop3A_2977, %parallel_loop3A_2978] {strides = array<i32>} : memref<2x400x64xf32, #tpu.memory_space<vmem>>, vector<16xf32>,
        %parallel_loop3A_2980 = arith.constant 13 : i32
        %parallel_loop3A_2981 = arith.addi %parallel_loop3A_275, %parallel_loop3A_2980 : i32
        %parallel_loop3A_2982 = arith.constant 8 : i32
        %parallel_loop3A_2983 = arith.addi %parallel_loop3A_2981, %parallel_loop3A_2982 : i32
        %parallel_loop3A_2984 = arith.index_cast %select_n3A_196 : i32 to index
        %parallel_loop3A_2985 = arith.index_cast %parallel_loop3A_2983 : i32 to index
        %parallel_loop3A_2986 = arith.constant 32 : index
        %parallel_loop3A_2987 = tpu.vector_load %arg9[%parallel_loop3A_2984, %parallel_loop3A_2985, %parallel_loop3A_2986] {strides = array<i32>} : memref<2x400x64xf32, #tpu.memory_space<vmem>>, vector<16xf32>,
        %parallel_loop3A_2988 = arith.constant 13 : i32
        %parallel_loop3A_2989 = arith.addi %parallel_loop3A_275, %parallel_loop3A_2988 : i32
        %parallel_loop3A_2990 = arith.constant 8 : i32
        %parallel_loop3A_2991 = arith.addi %parallel_loop3A_2989, %parallel_loop3A_2990 : i32
        %parallel_loop3A_2992 = arith.index_cast %select_n3A_196 : i32 to index
        %parallel_loop3A_2993 = arith.index_cast %parallel_loop3A_2991 : i32 to index
        %parallel_loop3A_2994 = arith.constant 48 : index
        %parallel_loop3A_2995 = tpu.vector_load %arg9[%parallel_loop3A_2992, %parallel_loop3A_2993, %parallel_loop3A_2994] {strides = array<i32>} : memref<2x400x64xf32, #tpu.memory_space<vmem>>, vector<16xf32>,
        %parallel_loop3A_2996 = arith.constant 25 : i32
        %parallel_loop3A_2997 = arith.addi %parallel_loop3A_275, %parallel_loop3A_2996 : i32
        %parallel_loop3A_2998 = arith.constant 8 : i32
        %parallel_loop3A_2999 = arith.addi %parallel_loop3A_2997, %parallel_loop3A_2998 : i32
        %parallel_loop3A_3000 = arith.index_cast %select_n3A_196 : i32 to index
        %parallel_loop3A_3001 = arith.index_cast %parallel_loop3A_2999 : i32 to index
        %parallel_loop3A_3002 = arith.constant 0 : index
        %parallel_loop3A_3003 = tpu.vector_load %arg9[%parallel_loop3A_3000, %parallel_loop3A_3001, %parallel_loop3A_3002] {strides = array<i32>} : memref<2x400x64xf32, #tpu.memory_space<vmem>>, vector<16xf32>,
        %parallel_loop3A_3004 = arith.constant 25 : i32
        %parallel_loop3A_3005 = arith.addi %parallel_loop3A_275, %parallel_loop3A_3004 : i32
        %parallel_loop3A_3006 = arith.constant 8 : i32
        %parallel_loop3A_3007 = arith.addi %parallel_loop3A_3005, %parallel_loop3A_3006 : i32
        %parallel_loop3A_3008 = arith.index_cast %select_n3A_196 : i32 to index
        %parallel_loop3A_3009 = arith.index_cast %parallel_loop3A_3007 : i32 to index
        %parallel_loop3A_3010 = arith.constant 16 : index
        %parallel_loop3A_3011 = tpu.vector_load %arg9[%parallel_loop3A_3008, %parallel_loop3A_3009, %parallel_loop3A_3010] {strides = array<i32>} : memref<2x400x64xf32, #tpu.memory_space<vmem>>, vector<16xf32>,
        %parallel_loop3A_3012 = arith.constant 25 : i32
        %parallel_loop3A_3013 = arith.addi %parallel_loop3A_275, %parallel_loop3A_3012 : i32
        %parallel_loop3A_3014 = arith.constant 8 : i32
        %parallel_loop3A_3015 = arith.addi %parallel_loop3A_3013, %parallel_loop3A_3014 : i32
        %parallel_loop3A_3016 = arith.index_cast %select_n3A_196 : i32 to index
        %parallel_loop3A_3017 = arith.index_cast %parallel_loop3A_3015 : i32 to index
        %parallel_loop3A_3018 = arith.constant 32 : index
        %parallel_loop3A_3019 = tpu.vector_load %arg9[%parallel_loop3A_3016, %parallel_loop3A_3017, %parallel_loop3A_3018] {strides = array<i32>} : memref<2x400x64xf32, #tpu.memory_space<vmem>>, vector<16xf32>,
        %parallel_loop3A_3020 = arith.constant 25 : i32
        %parallel_loop3A_3021 = arith.addi %parallel_loop3A_275, %parallel_loop3A_3020 : i32
        %parallel_loop3A_3022 = arith.constant 8 : i32
        %parallel_loop3A_3023 = arith.addi %parallel_loop3A_3021, %parallel_loop3A_3022 : i32
        %parallel_loop3A_3024 = arith.index_cast %select_n3A_196 : i32 to index
        %parallel_loop3A_3025 = arith.index_cast %parallel_loop3A_3023 : i32 to index
        %parallel_loop3A_3026 = arith.constant 48 : index
        %parallel_loop3A_3027 = tpu.vector_load %arg9[%parallel_loop3A_3024, %parallel_loop3A_3025, %parallel_loop3A_3026] {strides = array<i32>} : memref<2x400x64xf32, #tpu.memory_space<vmem>>, vector<16xf32>,
        %parallel_loop3A_3028 = arith.constant 38 : i32
        %parallel_loop3A_3029 = arith.addi %parallel_loop3A_275, %parallel_loop3A_3028 : i32
        %parallel_loop3A_3030 = arith.constant 8 : i32
        %parallel_loop3A_3031 = arith.addi %parallel_loop3A_3029, %parallel_loop3A_3030 : i32
        %parallel_loop3A_3032 = arith.index_cast %select_n3A_196 : i32 to index
        %parallel_loop3A_3033 = arith.index_cast %parallel_loop3A_3031 : i32 to index
        %parallel_loop3A_3034 = arith.constant 0 : index
        %parallel_loop3A_3035 = tpu.vector_load %arg9[%parallel_loop3A_3032, %parallel_loop3A_3033, %parallel_loop3A_3034] {strides = array<i32>} : memref<2x400x64xf32, #tpu.memory_space<vmem>>, vector<16xf32>,
        %parallel_loop3A_3036 = arith.constant 38 : i32
        %parallel_loop3A_3037 = arith.addi %parallel_loop3A_275, %parallel_loop3A_3036 : i32
        %parallel_loop3A_3038 = arith.constant 8 : i32
        %parallel_loop3A_3039 = arith.addi %parallel_loop3A_3037, %parallel_loop3A_3038 : i32
        %parallel_loop3A_3040 = arith.index_cast %select_n3A_196 : i32 to index
        %parallel_loop3A_3041 = arith.index_cast %parallel_loop3A_3039 : i32 to index
        %parallel_loop3A_3042 = arith.constant 16 : index
        %parallel_loop3A_3043 = tpu.vector_load %arg9[%parallel_loop3A_3040, %parallel_loop3A_3041, %parallel_loop3A_3042] {strides = array<i32>} : memref<2x400x64xf32, #tpu.memory_space<vmem>>, vector<16xf32>,
        %parallel_loop3A_3044 = arith.constant 38 : i32
        %parallel_loop3A_3045 = arith.addi %parallel_loop3A_275, %parallel_loop3A_3044 : i32
        %parallel_loop3A_3046 = arith.constant 8 : i32
        %parallel_loop3A_3047 = arith.addi %parallel_loop3A_3045, %parallel_loop3A_3046 : i32
        %parallel_loop3A_3048 = arith.index_cast %select_n3A_196 : i32 to index
        %parallel_loop3A_3049 = arith.index_cast %parallel_loop3A_3047 : i32 to index
        %parallel_loop3A_3050 = arith.constant 32 : index
        %parallel_loop3A_3051 = tpu.vector_load %arg9[%parallel_loop3A_3048, %parallel_loop3A_3049, %parallel_loop3A_3050] {strides = array<i32>} : memref<2x400x64xf32, #tpu.memory_space<vmem>>, vector<16xf32>,
        %parallel_loop3A_3052 = arith.constant 38 : i32
        %parallel_loop3A_3053 = arith.addi %parallel_loop3A_275, %parallel_loop3A_3052 : i32
        %parallel_loop3A_3054 = arith.constant 8 : i32
        %parallel_loop3A_3055 = arith.addi %parallel_loop3A_3053, %parallel_loop3A_3054 : i32
        %parallel_loop3A_3056 = arith.index_cast %select_n3A_196 : i32 to index
        %parallel_loop3A_3057 = arith.index_cast %parallel_loop3A_3055 : i32 to index
        %parallel_loop3A_3058 = arith.constant 48 : index
        %parallel_loop3A_3059 = tpu.vector_load %arg9[%parallel_loop3A_3056, %parallel_loop3A_3057, %parallel_loop3A_3058] {strides = array<i32>} : memref<2x400x64xf32, #tpu.memory_space<vmem>>, vector<16xf32>,
        %parallel_loop3A_3060 = arith.mulf %get3A_105, %parallel_loop3A_2619 : vector<16xf32>
        %parallel_loop3A_3061 = arith.mulf %get3A_121, %parallel_loop3A_2939 : vector<16xf32>
        %parallel_loop3A_3062 = arith.addf %parallel_loop3A_3060, %parallel_loop3A_3061 : vector<16xf32>
        %parallel_loop3A_3063 = arith.constant 0.000000e+00 : f32
        %parallel_loop3A_3064 = vector.broadcast %parallel_loop3A_3063 : f32 to vector<16xf32>
        %parallel_loop3A_3065 = arith.maximumf %parallel_loop3A_3062, %parallel_loop3A_3064 : vector<16xf32>
        %parallel_loop3A_3066 = arith.mulf %get3A_109, %parallel_loop3A_2627 : vector<16xf32>
        %parallel_loop3A_3067 = arith.mulf %get3A_125, %parallel_loop3A_2947 : vector<16xf32>
        %parallel_loop3A_3068 = arith.addf %parallel_loop3A_3066, %parallel_loop3A_3067 : vector<16xf32>
        %parallel_loop3A_3069 = arith.constant 0.000000e+00 : f32
        %parallel_loop3A_3070 = vector.broadcast %parallel_loop3A_3069 : f32 to vector<16xf32>
        %parallel_loop3A_3071 = arith.maximumf %parallel_loop3A_3068, %parallel_loop3A_3070 : vector<16xf32>
        %parallel_loop3A_3072 = arith.mulf %get3A_113, %parallel_loop3A_2635 : vector<16xf32>
        %parallel_loop3A_3073 = arith.mulf %get3A_129, %parallel_loop3A_2955 : vector<16xf32>
        %parallel_loop3A_3074 = arith.addf %parallel_loop3A_3072, %parallel_loop3A_3073 : vector<16xf32>
        %parallel_loop3A_3075 = arith.constant 0.000000e+00 : f32
        %parallel_loop3A_3076 = vector.broadcast %parallel_loop3A_3075 : f32 to vector<16xf32>
        %parallel_loop3A_3077 = arith.maximumf %parallel_loop3A_3074, %parallel_loop3A_3076 : vector<16xf32>
        %parallel_loop3A_3078 = arith.mulf %get3A_117, %parallel_loop3A_2643 : vector<16xf32>
        %parallel_loop3A_3079 = arith.mulf %get3A_133, %parallel_loop3A_2963 : vector<16xf32>
        %parallel_loop3A_3080 = arith.addf %parallel_loop3A_3078, %parallel_loop3A_3079 : vector<16xf32>
        %parallel_loop3A_3081 = arith.constant 0.000000e+00 : f32
        %parallel_loop3A_3082 = vector.broadcast %parallel_loop3A_3081 : f32 to vector<16xf32>
        %parallel_loop3A_3083 = arith.maximumf %parallel_loop3A_3080, %parallel_loop3A_3082 : vector<16xf32>
        %parallel_loop3A_3084 = arith.mulf %get3A_105, %parallel_loop3A_2651 : vector<16xf32>
        %parallel_loop3A_3085 = arith.mulf %get3A_121, %parallel_loop3A_2971 : vector<16xf32>
        %parallel_loop3A_3086 = arith.addf %parallel_loop3A_3084, %parallel_loop3A_3085 : vector<16xf32>
        %parallel_loop3A_3087 = arith.constant 0.000000e+00 : f32
        %parallel_loop3A_3088 = vector.broadcast %parallel_loop3A_3087 : f32 to vector<16xf32>
        %parallel_loop3A_3089 = arith.maximumf %parallel_loop3A_3086, %parallel_loop3A_3088 : vector<16xf32>
        %parallel_loop3A_3090 = arith.mulf %get3A_109, %parallel_loop3A_2659 : vector<16xf32>
        %parallel_loop3A_3091 = arith.mulf %get3A_125, %parallel_loop3A_2979 : vector<16xf32>
        %parallel_loop3A_3092 = arith.addf %parallel_loop3A_3090, %parallel_loop3A_3091 : vector<16xf32>
        %parallel_loop3A_3093 = arith.constant 0.000000e+00 : f32
        %parallel_loop3A_3094 = vector.broadcast %parallel_loop3A_3093 : f32 to vector<16xf32>
        %parallel_loop3A_3095 = arith.maximumf %parallel_loop3A_3092, %parallel_loop3A_3094 : vector<16xf32>
        %parallel_loop3A_3096 = arith.mulf %get3A_113, %parallel_loop3A_2667 : vector<16xf32>
        %parallel_loop3A_3097 = arith.mulf %get3A_129, %parallel_loop3A_2987 : vector<16xf32>
        %parallel_loop3A_3098 = arith.addf %parallel_loop3A_3096, %parallel_loop3A_3097 : vector<16xf32>
        %parallel_loop3A_3099 = arith.constant 0.000000e+00 : f32
        %parallel_loop3A_3100 = vector.broadcast %parallel_loop3A_3099 : f32 to vector<16xf32>
        %parallel_loop3A_3101 = arith.maximumf %parallel_loop3A_3098, %parallel_loop3A_3100 : vector<16xf32>
        %parallel_loop3A_3102 = arith.mulf %get3A_117, %parallel_loop3A_2675 : vector<16xf32>
        %parallel_loop3A_3103 = arith.mulf %get3A_133, %parallel_loop3A_2995 : vector<16xf32>
        %parallel_loop3A_3104 = arith.addf %parallel_loop3A_3102, %parallel_loop3A_3103 : vector<16xf32>
        %parallel_loop3A_3105 = arith.constant 0.000000e+00 : f32
        %parallel_loop3A_3106 = vector.broadcast %parallel_loop3A_3105 : f32 to vector<16xf32>
        %parallel_loop3A_3107 = arith.maximumf %parallel_loop3A_3104, %parallel_loop3A_3106 : vector<16xf32>
        %parallel_loop3A_3108 = arith.mulf %get3A_105, %parallel_loop3A_2683 : vector<16xf32>
        %parallel_loop3A_3109 = arith.mulf %get3A_121, %parallel_loop3A_3003 : vector<16xf32>
        %parallel_loop3A_3110 = arith.addf %parallel_loop3A_3108, %parallel_loop3A_3109 : vector<16xf32>
        %parallel_loop3A_3111 = arith.constant 0.000000e+00 : f32
        %parallel_loop3A_3112 = vector.broadcast %parallel_loop3A_3111 : f32 to vector<16xf32>
        %parallel_loop3A_3113 = arith.maximumf %parallel_loop3A_3110, %parallel_loop3A_3112 : vector<16xf32>
        %parallel_loop3A_3114 = arith.mulf %get3A_109, %parallel_loop3A_2691 : vector<16xf32>
        %parallel_loop3A_3115 = arith.mulf %get3A_125, %parallel_loop3A_3011 : vector<16xf32>
        %parallel_loop3A_3116 = arith.addf %parallel_loop3A_3114, %parallel_loop3A_3115 : vector<16xf32>
        %parallel_loop3A_3117 = arith.constant 0.000000e+00 : f32
        %parallel_loop3A_3118 = vector.broadcast %parallel_loop3A_3117 : f32 to vector<16xf32>
        %parallel_loop3A_3119 = arith.maximumf %parallel_loop3A_3116, %parallel_loop3A_3118 : vector<16xf32>
        %parallel_loop3A_3120 = arith.mulf %get3A_113, %parallel_loop3A_2699 : vector<16xf32>
        %parallel_loop3A_3121 = arith.mulf %get3A_129, %parallel_loop3A_3019 : vector<16xf32>
        %parallel_loop3A_3122 = arith.addf %parallel_loop3A_3120, %parallel_loop3A_3121 : vector<16xf32>
        %parallel_loop3A_3123 = arith.constant 0.000000e+00 : f32
        %parallel_loop3A_3124 = vector.broadcast %parallel_loop3A_3123 : f32 to vector<16xf32>
        %parallel_loop3A_3125 = arith.maximumf %parallel_loop3A_3122, %parallel_loop3A_3124 : vector<16xf32>
        %parallel_loop3A_3126 = arith.mulf %get3A_117, %parallel_loop3A_2707 : vector<16xf32>
        %parallel_loop3A_3127 = arith.mulf %get3A_133, %parallel_loop3A_3027 : vector<16xf32>
        %parallel_loop3A_3128 = arith.addf %parallel_loop3A_3126, %parallel_loop3A_3127 : vector<16xf32>
        %parallel_loop3A_3129 = arith.constant 0.000000e+00 : f32
        %parallel_loop3A_3130 = vector.broadcast %parallel_loop3A_3129 : f32 to vector<16xf32>
        %parallel_loop3A_3131 = arith.maximumf %parallel_loop3A_3128, %parallel_loop3A_3130 : vector<16xf32>
        %parallel_loop3A_3132 = arith.mulf %get3A_105, %parallel_loop3A_2715 : vector<16xf32>
        %parallel_loop3A_3133 = arith.mulf %get3A_121, %parallel_loop3A_3035 : vector<16xf32>
        %parallel_loop3A_3134 = arith.addf %parallel_loop3A_3132, %parallel_loop3A_3133 : vector<16xf32>
        %parallel_loop3A_3135 = arith.constant 0.000000e+00 : f32
        %parallel_loop3A_3136 = vector.broadcast %parallel_loop3A_3135 : f32 to vector<16xf32>
        %parallel_loop3A_3137 = arith.maximumf %parallel_loop3A_3134, %parallel_loop3A_3136 : vector<16xf32>
        %parallel_loop3A_3138 = arith.mulf %get3A_109, %parallel_loop3A_2723 : vector<16xf32>
        %parallel_loop3A_3139 = arith.mulf %get3A_125, %parallel_loop3A_3043 : vector<16xf32>
        %parallel_loop3A_3140 = arith.addf %parallel_loop3A_3138, %parallel_loop3A_3139 : vector<16xf32>
        %parallel_loop3A_3141 = arith.constant 0.000000e+00 : f32
        %parallel_loop3A_3142 = vector.broadcast %parallel_loop3A_3141 : f32 to vector<16xf32>
        %parallel_loop3A_3143 = arith.maximumf %parallel_loop3A_3140, %parallel_loop3A_3142 : vector<16xf32>
        %parallel_loop3A_3144 = arith.mulf %get3A_113, %parallel_loop3A_2731 : vector<16xf32>
        %parallel_loop3A_3145 = arith.mulf %get3A_129, %parallel_loop3A_3051 : vector<16xf32>
        %parallel_loop3A_3146 = arith.addf %parallel_loop3A_3144, %parallel_loop3A_3145 : vector<16xf32>
        %parallel_loop3A_3147 = arith.constant 0.000000e+00 : f32
        %parallel_loop3A_3148 = vector.broadcast %parallel_loop3A_3147 : f32 to vector<16xf32>
        %parallel_loop3A_3149 = arith.maximumf %parallel_loop3A_3146, %parallel_loop3A_3148 : vector<16xf32>
        %parallel_loop3A_3150 = arith.mulf %get3A_117, %parallel_loop3A_2739 : vector<16xf32>
        %parallel_loop3A_3151 = arith.mulf %get3A_133, %parallel_loop3A_3059 : vector<16xf32>
        %parallel_loop3A_3152 = arith.addf %parallel_loop3A_3150, %parallel_loop3A_3151 : vector<16xf32>
        %parallel_loop3A_3153 = arith.constant 0.000000e+00 : f32
        %parallel_loop3A_3154 = vector.broadcast %parallel_loop3A_3153 : f32 to vector<16xf32>
        %parallel_loop3A_3155 = arith.maximumf %parallel_loop3A_3152, %parallel_loop3A_3154 : vector<16xf32>
        %parallel_loop3A_3156 = arith.constant 8 : i32
        %parallel_loop3A_3157 = arith.index_cast %select_n3A_196 : i32 to index
        %parallel_loop3A_3158 = arith.index_cast %parallel_loop3A_273 : i32 to index
        %parallel_loop3A_3159 = arith.index_cast %parallel_loop3A_3156 : i32 to index
        %parallel_loop3A_3160 = arith.constant 0 : index
        %parallel_loop3A_3161 = tpu.vector_load %arg10[%parallel_loop3A_3157, %parallel_loop3A_3158, %parallel_loop3A_3159, %parallel_loop3A_3160] {strides = array<i32>} : memref<2x8x50x64xf32, #tpu.memory_space<vmem>>, vector<16xf32>,
        tpu.vector_store %arg10[%parallel_loop3A_3157, %parallel_loop3A_3158, %parallel_loop3A_3159, %parallel_loop3A_3160], %parallel_loop3A_3065 {strides = array<i32>} : memref<2x8x50x64xf32, #tpu.memory_space<vmem>>, vector<16xf32>,
        %parallel_loop3A_3162 = arith.constant 8 : i32
        %parallel_loop3A_3163 = arith.index_cast %select_n3A_196 : i32 to index
        %parallel_loop3A_3164 = arith.index_cast %parallel_loop3A_273 : i32 to index
        %parallel_loop3A_3165 = arith.index_cast %parallel_loop3A_3162 : i32 to index
        %parallel_loop3A_3166 = arith.constant 16 : index
        %parallel_loop3A_3167 = tpu.vector_load %arg10[%parallel_loop3A_3163, %parallel_loop3A_3164, %parallel_loop3A_3165, %parallel_loop3A_3166] {strides = array<i32>} : memref<2x8x50x64xf32, #tpu.memory_space<vmem>>, vector<16xf32>,
        tpu.vector_store %arg10[%parallel_loop3A_3163, %parallel_loop3A_3164, %parallel_loop3A_3165, %parallel_loop3A_3166], %parallel_loop3A_3071 {strides = array<i32>} : memref<2x8x50x64xf32, #tpu.memory_space<vmem>>, vector<16xf32>,
        %parallel_loop3A_3168 = arith.constant 8 : i32
        %parallel_loop3A_3169 = arith.index_cast %select_n3A_196 : i32 to index
        %parallel_loop3A_3170 = arith.index_cast %parallel_loop3A_273 : i32 to index
        %parallel_loop3A_3171 = arith.index_cast %parallel_loop3A_3168 : i32 to index
        %parallel_loop3A_3172 = arith.constant 32 : index
        %parallel_loop3A_3173 = tpu.vector_load %arg10[%parallel_loop3A_3169, %parallel_loop3A_3170, %parallel_loop3A_3171, %parallel_loop3A_3172] {strides = array<i32>} : memref<2x8x50x64xf32, #tpu.memory_space<vmem>>, vector<16xf32>,
        tpu.vector_store %arg10[%parallel_loop3A_3169, %parallel_loop3A_3170, %parallel_loop3A_3171, %parallel_loop3A_3172], %parallel_loop3A_3077 {strides = array<i32>} : memref<2x8x50x64xf32, #tpu.memory_space<vmem>>, vector<16xf32>,
        %parallel_loop3A_3174 = arith.constant 8 : i32
        %parallel_loop3A_3175 = arith.index_cast %select_n3A_196 : i32 to index
        %parallel_loop3A_3176 = arith.index_cast %parallel_loop3A_273 : i32 to index
        %parallel_loop3A_3177 = arith.index_cast %parallel_loop3A_3174 : i32 to index
        %parallel_loop3A_3178 = arith.constant 48 : index
        %parallel_loop3A_3179 = tpu.vector_load %arg10[%parallel_loop3A_3175, %parallel_loop3A_3176, %parallel_loop3A_3177, %parallel_loop3A_3178] {strides = array<i32>} : memref<2x8x50x64xf32, #tpu.memory_space<vmem>>, vector<16xf32>,
        tpu.vector_store %arg10[%parallel_loop3A_3175, %parallel_loop3A_3176, %parallel_loop3A_3177, %parallel_loop3A_3178], %parallel_loop3A_3083 {strides = array<i32>} : memref<2x8x50x64xf32, #tpu.memory_space<vmem>>, vector<16xf32>,
        %parallel_loop3A_3180 = arith.constant 21 : i32
        %parallel_loop3A_3181 = arith.index_cast %select_n3A_196 : i32 to index
        %parallel_loop3A_3182 = arith.index_cast %parallel_loop3A_273 : i32 to index
        %parallel_loop3A_3183 = arith.index_cast %parallel_loop3A_3180 : i32 to index
        %parallel_loop3A_3184 = arith.constant 0 : index
        %parallel_loop3A_3185 = tpu.vector_load %arg10[%parallel_loop3A_3181, %parallel_loop3A_3182, %parallel_loop3A_3183, %parallel_loop3A_3184] {strides = array<i32>} : memref<2x8x50x64xf32, #tpu.memory_space<vmem>>, vector<16xf32>,
        tpu.vector_store %arg10[%parallel_loop3A_3181, %parallel_loop3A_3182, %parallel_loop3A_3183, %parallel_loop3A_3184], %parallel_loop3A_3089 {strides = array<i32>} : memref<2x8x50x64xf32, #tpu.memory_space<vmem>>, vector<16xf32>,
        %parallel_loop3A_3186 = arith.constant 21 : i32
        %parallel_loop3A_3187 = arith.index_cast %select_n3A_196 : i32 to index
        %parallel_loop3A_3188 = arith.index_cast %parallel_loop3A_273 : i32 to index
        %parallel_loop3A_3189 = arith.index_cast %parallel_loop3A_3186 : i32 to index
        %parallel_loop3A_3190 = arith.constant 16 : index
        %parallel_loop3A_3191 = tpu.vector_load %arg10[%parallel_loop3A_3187, %parallel_loop3A_3188, %parallel_loop3A_3189, %parallel_loop3A_3190] {strides = array<i32>} : memref<2x8x50x64xf32, #tpu.memory_space<vmem>>, vector<16xf32>,
        tpu.vector_store %arg10[%parallel_loop3A_3187, %parallel_loop3A_3188, %parallel_loop3A_3189, %parallel_loop3A_3190], %parallel_loop3A_3095 {strides = array<i32>} : memref<2x8x50x64xf32, #tpu.memory_space<vmem>>, vector<16xf32>,
        %parallel_loop3A_3192 = arith.constant 21 : i32
        %parallel_loop3A_3193 = arith.index_cast %select_n3A_196 : i32 to index
        %parallel_loop3A_3194 = arith.index_cast %parallel_loop3A_273 : i32 to index
        %parallel_loop3A_3195 = arith.index_cast %parallel_loop3A_3192 : i32 to index
        %parallel_loop3A_3196 = arith.constant 32 : index
        %parallel_loop3A_3197 = tpu.vector_load %arg10[%parallel_loop3A_3193, %parallel_loop3A_3194, %parallel_loop3A_3195, %parallel_loop3A_3196] {strides = array<i32>} : memref<2x8x50x64xf32, #tpu.memory_space<vmem>>, vector<16xf32>,
        tpu.vector_store %arg10[%parallel_loop3A_3193, %parallel_loop3A_3194, %parallel_loop3A_3195, %parallel_loop3A_3196], %parallel_loop3A_3101 {strides = array<i32>} : memref<2x8x50x64xf32, #tpu.memory_space<vmem>>, vector<16xf32>,
        %parallel_loop3A_3198 = arith.constant 21 : i32
        %parallel_loop3A_3199 = arith.index_cast %select_n3A_196 : i32 to index
        %parallel_loop3A_3200 = arith.index_cast %parallel_loop3A_273 : i32 to index
        %parallel_loop3A_3201 = arith.index_cast %parallel_loop3A_3198 : i32 to index
        %parallel_loop3A_3202 = arith.constant 48 : index
        %parallel_loop3A_3203 = tpu.vector_load %arg10[%parallel_loop3A_3199, %parallel_loop3A_3200, %parallel_loop3A_3201, %parallel_loop3A_3202] {strides = array<i32>} : memref<2x8x50x64xf32, #tpu.memory_space<vmem>>, vector<16xf32>,
        tpu.vector_store %arg10[%parallel_loop3A_3199, %parallel_loop3A_3200, %parallel_loop3A_3201, %parallel_loop3A_3202], %parallel_loop3A_3107 {strides = array<i32>} : memref<2x8x50x64xf32, #tpu.memory_space<vmem>>, vector<16xf32>,
        %parallel_loop3A_3204 = arith.constant 33 : i32
        %parallel_loop3A_3205 = arith.index_cast %select_n3A_196 : i32 to index
        %parallel_loop3A_3206 = arith.index_cast %parallel_loop3A_273 : i32 to index
        %parallel_loop3A_3207 = arith.index_cast %parallel_loop3A_3204 : i32 to index
        %parallel_loop3A_3208 = arith.constant 0 : index
        %parallel_loop3A_3209 = tpu.vector_load %arg10[%parallel_loop3A_3205, %parallel_loop3A_3206, %parallel_loop3A_3207, %parallel_loop3A_3208] {strides = array<i32>} : memref<2x8x50x64xf32, #tpu.memory_space<vmem>>, vector<16xf32>,
        tpu.vector_store %arg10[%parallel_loop3A_3205, %parallel_loop3A_3206, %parallel_loop3A_3207, %parallel_loop3A_3208], %parallel_loop3A_3113 {strides = array<i32>} : memref<2x8x50x64xf32, #tpu.memory_space<vmem>>, vector<16xf32>,
        %parallel_loop3A_3210 = arith.constant 33 : i32
        %parallel_loop3A_3211 = arith.index_cast %select_n3A_196 : i32 to index
        %parallel_loop3A_3212 = arith.index_cast %parallel_loop3A_273 : i32 to index
        %parallel_loop3A_3213 = arith.index_cast %parallel_loop3A_3210 : i32 to index
        %parallel_loop3A_3214 = arith.constant 16 : index
        %parallel_loop3A_3215 = tpu.vector_load %arg10[%parallel_loop3A_3211, %parallel_loop3A_3212, %parallel_loop3A_3213, %parallel_loop3A_3214] {strides = array<i32>} : memref<2x8x50x64xf32, #tpu.memory_space<vmem>>, vector<16xf32>,
        tpu.vector_store %arg10[%parallel_loop3A_3211, %parallel_loop3A_3212, %parallel_loop3A_3213, %parallel_loop3A_3214], %parallel_loop3A_3119 {strides = array<i32>} : memref<2x8x50x64xf32, #tpu.memory_space<vmem>>, vector<16xf32>,
        %parallel_loop3A_3216 = arith.constant 33 : i32
        %parallel_loop3A_3217 = arith.index_cast %select_n3A_196 : i32 to index
        %parallel_loop3A_3218 = arith.index_cast %parallel_loop3A_273 : i32 to index
        %parallel_loop3A_3219 = arith.index_cast %parallel_loop3A_3216 : i32 to index
        %parallel_loop3A_3220 = arith.constant 32 : index
        %parallel_loop3A_3221 = tpu.vector_load %arg10[%parallel_loop3A_3217, %parallel_loop3A_3218, %parallel_loop3A_3219, %parallel_loop3A_3220] {strides = array<i32>} : memref<2x8x50x64xf32, #tpu.memory_space<vmem>>, vector<16xf32>,
        tpu.vector_store %arg10[%parallel_loop3A_3217, %parallel_loop3A_3218, %parallel_loop3A_3219, %parallel_loop3A_3220], %parallel_loop3A_3125 {strides = array<i32>} : memref<2x8x50x64xf32, #tpu.memory_space<vmem>>, vector<16xf32>,
        %parallel_loop3A_3222 = arith.constant 33 : i32
        %parallel_loop3A_3223 = arith.index_cast %select_n3A_196 : i32 to index
        %parallel_loop3A_3224 = arith.index_cast %parallel_loop3A_273 : i32 to index
        %parallel_loop3A_3225 = arith.index_cast %parallel_loop3A_3222 : i32 to index
        %parallel_loop3A_3226 = arith.constant 48 : index
        %parallel_loop3A_3227 = tpu.vector_load %arg10[%parallel_loop3A_3223, %parallel_loop3A_3224, %parallel_loop3A_3225, %parallel_loop3A_3226] {strides = array<i32>} : memref<2x8x50x64xf32, #tpu.memory_space<vmem>>, vector<16xf32>,
        tpu.vector_store %arg10[%parallel_loop3A_3223, %parallel_loop3A_3224, %parallel_loop3A_3225, %parallel_loop3A_3226], %parallel_loop3A_3131 {strides = array<i32>} : memref<2x8x50x64xf32, #tpu.memory_space<vmem>>, vector<16xf32>,
        %parallel_loop3A_3228 = arith.constant 46 : i32
        %parallel_loop3A_3229 = arith.index_cast %select_n3A_196 : i32 to index
        %parallel_loop3A_3230 = arith.index_cast %parallel_loop3A_273 : i32 to index
        %parallel_loop3A_3231 = arith.index_cast %parallel_loop3A_3228 : i32 to index
        %parallel_loop3A_3232 = arith.constant 0 : index
        %parallel_loop3A_3233 = tpu.vector_load %arg10[%parallel_loop3A_3229, %parallel_loop3A_3230, %parallel_loop3A_3231, %parallel_loop3A_3232] {strides = array<i32>} : memref<2x8x50x64xf32, #tpu.memory_space<vmem>>, vector<16xf32>,
        tpu.vector_store %arg10[%parallel_loop3A_3229, %parallel_loop3A_3230, %parallel_loop3A_3231, %parallel_loop3A_3232], %parallel_loop3A_3137 {strides = array<i32>} : memref<2x8x50x64xf32, #tpu.memory_space<vmem>>, vector<16xf32>,
        %parallel_loop3A_3234 = arith.constant 46 : i32
        %parallel_loop3A_3235 = arith.index_cast %select_n3A_196 : i32 to index
        %parallel_loop3A_3236 = arith.index_cast %parallel_loop3A_273 : i32 to index
        %parallel_loop3A_3237 = arith.index_cast %parallel_loop3A_3234 : i32 to index
        %parallel_loop3A_3238 = arith.constant 16 : index
        %parallel_loop3A_3239 = tpu.vector_load %arg10[%parallel_loop3A_3235, %parallel_loop3A_3236, %parallel_loop3A_3237, %parallel_loop3A_3238] {strides = array<i32>} : memref<2x8x50x64xf32, #tpu.memory_space<vmem>>, vector<16xf32>,
        tpu.vector_store %arg10[%parallel_loop3A_3235, %parallel_loop3A_3236, %parallel_loop3A_3237, %parallel_loop3A_3238], %parallel_loop3A_3143 {strides = array<i32>} : memref<2x8x50x64xf32, #tpu.memory_space<vmem>>, vector<16xf32>,
        %parallel_loop3A_3240 = arith.constant 46 : i32
        %parallel_loop3A_3241 = arith.index_cast %select_n3A_196 : i32 to index
        %parallel_loop3A_3242 = arith.index_cast %parallel_loop3A_273 : i32 to index
        %parallel_loop3A_3243 = arith.index_cast %parallel_loop3A_3240 : i32 to index
        %parallel_loop3A_3244 = arith.constant 32 : index
        %parallel_loop3A_3245 = tpu.vector_load %arg10[%parallel_loop3A_3241, %parallel_loop3A_3242, %parallel_loop3A_3243, %parallel_loop3A_3244] {strides = array<i32>} : memref<2x8x50x64xf32, #tpu.memory_space<vmem>>, vector<16xf32>,
        tpu.vector_store %arg10[%parallel_loop3A_3241, %parallel_loop3A_3242, %parallel_loop3A_3243, %parallel_loop3A_3244], %parallel_loop3A_3149 {strides = array<i32>} : memref<2x8x50x64xf32, #tpu.memory_space<vmem>>, vector<16xf32>,
        %parallel_loop3A_3246 = arith.constant 46 : i32
        %parallel_loop3A_3247 = arith.index_cast %select_n3A_196 : i32 to index
        %parallel_loop3A_3248 = arith.index_cast %parallel_loop3A_273 : i32 to index
        %parallel_loop3A_3249 = arith.index_cast %parallel_loop3A_3246 : i32 to index
        %parallel_loop3A_3250 = arith.constant 48 : index
        %parallel_loop3A_3251 = tpu.vector_load %arg10[%parallel_loop3A_3247, %parallel_loop3A_3248, %parallel_loop3A_3249, %parallel_loop3A_3250] {strides = array<i32>} : memref<2x8x50x64xf32, #tpu.memory_space<vmem>>, vector<16xf32>,
        tpu.vector_store %arg10[%parallel_loop3A_3247, %parallel_loop3A_3248, %parallel_loop3A_3249, %parallel_loop3A_3250], %parallel_loop3A_3155 {strides = array<i32>} : memref<2x8x50x64xf32, #tpu.memory_space<vmem>>, vector<16xf32>,
        %parallel_loop3A_3252 = arith.constant 0 : i32
        %parallel_loop3A_3253 = arith.addi %parallel_loop3A_275, %parallel_loop3A_3252 : i32
        %parallel_loop3A_3254 = arith.constant 9 : i32
        %parallel_loop3A_3255 = arith.addi %parallel_loop3A_3253, %parallel_loop3A_3254 : i32
        %parallel_loop3A_3256 = arith.index_cast %select_n3A_196 : i32 to index
        %parallel_loop3A_3257 = arith.index_cast %parallel_loop3A_3255 : i32 to index
        %parallel_loop3A_3258 = arith.constant 0 : index
        %parallel_loop3A_3259 = tpu.vector_load %arg9[%parallel_loop3A_3256, %parallel_loop3A_3257, %parallel_loop3A_3258] {strides = array<i32>} : memref<2x400x64xf32, #tpu.memory_space<vmem>>, vector<16xf32>,
        %parallel_loop3A_3260 = arith.constant 0 : i32
        %parallel_loop3A_3261 = arith.addi %parallel_loop3A_275, %parallel_loop3A_3260 : i32
        %parallel_loop3A_3262 = arith.constant 9 : i32
        %parallel_loop3A_3263 = arith.addi %parallel_loop3A_3261, %parallel_loop3A_3262 : i32
        %parallel_loop3A_3264 = arith.index_cast %select_n3A_196 : i32 to index
        %parallel_loop3A_3265 = arith.index_cast %parallel_loop3A_3263 : i32 to index
        %parallel_loop3A_3266 = arith.constant 16 : index
        %parallel_loop3A_3267 = tpu.vector_load %arg9[%parallel_loop3A_3264, %parallel_loop3A_3265, %parallel_loop3A_3266] {strides = array<i32>} : memref<2x400x64xf32, #tpu.memory_space<vmem>>, vector<16xf32>,
        %parallel_loop3A_3268 = arith.constant 0 : i32
        %parallel_loop3A_3269 = arith.addi %parallel_loop3A_275, %parallel_loop3A_3268 : i32
        %parallel_loop3A_3270 = arith.constant 9 : i32
        %parallel_loop3A_3271 = arith.addi %parallel_loop3A_3269, %parallel_loop3A_3270 : i32
        %parallel_loop3A_3272 = arith.index_cast %select_n3A_196 : i32 to index
        %parallel_loop3A_3273 = arith.index_cast %parallel_loop3A_3271 : i32 to index
        %parallel_loop3A_3274 = arith.constant 32 : index
        %parallel_loop3A_3275 = tpu.vector_load %arg9[%parallel_loop3A_3272, %parallel_loop3A_3273, %parallel_loop3A_3274] {strides = array<i32>} : memref<2x400x64xf32, #tpu.memory_space<vmem>>, vector<16xf32>,
        %parallel_loop3A_3276 = arith.constant 0 : i32
        %parallel_loop3A_3277 = arith.addi %parallel_loop3A_275, %parallel_loop3A_3276 : i32
        %parallel_loop3A_3278 = arith.constant 9 : i32
        %parallel_loop3A_3279 = arith.addi %parallel_loop3A_3277, %parallel_loop3A_3278 : i32
        %parallel_loop3A_3280 = arith.index_cast %select_n3A_196 : i32 to index
        %parallel_loop3A_3281 = arith.index_cast %parallel_loop3A_3279 : i32 to index
        %parallel_loop3A_3282 = arith.constant 48 : index
        %parallel_loop3A_3283 = tpu.vector_load %arg9[%parallel_loop3A_3280, %parallel_loop3A_3281, %parallel_loop3A_3282] {strides = array<i32>} : memref<2x400x64xf32, #tpu.memory_space<vmem>>, vector<16xf32>,
        %parallel_loop3A_3284 = arith.constant 13 : i32
        %parallel_loop3A_3285 = arith.addi %parallel_loop3A_275, %parallel_loop3A_3284 : i32
        %parallel_loop3A_3286 = arith.constant 9 : i32
        %parallel_loop3A_3287 = arith.addi %parallel_loop3A_3285, %parallel_loop3A_3286 : i32
        %parallel_loop3A_3288 = arith.index_cast %select_n3A_196 : i32 to index
        %parallel_loop3A_3289 = arith.index_cast %parallel_loop3A_3287 : i32 to index
        %parallel_loop3A_3290 = arith.constant 0 : index
        %parallel_loop3A_3291 = tpu.vector_load %arg9[%parallel_loop3A_3288, %parallel_loop3A_3289, %parallel_loop3A_3290] {strides = array<i32>} : memref<2x400x64xf32, #tpu.memory_space<vmem>>, vector<16xf32>,
        %parallel_loop3A_3292 = arith.constant 13 : i32
        %parallel_loop3A_3293 = arith.addi %parallel_loop3A_275, %parallel_loop3A_3292 : i32
        %parallel_loop3A_3294 = arith.constant 9 : i32
        %parallel_loop3A_3295 = arith.addi %parallel_loop3A_3293, %parallel_loop3A_3294 : i32
        %parallel_loop3A_3296 = arith.index_cast %select_n3A_196 : i32 to index
        %parallel_loop3A_3297 = arith.index_cast %parallel_loop3A_3295 : i32 to index
        %parallel_loop3A_3298 = arith.constant 16 : index
        %parallel_loop3A_3299 = tpu.vector_load %arg9[%parallel_loop3A_3296, %parallel_loop3A_3297, %parallel_loop3A_3298] {strides = array<i32>} : memref<2x400x64xf32, #tpu.memory_space<vmem>>, vector<16xf32>,
        %parallel_loop3A_3300 = arith.constant 13 : i32
        %parallel_loop3A_3301 = arith.addi %parallel_loop3A_275, %parallel_loop3A_3300 : i32
        %parallel_loop3A_3302 = arith.constant 9 : i32
        %parallel_loop3A_3303 = arith.addi %parallel_loop3A_3301, %parallel_loop3A_3302 : i32
        %parallel_loop3A_3304 = arith.index_cast %select_n3A_196 : i32 to index
        %parallel_loop3A_3305 = arith.index_cast %parallel_loop3A_3303 : i32 to index
        %parallel_loop3A_3306 = arith.constant 32 : index
        %parallel_loop3A_3307 = tpu.vector_load %arg9[%parallel_loop3A_3304, %parallel_loop3A_3305, %parallel_loop3A_3306] {strides = array<i32>} : memref<2x400x64xf32, #tpu.memory_space<vmem>>, vector<16xf32>,
        %parallel_loop3A_3308 = arith.constant 13 : i32
        %parallel_loop3A_3309 = arith.addi %parallel_loop3A_275, %parallel_loop3A_3308 : i32
        %parallel_loop3A_3310 = arith.constant 9 : i32
        %parallel_loop3A_3311 = arith.addi %parallel_loop3A_3309, %parallel_loop3A_3310 : i32
        %parallel_loop3A_3312 = arith.index_cast %select_n3A_196 : i32 to index
        %parallel_loop3A_3313 = arith.index_cast %parallel_loop3A_3311 : i32 to index
        %parallel_loop3A_3314 = arith.constant 48 : index
        %parallel_loop3A_3315 = tpu.vector_load %arg9[%parallel_loop3A_3312, %parallel_loop3A_3313, %parallel_loop3A_3314] {strides = array<i32>} : memref<2x400x64xf32, #tpu.memory_space<vmem>>, vector<16xf32>,
        %parallel_loop3A_3316 = arith.constant 25 : i32
        %parallel_loop3A_3317 = arith.addi %parallel_loop3A_275, %parallel_loop3A_3316 : i32
        %parallel_loop3A_3318 = arith.constant 9 : i32
        %parallel_loop3A_3319 = arith.addi %parallel_loop3A_3317, %parallel_loop3A_3318 : i32
        %parallel_loop3A_3320 = arith.index_cast %select_n3A_196 : i32 to index
        %parallel_loop3A_3321 = arith.index_cast %parallel_loop3A_3319 : i32 to index
        %parallel_loop3A_3322 = arith.constant 0 : index
        %parallel_loop3A_3323 = tpu.vector_load %arg9[%parallel_loop3A_3320, %parallel_loop3A_3321, %parallel_loop3A_3322] {strides = array<i32>} : memref<2x400x64xf32, #tpu.memory_space<vmem>>, vector<16xf32>,
        %parallel_loop3A_3324 = arith.constant 25 : i32
        %parallel_loop3A_3325 = arith.addi %parallel_loop3A_275, %parallel_loop3A_3324 : i32
        %parallel_loop3A_3326 = arith.constant 9 : i32
        %parallel_loop3A_3327 = arith.addi %parallel_loop3A_3325, %parallel_loop3A_3326 : i32
        %parallel_loop3A_3328 = arith.index_cast %select_n3A_196 : i32 to index
        %parallel_loop3A_3329 = arith.index_cast %parallel_loop3A_3327 : i32 to index
        %parallel_loop3A_3330 = arith.constant 16 : index
        %parallel_loop3A_3331 = tpu.vector_load %arg9[%parallel_loop3A_3328, %parallel_loop3A_3329, %parallel_loop3A_3330] {strides = array<i32>} : memref<2x400x64xf32, #tpu.memory_space<vmem>>, vector<16xf32>,
        %parallel_loop3A_3332 = arith.constant 25 : i32
        %parallel_loop3A_3333 = arith.addi %parallel_loop3A_275, %parallel_loop3A_3332 : i32
        %parallel_loop3A_3334 = arith.constant 9 : i32
        %parallel_loop3A_3335 = arith.addi %parallel_loop3A_3333, %parallel_loop3A_3334 : i32
        %parallel_loop3A_3336 = arith.index_cast %select_n3A_196 : i32 to index
        %parallel_loop3A_3337 = arith.index_cast %parallel_loop3A_3335 : i32 to index
        %parallel_loop3A_3338 = arith.constant 32 : index
        %parallel_loop3A_3339 = tpu.vector_load %arg9[%parallel_loop3A_3336, %parallel_loop3A_3337, %parallel_loop3A_3338] {strides = array<i32>} : memref<2x400x64xf32, #tpu.memory_space<vmem>>, vector<16xf32>,
        %parallel_loop3A_3340 = arith.constant 25 : i32
        %parallel_loop3A_3341 = arith.addi %parallel_loop3A_275, %parallel_loop3A_3340 : i32
        %parallel_loop3A_3342 = arith.constant 9 : i32
        %parallel_loop3A_3343 = arith.addi %parallel_loop3A_3341, %parallel_loop3A_3342 : i32
        %parallel_loop3A_3344 = arith.index_cast %select_n3A_196 : i32 to index
        %parallel_loop3A_3345 = arith.index_cast %parallel_loop3A_3343 : i32 to index
        %parallel_loop3A_3346 = arith.constant 48 : index
        %parallel_loop3A_3347 = tpu.vector_load %arg9[%parallel_loop3A_3344, %parallel_loop3A_3345, %parallel_loop3A_3346] {strides = array<i32>} : memref<2x400x64xf32, #tpu.memory_space<vmem>>, vector<16xf32>,
        %parallel_loop3A_3348 = arith.constant 38 : i32
        %parallel_loop3A_3349 = arith.addi %parallel_loop3A_275, %parallel_loop3A_3348 : i32
        %parallel_loop3A_3350 = arith.constant 9 : i32
        %parallel_loop3A_3351 = arith.addi %parallel_loop3A_3349, %parallel_loop3A_3350 : i32
        %parallel_loop3A_3352 = arith.index_cast %select_n3A_196 : i32 to index
        %parallel_loop3A_3353 = arith.index_cast %parallel_loop3A_3351 : i32 to index
        %parallel_loop3A_3354 = arith.constant 0 : index
        %parallel_loop3A_3355 = tpu.vector_load %arg9[%parallel_loop3A_3352, %parallel_loop3A_3353, %parallel_loop3A_3354] {strides = array<i32>} : memref<2x400x64xf32, #tpu.memory_space<vmem>>, vector<16xf32>,
        %parallel_loop3A_3356 = arith.constant 38 : i32
        %parallel_loop3A_3357 = arith.addi %parallel_loop3A_275, %parallel_loop3A_3356 : i32
        %parallel_loop3A_3358 = arith.constant 9 : i32
        %parallel_loop3A_3359 = arith.addi %parallel_loop3A_3357, %parallel_loop3A_3358 : i32
        %parallel_loop3A_3360 = arith.index_cast %select_n3A_196 : i32 to index
        %parallel_loop3A_3361 = arith.index_cast %parallel_loop3A_3359 : i32 to index
        %parallel_loop3A_3362 = arith.constant 16 : index
        %parallel_loop3A_3363 = tpu.vector_load %arg9[%parallel_loop3A_3360, %parallel_loop3A_3361, %parallel_loop3A_3362] {strides = array<i32>} : memref<2x400x64xf32, #tpu.memory_space<vmem>>, vector<16xf32>,
        %parallel_loop3A_3364 = arith.constant 38 : i32
        %parallel_loop3A_3365 = arith.addi %parallel_loop3A_275, %parallel_loop3A_3364 : i32
        %parallel_loop3A_3366 = arith.constant 9 : i32
        %parallel_loop3A_3367 = arith.addi %parallel_loop3A_3365, %parallel_loop3A_3366 : i32
        %parallel_loop3A_3368 = arith.index_cast %select_n3A_196 : i32 to index
        %parallel_loop3A_3369 = arith.index_cast %parallel_loop3A_3367 : i32 to index
        %parallel_loop3A_3370 = arith.constant 32 : index
        %parallel_loop3A_3371 = tpu.vector_load %arg9[%parallel_loop3A_3368, %parallel_loop3A_3369, %parallel_loop3A_3370] {strides = array<i32>} : memref<2x400x64xf32, #tpu.memory_space<vmem>>, vector<16xf32>,
        %parallel_loop3A_3372 = arith.constant 38 : i32
        %parallel_loop3A_3373 = arith.addi %parallel_loop3A_275, %parallel_loop3A_3372 : i32
        %parallel_loop3A_3374 = arith.constant 9 : i32
        %parallel_loop3A_3375 = arith.addi %parallel_loop3A_3373, %parallel_loop3A_3374 : i32
        %parallel_loop3A_3376 = arith.index_cast %select_n3A_196 : i32 to index
        %parallel_loop3A_3377 = arith.index_cast %parallel_loop3A_3375 : i32 to index
        %parallel_loop3A_3378 = arith.constant 48 : index
        %parallel_loop3A_3379 = tpu.vector_load %arg9[%parallel_loop3A_3376, %parallel_loop3A_3377, %parallel_loop3A_3378] {strides = array<i32>} : memref<2x400x64xf32, #tpu.memory_space<vmem>>, vector<16xf32>,
        %parallel_loop3A_3380 = arith.mulf %get3A_105, %parallel_loop3A_2939 : vector<16xf32>
        %parallel_loop3A_3381 = arith.mulf %get3A_121, %parallel_loop3A_3259 : vector<16xf32>
        %parallel_loop3A_3382 = arith.addf %parallel_loop3A_3380, %parallel_loop3A_3381 : vector<16xf32>
        %parallel_loop3A_3383 = arith.constant 0.000000e+00 : f32
        %parallel_loop3A_3384 = vector.broadcast %parallel_loop3A_3383 : f32 to vector<16xf32>
        %parallel_loop3A_3385 = arith.maximumf %parallel_loop3A_3382, %parallel_loop3A_3384 : vector<16xf32>
        %parallel_loop3A_3386 = arith.mulf %get3A_109, %parallel_loop3A_2947 : vector<16xf32>
        %parallel_loop3A_3387 = arith.mulf %get3A_125, %parallel_loop3A_3267 : vector<16xf32>
        %parallel_loop3A_3388 = arith.addf %parallel_loop3A_3386, %parallel_loop3A_3387 : vector<16xf32>
        %parallel_loop3A_3389 = arith.constant 0.000000e+00 : f32
        %parallel_loop3A_3390 = vector.broadcast %parallel_loop3A_3389 : f32 to vector<16xf32>
        %parallel_loop3A_3391 = arith.maximumf %parallel_loop3A_3388, %parallel_loop3A_3390 : vector<16xf32>
        %parallel_loop3A_3392 = arith.mulf %get3A_113, %parallel_loop3A_2955 : vector<16xf32>
        %parallel_loop3A_3393 = arith.mulf %get3A_129, %parallel_loop3A_3275 : vector<16xf32>
        %parallel_loop3A_3394 = arith.addf %parallel_loop3A_3392, %parallel_loop3A_3393 : vector<16xf32>
        %parallel_loop3A_3395 = arith.constant 0.000000e+00 : f32
        %parallel_loop3A_3396 = vector.broadcast %parallel_loop3A_3395 : f32 to vector<16xf32>
        %parallel_loop3A_3397 = arith.maximumf %parallel_loop3A_3394, %parallel_loop3A_3396 : vector<16xf32>
        %parallel_loop3A_3398 = arith.mulf %get3A_117, %parallel_loop3A_2963 : vector<16xf32>
        %parallel_loop3A_3399 = arith.mulf %get3A_133, %parallel_loop3A_3283 : vector<16xf32>
        %parallel_loop3A_3400 = arith.addf %parallel_loop3A_3398, %parallel_loop3A_3399 : vector<16xf32>
        %parallel_loop3A_3401 = arith.constant 0.000000e+00 : f32
        %parallel_loop3A_3402 = vector.broadcast %parallel_loop3A_3401 : f32 to vector<16xf32>
        %parallel_loop3A_3403 = arith.maximumf %parallel_loop3A_3400, %parallel_loop3A_3402 : vector<16xf32>
        %parallel_loop3A_3404 = arith.mulf %get3A_105, %parallel_loop3A_2971 : vector<16xf32>
        %parallel_loop3A_3405 = arith.mulf %get3A_121, %parallel_loop3A_3291 : vector<16xf32>
        %parallel_loop3A_3406 = arith.addf %parallel_loop3A_3404, %parallel_loop3A_3405 : vector<16xf32>
        %parallel_loop3A_3407 = arith.constant 0.000000e+00 : f32
        %parallel_loop3A_3408 = vector.broadcast %parallel_loop3A_3407 : f32 to vector<16xf32>
        %parallel_loop3A_3409 = arith.maximumf %parallel_loop3A_3406, %parallel_loop3A_3408 : vector<16xf32>
        %parallel_loop3A_3410 = arith.mulf %get3A_109, %parallel_loop3A_2979 : vector<16xf32>
        %parallel_loop3A_3411 = arith.mulf %get3A_125, %parallel_loop3A_3299 : vector<16xf32>
        %parallel_loop3A_3412 = arith.addf %parallel_loop3A_3410, %parallel_loop3A_3411 : vector<16xf32>
        %parallel_loop3A_3413 = arith.constant 0.000000e+00 : f32
        %parallel_loop3A_3414 = vector.broadcast %parallel_loop3A_3413 : f32 to vector<16xf32>
        %parallel_loop3A_3415 = arith.maximumf %parallel_loop3A_3412, %parallel_loop3A_3414 : vector<16xf32>
        %parallel_loop3A_3416 = arith.mulf %get3A_113, %parallel_loop3A_2987 : vector<16xf32>
        %parallel_loop3A_3417 = arith.mulf %get3A_129, %parallel_loop3A_3307 : vector<16xf32>
        %parallel_loop3A_3418 = arith.addf %parallel_loop3A_3416, %parallel_loop3A_3417 : vector<16xf32>
        %parallel_loop3A_3419 = arith.constant 0.000000e+00 : f32
        %parallel_loop3A_3420 = vector.broadcast %parallel_loop3A_3419 : f32 to vector<16xf32>
        %parallel_loop3A_3421 = arith.maximumf %parallel_loop3A_3418, %parallel_loop3A_3420 : vector<16xf32>
        %parallel_loop3A_3422 = arith.mulf %get3A_117, %parallel_loop3A_2995 : vector<16xf32>
        %parallel_loop3A_3423 = arith.mulf %get3A_133, %parallel_loop3A_3315 : vector<16xf32>
        %parallel_loop3A_3424 = arith.addf %parallel_loop3A_3422, %parallel_loop3A_3423 : vector<16xf32>
        %parallel_loop3A_3425 = arith.constant 0.000000e+00 : f32
        %parallel_loop3A_3426 = vector.broadcast %parallel_loop3A_3425 : f32 to vector<16xf32>
        %parallel_loop3A_3427 = arith.maximumf %parallel_loop3A_3424, %parallel_loop3A_3426 : vector<16xf32>
        %parallel_loop3A_3428 = arith.mulf %get3A_105, %parallel_loop3A_3003 : vector<16xf32>
        %parallel_loop3A_3429 = arith.mulf %get3A_121, %parallel_loop3A_3323 : vector<16xf32>
        %parallel_loop3A_3430 = arith.addf %parallel_loop3A_3428, %parallel_loop3A_3429 : vector<16xf32>
        %parallel_loop3A_3431 = arith.constant 0.000000e+00 : f32
        %parallel_loop3A_3432 = vector.broadcast %parallel_loop3A_3431 : f32 to vector<16xf32>
        %parallel_loop3A_3433 = arith.maximumf %parallel_loop3A_3430, %parallel_loop3A_3432 : vector<16xf32>
        %parallel_loop3A_3434 = arith.mulf %get3A_109, %parallel_loop3A_3011 : vector<16xf32>
        %parallel_loop3A_3435 = arith.mulf %get3A_125, %parallel_loop3A_3331 : vector<16xf32>
        %parallel_loop3A_3436 = arith.addf %parallel_loop3A_3434, %parallel_loop3A_3435 : vector<16xf32>
        %parallel_loop3A_3437 = arith.constant 0.000000e+00 : f32
        %parallel_loop3A_3438 = vector.broadcast %parallel_loop3A_3437 : f32 to vector<16xf32>
        %parallel_loop3A_3439 = arith.maximumf %parallel_loop3A_3436, %parallel_loop3A_3438 : vector<16xf32>
        %parallel_loop3A_3440 = arith.mulf %get3A_113, %parallel_loop3A_3019 : vector<16xf32>
        %parallel_loop3A_3441 = arith.mulf %get3A_129, %parallel_loop3A_3339 : vector<16xf32>
        %parallel_loop3A_3442 = arith.addf %parallel_loop3A_3440, %parallel_loop3A_3441 : vector<16xf32>
        %parallel_loop3A_3443 = arith.constant 0.000000e+00 : f32
        %parallel_loop3A_3444 = vector.broadcast %parallel_loop3A_3443 : f32 to vector<16xf32>
        %parallel_loop3A_3445 = arith.maximumf %parallel_loop3A_3442, %parallel_loop3A_3444 : vector<16xf32>
        %parallel_loop3A_3446 = arith.mulf %get3A_117, %parallel_loop3A_3027 : vector<16xf32>
        %parallel_loop3A_3447 = arith.mulf %get3A_133, %parallel_loop3A_3347 : vector<16xf32>
        %parallel_loop3A_3448 = arith.addf %parallel_loop3A_3446, %parallel_loop3A_3447 : vector<16xf32>
        %parallel_loop3A_3449 = arith.constant 0.000000e+00 : f32
        %parallel_loop3A_3450 = vector.broadcast %parallel_loop3A_3449 : f32 to vector<16xf32>
        %parallel_loop3A_3451 = arith.maximumf %parallel_loop3A_3448, %parallel_loop3A_3450 : vector<16xf32>
        %parallel_loop3A_3452 = arith.mulf %get3A_105, %parallel_loop3A_3035 : vector<16xf32>
        %parallel_loop3A_3453 = arith.mulf %get3A_121, %parallel_loop3A_3355 : vector<16xf32>
        %parallel_loop3A_3454 = arith.addf %parallel_loop3A_3452, %parallel_loop3A_3453 : vector<16xf32>
        %parallel_loop3A_3455 = arith.constant 0.000000e+00 : f32
        %parallel_loop3A_3456 = vector.broadcast %parallel_loop3A_3455 : f32 to vector<16xf32>
        %parallel_loop3A_3457 = arith.maximumf %parallel_loop3A_3454, %parallel_loop3A_3456 : vector<16xf32>
        %parallel_loop3A_3458 = arith.mulf %get3A_109, %parallel_loop3A_3043 : vector<16xf32>
        %parallel_loop3A_3459 = arith.mulf %get3A_125, %parallel_loop3A_3363 : vector<16xf32>
        %parallel_loop3A_3460 = arith.addf %parallel_loop3A_3458, %parallel_loop3A_3459 : vector<16xf32>
        %parallel_loop3A_3461 = arith.constant 0.000000e+00 : f32
        %parallel_loop3A_3462 = vector.broadcast %parallel_loop3A_3461 : f32 to vector<16xf32>
        %parallel_loop3A_3463 = arith.maximumf %parallel_loop3A_3460, %parallel_loop3A_3462 : vector<16xf32>
        %parallel_loop3A_3464 = arith.mulf %get3A_113, %parallel_loop3A_3051 : vector<16xf32>
        %parallel_loop3A_3465 = arith.mulf %get3A_129, %parallel_loop3A_3371 : vector<16xf32>
        %parallel_loop3A_3466 = arith.addf %parallel_loop3A_3464, %parallel_loop3A_3465 : vector<16xf32>
        %parallel_loop3A_3467 = arith.constant 0.000000e+00 : f32
        %parallel_loop3A_3468 = vector.broadcast %parallel_loop3A_3467 : f32 to vector<16xf32>
        %parallel_loop3A_3469 = arith.maximumf %parallel_loop3A_3466, %parallel_loop3A_3468 : vector<16xf32>
        %parallel_loop3A_3470 = arith.mulf %get3A_117, %parallel_loop3A_3059 : vector<16xf32>
        %parallel_loop3A_3471 = arith.mulf %get3A_133, %parallel_loop3A_3379 : vector<16xf32>
        %parallel_loop3A_3472 = arith.addf %parallel_loop3A_3470, %parallel_loop3A_3471 : vector<16xf32>
        %parallel_loop3A_3473 = arith.constant 0.000000e+00 : f32
        %parallel_loop3A_3474 = vector.broadcast %parallel_loop3A_3473 : f32 to vector<16xf32>
        %parallel_loop3A_3475 = arith.maximumf %parallel_loop3A_3472, %parallel_loop3A_3474 : vector<16xf32>
        %parallel_loop3A_3476 = arith.constant 9 : i32
        %parallel_loop3A_3477 = arith.index_cast %select_n3A_196 : i32 to index
        %parallel_loop3A_3478 = arith.index_cast %parallel_loop3A_273 : i32 to index
        %parallel_loop3A_3479 = arith.index_cast %parallel_loop3A_3476 : i32 to index
        %parallel_loop3A_3480 = arith.constant 0 : index
        %parallel_loop3A_3481 = tpu.vector_load %arg10[%parallel_loop3A_3477, %parallel_loop3A_3478, %parallel_loop3A_3479, %parallel_loop3A_3480] {strides = array<i32>} : memref<2x8x50x64xf32, #tpu.memory_space<vmem>>, vector<16xf32>,
        tpu.vector_store %arg10[%parallel_loop3A_3477, %parallel_loop3A_3478, %parallel_loop3A_3479, %parallel_loop3A_3480], %parallel_loop3A_3385 {strides = array<i32>} : memref<2x8x50x64xf32, #tpu.memory_space<vmem>>, vector<16xf32>,
        %parallel_loop3A_3482 = arith.constant 9 : i32
        %parallel_loop3A_3483 = arith.index_cast %select_n3A_196 : i32 to index
        %parallel_loop3A_3484 = arith.index_cast %parallel_loop3A_273 : i32 to index
        %parallel_loop3A_3485 = arith.index_cast %parallel_loop3A_3482 : i32 to index
        %parallel_loop3A_3486 = arith.constant 16 : index
        %parallel_loop3A_3487 = tpu.vector_load %arg10[%parallel_loop3A_3483, %parallel_loop3A_3484, %parallel_loop3A_3485, %parallel_loop3A_3486] {strides = array<i32>} : memref<2x8x50x64xf32, #tpu.memory_space<vmem>>, vector<16xf32>,
        tpu.vector_store %arg10[%parallel_loop3A_3483, %parallel_loop3A_3484, %parallel_loop3A_3485, %parallel_loop3A_3486], %parallel_loop3A_3391 {strides = array<i32>} : memref<2x8x50x64xf32, #tpu.memory_space<vmem>>, vector<16xf32>,
        %parallel_loop3A_3488 = arith.constant 9 : i32
        %parallel_loop3A_3489 = arith.index_cast %select_n3A_196 : i32 to index
        %parallel_loop3A_3490 = arith.index_cast %parallel_loop3A_273 : i32 to index
        %parallel_loop3A_3491 = arith.index_cast %parallel_loop3A_3488 : i32 to index
        %parallel_loop3A_3492 = arith.constant 32 : index
        %parallel_loop3A_3493 = tpu.vector_load %arg10[%parallel_loop3A_3489, %parallel_loop3A_3490, %parallel_loop3A_3491, %parallel_loop3A_3492] {strides = array<i32>} : memref<2x8x50x64xf32, #tpu.memory_space<vmem>>, vector<16xf32>,
        tpu.vector_store %arg10[%parallel_loop3A_3489, %parallel_loop3A_3490, %parallel_loop3A_3491, %parallel_loop3A_3492], %parallel_loop3A_3397 {strides = array<i32>} : memref<2x8x50x64xf32, #tpu.memory_space<vmem>>, vector<16xf32>,
        %parallel_loop3A_3494 = arith.constant 9 : i32
        %parallel_loop3A_3495 = arith.index_cast %select_n3A_196 : i32 to index
        %parallel_loop3A_3496 = arith.index_cast %parallel_loop3A_273 : i32 to index
        %parallel_loop3A_3497 = arith.index_cast %parallel_loop3A_3494 : i32 to index
        %parallel_loop3A_3498 = arith.constant 48 : index
        %parallel_loop3A_3499 = tpu.vector_load %arg10[%parallel_loop3A_3495, %parallel_loop3A_3496, %parallel_loop3A_3497, %parallel_loop3A_3498] {strides = array<i32>} : memref<2x8x50x64xf32, #tpu.memory_space<vmem>>, vector<16xf32>,
        tpu.vector_store %arg10[%parallel_loop3A_3495, %parallel_loop3A_3496, %parallel_loop3A_3497, %parallel_loop3A_3498], %parallel_loop3A_3403 {strides = array<i32>} : memref<2x8x50x64xf32, #tpu.memory_space<vmem>>, vector<16xf32>,
        %parallel_loop3A_3500 = arith.constant 22 : i32
        %parallel_loop3A_3501 = arith.index_cast %select_n3A_196 : i32 to index
        %parallel_loop3A_3502 = arith.index_cast %parallel_loop3A_273 : i32 to index
        %parallel_loop3A_3503 = arith.index_cast %parallel_loop3A_3500 : i32 to index
        %parallel_loop3A_3504 = arith.constant 0 : index
        %parallel_loop3A_3505 = tpu.vector_load %arg10[%parallel_loop3A_3501, %parallel_loop3A_3502, %parallel_loop3A_3503, %parallel_loop3A_3504] {strides = array<i32>} : memref<2x8x50x64xf32, #tpu.memory_space<vmem>>, vector<16xf32>,
        tpu.vector_store %arg10[%parallel_loop3A_3501, %parallel_loop3A_3502, %parallel_loop3A_3503, %parallel_loop3A_3504], %parallel_loop3A_3409 {strides = array<i32>} : memref<2x8x50x64xf32, #tpu.memory_space<vmem>>, vector<16xf32>,
        %parallel_loop3A_3506 = arith.constant 22 : i32
        %parallel_loop3A_3507 = arith.index_cast %select_n3A_196 : i32 to index
        %parallel_loop3A_3508 = arith.index_cast %parallel_loop3A_273 : i32 to index
        %parallel_loop3A_3509 = arith.index_cast %parallel_loop3A_3506 : i32 to index
        %parallel_loop3A_3510 = arith.constant 16 : index
        %parallel_loop3A_3511 = tpu.vector_load %arg10[%parallel_loop3A_3507, %parallel_loop3A_3508, %parallel_loop3A_3509, %parallel_loop3A_3510] {strides = array<i32>} : memref<2x8x50x64xf32, #tpu.memory_space<vmem>>, vector<16xf32>,
        tpu.vector_store %arg10[%parallel_loop3A_3507, %parallel_loop3A_3508, %parallel_loop3A_3509, %parallel_loop3A_3510], %parallel_loop3A_3415 {strides = array<i32>} : memref<2x8x50x64xf32, #tpu.memory_space<vmem>>, vector<16xf32>,
        %parallel_loop3A_3512 = arith.constant 22 : i32
        %parallel_loop3A_3513 = arith.index_cast %select_n3A_196 : i32 to index
        %parallel_loop3A_3514 = arith.index_cast %parallel_loop3A_273 : i32 to index
        %parallel_loop3A_3515 = arith.index_cast %parallel_loop3A_3512 : i32 to index
        %parallel_loop3A_3516 = arith.constant 32 : index
        %parallel_loop3A_3517 = tpu.vector_load %arg10[%parallel_loop3A_3513, %parallel_loop3A_3514, %parallel_loop3A_3515, %parallel_loop3A_3516] {strides = array<i32>} : memref<2x8x50x64xf32, #tpu.memory_space<vmem>>, vector<16xf32>,
        tpu.vector_store %arg10[%parallel_loop3A_3513, %parallel_loop3A_3514, %parallel_loop3A_3515, %parallel_loop3A_3516], %parallel_loop3A_3421 {strides = array<i32>} : memref<2x8x50x64xf32, #tpu.memory_space<vmem>>, vector<16xf32>,
        %parallel_loop3A_3518 = arith.constant 22 : i32
        %parallel_loop3A_3519 = arith.index_cast %select_n3A_196 : i32 to index
        %parallel_loop3A_3520 = arith.index_cast %parallel_loop3A_273 : i32 to index
        %parallel_loop3A_3521 = arith.index_cast %parallel_loop3A_3518 : i32 to index
        %parallel_loop3A_3522 = arith.constant 48 : index
        %parallel_loop3A_3523 = tpu.vector_load %arg10[%parallel_loop3A_3519, %parallel_loop3A_3520, %parallel_loop3A_3521, %parallel_loop3A_3522] {strides = array<i32>} : memref<2x8x50x64xf32, #tpu.memory_space<vmem>>, vector<16xf32>,
        tpu.vector_store %arg10[%parallel_loop3A_3519, %parallel_loop3A_3520, %parallel_loop3A_3521, %parallel_loop3A_3522], %parallel_loop3A_3427 {strides = array<i32>} : memref<2x8x50x64xf32, #tpu.memory_space<vmem>>, vector<16xf32>,
        %parallel_loop3A_3524 = arith.constant 34 : i32
        %parallel_loop3A_3525 = arith.index_cast %select_n3A_196 : i32 to index
        %parallel_loop3A_3526 = arith.index_cast %parallel_loop3A_273 : i32 to index
        %parallel_loop3A_3527 = arith.index_cast %parallel_loop3A_3524 : i32 to index
        %parallel_loop3A_3528 = arith.constant 0 : index
        %parallel_loop3A_3529 = tpu.vector_load %arg10[%parallel_loop3A_3525, %parallel_loop3A_3526, %parallel_loop3A_3527, %parallel_loop3A_3528] {strides = array<i32>} : memref<2x8x50x64xf32, #tpu.memory_space<vmem>>, vector<16xf32>,
        tpu.vector_store %arg10[%parallel_loop3A_3525, %parallel_loop3A_3526, %parallel_loop3A_3527, %parallel_loop3A_3528], %parallel_loop3A_3433 {strides = array<i32>} : memref<2x8x50x64xf32, #tpu.memory_space<vmem>>, vector<16xf32>,
        %parallel_loop3A_3530 = arith.constant 34 : i32
        %parallel_loop3A_3531 = arith.index_cast %select_n3A_196 : i32 to index
        %parallel_loop3A_3532 = arith.index_cast %parallel_loop3A_273 : i32 to index
        %parallel_loop3A_3533 = arith.index_cast %parallel_loop3A_3530 : i32 to index
        %parallel_loop3A_3534 = arith.constant 16 : index
        %parallel_loop3A_3535 = tpu.vector_load %arg10[%parallel_loop3A_3531, %parallel_loop3A_3532, %parallel_loop3A_3533, %parallel_loop3A_3534] {strides = array<i32>} : memref<2x8x50x64xf32, #tpu.memory_space<vmem>>, vector<16xf32>,
        tpu.vector_store %arg10[%parallel_loop3A_3531, %parallel_loop3A_3532, %parallel_loop3A_3533, %parallel_loop3A_3534], %parallel_loop3A_3439 {strides = array<i32>} : memref<2x8x50x64xf32, #tpu.memory_space<vmem>>, vector<16xf32>,
        %parallel_loop3A_3536 = arith.constant 34 : i32
        %parallel_loop3A_3537 = arith.index_cast %select_n3A_196 : i32 to index
        %parallel_loop3A_3538 = arith.index_cast %parallel_loop3A_273 : i32 to index
        %parallel_loop3A_3539 = arith.index_cast %parallel_loop3A_3536 : i32 to index
        %parallel_loop3A_3540 = arith.constant 32 : index
        %parallel_loop3A_3541 = tpu.vector_load %arg10[%parallel_loop3A_3537, %parallel_loop3A_3538, %parallel_loop3A_3539, %parallel_loop3A_3540] {strides = array<i32>} : memref<2x8x50x64xf32, #tpu.memory_space<vmem>>, vector<16xf32>,
        tpu.vector_store %arg10[%parallel_loop3A_3537, %parallel_loop3A_3538, %parallel_loop3A_3539, %parallel_loop3A_3540], %parallel_loop3A_3445 {strides = array<i32>} : memref<2x8x50x64xf32, #tpu.memory_space<vmem>>, vector<16xf32>,
        %parallel_loop3A_3542 = arith.constant 34 : i32
        %parallel_loop3A_3543 = arith.index_cast %select_n3A_196 : i32 to index
        %parallel_loop3A_3544 = arith.index_cast %parallel_loop3A_273 : i32 to index
        %parallel_loop3A_3545 = arith.index_cast %parallel_loop3A_3542 : i32 to index
        %parallel_loop3A_3546 = arith.constant 48 : index
        %parallel_loop3A_3547 = tpu.vector_load %arg10[%parallel_loop3A_3543, %parallel_loop3A_3544, %parallel_loop3A_3545, %parallel_loop3A_3546] {strides = array<i32>} : memref<2x8x50x64xf32, #tpu.memory_space<vmem>>, vector<16xf32>,
        tpu.vector_store %arg10[%parallel_loop3A_3543, %parallel_loop3A_3544, %parallel_loop3A_3545, %parallel_loop3A_3546], %parallel_loop3A_3451 {strides = array<i32>} : memref<2x8x50x64xf32, #tpu.memory_space<vmem>>, vector<16xf32>,
        %parallel_loop3A_3548 = arith.constant 47 : i32
        %parallel_loop3A_3549 = arith.index_cast %select_n3A_196 : i32 to index
        %parallel_loop3A_3550 = arith.index_cast %parallel_loop3A_273 : i32 to index
        %parallel_loop3A_3551 = arith.index_cast %parallel_loop3A_3548 : i32 to index
        %parallel_loop3A_3552 = arith.constant 0 : index
        %parallel_loop3A_3553 = tpu.vector_load %arg10[%parallel_loop3A_3549, %parallel_loop3A_3550, %parallel_loop3A_3551, %parallel_loop3A_3552] {strides = array<i32>} : memref<2x8x50x64xf32, #tpu.memory_space<vmem>>, vector<16xf32>,
        tpu.vector_store %arg10[%parallel_loop3A_3549, %parallel_loop3A_3550, %parallel_loop3A_3551, %parallel_loop3A_3552], %parallel_loop3A_3457 {strides = array<i32>} : memref<2x8x50x64xf32, #tpu.memory_space<vmem>>, vector<16xf32>,
        %parallel_loop3A_3554 = arith.constant 47 : i32
        %parallel_loop3A_3555 = arith.index_cast %select_n3A_196 : i32 to index
        %parallel_loop3A_3556 = arith.index_cast %parallel_loop3A_273 : i32 to index
        %parallel_loop3A_3557 = arith.index_cast %parallel_loop3A_3554 : i32 to index
        %parallel_loop3A_3558 = arith.constant 16 : index
        %parallel_loop3A_3559 = tpu.vector_load %arg10[%parallel_loop3A_3555, %parallel_loop3A_3556, %parallel_loop3A_3557, %parallel_loop3A_3558] {strides = array<i32>} : memref<2x8x50x64xf32, #tpu.memory_space<vmem>>, vector<16xf32>,
        tpu.vector_store %arg10[%parallel_loop3A_3555, %parallel_loop3A_3556, %parallel_loop3A_3557, %parallel_loop3A_3558], %parallel_loop3A_3463 {strides = array<i32>} : memref<2x8x50x64xf32, #tpu.memory_space<vmem>>, vector<16xf32>,
        %parallel_loop3A_3560 = arith.constant 47 : i32
        %parallel_loop3A_3561 = arith.index_cast %select_n3A_196 : i32 to index
        %parallel_loop3A_3562 = arith.index_cast %parallel_loop3A_273 : i32 to index
        %parallel_loop3A_3563 = arith.index_cast %parallel_loop3A_3560 : i32 to index
        %parallel_loop3A_3564 = arith.constant 32 : index
        %parallel_loop3A_3565 = tpu.vector_load %arg10[%parallel_loop3A_3561, %parallel_loop3A_3562, %parallel_loop3A_3563, %parallel_loop3A_3564] {strides = array<i32>} : memref<2x8x50x64xf32, #tpu.memory_space<vmem>>, vector<16xf32>,
        tpu.vector_store %arg10[%parallel_loop3A_3561, %parallel_loop3A_3562, %parallel_loop3A_3563, %parallel_loop3A_3564], %parallel_loop3A_3469 {strides = array<i32>} : memref<2x8x50x64xf32, #tpu.memory_space<vmem>>, vector<16xf32>,
        %parallel_loop3A_3566 = arith.constant 47 : i32
        %parallel_loop3A_3567 = arith.index_cast %select_n3A_196 : i32 to index
        %parallel_loop3A_3568 = arith.index_cast %parallel_loop3A_273 : i32 to index
        %parallel_loop3A_3569 = arith.index_cast %parallel_loop3A_3566 : i32 to index
        %parallel_loop3A_3570 = arith.constant 48 : index
        %parallel_loop3A_3571 = tpu.vector_load %arg10[%parallel_loop3A_3567, %parallel_loop3A_3568, %parallel_loop3A_3569, %parallel_loop3A_3570] {strides = array<i32>} : memref<2x8x50x64xf32, #tpu.memory_space<vmem>>, vector<16xf32>,
        tpu.vector_store %arg10[%parallel_loop3A_3567, %parallel_loop3A_3568, %parallel_loop3A_3569, %parallel_loop3A_3570], %parallel_loop3A_3475 {strides = array<i32>} : memref<2x8x50x64xf32, #tpu.memory_space<vmem>>, vector<16xf32>,
        %parallel_loop3A_3572 = arith.constant 0 : i32
        %parallel_loop3A_3573 = arith.addi %parallel_loop3A_275, %parallel_loop3A_3572 : i32
        %parallel_loop3A_3574 = arith.constant 10 : i32
        %parallel_loop3A_3575 = arith.addi %parallel_loop3A_3573, %parallel_loop3A_3574 : i32
        %parallel_loop3A_3576 = arith.index_cast %select_n3A_196 : i32 to index
        %parallel_loop3A_3577 = arith.index_cast %parallel_loop3A_3575 : i32 to index
        %parallel_loop3A_3578 = arith.constant 0 : index
        %parallel_loop3A_3579 = tpu.vector_load %arg9[%parallel_loop3A_3576, %parallel_loop3A_3577, %parallel_loop3A_3578] {strides = array<i32>} : memref<2x400x64xf32, #tpu.memory_space<vmem>>, vector<16xf32>,
        %parallel_loop3A_3580 = arith.constant 0 : i32
        %parallel_loop3A_3581 = arith.addi %parallel_loop3A_275, %parallel_loop3A_3580 : i32
        %parallel_loop3A_3582 = arith.constant 10 : i32
        %parallel_loop3A_3583 = arith.addi %parallel_loop3A_3581, %parallel_loop3A_3582 : i32
        %parallel_loop3A_3584 = arith.index_cast %select_n3A_196 : i32 to index
        %parallel_loop3A_3585 = arith.index_cast %parallel_loop3A_3583 : i32 to index
        %parallel_loop3A_3586 = arith.constant 16 : index
        %parallel_loop3A_3587 = tpu.vector_load %arg9[%parallel_loop3A_3584, %parallel_loop3A_3585, %parallel_loop3A_3586] {strides = array<i32>} : memref<2x400x64xf32, #tpu.memory_space<vmem>>, vector<16xf32>,
        %parallel_loop3A_3588 = arith.constant 0 : i32
        %parallel_loop3A_3589 = arith.addi %parallel_loop3A_275, %parallel_loop3A_3588 : i32
        %parallel_loop3A_3590 = arith.constant 10 : i32
        %parallel_loop3A_3591 = arith.addi %parallel_loop3A_3589, %parallel_loop3A_3590 : i32
        %parallel_loop3A_3592 = arith.index_cast %select_n3A_196 : i32 to index
        %parallel_loop3A_3593 = arith.index_cast %parallel_loop3A_3591 : i32 to index
        %parallel_loop3A_3594 = arith.constant 32 : index
        %parallel_loop3A_3595 = tpu.vector_load %arg9[%parallel_loop3A_3592, %parallel_loop3A_3593, %parallel_loop3A_3594] {strides = array<i32>} : memref<2x400x64xf32, #tpu.memory_space<vmem>>, vector<16xf32>,
        %parallel_loop3A_3596 = arith.constant 0 : i32
        %parallel_loop3A_3597 = arith.addi %parallel_loop3A_275, %parallel_loop3A_3596 : i32
        %parallel_loop3A_3598 = arith.constant 10 : i32
        %parallel_loop3A_3599 = arith.addi %parallel_loop3A_3597, %parallel_loop3A_3598 : i32
        %parallel_loop3A_3600 = arith.index_cast %select_n3A_196 : i32 to index
        %parallel_loop3A_3601 = arith.index_cast %parallel_loop3A_3599 : i32 to index
        %parallel_loop3A_3602 = arith.constant 48 : index
        %parallel_loop3A_3603 = tpu.vector_load %arg9[%parallel_loop3A_3600, %parallel_loop3A_3601, %parallel_loop3A_3602] {strides = array<i32>} : memref<2x400x64xf32, #tpu.memory_space<vmem>>, vector<16xf32>,
        %parallel_loop3A_3604 = arith.constant 13 : i32
        %parallel_loop3A_3605 = arith.addi %parallel_loop3A_275, %parallel_loop3A_3604 : i32
        %parallel_loop3A_3606 = arith.constant 10 : i32
        %parallel_loop3A_3607 = arith.addi %parallel_loop3A_3605, %parallel_loop3A_3606 : i32
        %parallel_loop3A_3608 = arith.index_cast %select_n3A_196 : i32 to index
        %parallel_loop3A_3609 = arith.index_cast %parallel_loop3A_3607 : i32 to index
        %parallel_loop3A_3610 = arith.constant 0 : index
        %parallel_loop3A_3611 = tpu.vector_load %arg9[%parallel_loop3A_3608, %parallel_loop3A_3609, %parallel_loop3A_3610] {strides = array<i32>} : memref<2x400x64xf32, #tpu.memory_space<vmem>>, vector<16xf32>,
        %parallel_loop3A_3612 = arith.constant 13 : i32
        %parallel_loop3A_3613 = arith.addi %parallel_loop3A_275, %parallel_loop3A_3612 : i32
        %parallel_loop3A_3614 = arith.constant 10 : i32
        %parallel_loop3A_3615 = arith.addi %parallel_loop3A_3613, %parallel_loop3A_3614 : i32
        %parallel_loop3A_3616 = arith.index_cast %select_n3A_196 : i32 to index
        %parallel_loop3A_3617 = arith.index_cast %parallel_loop3A_3615 : i32 to index
        %parallel_loop3A_3618 = arith.constant 16 : index
        %parallel_loop3A_3619 = tpu.vector_load %arg9[%parallel_loop3A_3616, %parallel_loop3A_3617, %parallel_loop3A_3618] {strides = array<i32>} : memref<2x400x64xf32, #tpu.memory_space<vmem>>, vector<16xf32>,
        %parallel_loop3A_3620 = arith.constant 13 : i32
        %parallel_loop3A_3621 = arith.addi %parallel_loop3A_275, %parallel_loop3A_3620 : i32
        %parallel_loop3A_3622 = arith.constant 10 : i32
        %parallel_loop3A_3623 = arith.addi %parallel_loop3A_3621, %parallel_loop3A_3622 : i32
        %parallel_loop3A_3624 = arith.index_cast %select_n3A_196 : i32 to index
        %parallel_loop3A_3625 = arith.index_cast %parallel_loop3A_3623 : i32 to index
        %parallel_loop3A_3626 = arith.constant 32 : index
        %parallel_loop3A_3627 = tpu.vector_load %arg9[%parallel_loop3A_3624, %parallel_loop3A_3625, %parallel_loop3A_3626] {strides = array<i32>} : memref<2x400x64xf32, #tpu.memory_space<vmem>>, vector<16xf32>,
        %parallel_loop3A_3628 = arith.constant 13 : i32
        %parallel_loop3A_3629 = arith.addi %parallel_loop3A_275, %parallel_loop3A_3628 : i32
        %parallel_loop3A_3630 = arith.constant 10 : i32
        %parallel_loop3A_3631 = arith.addi %parallel_loop3A_3629, %parallel_loop3A_3630 : i32
        %parallel_loop3A_3632 = arith.index_cast %select_n3A_196 : i32 to index
        %parallel_loop3A_3633 = arith.index_cast %parallel_loop3A_3631 : i32 to index
        %parallel_loop3A_3634 = arith.constant 48 : index
        %parallel_loop3A_3635 = tpu.vector_load %arg9[%parallel_loop3A_3632, %parallel_loop3A_3633, %parallel_loop3A_3634] {strides = array<i32>} : memref<2x400x64xf32, #tpu.memory_space<vmem>>, vector<16xf32>,
        %parallel_loop3A_3636 = arith.constant 25 : i32
        %parallel_loop3A_3637 = arith.addi %parallel_loop3A_275, %parallel_loop3A_3636 : i32
        %parallel_loop3A_3638 = arith.constant 10 : i32
        %parallel_loop3A_3639 = arith.addi %parallel_loop3A_3637, %parallel_loop3A_3638 : i32
        %parallel_loop3A_3640 = arith.index_cast %select_n3A_196 : i32 to index
        %parallel_loop3A_3641 = arith.index_cast %parallel_loop3A_3639 : i32 to index
        %parallel_loop3A_3642 = arith.constant 0 : index
        %parallel_loop3A_3643 = tpu.vector_load %arg9[%parallel_loop3A_3640, %parallel_loop3A_3641, %parallel_loop3A_3642] {strides = array<i32>} : memref<2x400x64xf32, #tpu.memory_space<vmem>>, vector<16xf32>,
        %parallel_loop3A_3644 = arith.constant 25 : i32
        %parallel_loop3A_3645 = arith.addi %parallel_loop3A_275, %parallel_loop3A_3644 : i32
        %parallel_loop3A_3646 = arith.constant 10 : i32
        %parallel_loop3A_3647 = arith.addi %parallel_loop3A_3645, %parallel_loop3A_3646 : i32
        %parallel_loop3A_3648 = arith.index_cast %select_n3A_196 : i32 to index
        %parallel_loop3A_3649 = arith.index_cast %parallel_loop3A_3647 : i32 to index
        %parallel_loop3A_3650 = arith.constant 16 : index
        %parallel_loop3A_3651 = tpu.vector_load %arg9[%parallel_loop3A_3648, %parallel_loop3A_3649, %parallel_loop3A_3650] {strides = array<i32>} : memref<2x400x64xf32, #tpu.memory_space<vmem>>, vector<16xf32>,
        %parallel_loop3A_3652 = arith.constant 25 : i32
        %parallel_loop3A_3653 = arith.addi %parallel_loop3A_275, %parallel_loop3A_3652 : i32
        %parallel_loop3A_3654 = arith.constant 10 : i32
        %parallel_loop3A_3655 = arith.addi %parallel_loop3A_3653, %parallel_loop3A_3654 : i32
        %parallel_loop3A_3656 = arith.index_cast %select_n3A_196 : i32 to index
        %parallel_loop3A_3657 = arith.index_cast %parallel_loop3A_3655 : i32 to index
        %parallel_loop3A_3658 = arith.constant 32 : index
        %parallel_loop3A_3659 = tpu.vector_load %arg9[%parallel_loop3A_3656, %parallel_loop3A_3657, %parallel_loop3A_3658] {strides = array<i32>} : memref<2x400x64xf32, #tpu.memory_space<vmem>>, vector<16xf32>,
        %parallel_loop3A_3660 = arith.constant 25 : i32
        %parallel_loop3A_3661 = arith.addi %parallel_loop3A_275, %parallel_loop3A_3660 : i32
        %parallel_loop3A_3662 = arith.constant 10 : i32
        %parallel_loop3A_3663 = arith.addi %parallel_loop3A_3661, %parallel_loop3A_3662 : i32
        %parallel_loop3A_3664 = arith.index_cast %select_n3A_196 : i32 to index
        %parallel_loop3A_3665 = arith.index_cast %parallel_loop3A_3663 : i32 to index
        %parallel_loop3A_3666 = arith.constant 48 : index
        %parallel_loop3A_3667 = tpu.vector_load %arg9[%parallel_loop3A_3664, %parallel_loop3A_3665, %parallel_loop3A_3666] {strides = array<i32>} : memref<2x400x64xf32, #tpu.memory_space<vmem>>, vector<16xf32>,
        %parallel_loop3A_3668 = arith.constant 38 : i32
        %parallel_loop3A_3669 = arith.addi %parallel_loop3A_275, %parallel_loop3A_3668 : i32
        %parallel_loop3A_3670 = arith.constant 10 : i32
        %parallel_loop3A_3671 = arith.addi %parallel_loop3A_3669, %parallel_loop3A_3670 : i32
        %parallel_loop3A_3672 = arith.index_cast %select_n3A_196 : i32 to index
        %parallel_loop3A_3673 = arith.index_cast %parallel_loop3A_3671 : i32 to index
        %parallel_loop3A_3674 = arith.constant 0 : index
        %parallel_loop3A_3675 = tpu.vector_load %arg9[%parallel_loop3A_3672, %parallel_loop3A_3673, %parallel_loop3A_3674] {strides = array<i32>} : memref<2x400x64xf32, #tpu.memory_space<vmem>>, vector<16xf32>,
        %parallel_loop3A_3676 = arith.constant 38 : i32
        %parallel_loop3A_3677 = arith.addi %parallel_loop3A_275, %parallel_loop3A_3676 : i32
        %parallel_loop3A_3678 = arith.constant 10 : i32
        %parallel_loop3A_3679 = arith.addi %parallel_loop3A_3677, %parallel_loop3A_3678 : i32
        %parallel_loop3A_3680 = arith.index_cast %select_n3A_196 : i32 to index
        %parallel_loop3A_3681 = arith.index_cast %parallel_loop3A_3679 : i32 to index
        %parallel_loop3A_3682 = arith.constant 16 : index
        %parallel_loop3A_3683 = tpu.vector_load %arg9[%parallel_loop3A_3680, %parallel_loop3A_3681, %parallel_loop3A_3682] {strides = array<i32>} : memref<2x400x64xf32, #tpu.memory_space<vmem>>, vector<16xf32>,
        %parallel_loop3A_3684 = arith.constant 38 : i32
        %parallel_loop3A_3685 = arith.addi %parallel_loop3A_275, %parallel_loop3A_3684 : i32
        %parallel_loop3A_3686 = arith.constant 10 : i32
        %parallel_loop3A_3687 = arith.addi %parallel_loop3A_3685, %parallel_loop3A_3686 : i32
        %parallel_loop3A_3688 = arith.index_cast %select_n3A_196 : i32 to index
        %parallel_loop3A_3689 = arith.index_cast %parallel_loop3A_3687 : i32 to index
        %parallel_loop3A_3690 = arith.constant 32 : index
        %parallel_loop3A_3691 = tpu.vector_load %arg9[%parallel_loop3A_3688, %parallel_loop3A_3689, %parallel_loop3A_3690] {strides = array<i32>} : memref<2x400x64xf32, #tpu.memory_space<vmem>>, vector<16xf32>,
        %parallel_loop3A_3692 = arith.constant 38 : i32
        %parallel_loop3A_3693 = arith.addi %parallel_loop3A_275, %parallel_loop3A_3692 : i32
        %parallel_loop3A_3694 = arith.constant 10 : i32
        %parallel_loop3A_3695 = arith.addi %parallel_loop3A_3693, %parallel_loop3A_3694 : i32
        %parallel_loop3A_3696 = arith.index_cast %select_n3A_196 : i32 to index
        %parallel_loop3A_3697 = arith.index_cast %parallel_loop3A_3695 : i32 to index
        %parallel_loop3A_3698 = arith.constant 48 : index
        %parallel_loop3A_3699 = tpu.vector_load %arg9[%parallel_loop3A_3696, %parallel_loop3A_3697, %parallel_loop3A_3698] {strides = array<i32>} : memref<2x400x64xf32, #tpu.memory_space<vmem>>, vector<16xf32>,
        %parallel_loop3A_3700 = arith.mulf %get3A_105, %parallel_loop3A_3259 : vector<16xf32>
        %parallel_loop3A_3701 = arith.mulf %get3A_121, %parallel_loop3A_3579 : vector<16xf32>
        %parallel_loop3A_3702 = arith.addf %parallel_loop3A_3700, %parallel_loop3A_3701 : vector<16xf32>
        %parallel_loop3A_3703 = arith.constant 0.000000e+00 : f32
        %parallel_loop3A_3704 = vector.broadcast %parallel_loop3A_3703 : f32 to vector<16xf32>
        %parallel_loop3A_3705 = arith.maximumf %parallel_loop3A_3702, %parallel_loop3A_3704 : vector<16xf32>
        %parallel_loop3A_3706 = arith.mulf %get3A_109, %parallel_loop3A_3267 : vector<16xf32>
        %parallel_loop3A_3707 = arith.mulf %get3A_125, %parallel_loop3A_3587 : vector<16xf32>
        %parallel_loop3A_3708 = arith.addf %parallel_loop3A_3706, %parallel_loop3A_3707 : vector<16xf32>
        %parallel_loop3A_3709 = arith.constant 0.000000e+00 : f32
        %parallel_loop3A_3710 = vector.broadcast %parallel_loop3A_3709 : f32 to vector<16xf32>
        %parallel_loop3A_3711 = arith.maximumf %parallel_loop3A_3708, %parallel_loop3A_3710 : vector<16xf32>
        %parallel_loop3A_3712 = arith.mulf %get3A_113, %parallel_loop3A_3275 : vector<16xf32>
        %parallel_loop3A_3713 = arith.mulf %get3A_129, %parallel_loop3A_3595 : vector<16xf32>
        %parallel_loop3A_3714 = arith.addf %parallel_loop3A_3712, %parallel_loop3A_3713 : vector<16xf32>
        %parallel_loop3A_3715 = arith.constant 0.000000e+00 : f32
        %parallel_loop3A_3716 = vector.broadcast %parallel_loop3A_3715 : f32 to vector<16xf32>
        %parallel_loop3A_3717 = arith.maximumf %parallel_loop3A_3714, %parallel_loop3A_3716 : vector<16xf32>
        %parallel_loop3A_3718 = arith.mulf %get3A_117, %parallel_loop3A_3283 : vector<16xf32>
        %parallel_loop3A_3719 = arith.mulf %get3A_133, %parallel_loop3A_3603 : vector<16xf32>
        %parallel_loop3A_3720 = arith.addf %parallel_loop3A_3718, %parallel_loop3A_3719 : vector<16xf32>
        %parallel_loop3A_3721 = arith.constant 0.000000e+00 : f32
        %parallel_loop3A_3722 = vector.broadcast %parallel_loop3A_3721 : f32 to vector<16xf32>
        %parallel_loop3A_3723 = arith.maximumf %parallel_loop3A_3720, %parallel_loop3A_3722 : vector<16xf32>
        %parallel_loop3A_3724 = arith.mulf %get3A_105, %parallel_loop3A_3291 : vector<16xf32>
        %parallel_loop3A_3725 = arith.mulf %get3A_121, %parallel_loop3A_3611 : vector<16xf32>
        %parallel_loop3A_3726 = arith.addf %parallel_loop3A_3724, %parallel_loop3A_3725 : vector<16xf32>
        %parallel_loop3A_3727 = arith.constant 0.000000e+00 : f32
        %parallel_loop3A_3728 = vector.broadcast %parallel_loop3A_3727 : f32 to vector<16xf32>
        %parallel_loop3A_3729 = arith.maximumf %parallel_loop3A_3726, %parallel_loop3A_3728 : vector<16xf32>
        %parallel_loop3A_3730 = arith.mulf %get3A_109, %parallel_loop3A_3299 : vector<16xf32>
        %parallel_loop3A_3731 = arith.mulf %get3A_125, %parallel_loop3A_3619 : vector<16xf32>
        %parallel_loop3A_3732 = arith.addf %parallel_loop3A_3730, %parallel_loop3A_3731 : vector<16xf32>
        %parallel_loop3A_3733 = arith.constant 0.000000e+00 : f32
        %parallel_loop3A_3734 = vector.broadcast %parallel_loop3A_3733 : f32 to vector<16xf32>
        %parallel_loop3A_3735 = arith.maximumf %parallel_loop3A_3732, %parallel_loop3A_3734 : vector<16xf32>
        %parallel_loop3A_3736 = arith.mulf %get3A_113, %parallel_loop3A_3307 : vector<16xf32>
        %parallel_loop3A_3737 = arith.mulf %get3A_129, %parallel_loop3A_3627 : vector<16xf32>
        %parallel_loop3A_3738 = arith.addf %parallel_loop3A_3736, %parallel_loop3A_3737 : vector<16xf32>
        %parallel_loop3A_3739 = arith.constant 0.000000e+00 : f32
        %parallel_loop3A_3740 = vector.broadcast %parallel_loop3A_3739 : f32 to vector<16xf32>
        %parallel_loop3A_3741 = arith.maximumf %parallel_loop3A_3738, %parallel_loop3A_3740 : vector<16xf32>
        %parallel_loop3A_3742 = arith.mulf %get3A_117, %parallel_loop3A_3315 : vector<16xf32>
        %parallel_loop3A_3743 = arith.mulf %get3A_133, %parallel_loop3A_3635 : vector<16xf32>
        %parallel_loop3A_3744 = arith.addf %parallel_loop3A_3742, %parallel_loop3A_3743 : vector<16xf32>
        %parallel_loop3A_3745 = arith.constant 0.000000e+00 : f32
        %parallel_loop3A_3746 = vector.broadcast %parallel_loop3A_3745 : f32 to vector<16xf32>
        %parallel_loop3A_3747 = arith.maximumf %parallel_loop3A_3744, %parallel_loop3A_3746 : vector<16xf32>
        %parallel_loop3A_3748 = arith.mulf %get3A_105, %parallel_loop3A_3323 : vector<16xf32>
        %parallel_loop3A_3749 = arith.mulf %get3A_121, %parallel_loop3A_3643 : vector<16xf32>
        %parallel_loop3A_3750 = arith.addf %parallel_loop3A_3748, %parallel_loop3A_3749 : vector<16xf32>
        %parallel_loop3A_3751 = arith.constant 0.000000e+00 : f32
        %parallel_loop3A_3752 = vector.broadcast %parallel_loop3A_3751 : f32 to vector<16xf32>
        %parallel_loop3A_3753 = arith.maximumf %parallel_loop3A_3750, %parallel_loop3A_3752 : vector<16xf32>
        %parallel_loop3A_3754 = arith.mulf %get3A_109, %parallel_loop3A_3331 : vector<16xf32>
        %parallel_loop3A_3755 = arith.mulf %get3A_125, %parallel_loop3A_3651 : vector<16xf32>
        %parallel_loop3A_3756 = arith.addf %parallel_loop3A_3754, %parallel_loop3A_3755 : vector<16xf32>
        %parallel_loop3A_3757 = arith.constant 0.000000e+00 : f32
        %parallel_loop3A_3758 = vector.broadcast %parallel_loop3A_3757 : f32 to vector<16xf32>
        %parallel_loop3A_3759 = arith.maximumf %parallel_loop3A_3756, %parallel_loop3A_3758 : vector<16xf32>
        %parallel_loop3A_3760 = arith.mulf %get3A_113, %parallel_loop3A_3339 : vector<16xf32>
        %parallel_loop3A_3761 = arith.mulf %get3A_129, %parallel_loop3A_3659 : vector<16xf32>
        %parallel_loop3A_3762 = arith.addf %parallel_loop3A_3760, %parallel_loop3A_3761 : vector<16xf32>
        %parallel_loop3A_3763 = arith.constant 0.000000e+00 : f32
        %parallel_loop3A_3764 = vector.broadcast %parallel_loop3A_3763 : f32 to vector<16xf32>
        %parallel_loop3A_3765 = arith.maximumf %parallel_loop3A_3762, %parallel_loop3A_3764 : vector<16xf32>
        %parallel_loop3A_3766 = arith.mulf %get3A_117, %parallel_loop3A_3347 : vector<16xf32>
        %parallel_loop3A_3767 = arith.mulf %get3A_133, %parallel_loop3A_3667 : vector<16xf32>
        %parallel_loop3A_3768 = arith.addf %parallel_loop3A_3766, %parallel_loop3A_3767 : vector<16xf32>
        %parallel_loop3A_3769 = arith.constant 0.000000e+00 : f32
        %parallel_loop3A_3770 = vector.broadcast %parallel_loop3A_3769 : f32 to vector<16xf32>
        %parallel_loop3A_3771 = arith.maximumf %parallel_loop3A_3768, %parallel_loop3A_3770 : vector<16xf32>
        %parallel_loop3A_3772 = arith.mulf %get3A_105, %parallel_loop3A_3355 : vector<16xf32>
        %parallel_loop3A_3773 = arith.mulf %get3A_121, %parallel_loop3A_3675 : vector<16xf32>
        %parallel_loop3A_3774 = arith.addf %parallel_loop3A_3772, %parallel_loop3A_3773 : vector<16xf32>
        %parallel_loop3A_3775 = arith.constant 0.000000e+00 : f32
        %parallel_loop3A_3776 = vector.broadcast %parallel_loop3A_3775 : f32 to vector<16xf32>
        %parallel_loop3A_3777 = arith.maximumf %parallel_loop3A_3774, %parallel_loop3A_3776 : vector<16xf32>
        %parallel_loop3A_3778 = arith.mulf %get3A_109, %parallel_loop3A_3363 : vector<16xf32>
        %parallel_loop3A_3779 = arith.mulf %get3A_125, %parallel_loop3A_3683 : vector<16xf32>
        %parallel_loop3A_3780 = arith.addf %parallel_loop3A_3778, %parallel_loop3A_3779 : vector<16xf32>
        %parallel_loop3A_3781 = arith.constant 0.000000e+00 : f32
        %parallel_loop3A_3782 = vector.broadcast %parallel_loop3A_3781 : f32 to vector<16xf32>
        %parallel_loop3A_3783 = arith.maximumf %parallel_loop3A_3780, %parallel_loop3A_3782 : vector<16xf32>
        %parallel_loop3A_3784 = arith.mulf %get3A_113, %parallel_loop3A_3371 : vector<16xf32>
        %parallel_loop3A_3785 = arith.mulf %get3A_129, %parallel_loop3A_3691 : vector<16xf32>
        %parallel_loop3A_3786 = arith.addf %parallel_loop3A_3784, %parallel_loop3A_3785 : vector<16xf32>
        %parallel_loop3A_3787 = arith.constant 0.000000e+00 : f32
        %parallel_loop3A_3788 = vector.broadcast %parallel_loop3A_3787 : f32 to vector<16xf32>
        %parallel_loop3A_3789 = arith.maximumf %parallel_loop3A_3786, %parallel_loop3A_3788 : vector<16xf32>
        %parallel_loop3A_3790 = arith.mulf %get3A_117, %parallel_loop3A_3379 : vector<16xf32>
        %parallel_loop3A_3791 = arith.mulf %get3A_133, %parallel_loop3A_3699 : vector<16xf32>
        %parallel_loop3A_3792 = arith.addf %parallel_loop3A_3790, %parallel_loop3A_3791 : vector<16xf32>
        %parallel_loop3A_3793 = arith.constant 0.000000e+00 : f32
        %parallel_loop3A_3794 = vector.broadcast %parallel_loop3A_3793 : f32 to vector<16xf32>
        %parallel_loop3A_3795 = arith.maximumf %parallel_loop3A_3792, %parallel_loop3A_3794 : vector<16xf32>
        %parallel_loop3A_3796 = arith.constant 10 : i32
        %parallel_loop3A_3797 = arith.index_cast %select_n3A_196 : i32 to index
        %parallel_loop3A_3798 = arith.index_cast %parallel_loop3A_273 : i32 to index
        %parallel_loop3A_3799 = arith.index_cast %parallel_loop3A_3796 : i32 to index
        %parallel_loop3A_3800 = arith.constant 0 : index
        %parallel_loop3A_3801 = tpu.vector_load %arg10[%parallel_loop3A_3797, %parallel_loop3A_3798, %parallel_loop3A_3799, %parallel_loop3A_3800] {strides = array<i32>} : memref<2x8x50x64xf32, #tpu.memory_space<vmem>>, vector<16xf32>,
        tpu.vector_store %arg10[%parallel_loop3A_3797, %parallel_loop3A_3798, %parallel_loop3A_3799, %parallel_loop3A_3800], %parallel_loop3A_3705 {strides = array<i32>} : memref<2x8x50x64xf32, #tpu.memory_space<vmem>>, vector<16xf32>,
        %parallel_loop3A_3802 = arith.constant 10 : i32
        %parallel_loop3A_3803 = arith.index_cast %select_n3A_196 : i32 to index
        %parallel_loop3A_3804 = arith.index_cast %parallel_loop3A_273 : i32 to index
        %parallel_loop3A_3805 = arith.index_cast %parallel_loop3A_3802 : i32 to index
        %parallel_loop3A_3806 = arith.constant 16 : index
        %parallel_loop3A_3807 = tpu.vector_load %arg10[%parallel_loop3A_3803, %parallel_loop3A_3804, %parallel_loop3A_3805, %parallel_loop3A_3806] {strides = array<i32>} : memref<2x8x50x64xf32, #tpu.memory_space<vmem>>, vector<16xf32>,
        tpu.vector_store %arg10[%parallel_loop3A_3803, %parallel_loop3A_3804, %parallel_loop3A_3805, %parallel_loop3A_3806], %parallel_loop3A_3711 {strides = array<i32>} : memref<2x8x50x64xf32, #tpu.memory_space<vmem>>, vector<16xf32>,
        %parallel_loop3A_3808 = arith.constant 10 : i32
        %parallel_loop3A_3809 = arith.index_cast %select_n3A_196 : i32 to index
        %parallel_loop3A_3810 = arith.index_cast %parallel_loop3A_273 : i32 to index
        %parallel_loop3A_3811 = arith.index_cast %parallel_loop3A_3808 : i32 to index
        %parallel_loop3A_3812 = arith.constant 32 : index
        %parallel_loop3A_3813 = tpu.vector_load %arg10[%parallel_loop3A_3809, %parallel_loop3A_3810, %parallel_loop3A_3811, %parallel_loop3A_3812] {strides = array<i32>} : memref<2x8x50x64xf32, #tpu.memory_space<vmem>>, vector<16xf32>,
        tpu.vector_store %arg10[%parallel_loop3A_3809, %parallel_loop3A_3810, %parallel_loop3A_3811, %parallel_loop3A_3812], %parallel_loop3A_3717 {strides = array<i32>} : memref<2x8x50x64xf32, #tpu.memory_space<vmem>>, vector<16xf32>,
        %parallel_loop3A_3814 = arith.constant 10 : i32
        %parallel_loop3A_3815 = arith.index_cast %select_n3A_196 : i32 to index
        %parallel_loop3A_3816 = arith.index_cast %parallel_loop3A_273 : i32 to index
        %parallel_loop3A_3817 = arith.index_cast %parallel_loop3A_3814 : i32 to index
        %parallel_loop3A_3818 = arith.constant 48 : index
        %parallel_loop3A_3819 = tpu.vector_load %arg10[%parallel_loop3A_3815, %parallel_loop3A_3816, %parallel_loop3A_3817, %parallel_loop3A_3818] {strides = array<i32>} : memref<2x8x50x64xf32, #tpu.memory_space<vmem>>, vector<16xf32>,
        tpu.vector_store %arg10[%parallel_loop3A_3815, %parallel_loop3A_3816, %parallel_loop3A_3817, %parallel_loop3A_3818], %parallel_loop3A_3723 {strides = array<i32>} : memref<2x8x50x64xf32, #tpu.memory_space<vmem>>, vector<16xf32>,
        %parallel_loop3A_3820 = arith.constant 23 : i32
        %parallel_loop3A_3821 = arith.index_cast %select_n3A_196 : i32 to index
        %parallel_loop3A_3822 = arith.index_cast %parallel_loop3A_273 : i32 to index
        %parallel_loop3A_3823 = arith.index_cast %parallel_loop3A_3820 : i32 to index
        %parallel_loop3A_3824 = arith.constant 0 : index
        %parallel_loop3A_3825 = tpu.vector_load %arg10[%parallel_loop3A_3821, %parallel_loop3A_3822, %parallel_loop3A_3823, %parallel_loop3A_3824] {strides = array<i32>} : memref<2x8x50x64xf32, #tpu.memory_space<vmem>>, vector<16xf32>,
        tpu.vector_store %arg10[%parallel_loop3A_3821, %parallel_loop3A_3822, %parallel_loop3A_3823, %parallel_loop3A_3824], %parallel_loop3A_3729 {strides = array<i32>} : memref<2x8x50x64xf32, #tpu.memory_space<vmem>>, vector<16xf32>,
        %parallel_loop3A_3826 = arith.constant 23 : i32
        %parallel_loop3A_3827 = arith.index_cast %select_n3A_196 : i32 to index
        %parallel_loop3A_3828 = arith.index_cast %parallel_loop3A_273 : i32 to index
        %parallel_loop3A_3829 = arith.index_cast %parallel_loop3A_3826 : i32 to index
        %parallel_loop3A_3830 = arith.constant 16 : index
        %parallel_loop3A_3831 = tpu.vector_load %arg10[%parallel_loop3A_3827, %parallel_loop3A_3828, %parallel_loop3A_3829, %parallel_loop3A_3830] {strides = array<i32>} : memref<2x8x50x64xf32, #tpu.memory_space<vmem>>, vector<16xf32>,
        tpu.vector_store %arg10[%parallel_loop3A_3827, %parallel_loop3A_3828, %parallel_loop3A_3829, %parallel_loop3A_3830], %parallel_loop3A_3735 {strides = array<i32>} : memref<2x8x50x64xf32, #tpu.memory_space<vmem>>, vector<16xf32>,
        %parallel_loop3A_3832 = arith.constant 23 : i32
        %parallel_loop3A_3833 = arith.index_cast %select_n3A_196 : i32 to index
        %parallel_loop3A_3834 = arith.index_cast %parallel_loop3A_273 : i32 to index
        %parallel_loop3A_3835 = arith.index_cast %parallel_loop3A_3832 : i32 to index
        %parallel_loop3A_3836 = arith.constant 32 : index
        %parallel_loop3A_3837 = tpu.vector_load %arg10[%parallel_loop3A_3833, %parallel_loop3A_3834, %parallel_loop3A_3835, %parallel_loop3A_3836] {strides = array<i32>} : memref<2x8x50x64xf32, #tpu.memory_space<vmem>>, vector<16xf32>,
        tpu.vector_store %arg10[%parallel_loop3A_3833, %parallel_loop3A_3834, %parallel_loop3A_3835, %parallel_loop3A_3836], %parallel_loop3A_3741 {strides = array<i32>} : memref<2x8x50x64xf32, #tpu.memory_space<vmem>>, vector<16xf32>,
        %parallel_loop3A_3838 = arith.constant 23 : i32
        %parallel_loop3A_3839 = arith.index_cast %select_n3A_196 : i32 to index
        %parallel_loop3A_3840 = arith.index_cast %parallel_loop3A_273 : i32 to index
        %parallel_loop3A_3841 = arith.index_cast %parallel_loop3A_3838 : i32 to index
        %parallel_loop3A_3842 = arith.constant 48 : index
        %parallel_loop3A_3843 = tpu.vector_load %arg10[%parallel_loop3A_3839, %parallel_loop3A_3840, %parallel_loop3A_3841, %parallel_loop3A_3842] {strides = array<i32>} : memref<2x8x50x64xf32, #tpu.memory_space<vmem>>, vector<16xf32>,
        tpu.vector_store %arg10[%parallel_loop3A_3839, %parallel_loop3A_3840, %parallel_loop3A_3841, %parallel_loop3A_3842], %parallel_loop3A_3747 {strides = array<i32>} : memref<2x8x50x64xf32, #tpu.memory_space<vmem>>, vector<16xf32>,
        %parallel_loop3A_3844 = arith.constant 35 : i32
        %parallel_loop3A_3845 = arith.index_cast %select_n3A_196 : i32 to index
        %parallel_loop3A_3846 = arith.index_cast %parallel_loop3A_273 : i32 to index
        %parallel_loop3A_3847 = arith.index_cast %parallel_loop3A_3844 : i32 to index
        %parallel_loop3A_3848 = arith.constant 0 : index
        %parallel_loop3A_3849 = tpu.vector_load %arg10[%parallel_loop3A_3845, %parallel_loop3A_3846, %parallel_loop3A_3847, %parallel_loop3A_3848] {strides = array<i32>} : memref<2x8x50x64xf32, #tpu.memory_space<vmem>>, vector<16xf32>,
        tpu.vector_store %arg10[%parallel_loop3A_3845, %parallel_loop3A_3846, %parallel_loop3A_3847, %parallel_loop3A_3848], %parallel_loop3A_3753 {strides = array<i32>} : memref<2x8x50x64xf32, #tpu.memory_space<vmem>>, vector<16xf32>,
        %parallel_loop3A_3850 = arith.constant 35 : i32
        %parallel_loop3A_3851 = arith.index_cast %select_n3A_196 : i32 to index
        %parallel_loop3A_3852 = arith.index_cast %parallel_loop3A_273 : i32 to index
        %parallel_loop3A_3853 = arith.index_cast %parallel_loop3A_3850 : i32 to index
        %parallel_loop3A_3854 = arith.constant 16 : index
        %parallel_loop3A_3855 = tpu.vector_load %arg10[%parallel_loop3A_3851, %parallel_loop3A_3852, %parallel_loop3A_3853, %parallel_loop3A_3854] {strides = array<i32>} : memref<2x8x50x64xf32, #tpu.memory_space<vmem>>, vector<16xf32>,
        tpu.vector_store %arg10[%parallel_loop3A_3851, %parallel_loop3A_3852, %parallel_loop3A_3853, %parallel_loop3A_3854], %parallel_loop3A_3759 {strides = array<i32>} : memref<2x8x50x64xf32, #tpu.memory_space<vmem>>, vector<16xf32>,
        %parallel_loop3A_3856 = arith.constant 35 : i32
        %parallel_loop3A_3857 = arith.index_cast %select_n3A_196 : i32 to index
        %parallel_loop3A_3858 = arith.index_cast %parallel_loop3A_273 : i32 to index
        %parallel_loop3A_3859 = arith.index_cast %parallel_loop3A_3856 : i32 to index
        %parallel_loop3A_3860 = arith.constant 32 : index
        %parallel_loop3A_3861 = tpu.vector_load %arg10[%parallel_loop3A_3857, %parallel_loop3A_3858, %parallel_loop3A_3859, %parallel_loop3A_3860] {strides = array<i32>} : memref<2x8x50x64xf32, #tpu.memory_space<vmem>>, vector<16xf32>,
        tpu.vector_store %arg10[%parallel_loop3A_3857, %parallel_loop3A_3858, %parallel_loop3A_3859, %parallel_loop3A_3860], %parallel_loop3A_3765 {strides = array<i32>} : memref<2x8x50x64xf32, #tpu.memory_space<vmem>>, vector<16xf32>,
        %parallel_loop3A_3862 = arith.constant 35 : i32
        %parallel_loop3A_3863 = arith.index_cast %select_n3A_196 : i32 to index
        %parallel_loop3A_3864 = arith.index_cast %parallel_loop3A_273 : i32 to index
        %parallel_loop3A_3865 = arith.index_cast %parallel_loop3A_3862 : i32 to index
        %parallel_loop3A_3866 = arith.constant 48 : index
        %parallel_loop3A_3867 = tpu.vector_load %arg10[%parallel_loop3A_3863, %parallel_loop3A_3864, %parallel_loop3A_3865, %parallel_loop3A_3866] {strides = array<i32>} : memref<2x8x50x64xf32, #tpu.memory_space<vmem>>, vector<16xf32>,
        tpu.vector_store %arg10[%parallel_loop3A_3863, %parallel_loop3A_3864, %parallel_loop3A_3865, %parallel_loop3A_3866], %parallel_loop3A_3771 {strides = array<i32>} : memref<2x8x50x64xf32, #tpu.memory_space<vmem>>, vector<16xf32>,
        %parallel_loop3A_3868 = arith.constant 48 : i32
        %parallel_loop3A_3869 = arith.index_cast %select_n3A_196 : i32 to index
        %parallel_loop3A_3870 = arith.index_cast %parallel_loop3A_273 : i32 to index
        %parallel_loop3A_3871 = arith.index_cast %parallel_loop3A_3868 : i32 to index
        %parallel_loop3A_3872 = arith.constant 0 : index
        %parallel_loop3A_3873 = tpu.vector_load %arg10[%parallel_loop3A_3869, %parallel_loop3A_3870, %parallel_loop3A_3871, %parallel_loop3A_3872] {strides = array<i32>} : memref<2x8x50x64xf32, #tpu.memory_space<vmem>>, vector<16xf32>,
        tpu.vector_store %arg10[%parallel_loop3A_3869, %parallel_loop3A_3870, %parallel_loop3A_3871, %parallel_loop3A_3872], %parallel_loop3A_3777 {strides = array<i32>} : memref<2x8x50x64xf32, #tpu.memory_space<vmem>>, vector<16xf32>,
        %parallel_loop3A_3874 = arith.constant 48 : i32
        %parallel_loop3A_3875 = arith.index_cast %select_n3A_196 : i32 to index
        %parallel_loop3A_3876 = arith.index_cast %parallel_loop3A_273 : i32 to index
        %parallel_loop3A_3877 = arith.index_cast %parallel_loop3A_3874 : i32 to index
        %parallel_loop3A_3878 = arith.constant 16 : index
        %parallel_loop3A_3879 = tpu.vector_load %arg10[%parallel_loop3A_3875, %parallel_loop3A_3876, %parallel_loop3A_3877, %parallel_loop3A_3878] {strides = array<i32>} : memref<2x8x50x64xf32, #tpu.memory_space<vmem>>, vector<16xf32>,
        tpu.vector_store %arg10[%parallel_loop3A_3875, %parallel_loop3A_3876, %parallel_loop3A_3877, %parallel_loop3A_3878], %parallel_loop3A_3783 {strides = array<i32>} : memref<2x8x50x64xf32, #tpu.memory_space<vmem>>, vector<16xf32>,
        %parallel_loop3A_3880 = arith.constant 48 : i32
        %parallel_loop3A_3881 = arith.index_cast %select_n3A_196 : i32 to index
        %parallel_loop3A_3882 = arith.index_cast %parallel_loop3A_273 : i32 to index
        %parallel_loop3A_3883 = arith.index_cast %parallel_loop3A_3880 : i32 to index
        %parallel_loop3A_3884 = arith.constant 32 : index
        %parallel_loop3A_3885 = tpu.vector_load %arg10[%parallel_loop3A_3881, %parallel_loop3A_3882, %parallel_loop3A_3883, %parallel_loop3A_3884] {strides = array<i32>} : memref<2x8x50x64xf32, #tpu.memory_space<vmem>>, vector<16xf32>,
        tpu.vector_store %arg10[%parallel_loop3A_3881, %parallel_loop3A_3882, %parallel_loop3A_3883, %parallel_loop3A_3884], %parallel_loop3A_3789 {strides = array<i32>} : memref<2x8x50x64xf32, #tpu.memory_space<vmem>>, vector<16xf32>,
        %parallel_loop3A_3886 = arith.constant 48 : i32
        %parallel_loop3A_3887 = arith.index_cast %select_n3A_196 : i32 to index
        %parallel_loop3A_3888 = arith.index_cast %parallel_loop3A_273 : i32 to index
        %parallel_loop3A_3889 = arith.index_cast %parallel_loop3A_3886 : i32 to index
        %parallel_loop3A_3890 = arith.constant 48 : index
        %parallel_loop3A_3891 = tpu.vector_load %arg10[%parallel_loop3A_3887, %parallel_loop3A_3888, %parallel_loop3A_3889, %parallel_loop3A_3890] {strides = array<i32>} : memref<2x8x50x64xf32, #tpu.memory_space<vmem>>, vector<16xf32>,
        tpu.vector_store %arg10[%parallel_loop3A_3887, %parallel_loop3A_3888, %parallel_loop3A_3889, %parallel_loop3A_3890], %parallel_loop3A_3795 {strides = array<i32>} : memref<2x8x50x64xf32, #tpu.memory_space<vmem>>, vector<16xf32>,
        %parallel_loop3A_3892 = arith.constant 0 : i32
        %parallel_loop3A_3893 = arith.addi %parallel_loop3A_275, %parallel_loop3A_3892 : i32
        %parallel_loop3A_3894 = arith.constant 11 : i32
        %parallel_loop3A_3895 = arith.addi %parallel_loop3A_3893, %parallel_loop3A_3894 : i32
        %parallel_loop3A_3896 = arith.index_cast %select_n3A_196 : i32 to index
        %parallel_loop3A_3897 = arith.index_cast %parallel_loop3A_3895 : i32 to index
        %parallel_loop3A_3898 = arith.constant 0 : index
        %parallel_loop3A_3899 = tpu.vector_load %arg9[%parallel_loop3A_3896, %parallel_loop3A_3897, %parallel_loop3A_3898] {strides = array<i32>} : memref<2x400x64xf32, #tpu.memory_space<vmem>>, vector<16xf32>,
        %parallel_loop3A_3900 = arith.constant 0 : i32
        %parallel_loop3A_3901 = arith.addi %parallel_loop3A_275, %parallel_loop3A_3900 : i32
        %parallel_loop3A_3902 = arith.constant 11 : i32
        %parallel_loop3A_3903 = arith.addi %parallel_loop3A_3901, %parallel_loop3A_3902 : i32
        %parallel_loop3A_3904 = arith.index_cast %select_n3A_196 : i32 to index
        %parallel_loop3A_3905 = arith.index_cast %parallel_loop3A_3903 : i32 to index
        %parallel_loop3A_3906 = arith.constant 16 : index
        %parallel_loop3A_3907 = tpu.vector_load %arg9[%parallel_loop3A_3904, %parallel_loop3A_3905, %parallel_loop3A_3906] {strides = array<i32>} : memref<2x400x64xf32, #tpu.memory_space<vmem>>, vector<16xf32>,
        %parallel_loop3A_3908 = arith.constant 0 : i32
        %parallel_loop3A_3909 = arith.addi %parallel_loop3A_275, %parallel_loop3A_3908 : i32
        %parallel_loop3A_3910 = arith.constant 11 : i32
        %parallel_loop3A_3911 = arith.addi %parallel_loop3A_3909, %parallel_loop3A_3910 : i32
        %parallel_loop3A_3912 = arith.index_cast %select_n3A_196 : i32 to index
        %parallel_loop3A_3913 = arith.index_cast %parallel_loop3A_3911 : i32 to index
        %parallel_loop3A_3914 = arith.constant 32 : index
        %parallel_loop3A_3915 = tpu.vector_load %arg9[%parallel_loop3A_3912, %parallel_loop3A_3913, %parallel_loop3A_3914] {strides = array<i32>} : memref<2x400x64xf32, #tpu.memory_space<vmem>>, vector<16xf32>,
        %parallel_loop3A_3916 = arith.constant 0 : i32
        %parallel_loop3A_3917 = arith.addi %parallel_loop3A_275, %parallel_loop3A_3916 : i32
        %parallel_loop3A_3918 = arith.constant 11 : i32
        %parallel_loop3A_3919 = arith.addi %parallel_loop3A_3917, %parallel_loop3A_3918 : i32
        %parallel_loop3A_3920 = arith.index_cast %select_n3A_196 : i32 to index
        %parallel_loop3A_3921 = arith.index_cast %parallel_loop3A_3919 : i32 to index
        %parallel_loop3A_3922 = arith.constant 48 : index
        %parallel_loop3A_3923 = tpu.vector_load %arg9[%parallel_loop3A_3920, %parallel_loop3A_3921, %parallel_loop3A_3922] {strides = array<i32>} : memref<2x400x64xf32, #tpu.memory_space<vmem>>, vector<16xf32>,
        %parallel_loop3A_3924 = arith.constant 13 : i32
        %parallel_loop3A_3925 = arith.addi %parallel_loop3A_275, %parallel_loop3A_3924 : i32
        %parallel_loop3A_3926 = arith.constant 11 : i32
        %parallel_loop3A_3927 = arith.addi %parallel_loop3A_3925, %parallel_loop3A_3926 : i32
        %parallel_loop3A_3928 = arith.index_cast %select_n3A_196 : i32 to index
        %parallel_loop3A_3929 = arith.index_cast %parallel_loop3A_3927 : i32 to index
        %parallel_loop3A_3930 = arith.constant 0 : index
        %parallel_loop3A_3931 = tpu.vector_load %arg9[%parallel_loop3A_3928, %parallel_loop3A_3929, %parallel_loop3A_3930] {strides = array<i32>} : memref<2x400x64xf32, #tpu.memory_space<vmem>>, vector<16xf32>,
        %parallel_loop3A_3932 = arith.constant 13 : i32
        %parallel_loop3A_3933 = arith.addi %parallel_loop3A_275, %parallel_loop3A_3932 : i32
        %parallel_loop3A_3934 = arith.constant 11 : i32
        %parallel_loop3A_3935 = arith.addi %parallel_loop3A_3933, %parallel_loop3A_3934 : i32
        %parallel_loop3A_3936 = arith.index_cast %select_n3A_196 : i32 to index
        %parallel_loop3A_3937 = arith.index_cast %parallel_loop3A_3935 : i32 to index
        %parallel_loop3A_3938 = arith.constant 16 : index
        %parallel_loop3A_3939 = tpu.vector_load %arg9[%parallel_loop3A_3936, %parallel_loop3A_3937, %parallel_loop3A_3938] {strides = array<i32>} : memref<2x400x64xf32, #tpu.memory_space<vmem>>, vector<16xf32>,
        %parallel_loop3A_3940 = arith.constant 13 : i32
        %parallel_loop3A_3941 = arith.addi %parallel_loop3A_275, %parallel_loop3A_3940 : i32
        %parallel_loop3A_3942 = arith.constant 11 : i32
        %parallel_loop3A_3943 = arith.addi %parallel_loop3A_3941, %parallel_loop3A_3942 : i32
        %parallel_loop3A_3944 = arith.index_cast %select_n3A_196 : i32 to index
        %parallel_loop3A_3945 = arith.index_cast %parallel_loop3A_3943 : i32 to index
        %parallel_loop3A_3946 = arith.constant 32 : index
        %parallel_loop3A_3947 = tpu.vector_load %arg9[%parallel_loop3A_3944, %parallel_loop3A_3945, %parallel_loop3A_3946] {strides = array<i32>} : memref<2x400x64xf32, #tpu.memory_space<vmem>>, vector<16xf32>,
        %parallel_loop3A_3948 = arith.constant 13 : i32
        %parallel_loop3A_3949 = arith.addi %parallel_loop3A_275, %parallel_loop3A_3948 : i32
        %parallel_loop3A_3950 = arith.constant 11 : i32
        %parallel_loop3A_3951 = arith.addi %parallel_loop3A_3949, %parallel_loop3A_3950 : i32
        %parallel_loop3A_3952 = arith.index_cast %select_n3A_196 : i32 to index
        %parallel_loop3A_3953 = arith.index_cast %parallel_loop3A_3951 : i32 to index
        %parallel_loop3A_3954 = arith.constant 48 : index
        %parallel_loop3A_3955 = tpu.vector_load %arg9[%parallel_loop3A_3952, %parallel_loop3A_3953, %parallel_loop3A_3954] {strides = array<i32>} : memref<2x400x64xf32, #tpu.memory_space<vmem>>, vector<16xf32>,
        %parallel_loop3A_3956 = arith.constant 25 : i32
        %parallel_loop3A_3957 = arith.addi %parallel_loop3A_275, %parallel_loop3A_3956 : i32
        %parallel_loop3A_3958 = arith.constant 11 : i32
        %parallel_loop3A_3959 = arith.addi %parallel_loop3A_3957, %parallel_loop3A_3958 : i32
        %parallel_loop3A_3960 = arith.index_cast %select_n3A_196 : i32 to index
        %parallel_loop3A_3961 = arith.index_cast %parallel_loop3A_3959 : i32 to index
        %parallel_loop3A_3962 = arith.constant 0 : index
        %parallel_loop3A_3963 = tpu.vector_load %arg9[%parallel_loop3A_3960, %parallel_loop3A_3961, %parallel_loop3A_3962] {strides = array<i32>} : memref<2x400x64xf32, #tpu.memory_space<vmem>>, vector<16xf32>,
        %parallel_loop3A_3964 = arith.constant 25 : i32
        %parallel_loop3A_3965 = arith.addi %parallel_loop3A_275, %parallel_loop3A_3964 : i32
        %parallel_loop3A_3966 = arith.constant 11 : i32
        %parallel_loop3A_3967 = arith.addi %parallel_loop3A_3965, %parallel_loop3A_3966 : i32
        %parallel_loop3A_3968 = arith.index_cast %select_n3A_196 : i32 to index
        %parallel_loop3A_3969 = arith.index_cast %parallel_loop3A_3967 : i32 to index
        %parallel_loop3A_3970 = arith.constant 16 : index
        %parallel_loop3A_3971 = tpu.vector_load %arg9[%parallel_loop3A_3968, %parallel_loop3A_3969, %parallel_loop3A_3970] {strides = array<i32>} : memref<2x400x64xf32, #tpu.memory_space<vmem>>, vector<16xf32>,
        %parallel_loop3A_3972 = arith.constant 25 : i32
        %parallel_loop3A_3973 = arith.addi %parallel_loop3A_275, %parallel_loop3A_3972 : i32
        %parallel_loop3A_3974 = arith.constant 11 : i32
        %parallel_loop3A_3975 = arith.addi %parallel_loop3A_3973, %parallel_loop3A_3974 : i32
        %parallel_loop3A_3976 = arith.index_cast %select_n3A_196 : i32 to index
        %parallel_loop3A_3977 = arith.index_cast %parallel_loop3A_3975 : i32 to index
        %parallel_loop3A_3978 = arith.constant 32 : index
        %parallel_loop3A_3979 = tpu.vector_load %arg9[%parallel_loop3A_3976, %parallel_loop3A_3977, %parallel_loop3A_3978] {strides = array<i32>} : memref<2x400x64xf32, #tpu.memory_space<vmem>>, vector<16xf32>,
        %parallel_loop3A_3980 = arith.constant 25 : i32
        %parallel_loop3A_3981 = arith.addi %parallel_loop3A_275, %parallel_loop3A_3980 : i32
        %parallel_loop3A_3982 = arith.constant 11 : i32
        %parallel_loop3A_3983 = arith.addi %parallel_loop3A_3981, %parallel_loop3A_3982 : i32
        %parallel_loop3A_3984 = arith.index_cast %select_n3A_196 : i32 to index
        %parallel_loop3A_3985 = arith.index_cast %parallel_loop3A_3983 : i32 to index
        %parallel_loop3A_3986 = arith.constant 48 : index
        %parallel_loop3A_3987 = tpu.vector_load %arg9[%parallel_loop3A_3984, %parallel_loop3A_3985, %parallel_loop3A_3986] {strides = array<i32>} : memref<2x400x64xf32, #tpu.memory_space<vmem>>, vector<16xf32>,
        %parallel_loop3A_3988 = arith.constant 38 : i32
        %parallel_loop3A_3989 = arith.addi %parallel_loop3A_275, %parallel_loop3A_3988 : i32
        %parallel_loop3A_3990 = arith.constant 11 : i32
        %parallel_loop3A_3991 = arith.addi %parallel_loop3A_3989, %parallel_loop3A_3990 : i32
        %parallel_loop3A_3992 = arith.index_cast %select_n3A_196 : i32 to index
        %parallel_loop3A_3993 = arith.index_cast %parallel_loop3A_3991 : i32 to index
        %parallel_loop3A_3994 = arith.constant 0 : index
        %parallel_loop3A_3995 = tpu.vector_load %arg9[%parallel_loop3A_3992, %parallel_loop3A_3993, %parallel_loop3A_3994] {strides = array<i32>} : memref<2x400x64xf32, #tpu.memory_space<vmem>>, vector<16xf32>,
        %parallel_loop3A_3996 = arith.constant 38 : i32
        %parallel_loop3A_3997 = arith.addi %parallel_loop3A_275, %parallel_loop3A_3996 : i32
        %parallel_loop3A_3998 = arith.constant 11 : i32
        %parallel_loop3A_3999 = arith.addi %parallel_loop3A_3997, %parallel_loop3A_3998 : i32
        %parallel_loop3A_4000 = arith.index_cast %select_n3A_196 : i32 to index
        %parallel_loop3A_4001 = arith.index_cast %parallel_loop3A_3999 : i32 to index
        %parallel_loop3A_4002 = arith.constant 16 : index
        %parallel_loop3A_4003 = tpu.vector_load %arg9[%parallel_loop3A_4000, %parallel_loop3A_4001, %parallel_loop3A_4002] {strides = array<i32>} : memref<2x400x64xf32, #tpu.memory_space<vmem>>, vector<16xf32>,
        %parallel_loop3A_4004 = arith.constant 38 : i32
        %parallel_loop3A_4005 = arith.addi %parallel_loop3A_275, %parallel_loop3A_4004 : i32
        %parallel_loop3A_4006 = arith.constant 11 : i32
        %parallel_loop3A_4007 = arith.addi %parallel_loop3A_4005, %parallel_loop3A_4006 : i32
        %parallel_loop3A_4008 = arith.index_cast %select_n3A_196 : i32 to index
        %parallel_loop3A_4009 = arith.index_cast %parallel_loop3A_4007 : i32 to index
        %parallel_loop3A_4010 = arith.constant 32 : index
        %parallel_loop3A_4011 = tpu.vector_load %arg9[%parallel_loop3A_4008, %parallel_loop3A_4009, %parallel_loop3A_4010] {strides = array<i32>} : memref<2x400x64xf32, #tpu.memory_space<vmem>>, vector<16xf32>,
        %parallel_loop3A_4012 = arith.constant 38 : i32
        %parallel_loop3A_4013 = arith.addi %parallel_loop3A_275, %parallel_loop3A_4012 : i32
        %parallel_loop3A_4014 = arith.constant 11 : i32
        %parallel_loop3A_4015 = arith.addi %parallel_loop3A_4013, %parallel_loop3A_4014 : i32
        %parallel_loop3A_4016 = arith.index_cast %select_n3A_196 : i32 to index
        %parallel_loop3A_4017 = arith.index_cast %parallel_loop3A_4015 : i32 to index
        %parallel_loop3A_4018 = arith.constant 48 : index
        %parallel_loop3A_4019 = tpu.vector_load %arg9[%parallel_loop3A_4016, %parallel_loop3A_4017, %parallel_loop3A_4018] {strides = array<i32>} : memref<2x400x64xf32, #tpu.memory_space<vmem>>, vector<16xf32>,
        %parallel_loop3A_4020 = arith.mulf %get3A_105, %parallel_loop3A_3579 : vector<16xf32>
        %parallel_loop3A_4021 = arith.mulf %get3A_121, %parallel_loop3A_3899 : vector<16xf32>
        %parallel_loop3A_4022 = arith.addf %parallel_loop3A_4020, %parallel_loop3A_4021 : vector<16xf32>
        %parallel_loop3A_4023 = arith.constant 0.000000e+00 : f32
        %parallel_loop3A_4024 = vector.broadcast %parallel_loop3A_4023 : f32 to vector<16xf32>
        %parallel_loop3A_4025 = arith.maximumf %parallel_loop3A_4022, %parallel_loop3A_4024 : vector<16xf32>
        %parallel_loop3A_4026 = arith.mulf %get3A_109, %parallel_loop3A_3587 : vector<16xf32>
        %parallel_loop3A_4027 = arith.mulf %get3A_125, %parallel_loop3A_3907 : vector<16xf32>
        %parallel_loop3A_4028 = arith.addf %parallel_loop3A_4026, %parallel_loop3A_4027 : vector<16xf32>
        %parallel_loop3A_4029 = arith.constant 0.000000e+00 : f32
        %parallel_loop3A_4030 = vector.broadcast %parallel_loop3A_4029 : f32 to vector<16xf32>
        %parallel_loop3A_4031 = arith.maximumf %parallel_loop3A_4028, %parallel_loop3A_4030 : vector<16xf32>
        %parallel_loop3A_4032 = arith.mulf %get3A_113, %parallel_loop3A_3595 : vector<16xf32>
        %parallel_loop3A_4033 = arith.mulf %get3A_129, %parallel_loop3A_3915 : vector<16xf32>
        %parallel_loop3A_4034 = arith.addf %parallel_loop3A_4032, %parallel_loop3A_4033 : vector<16xf32>
        %parallel_loop3A_4035 = arith.constant 0.000000e+00 : f32
        %parallel_loop3A_4036 = vector.broadcast %parallel_loop3A_4035 : f32 to vector<16xf32>
        %parallel_loop3A_4037 = arith.maximumf %parallel_loop3A_4034, %parallel_loop3A_4036 : vector<16xf32>
        %parallel_loop3A_4038 = arith.mulf %get3A_117, %parallel_loop3A_3603 : vector<16xf32>
        %parallel_loop3A_4039 = arith.mulf %get3A_133, %parallel_loop3A_3923 : vector<16xf32>
        %parallel_loop3A_4040 = arith.addf %parallel_loop3A_4038, %parallel_loop3A_4039 : vector<16xf32>
        %parallel_loop3A_4041 = arith.constant 0.000000e+00 : f32
        %parallel_loop3A_4042 = vector.broadcast %parallel_loop3A_4041 : f32 to vector<16xf32>
        %parallel_loop3A_4043 = arith.maximumf %parallel_loop3A_4040, %parallel_loop3A_4042 : vector<16xf32>
        %parallel_loop3A_4044 = arith.mulf %get3A_105, %parallel_loop3A_3611 : vector<16xf32>
        %parallel_loop3A_4045 = arith.mulf %get3A_121, %parallel_loop3A_3931 : vector<16xf32>
        %parallel_loop3A_4046 = arith.addf %parallel_loop3A_4044, %parallel_loop3A_4045 : vector<16xf32>
        %parallel_loop3A_4047 = arith.constant 0.000000e+00 : f32
        %parallel_loop3A_4048 = vector.broadcast %parallel_loop3A_4047 : f32 to vector<16xf32>
        %parallel_loop3A_4049 = arith.maximumf %parallel_loop3A_4046, %parallel_loop3A_4048 : vector<16xf32>
        %parallel_loop3A_4050 = arith.mulf %get3A_109, %parallel_loop3A_3619 : vector<16xf32>
        %parallel_loop3A_4051 = arith.mulf %get3A_125, %parallel_loop3A_3939 : vector<16xf32>
        %parallel_loop3A_4052 = arith.addf %parallel_loop3A_4050, %parallel_loop3A_4051 : vector<16xf32>
        %parallel_loop3A_4053 = arith.constant 0.000000e+00 : f32
        %parallel_loop3A_4054 = vector.broadcast %parallel_loop3A_4053 : f32 to vector<16xf32>
        %parallel_loop3A_4055 = arith.maximumf %parallel_loop3A_4052, %parallel_loop3A_4054 : vector<16xf32>
        %parallel_loop3A_4056 = arith.mulf %get3A_113, %parallel_loop3A_3627 : vector<16xf32>
        %parallel_loop3A_4057 = arith.mulf %get3A_129, %parallel_loop3A_3947 : vector<16xf32>
        %parallel_loop3A_4058 = arith.addf %parallel_loop3A_4056, %parallel_loop3A_4057 : vector<16xf32>
        %parallel_loop3A_4059 = arith.constant 0.000000e+00 : f32
        %parallel_loop3A_4060 = vector.broadcast %parallel_loop3A_4059 : f32 to vector<16xf32>
        %parallel_loop3A_4061 = arith.maximumf %parallel_loop3A_4058, %parallel_loop3A_4060 : vector<16xf32>
        %parallel_loop3A_4062 = arith.mulf %get3A_117, %parallel_loop3A_3635 : vector<16xf32>
        %parallel_loop3A_4063 = arith.mulf %get3A_133, %parallel_loop3A_3955 : vector<16xf32>
        %parallel_loop3A_4064 = arith.addf %parallel_loop3A_4062, %parallel_loop3A_4063 : vector<16xf32>
        %parallel_loop3A_4065 = arith.constant 0.000000e+00 : f32
        %parallel_loop3A_4066 = vector.broadcast %parallel_loop3A_4065 : f32 to vector<16xf32>
        %parallel_loop3A_4067 = arith.maximumf %parallel_loop3A_4064, %parallel_loop3A_4066 : vector<16xf32>
        %parallel_loop3A_4068 = arith.mulf %get3A_105, %parallel_loop3A_3643 : vector<16xf32>
        %parallel_loop3A_4069 = arith.mulf %get3A_121, %parallel_loop3A_3963 : vector<16xf32>
        %parallel_loop3A_4070 = arith.addf %parallel_loop3A_4068, %parallel_loop3A_4069 : vector<16xf32>
        %parallel_loop3A_4071 = arith.constant 0.000000e+00 : f32
        %parallel_loop3A_4072 = vector.broadcast %parallel_loop3A_4071 : f32 to vector<16xf32>
        %parallel_loop3A_4073 = arith.maximumf %parallel_loop3A_4070, %parallel_loop3A_4072 : vector<16xf32>
        %parallel_loop3A_4074 = arith.mulf %get3A_109, %parallel_loop3A_3651 : vector<16xf32>
        %parallel_loop3A_4075 = arith.mulf %get3A_125, %parallel_loop3A_3971 : vector<16xf32>
        %parallel_loop3A_4076 = arith.addf %parallel_loop3A_4074, %parallel_loop3A_4075 : vector<16xf32>
        %parallel_loop3A_4077 = arith.constant 0.000000e+00 : f32
        %parallel_loop3A_4078 = vector.broadcast %parallel_loop3A_4077 : f32 to vector<16xf32>
        %parallel_loop3A_4079 = arith.maximumf %parallel_loop3A_4076, %parallel_loop3A_4078 : vector<16xf32>
        %parallel_loop3A_4080 = arith.mulf %get3A_113, %parallel_loop3A_3659 : vector<16xf32>
        %parallel_loop3A_4081 = arith.mulf %get3A_129, %parallel_loop3A_3979 : vector<16xf32>
        %parallel_loop3A_4082 = arith.addf %parallel_loop3A_4080, %parallel_loop3A_4081 : vector<16xf32>
        %parallel_loop3A_4083 = arith.constant 0.000000e+00 : f32
        %parallel_loop3A_4084 = vector.broadcast %parallel_loop3A_4083 : f32 to vector<16xf32>
        %parallel_loop3A_4085 = arith.maximumf %parallel_loop3A_4082, %parallel_loop3A_4084 : vector<16xf32>
        %parallel_loop3A_4086 = arith.mulf %get3A_117, %parallel_loop3A_3667 : vector<16xf32>
        %parallel_loop3A_4087 = arith.mulf %get3A_133, %parallel_loop3A_3987 : vector<16xf32>
        %parallel_loop3A_4088 = arith.addf %parallel_loop3A_4086, %parallel_loop3A_4087 : vector<16xf32>
        %parallel_loop3A_4089 = arith.constant 0.000000e+00 : f32
        %parallel_loop3A_4090 = vector.broadcast %parallel_loop3A_4089 : f32 to vector<16xf32>
        %parallel_loop3A_4091 = arith.maximumf %parallel_loop3A_4088, %parallel_loop3A_4090 : vector<16xf32>
        %parallel_loop3A_4092 = arith.mulf %get3A_105, %parallel_loop3A_3675 : vector<16xf32>
        %parallel_loop3A_4093 = arith.mulf %get3A_121, %parallel_loop3A_3995 : vector<16xf32>
        %parallel_loop3A_4094 = arith.addf %parallel_loop3A_4092, %parallel_loop3A_4093 : vector<16xf32>
        %parallel_loop3A_4095 = arith.constant 0.000000e+00 : f32
        %parallel_loop3A_4096 = vector.broadcast %parallel_loop3A_4095 : f32 to vector<16xf32>
        %parallel_loop3A_4097 = arith.maximumf %parallel_loop3A_4094, %parallel_loop3A_4096 : vector<16xf32>
        %parallel_loop3A_4098 = arith.mulf %get3A_109, %parallel_loop3A_3683 : vector<16xf32>
        %parallel_loop3A_4099 = arith.mulf %get3A_125, %parallel_loop3A_4003 : vector<16xf32>
        %parallel_loop3A_4100 = arith.addf %parallel_loop3A_4098, %parallel_loop3A_4099 : vector<16xf32>
        %parallel_loop3A_4101 = arith.constant 0.000000e+00 : f32
        %parallel_loop3A_4102 = vector.broadcast %parallel_loop3A_4101 : f32 to vector<16xf32>
        %parallel_loop3A_4103 = arith.maximumf %parallel_loop3A_4100, %parallel_loop3A_4102 : vector<16xf32>
        %parallel_loop3A_4104 = arith.mulf %get3A_113, %parallel_loop3A_3691 : vector<16xf32>
        %parallel_loop3A_4105 = arith.mulf %get3A_129, %parallel_loop3A_4011 : vector<16xf32>
        %parallel_loop3A_4106 = arith.addf %parallel_loop3A_4104, %parallel_loop3A_4105 : vector<16xf32>
        %parallel_loop3A_4107 = arith.constant 0.000000e+00 : f32
        %parallel_loop3A_4108 = vector.broadcast %parallel_loop3A_4107 : f32 to vector<16xf32>
        %parallel_loop3A_4109 = arith.maximumf %parallel_loop3A_4106, %parallel_loop3A_4108 : vector<16xf32>
        %parallel_loop3A_4110 = arith.mulf %get3A_117, %parallel_loop3A_3699 : vector<16xf32>
        %parallel_loop3A_4111 = arith.mulf %get3A_133, %parallel_loop3A_4019 : vector<16xf32>
        %parallel_loop3A_4112 = arith.addf %parallel_loop3A_4110, %parallel_loop3A_4111 : vector<16xf32>
        %parallel_loop3A_4113 = arith.constant 0.000000e+00 : f32
        %parallel_loop3A_4114 = vector.broadcast %parallel_loop3A_4113 : f32 to vector<16xf32>
        %parallel_loop3A_4115 = arith.maximumf %parallel_loop3A_4112, %parallel_loop3A_4114 : vector<16xf32>
        %parallel_loop3A_4116 = arith.constant 11 : i32
        %parallel_loop3A_4117 = arith.index_cast %select_n3A_196 : i32 to index
        %parallel_loop3A_4118 = arith.index_cast %parallel_loop3A_273 : i32 to index
        %parallel_loop3A_4119 = arith.index_cast %parallel_loop3A_4116 : i32 to index
        %parallel_loop3A_4120 = arith.constant 0 : index
        %parallel_loop3A_4121 = tpu.vector_load %arg10[%parallel_loop3A_4117, %parallel_loop3A_4118, %parallel_loop3A_4119, %parallel_loop3A_4120] {strides = array<i32>} : memref<2x8x50x64xf32, #tpu.memory_space<vmem>>, vector<16xf32>,
        tpu.vector_store %arg10[%parallel_loop3A_4117, %parallel_loop3A_4118, %parallel_loop3A_4119, %parallel_loop3A_4120], %parallel_loop3A_4025 {strides = array<i32>} : memref<2x8x50x64xf32, #tpu.memory_space<vmem>>, vector<16xf32>,
        %parallel_loop3A_4122 = arith.constant 11 : i32
        %parallel_loop3A_4123 = arith.index_cast %select_n3A_196 : i32 to index
        %parallel_loop3A_4124 = arith.index_cast %parallel_loop3A_273 : i32 to index
        %parallel_loop3A_4125 = arith.index_cast %parallel_loop3A_4122 : i32 to index
        %parallel_loop3A_4126 = arith.constant 16 : index
        %parallel_loop3A_4127 = tpu.vector_load %arg10[%parallel_loop3A_4123, %parallel_loop3A_4124, %parallel_loop3A_4125, %parallel_loop3A_4126] {strides = array<i32>} : memref<2x8x50x64xf32, #tpu.memory_space<vmem>>, vector<16xf32>,
        tpu.vector_store %arg10[%parallel_loop3A_4123, %parallel_loop3A_4124, %parallel_loop3A_4125, %parallel_loop3A_4126], %parallel_loop3A_4031 {strides = array<i32>} : memref<2x8x50x64xf32, #tpu.memory_space<vmem>>, vector<16xf32>,
        %parallel_loop3A_4128 = arith.constant 11 : i32
        %parallel_loop3A_4129 = arith.index_cast %select_n3A_196 : i32 to index
        %parallel_loop3A_4130 = arith.index_cast %parallel_loop3A_273 : i32 to index
        %parallel_loop3A_4131 = arith.index_cast %parallel_loop3A_4128 : i32 to index
        %parallel_loop3A_4132 = arith.constant 32 : index
        %parallel_loop3A_4133 = tpu.vector_load %arg10[%parallel_loop3A_4129, %parallel_loop3A_4130, %parallel_loop3A_4131, %parallel_loop3A_4132] {strides = array<i32>} : memref<2x8x50x64xf32, #tpu.memory_space<vmem>>, vector<16xf32>,
        tpu.vector_store %arg10[%parallel_loop3A_4129, %parallel_loop3A_4130, %parallel_loop3A_4131, %parallel_loop3A_4132], %parallel_loop3A_4037 {strides = array<i32>} : memref<2x8x50x64xf32, #tpu.memory_space<vmem>>, vector<16xf32>,
        %parallel_loop3A_4134 = arith.constant 11 : i32
        %parallel_loop3A_4135 = arith.index_cast %select_n3A_196 : i32 to index
        %parallel_loop3A_4136 = arith.index_cast %parallel_loop3A_273 : i32 to index
        %parallel_loop3A_4137 = arith.index_cast %parallel_loop3A_4134 : i32 to index
        %parallel_loop3A_4138 = arith.constant 48 : index
        %parallel_loop3A_4139 = tpu.vector_load %arg10[%parallel_loop3A_4135, %parallel_loop3A_4136, %parallel_loop3A_4137, %parallel_loop3A_4138] {strides = array<i32>} : memref<2x8x50x64xf32, #tpu.memory_space<vmem>>, vector<16xf32>,
        tpu.vector_store %arg10[%parallel_loop3A_4135, %parallel_loop3A_4136, %parallel_loop3A_4137, %parallel_loop3A_4138], %parallel_loop3A_4043 {strides = array<i32>} : memref<2x8x50x64xf32, #tpu.memory_space<vmem>>, vector<16xf32>,
        %parallel_loop3A_4140 = arith.constant 24 : i32
        %parallel_loop3A_4141 = arith.index_cast %select_n3A_196 : i32 to index
        %parallel_loop3A_4142 = arith.index_cast %parallel_loop3A_273 : i32 to index
        %parallel_loop3A_4143 = arith.index_cast %parallel_loop3A_4140 : i32 to index
        %parallel_loop3A_4144 = arith.constant 0 : index
        %parallel_loop3A_4145 = tpu.vector_load %arg10[%parallel_loop3A_4141, %parallel_loop3A_4142, %parallel_loop3A_4143, %parallel_loop3A_4144] {strides = array<i32>} : memref<2x8x50x64xf32, #tpu.memory_space<vmem>>, vector<16xf32>,
        tpu.vector_store %arg10[%parallel_loop3A_4141, %parallel_loop3A_4142, %parallel_loop3A_4143, %parallel_loop3A_4144], %parallel_loop3A_4049 {strides = array<i32>} : memref<2x8x50x64xf32, #tpu.memory_space<vmem>>, vector<16xf32>,
        %parallel_loop3A_4146 = arith.constant 24 : i32
        %parallel_loop3A_4147 = arith.index_cast %select_n3A_196 : i32 to index
        %parallel_loop3A_4148 = arith.index_cast %parallel_loop3A_273 : i32 to index
        %parallel_loop3A_4149 = arith.index_cast %parallel_loop3A_4146 : i32 to index
        %parallel_loop3A_4150 = arith.constant 16 : index
        %parallel_loop3A_4151 = tpu.vector_load %arg10[%parallel_loop3A_4147, %parallel_loop3A_4148, %parallel_loop3A_4149, %parallel_loop3A_4150] {strides = array<i32>} : memref<2x8x50x64xf32, #tpu.memory_space<vmem>>, vector<16xf32>,
        tpu.vector_store %arg10[%parallel_loop3A_4147, %parallel_loop3A_4148, %parallel_loop3A_4149, %parallel_loop3A_4150], %parallel_loop3A_4055 {strides = array<i32>} : memref<2x8x50x64xf32, #tpu.memory_space<vmem>>, vector<16xf32>,
        %parallel_loop3A_4152 = arith.constant 24 : i32
        %parallel_loop3A_4153 = arith.index_cast %select_n3A_196 : i32 to index
        %parallel_loop3A_4154 = arith.index_cast %parallel_loop3A_273 : i32 to index
        %parallel_loop3A_4155 = arith.index_cast %parallel_loop3A_4152 : i32 to index
        %parallel_loop3A_4156 = arith.constant 32 : index
        %parallel_loop3A_4157 = tpu.vector_load %arg10[%parallel_loop3A_4153, %parallel_loop3A_4154, %parallel_loop3A_4155, %parallel_loop3A_4156] {strides = array<i32>} : memref<2x8x50x64xf32, #tpu.memory_space<vmem>>, vector<16xf32>,
        tpu.vector_store %arg10[%parallel_loop3A_4153, %parallel_loop3A_4154, %parallel_loop3A_4155, %parallel_loop3A_4156], %parallel_loop3A_4061 {strides = array<i32>} : memref<2x8x50x64xf32, #tpu.memory_space<vmem>>, vector<16xf32>,
        %parallel_loop3A_4158 = arith.constant 24 : i32
        %parallel_loop3A_4159 = arith.index_cast %select_n3A_196 : i32 to index
        %parallel_loop3A_4160 = arith.index_cast %parallel_loop3A_273 : i32 to index
        %parallel_loop3A_4161 = arith.index_cast %parallel_loop3A_4158 : i32 to index
        %parallel_loop3A_4162 = arith.constant 48 : index
        %parallel_loop3A_4163 = tpu.vector_load %arg10[%parallel_loop3A_4159, %parallel_loop3A_4160, %parallel_loop3A_4161, %parallel_loop3A_4162] {strides = array<i32>} : memref<2x8x50x64xf32, #tpu.memory_space<vmem>>, vector<16xf32>,
        tpu.vector_store %arg10[%parallel_loop3A_4159, %parallel_loop3A_4160, %parallel_loop3A_4161, %parallel_loop3A_4162], %parallel_loop3A_4067 {strides = array<i32>} : memref<2x8x50x64xf32, #tpu.memory_space<vmem>>, vector<16xf32>,
        %parallel_loop3A_4164 = arith.constant 36 : i32
        %parallel_loop3A_4165 = arith.index_cast %select_n3A_196 : i32 to index
        %parallel_loop3A_4166 = arith.index_cast %parallel_loop3A_273 : i32 to index
        %parallel_loop3A_4167 = arith.index_cast %parallel_loop3A_4164 : i32 to index
        %parallel_loop3A_4168 = arith.constant 0 : index
        %parallel_loop3A_4169 = tpu.vector_load %arg10[%parallel_loop3A_4165, %parallel_loop3A_4166, %parallel_loop3A_4167, %parallel_loop3A_4168] {strides = array<i32>} : memref<2x8x50x64xf32, #tpu.memory_space<vmem>>, vector<16xf32>,
        tpu.vector_store %arg10[%parallel_loop3A_4165, %parallel_loop3A_4166, %parallel_loop3A_4167, %parallel_loop3A_4168], %parallel_loop3A_4073 {strides = array<i32>} : memref<2x8x50x64xf32, #tpu.memory_space<vmem>>, vector<16xf32>,
        %parallel_loop3A_4170 = arith.constant 36 : i32
        %parallel_loop3A_4171 = arith.index_cast %select_n3A_196 : i32 to index
        %parallel_loop3A_4172 = arith.index_cast %parallel_loop3A_273 : i32 to index
        %parallel_loop3A_4173 = arith.index_cast %parallel_loop3A_4170 : i32 to index
        %parallel_loop3A_4174 = arith.constant 16 : index
        %parallel_loop3A_4175 = tpu.vector_load %arg10[%parallel_loop3A_4171, %parallel_loop3A_4172, %parallel_loop3A_4173, %parallel_loop3A_4174] {strides = array<i32>} : memref<2x8x50x64xf32, #tpu.memory_space<vmem>>, vector<16xf32>,
        tpu.vector_store %arg10[%parallel_loop3A_4171, %parallel_loop3A_4172, %parallel_loop3A_4173, %parallel_loop3A_4174], %parallel_loop3A_4079 {strides = array<i32>} : memref<2x8x50x64xf32, #tpu.memory_space<vmem>>, vector<16xf32>,
        %parallel_loop3A_4176 = arith.constant 36 : i32
        %parallel_loop3A_4177 = arith.index_cast %select_n3A_196 : i32 to index
        %parallel_loop3A_4178 = arith.index_cast %parallel_loop3A_273 : i32 to index
        %parallel_loop3A_4179 = arith.index_cast %parallel_loop3A_4176 : i32 to index
        %parallel_loop3A_4180 = arith.constant 32 : index
        %parallel_loop3A_4181 = tpu.vector_load %arg10[%parallel_loop3A_4177, %parallel_loop3A_4178, %parallel_loop3A_4179, %parallel_loop3A_4180] {strides = array<i32>} : memref<2x8x50x64xf32, #tpu.memory_space<vmem>>, vector<16xf32>,
        tpu.vector_store %arg10[%parallel_loop3A_4177, %parallel_loop3A_4178, %parallel_loop3A_4179, %parallel_loop3A_4180], %parallel_loop3A_4085 {strides = array<i32>} : memref<2x8x50x64xf32, #tpu.memory_space<vmem>>, vector<16xf32>,
        %parallel_loop3A_4182 = arith.constant 36 : i32
        %parallel_loop3A_4183 = arith.index_cast %select_n3A_196 : i32 to index
        %parallel_loop3A_4184 = arith.index_cast %parallel_loop3A_273 : i32 to index
        %parallel_loop3A_4185 = arith.index_cast %parallel_loop3A_4182 : i32 to index
        %parallel_loop3A_4186 = arith.constant 48 : index
        %parallel_loop3A_4187 = tpu.vector_load %arg10[%parallel_loop3A_4183, %parallel_loop3A_4184, %parallel_loop3A_4185, %parallel_loop3A_4186] {strides = array<i32>} : memref<2x8x50x64xf32, #tpu.memory_space<vmem>>, vector<16xf32>,
        tpu.vector_store %arg10[%parallel_loop3A_4183, %parallel_loop3A_4184, %parallel_loop3A_4185, %parallel_loop3A_4186], %parallel_loop3A_4091 {strides = array<i32>} : memref<2x8x50x64xf32, #tpu.memory_space<vmem>>, vector<16xf32>,
        %parallel_loop3A_4188 = arith.constant 49 : i32
        %parallel_loop3A_4189 = arith.index_cast %select_n3A_196 : i32 to index
        %parallel_loop3A_4190 = arith.index_cast %parallel_loop3A_273 : i32 to index
        %parallel_loop3A_4191 = arith.index_cast %parallel_loop3A_4188 : i32 to index
        %parallel_loop3A_4192 = arith.constant 0 : index
        %parallel_loop3A_4193 = tpu.vector_load %arg10[%parallel_loop3A_4189, %parallel_loop3A_4190, %parallel_loop3A_4191, %parallel_loop3A_4192] {strides = array<i32>} : memref<2x8x50x64xf32, #tpu.memory_space<vmem>>, vector<16xf32>,
        tpu.vector_store %arg10[%parallel_loop3A_4189, %parallel_loop3A_4190, %parallel_loop3A_4191, %parallel_loop3A_4192], %parallel_loop3A_4097 {strides = array<i32>} : memref<2x8x50x64xf32, #tpu.memory_space<vmem>>, vector<16xf32>,
        %parallel_loop3A_4194 = arith.constant 49 : i32
        %parallel_loop3A_4195 = arith.index_cast %select_n3A_196 : i32 to index
        %parallel_loop3A_4196 = arith.index_cast %parallel_loop3A_273 : i32 to index
        %parallel_loop3A_4197 = arith.index_cast %parallel_loop3A_4194 : i32 to index
        %parallel_loop3A_4198 = arith.constant 16 : index
        %parallel_loop3A_4199 = tpu.vector_load %arg10[%parallel_loop3A_4195, %parallel_loop3A_4196, %parallel_loop3A_4197, %parallel_loop3A_4198] {strides = array<i32>} : memref<2x8x50x64xf32, #tpu.memory_space<vmem>>, vector<16xf32>,
        tpu.vector_store %arg10[%parallel_loop3A_4195, %parallel_loop3A_4196, %parallel_loop3A_4197, %parallel_loop3A_4198], %parallel_loop3A_4103 {strides = array<i32>} : memref<2x8x50x64xf32, #tpu.memory_space<vmem>>, vector<16xf32>,
        %parallel_loop3A_4200 = arith.constant 49 : i32
        %parallel_loop3A_4201 = arith.index_cast %select_n3A_196 : i32 to index
        %parallel_loop3A_4202 = arith.index_cast %parallel_loop3A_273 : i32 to index
        %parallel_loop3A_4203 = arith.index_cast %parallel_loop3A_4200 : i32 to index
        %parallel_loop3A_4204 = arith.constant 32 : index
        %parallel_loop3A_4205 = tpu.vector_load %arg10[%parallel_loop3A_4201, %parallel_loop3A_4202, %parallel_loop3A_4203, %parallel_loop3A_4204] {strides = array<i32>} : memref<2x8x50x64xf32, #tpu.memory_space<vmem>>, vector<16xf32>,
        tpu.vector_store %arg10[%parallel_loop3A_4201, %parallel_loop3A_4202, %parallel_loop3A_4203, %parallel_loop3A_4204], %parallel_loop3A_4109 {strides = array<i32>} : memref<2x8x50x64xf32, #tpu.memory_space<vmem>>, vector<16xf32>,
        %parallel_loop3A_4206 = arith.constant 49 : i32
        %parallel_loop3A_4207 = arith.index_cast %select_n3A_196 : i32 to index
        %parallel_loop3A_4208 = arith.index_cast %parallel_loop3A_273 : i32 to index
        %parallel_loop3A_4209 = arith.index_cast %parallel_loop3A_4206 : i32 to index
        %parallel_loop3A_4210 = arith.constant 48 : index
        %parallel_loop3A_4211 = tpu.vector_load %arg10[%parallel_loop3A_4207, %parallel_loop3A_4208, %parallel_loop3A_4209, %parallel_loop3A_4210] {strides = array<i32>} : memref<2x8x50x64xf32, #tpu.memory_space<vmem>>, vector<16xf32>,
        tpu.vector_store %arg10[%parallel_loop3A_4207, %parallel_loop3A_4208, %parallel_loop3A_4209, %parallel_loop3A_4210], %parallel_loop3A_4115 {strides = array<i32>} : memref<2x8x50x64xf32, #tpu.memory_space<vmem>>, vector<16xf32>,
        %parallel_loop3A_4212 = arith.constant 0 : i32
        %parallel_loop3A_4213 = arith.addi %parallel_loop3A_275, %parallel_loop3A_4212 : i32
        %parallel_loop3A_4214 = arith.constant 12 : i32
        %parallel_loop3A_4215 = arith.addi %parallel_loop3A_4213, %parallel_loop3A_4214 : i32
        %parallel_loop3A_4216 = arith.index_cast %select_n3A_196 : i32 to index
        %parallel_loop3A_4217 = arith.index_cast %parallel_loop3A_4215 : i32 to index
        %parallel_loop3A_4218 = arith.constant 0 : index
        %parallel_loop3A_4219 = tpu.vector_load %arg9[%parallel_loop3A_4216, %parallel_loop3A_4217, %parallel_loop3A_4218] {strides = array<i32>} : memref<2x400x64xf32, #tpu.memory_space<vmem>>, vector<16xf32>,
        %parallel_loop3A_4220 = arith.constant 0 : i32
        %parallel_loop3A_4221 = arith.addi %parallel_loop3A_275, %parallel_loop3A_4220 : i32
        %parallel_loop3A_4222 = arith.constant 12 : i32
        %parallel_loop3A_4223 = arith.addi %parallel_loop3A_4221, %parallel_loop3A_4222 : i32
        %parallel_loop3A_4224 = arith.index_cast %select_n3A_196 : i32 to index
        %parallel_loop3A_4225 = arith.index_cast %parallel_loop3A_4223 : i32 to index
        %parallel_loop3A_4226 = arith.constant 16 : index
        %parallel_loop3A_4227 = tpu.vector_load %arg9[%parallel_loop3A_4224, %parallel_loop3A_4225, %parallel_loop3A_4226] {strides = array<i32>} : memref<2x400x64xf32, #tpu.memory_space<vmem>>, vector<16xf32>,
        %parallel_loop3A_4228 = arith.constant 0 : i32
        %parallel_loop3A_4229 = arith.addi %parallel_loop3A_275, %parallel_loop3A_4228 : i32
        %parallel_loop3A_4230 = arith.constant 12 : i32
        %parallel_loop3A_4231 = arith.addi %parallel_loop3A_4229, %parallel_loop3A_4230 : i32
        %parallel_loop3A_4232 = arith.index_cast %select_n3A_196 : i32 to index
        %parallel_loop3A_4233 = arith.index_cast %parallel_loop3A_4231 : i32 to index
        %parallel_loop3A_4234 = arith.constant 32 : index
        %parallel_loop3A_4235 = tpu.vector_load %arg9[%parallel_loop3A_4232, %parallel_loop3A_4233, %parallel_loop3A_4234] {strides = array<i32>} : memref<2x400x64xf32, #tpu.memory_space<vmem>>, vector<16xf32>,
        %parallel_loop3A_4236 = arith.constant 0 : i32
        %parallel_loop3A_4237 = arith.addi %parallel_loop3A_275, %parallel_loop3A_4236 : i32
        %parallel_loop3A_4238 = arith.constant 12 : i32
        %parallel_loop3A_4239 = arith.addi %parallel_loop3A_4237, %parallel_loop3A_4238 : i32
        %parallel_loop3A_4240 = arith.index_cast %select_n3A_196 : i32 to index
        %parallel_loop3A_4241 = arith.index_cast %parallel_loop3A_4239 : i32 to index
        %parallel_loop3A_4242 = arith.constant 48 : index
        %parallel_loop3A_4243 = tpu.vector_load %arg9[%parallel_loop3A_4240, %parallel_loop3A_4241, %parallel_loop3A_4242] {strides = array<i32>} : memref<2x400x64xf32, #tpu.memory_space<vmem>>, vector<16xf32>,
        %parallel_loop3A_4244 = arith.constant 25 : i32
        %parallel_loop3A_4245 = arith.addi %parallel_loop3A_275, %parallel_loop3A_4244 : i32
        %parallel_loop3A_4246 = arith.constant 12 : i32
        %parallel_loop3A_4247 = arith.addi %parallel_loop3A_4245, %parallel_loop3A_4246 : i32
        %parallel_loop3A_4248 = arith.index_cast %select_n3A_196 : i32 to index
        %parallel_loop3A_4249 = arith.index_cast %parallel_loop3A_4247 : i32 to index
        %parallel_loop3A_4250 = arith.constant 0 : index
        %parallel_loop3A_4251 = tpu.vector_load %arg9[%parallel_loop3A_4248, %parallel_loop3A_4249, %parallel_loop3A_4250] {strides = array<i32>} : memref<2x400x64xf32, #tpu.memory_space<vmem>>, vector<16xf32>,
        %parallel_loop3A_4252 = arith.constant 25 : i32
        %parallel_loop3A_4253 = arith.addi %parallel_loop3A_275, %parallel_loop3A_4252 : i32
        %parallel_loop3A_4254 = arith.constant 12 : i32
        %parallel_loop3A_4255 = arith.addi %parallel_loop3A_4253, %parallel_loop3A_4254 : i32
        %parallel_loop3A_4256 = arith.index_cast %select_n3A_196 : i32 to index
        %parallel_loop3A_4257 = arith.index_cast %parallel_loop3A_4255 : i32 to index
        %parallel_loop3A_4258 = arith.constant 16 : index
        %parallel_loop3A_4259 = tpu.vector_load %arg9[%parallel_loop3A_4256, %parallel_loop3A_4257, %parallel_loop3A_4258] {strides = array<i32>} : memref<2x400x64xf32, #tpu.memory_space<vmem>>, vector<16xf32>,
        %parallel_loop3A_4260 = arith.constant 25 : i32
        %parallel_loop3A_4261 = arith.addi %parallel_loop3A_275, %parallel_loop3A_4260 : i32
        %parallel_loop3A_4262 = arith.constant 12 : i32
        %parallel_loop3A_4263 = arith.addi %parallel_loop3A_4261, %parallel_loop3A_4262 : i32
        %parallel_loop3A_4264 = arith.index_cast %select_n3A_196 : i32 to index
        %parallel_loop3A_4265 = arith.index_cast %parallel_loop3A_4263 : i32 to index
        %parallel_loop3A_4266 = arith.constant 32 : index
        %parallel_loop3A_4267 = tpu.vector_load %arg9[%parallel_loop3A_4264, %parallel_loop3A_4265, %parallel_loop3A_4266] {strides = array<i32>} : memref<2x400x64xf32, #tpu.memory_space<vmem>>, vector<16xf32>,
        %parallel_loop3A_4268 = arith.constant 25 : i32
        %parallel_loop3A_4269 = arith.addi %parallel_loop3A_275, %parallel_loop3A_4268 : i32
        %parallel_loop3A_4270 = arith.constant 12 : i32
        %parallel_loop3A_4271 = arith.addi %parallel_loop3A_4269, %parallel_loop3A_4270 : i32
        %parallel_loop3A_4272 = arith.index_cast %select_n3A_196 : i32 to index
        %parallel_loop3A_4273 = arith.index_cast %parallel_loop3A_4271 : i32 to index
        %parallel_loop3A_4274 = arith.constant 48 : index
        %parallel_loop3A_4275 = tpu.vector_load %arg9[%parallel_loop3A_4272, %parallel_loop3A_4273, %parallel_loop3A_4274] {strides = array<i32>} : memref<2x400x64xf32, #tpu.memory_space<vmem>>, vector<16xf32>,
        %parallel_loop3A_4276 = arith.mulf %get3A_105, %parallel_loop3A_3899 : vector<16xf32>
        %parallel_loop3A_4277 = arith.mulf %get3A_121, %parallel_loop3A_4219 : vector<16xf32>
        %parallel_loop3A_4278 = arith.addf %parallel_loop3A_4276, %parallel_loop3A_4277 : vector<16xf32>
        %parallel_loop3A_4279 = arith.constant 0.000000e+00 : f32
        %parallel_loop3A_4280 = vector.broadcast %parallel_loop3A_4279 : f32 to vector<16xf32>
        %parallel_loop3A_4281 = arith.maximumf %parallel_loop3A_4278, %parallel_loop3A_4280 : vector<16xf32>
        %parallel_loop3A_4282 = arith.mulf %get3A_109, %parallel_loop3A_3907 : vector<16xf32>
        %parallel_loop3A_4283 = arith.mulf %get3A_125, %parallel_loop3A_4227 : vector<16xf32>
        %parallel_loop3A_4284 = arith.addf %parallel_loop3A_4282, %parallel_loop3A_4283 : vector<16xf32>
        %parallel_loop3A_4285 = arith.constant 0.000000e+00 : f32
        %parallel_loop3A_4286 = vector.broadcast %parallel_loop3A_4285 : f32 to vector<16xf32>
        %parallel_loop3A_4287 = arith.maximumf %parallel_loop3A_4284, %parallel_loop3A_4286 : vector<16xf32>
        %parallel_loop3A_4288 = arith.mulf %get3A_113, %parallel_loop3A_3915 : vector<16xf32>
        %parallel_loop3A_4289 = arith.mulf %get3A_129, %parallel_loop3A_4235 : vector<16xf32>
        %parallel_loop3A_4290 = arith.addf %parallel_loop3A_4288, %parallel_loop3A_4289 : vector<16xf32>
        %parallel_loop3A_4291 = arith.constant 0.000000e+00 : f32
        %parallel_loop3A_4292 = vector.broadcast %parallel_loop3A_4291 : f32 to vector<16xf32>
        %parallel_loop3A_4293 = arith.maximumf %parallel_loop3A_4290, %parallel_loop3A_4292 : vector<16xf32>
        %parallel_loop3A_4294 = arith.mulf %get3A_117, %parallel_loop3A_3923 : vector<16xf32>
        %parallel_loop3A_4295 = arith.mulf %get3A_133, %parallel_loop3A_4243 : vector<16xf32>
        %parallel_loop3A_4296 = arith.addf %parallel_loop3A_4294, %parallel_loop3A_4295 : vector<16xf32>
        %parallel_loop3A_4297 = arith.constant 0.000000e+00 : f32
        %parallel_loop3A_4298 = vector.broadcast %parallel_loop3A_4297 : f32 to vector<16xf32>
        %parallel_loop3A_4299 = arith.maximumf %parallel_loop3A_4296, %parallel_loop3A_4298 : vector<16xf32>
        %parallel_loop3A_4300 = arith.mulf %get3A_105, %parallel_loop3A_3963 : vector<16xf32>
        %parallel_loop3A_4301 = arith.mulf %get3A_121, %parallel_loop3A_4251 : vector<16xf32>
        %parallel_loop3A_4302 = arith.addf %parallel_loop3A_4300, %parallel_loop3A_4301 : vector<16xf32>
        %parallel_loop3A_4303 = arith.constant 0.000000e+00 : f32
        %parallel_loop3A_4304 = vector.broadcast %parallel_loop3A_4303 : f32 to vector<16xf32>
        %parallel_loop3A_4305 = arith.maximumf %parallel_loop3A_4302, %parallel_loop3A_4304 : vector<16xf32>
        %parallel_loop3A_4306 = arith.mulf %get3A_109, %parallel_loop3A_3971 : vector<16xf32>
        %parallel_loop3A_4307 = arith.mulf %get3A_125, %parallel_loop3A_4259 : vector<16xf32>
        %parallel_loop3A_4308 = arith.addf %parallel_loop3A_4306, %parallel_loop3A_4307 : vector<16xf32>
        %parallel_loop3A_4309 = arith.constant 0.000000e+00 : f32
        %parallel_loop3A_4310 = vector.broadcast %parallel_loop3A_4309 : f32 to vector<16xf32>
        %parallel_loop3A_4311 = arith.maximumf %parallel_loop3A_4308, %parallel_loop3A_4310 : vector<16xf32>
        %parallel_loop3A_4312 = arith.mulf %get3A_113, %parallel_loop3A_3979 : vector<16xf32>
        %parallel_loop3A_4313 = arith.mulf %get3A_129, %parallel_loop3A_4267 : vector<16xf32>
        %parallel_loop3A_4314 = arith.addf %parallel_loop3A_4312, %parallel_loop3A_4313 : vector<16xf32>
        %parallel_loop3A_4315 = arith.constant 0.000000e+00 : f32
        %parallel_loop3A_4316 = vector.broadcast %parallel_loop3A_4315 : f32 to vector<16xf32>
        %parallel_loop3A_4317 = arith.maximumf %parallel_loop3A_4314, %parallel_loop3A_4316 : vector<16xf32>
        %parallel_loop3A_4318 = arith.mulf %get3A_117, %parallel_loop3A_3987 : vector<16xf32>
        %parallel_loop3A_4319 = arith.mulf %get3A_133, %parallel_loop3A_4275 : vector<16xf32>
        %parallel_loop3A_4320 = arith.addf %parallel_loop3A_4318, %parallel_loop3A_4319 : vector<16xf32>
        %parallel_loop3A_4321 = arith.constant 0.000000e+00 : f32
        %parallel_loop3A_4322 = vector.broadcast %parallel_loop3A_4321 : f32 to vector<16xf32>
        %parallel_loop3A_4323 = arith.maximumf %parallel_loop3A_4320, %parallel_loop3A_4322 : vector<16xf32>
        %parallel_loop3A_4324 = arith.constant 12 : i32
        %parallel_loop3A_4325 = arith.index_cast %select_n3A_196 : i32 to index
        %parallel_loop3A_4326 = arith.index_cast %parallel_loop3A_273 : i32 to index
        %parallel_loop3A_4327 = arith.index_cast %parallel_loop3A_4324 : i32 to index
        %parallel_loop3A_4328 = arith.constant 0 : index
        %parallel_loop3A_4329 = tpu.vector_load %arg10[%parallel_loop3A_4325, %parallel_loop3A_4326, %parallel_loop3A_4327, %parallel_loop3A_4328] {strides = array<i32>} : memref<2x8x50x64xf32, #tpu.memory_space<vmem>>, vector<16xf32>,
        tpu.vector_store %arg10[%parallel_loop3A_4325, %parallel_loop3A_4326, %parallel_loop3A_4327, %parallel_loop3A_4328], %parallel_loop3A_4281 {strides = array<i32>} : memref<2x8x50x64xf32, #tpu.memory_space<vmem>>, vector<16xf32>,
        %parallel_loop3A_4330 = arith.constant 12 : i32
        %parallel_loop3A_4331 = arith.index_cast %select_n3A_196 : i32 to index
        %parallel_loop3A_4332 = arith.index_cast %parallel_loop3A_273 : i32 to index
        %parallel_loop3A_4333 = arith.index_cast %parallel_loop3A_4330 : i32 to index
        %parallel_loop3A_4334 = arith.constant 16 : index
        %parallel_loop3A_4335 = tpu.vector_load %arg10[%parallel_loop3A_4331, %parallel_loop3A_4332, %parallel_loop3A_4333, %parallel_loop3A_4334] {strides = array<i32>} : memref<2x8x50x64xf32, #tpu.memory_space<vmem>>, vector<16xf32>,
        tpu.vector_store %arg10[%parallel_loop3A_4331, %parallel_loop3A_4332, %parallel_loop3A_4333, %parallel_loop3A_4334], %parallel_loop3A_4287 {strides = array<i32>} : memref<2x8x50x64xf32, #tpu.memory_space<vmem>>, vector<16xf32>,
        %parallel_loop3A_4336 = arith.constant 12 : i32
        %parallel_loop3A_4337 = arith.index_cast %select_n3A_196 : i32 to index
        %parallel_loop3A_4338 = arith.index_cast %parallel_loop3A_273 : i32 to index
        %parallel_loop3A_4339 = arith.index_cast %parallel_loop3A_4336 : i32 to index
        %parallel_loop3A_4340 = arith.constant 32 : index
        %parallel_loop3A_4341 = tpu.vector_load %arg10[%parallel_loop3A_4337, %parallel_loop3A_4338, %parallel_loop3A_4339, %parallel_loop3A_4340] {strides = array<i32>} : memref<2x8x50x64xf32, #tpu.memory_space<vmem>>, vector<16xf32>,
        tpu.vector_store %arg10[%parallel_loop3A_4337, %parallel_loop3A_4338, %parallel_loop3A_4339, %parallel_loop3A_4340], %parallel_loop3A_4293 {strides = array<i32>} : memref<2x8x50x64xf32, #tpu.memory_space<vmem>>, vector<16xf32>,
        %parallel_loop3A_4342 = arith.constant 12 : i32
        %parallel_loop3A_4343 = arith.index_cast %select_n3A_196 : i32 to index
        %parallel_loop3A_4344 = arith.index_cast %parallel_loop3A_273 : i32 to index
        %parallel_loop3A_4345 = arith.index_cast %parallel_loop3A_4342 : i32 to index
        %parallel_loop3A_4346 = arith.constant 48 : index
        %parallel_loop3A_4347 = tpu.vector_load %arg10[%parallel_loop3A_4343, %parallel_loop3A_4344, %parallel_loop3A_4345, %parallel_loop3A_4346] {strides = array<i32>} : memref<2x8x50x64xf32, #tpu.memory_space<vmem>>, vector<16xf32>,
        tpu.vector_store %arg10[%parallel_loop3A_4343, %parallel_loop3A_4344, %parallel_loop3A_4345, %parallel_loop3A_4346], %parallel_loop3A_4299 {strides = array<i32>} : memref<2x8x50x64xf32, #tpu.memory_space<vmem>>, vector<16xf32>,
        %parallel_loop3A_4348 = arith.constant 37 : i32
        %parallel_loop3A_4349 = arith.index_cast %select_n3A_196 : i32 to index
        %parallel_loop3A_4350 = arith.index_cast %parallel_loop3A_273 : i32 to index
        %parallel_loop3A_4351 = arith.index_cast %parallel_loop3A_4348 : i32 to index
        %parallel_loop3A_4352 = arith.constant 0 : index
        %parallel_loop3A_4353 = tpu.vector_load %arg10[%parallel_loop3A_4349, %parallel_loop3A_4350, %parallel_loop3A_4351, %parallel_loop3A_4352] {strides = array<i32>} : memref<2x8x50x64xf32, #tpu.memory_space<vmem>>, vector<16xf32>,
        tpu.vector_store %arg10[%parallel_loop3A_4349, %parallel_loop3A_4350, %parallel_loop3A_4351, %parallel_loop3A_4352], %parallel_loop3A_4305 {strides = array<i32>} : memref<2x8x50x64xf32, #tpu.memory_space<vmem>>, vector<16xf32>,
        %parallel_loop3A_4354 = arith.constant 37 : i32
        %parallel_loop3A_4355 = arith.index_cast %select_n3A_196 : i32 to index
        %parallel_loop3A_4356 = arith.index_cast %parallel_loop3A_273 : i32 to index
        %parallel_loop3A_4357 = arith.index_cast %parallel_loop3A_4354 : i32 to index
        %parallel_loop3A_4358 = arith.constant 16 : index
        %parallel_loop3A_4359 = tpu.vector_load %arg10[%parallel_loop3A_4355, %parallel_loop3A_4356, %parallel_loop3A_4357, %parallel_loop3A_4358] {strides = array<i32>} : memref<2x8x50x64xf32, #tpu.memory_space<vmem>>, vector<16xf32>,
        tpu.vector_store %arg10[%parallel_loop3A_4355, %parallel_loop3A_4356, %parallel_loop3A_4357, %parallel_loop3A_4358], %parallel_loop3A_4311 {strides = array<i32>} : memref<2x8x50x64xf32, #tpu.memory_space<vmem>>, vector<16xf32>,
        %parallel_loop3A_4360 = arith.constant 37 : i32
        %parallel_loop3A_4361 = arith.index_cast %select_n3A_196 : i32 to index
        %parallel_loop3A_4362 = arith.index_cast %parallel_loop3A_273 : i32 to index
        %parallel_loop3A_4363 = arith.index_cast %parallel_loop3A_4360 : i32 to index
        %parallel_loop3A_4364 = arith.constant 32 : index
        %parallel_loop3A_4365 = tpu.vector_load %arg10[%parallel_loop3A_4361, %parallel_loop3A_4362, %parallel_loop3A_4363, %parallel_loop3A_4364] {strides = array<i32>} : memref<2x8x50x64xf32, #tpu.memory_space<vmem>>, vector<16xf32>,
        tpu.vector_store %arg10[%parallel_loop3A_4361, %parallel_loop3A_4362, %parallel_loop3A_4363, %parallel_loop3A_4364], %parallel_loop3A_4317 {strides = array<i32>} : memref<2x8x50x64xf32, #tpu.memory_space<vmem>>, vector<16xf32>,
        %parallel_loop3A_4366 = arith.constant 37 : i32
        %parallel_loop3A_4367 = arith.index_cast %select_n3A_196 : i32 to index
        %parallel_loop3A_4368 = arith.index_cast %parallel_loop3A_273 : i32 to index
        %parallel_loop3A_4369 = arith.index_cast %parallel_loop3A_4366 : i32 to index
        %parallel_loop3A_4370 = arith.constant 48 : index
        %parallel_loop3A_4371 = tpu.vector_load %arg10[%parallel_loop3A_4367, %parallel_loop3A_4368, %parallel_loop3A_4369, %parallel_loop3A_4370] {strides = array<i32>} : memref<2x8x50x64xf32, #tpu.memory_space<vmem>>, vector<16xf32>,
        tpu.vector_store %arg10[%parallel_loop3A_4367, %parallel_loop3A_4368, %parallel_loop3A_4369, %parallel_loop3A_4370], %parallel_loop3A_4323 {strides = array<i32>} : memref<2x8x50x64xf32, #tpu.memory_space<vmem>>, vector<16xf32>,
      } {sc.loop_unroll_factor = 1 : i64, sc.parallel_access}
      %mul3A_252 = arith.constant 8 : i32
      %mul3A_253 = arith.muli %scan3A_180, %mul3A_252 : i32
      %add3A_254 = arith.addi %mul3A_32, %mul3A_253 : i32
      %mul3A_255 = arith.constant 64 : i32
      %mul3A_256 = arith.muli %select_n3A_9, %mul3A_255 : i32
      %dma_start3A_257 = arith.constant 0 : i32
      %dma_start3A_258 = arith.constant 0 : i32
      %dma_start3A_259 = arith.constant 0 : i32
      %dma_start3A_260 = tpu.memref_slice %arg10[%select_n3A_196, %dma_start3A_257, %dma_start3A_258, %dma_start3A_259] : memref<2x8x50x64xf32, #tpu.memory_space<vmem>> -> memref<1x8x50x64xf32, #tpu.memory_space<vmem>>
      %dma_start3A_261 = tpu.memref_squeeze %dma_start3A_260 : memref<1x8x50x64xf32, #tpu.memory_space<vmem>> -> memref<8x50x64xf32, #tpu.memory_space<vmem>>
      %dma_start3A_262 = arith.constant 0 : i32
      %dma_start3A_263 = tpu.memref_slice %arg6[%add3A_254, %dma_start3A_262, %mul3A_256] : memref<4096x50x512xf32, #tpu.memory_space<hbm>> -> memref<8x50x64xf32, #tpu.memory_space<hbm>>
      %dma_start3A_264 = tpu.memref_slice %arg14[%select_n3A_196] : memref<2x!tpu.dma_semaphore, #tpu.memory_space<semaphore_mem>> -> memref<1x!tpu.dma_semaphore, #tpu.memory_space<semaphore_mem>>
      %dma_start3A_265 = tpu.memref_squeeze %dma_start3A_264 : memref<1x!tpu.dma_semaphore, #tpu.memory_space<semaphore_mem>> -> memref<!tpu.dma_semaphore, #tpu.memory_space<semaphore_mem>>
      %dma_start3A_266 = arith.constant 0 : i32
      %dma_start3A_267 = tpu.memref_slice %arg6[%add3A_254, %dma_start3A_266, %mul3A_256] : memref<4096x50x512xf32, #tpu.memory_space<hbm>> -> memref<8x50x64xf32, #tpu.memory_space<hbm>>
      %dma_start3A_268 = arith.constant 0 : i32
      %dma_start3A_269 = arith.constant 0 : i32
      %dma_start3A_270 = arith.constant 0 : i32
      %dma_start3A_271 = tpu.memref_slice %arg10[%select_n3A_196, %dma_start3A_268, %dma_start3A_269, %dma_start3A_270] : memref<2x8x50x64xf32, #tpu.memory_space<vmem>> -> memref<1x8x50x64xf32, #tpu.memory_space<vmem>>
      %dma_start3A_272 = tpu.memref_squeeze %dma_start3A_271 : memref<1x8x50x64xf32, #tpu.memory_space<vmem>> -> memref<8x50x64xf32, #tpu.memory_space<vmem>>
      tpu.enqueue_dma source(%dma_start3A_272 : memref<8x50x64xf32, #tpu.memory_space<vmem>>) target(%dma_start3A_267 : memref<8x50x64xf32, #tpu.memory_space<hbm>>) target_semaphore(%dma_start3A_265 : memref<!tpu.dma_semaphore, #tpu.memory_space<semaphore_mem>>)
    }
    %scan3A_139 = arith.constant 128 : i32
    %mul3A_140 = arith.constant 64 : i32
    %mul3A_141 = arith.muli %select_n3A_9, %mul3A_140 : i32
    %dma_wait3A_142 = arith.constant 0 : i32
    %dma_wait3A_143 = arith.constant 0 : i32
    %dma_wait3A_144 = arith.constant 0 : i32
    %dma_wait3A_145 = arith.constant 0 : i32
    %dma_wait3A_146 = arith.constant 0 : i32
    %dma_wait3A_147 = tpu.memref_slice %arg10[%dma_wait3A_142, %dma_wait3A_144, %dma_wait3A_145, %dma_wait3A_146] : memref<2x8x50x64xf32, #tpu.memory_space<vmem>> -> memref<1x8x50x64xf32, #tpu.memory_space<vmem>>
    %dma_wait3A_148 = tpu.memref_squeeze %dma_wait3A_147 : memref<1x8x50x64xf32, #tpu.memory_space<vmem>> -> memref<8x50x64xf32, #tpu.memory_space<vmem>>
    %dma_wait3A_149 = arith.constant 0 : i32
    %dma_wait3A_150 = tpu.memref_slice %arg6[%mul3A_32, %dma_wait3A_149, %mul3A_141] : memref<4096x50x512xf32, #tpu.memory_space<hbm>> -> memref<8x50x64xf32, #tpu.memory_space<hbm>>
    %dma_wait3A_151 = tpu.memref_slice %arg14[%dma_wait3A_143] : memref<2x!tpu.dma_semaphore, #tpu.memory_space<semaphore_mem>> -> memref<1x!tpu.dma_semaphore, #tpu.memory_space<semaphore_mem>>
    %dma_wait3A_152 = tpu.memref_squeeze %dma_wait3A_151 : memref<1x!tpu.dma_semaphore, #tpu.memory_space<semaphore_mem>> -> memref<!tpu.dma_semaphore, #tpu.memory_space<semaphore_mem>>
    %dma_wait3A_153 = arith.constant 0 : i32
    %dma_wait3A_154 = tpu.memref_slice %arg6[%mul3A_32, %dma_wait3A_153, %mul3A_141] : memref<4096x50x512xf32, #tpu.memory_space<hbm>> -> memref<8x50x64xf32, #tpu.memory_space<hbm>>
    %dma_wait3A_155 = arith.constant 0 : i32
    %dma_wait3A_156 = arith.constant 0 : i32
    %dma_wait3A_157 = arith.constant 0 : i32
    %dma_wait3A_158 = tpu.memref_slice %arg10[%dma_wait3A_142, %dma_wait3A_155, %dma_wait3A_156, %dma_wait3A_157] : memref<2x8x50x64xf32, #tpu.memory_space<vmem>> -> memref<1x8x50x64xf32, #tpu.memory_space<vmem>>
    %dma_wait3A_159 = tpu.memref_squeeze %dma_wait3A_158 : memref<1x8x50x64xf32, #tpu.memory_space<vmem>> -> memref<8x50x64xf32, #tpu.memory_space<vmem>>
    tpu.wait_dma2 semaphore(%dma_wait3A_152 : memref<!tpu.dma_semaphore, #tpu.memory_space<semaphore_mem>>) src(%dma_wait3A_159 : memref<8x50x64xf32, #tpu.memory_space<vmem>>) dst(%dma_wait3A_154 : memref<8x50x64xf32, #tpu.memory_space<hbm>>)
    %mul3A_160 = arith.constant 64 : i32
    %mul3A_161 = arith.muli %select_n3A_9, %mul3A_160 : i32
    %dma_wait3A_162 = arith.constant 1 : i32
    %dma_wait3A_163 = arith.constant 1 : i32
    %dma_wait3A_164 = arith.constant 0 : i32
    %dma_wait3A_165 = arith.constant 0 : i32
    %dma_wait3A_166 = arith.constant 0 : i32
    %dma_wait3A_167 = tpu.memref_slice %arg10[%dma_wait3A_162, %dma_wait3A_164, %dma_wait3A_165, %dma_wait3A_166] : memref<2x8x50x64xf32, #tpu.memory_space<vmem>> -> memref<1x8x50x64xf32, #tpu.memory_space<vmem>>
    %dma_wait3A_168 = tpu.memref_squeeze %dma_wait3A_167 : memref<1x8x50x64xf32, #tpu.memory_space<vmem>> -> memref<8x50x64xf32, #tpu.memory_space<vmem>>
    %dma_wait3A_169 = arith.constant 0 : i32
    %dma_wait3A_170 = tpu.memref_slice %arg6[%mul3A_32, %dma_wait3A_169, %mul3A_161] : memref<4096x50x512xf32, #tpu.memory_space<hbm>> -> memref<8x50x64xf32, #tpu.memory_space<hbm>>
    %dma_wait3A_171 = tpu.memref_slice %arg14[%dma_wait3A_163] : memref<2x!tpu.dma_semaphore, #tpu.memory_space<semaphore_mem>> -> memref<1x!tpu.dma_semaphore, #tpu.memory_space<semaphore_mem>>
    %dma_wait3A_172 = tpu.memref_squeeze %dma_wait3A_171 : memref<1x!tpu.dma_semaphore, #tpu.memory_space<semaphore_mem>> -> memref<!tpu.dma_semaphore, #tpu.memory_space<semaphore_mem>>
    %dma_wait3A_173 = arith.constant 0 : i32
    %dma_wait3A_174 = tpu.memref_slice %arg6[%mul3A_32, %dma_wait3A_173, %mul3A_161] : memref<4096x50x512xf32, #tpu.memory_space<hbm>> -> memref<8x50x64xf32, #tpu.memory_space<hbm>>
    %dma_wait3A_175 = arith.constant 0 : i32
    %dma_wait3A_176 = arith.constant 0 : i32
    %dma_wait3A_177 = arith.constant 0 : i32
    %dma_wait3A_178 = tpu.memref_slice %arg10[%dma_wait3A_162, %dma_wait3A_175, %dma_wait3A_176, %dma_wait3A_177] : memref<2x8x50x64xf32, #tpu.memory_space<vmem>> -> memref<1x8x50x64xf32, #tpu.memory_space<vmem>>
    %dma_wait3A_179 = tpu.memref_squeeze %dma_wait3A_178 : memref<1x8x50x64xf32, #tpu.memory_space<vmem>> -> memref<8x50x64xf32, #tpu.memory_space<vmem>>
    tpu.wait_dma2 semaphore(%dma_wait3A_172 : memref<!tpu.dma_semaphore, #tpu.memory_space<semaphore_mem>>) src(%dma_wait3A_179 : memref<8x50x64xf32, #tpu.memory_space<vmem>>) dst(%dma_wait3A_174 : memref<8x50x64xf32, #tpu.memory_space<hbm>>)
    return
  }
}

</mosaic_0001>

<sc_bundles>
// kernel: kernel.3.cloned.1.call-start
scs
__scs_entry_jumppad:
0x0: {  	(pc) =	sbr.rel $0x88, $3  }
0x1: {  	(tag) =	ssettag $0x0;
	lr =	simm.s32 $0x1  }
0x2: {  	[smem:$0x3F9A] =	sst lr;
	_ =	strace $0xD0000000  }
0x3: {  	_ = 	snop  }
0x4: {  	_ = 	snop  }
0x5: {  	_ = 	snop  }
0x6: {  	_ = 	snop  }
0x7: {  	_ = 	snop  }
__scs_overlays_trampoline_lowered:
0x8: {  	[smem:$0x3FA9] =	sst s0  }
0x9: {  	[smem:$0x3FAA] =	sst s1  }
0xa: {  	[smem:$0x3FAB] =	sst s2  }
0xb: {  	[smem:$0x3FAC] =	sst s3  }
0xc: {  	[smem:$0x3FAD] =	sst s4  }
0xd: {  	[smem:$0x3FAE] =	sst s5  }
0xe: {  	[smem:$0x3FAF] =	sst s6  }
0xf: {  	[smem:$0x3FB0] =	sst s7  }
0x10: {  	[smem:$0x3FB1] =	sst s8  }
0x11: {  	[smem:$0x3FB2] =	sst s9;
	s0 =	simm.s32 @!p0 $0x0  }
0x12: {  	s1 =	sld [smem:$0x3F98];
	s0 =	simm.s32 @p0 $0x1  }
0x13: {  	[smem:$0x3FB3] =	sst s0;
	s0 =	simm.s32 @!p1 $0x0  }
0x14: {  	s2 =	sld [smem:$0x3F97];
	s0 =	simm.s32 @p1 $0x1  }
0x15: {  	[smem:$0x3FB4] =	sst s0;
	s0 =	simm.s32 @!p2 $0x0  }
0x16: {  	s3 =	sld [smem:$0x3FDB];
	s0 =	simm.s32 @p2 $0x1  }
0x17: {  	s4 =	simm.s32 $0x1BF5;
	[smem:$0x3FB6] =	sst s0  }
0x18: {  	s0 =	sld [smem:$0x3F99];
	_ =	swait.ge [sflag:s4], $0x0  }
0x19: {  	s7 =	sld [smem:$0x3F9A]  }
0x1a: {  	s8 =	sadd.s32 $0xFFFFE003, lr  }
0x1b: {  	s9 =	sadd.s32 $0xFFFFFEF7, lr;
	s5 =	simm.s32 $0xFFFFFFFF;
	p2 =	slt.u32 s8, $0xFFFFF086  }
0x1c: {  	p1 =	slt.u32 s9, $0xF7A;
	s5 =	simm.s32 @!p2 $0x0  }
0x1d: {  	s5 =	simm.s32 @p1 $0x1;
	p0 =	seq.s32 s7, s2  }
0x1e: {  	s7 =	smul.u32 @!p0 $0xF7A, s2;
	p2 =	seq.s32 @!p0 s5, $0x0  }
0x1f: {  	s9 =	smul.u32 $0xF7A, s1;
	s8 =	simm.s32 @!p0 $0x1BF5;
	p2 =	por !p2, p0  }
0x20: {  	[sflag:s8] =	ssyncset.s32 @!p0 $0xFFFFF086;
	s6 =	sadd.s32 @!p0 s3, s7;
	s7 =	simm.s32 @!p0 $0x108  }
0x21: {  	s3 =	sadd.s32 s3, s9;
	s6 =	sadd.s32 @!p0 $0x88, s6;
	s7 =	simm.s32 @p2 $0x1082  }
0x22: {  	[simem:s7], [sflag:s8] =	dma.local @!p0 [hbm:s6], $0xF7A  }
0x23: {  	s9 =	sor.u32 $0xD0000000, s2;
	s6 =	simm.s32 $0x108;
	_ =	swait.ge @!p0 [sflag:s8], $0x0  }
0x24: {  	s3 =	sadd.s32 $0x88, s3;
	s6 =	simm.s32 @!p1 $0x1082;
	[sflag:s4] =	ssyncset.s32 $0xFFFFF086  }
0x25: {  	[simem:s6], [sflag:s4] =	dma.local [hbm:s3], $0xF7A  }
0x26: {  	[smem:$0x3F9A] =	sst s1;
	(tag) =	ssettag s2;
	_ =	strace s9  }
0x27: {  	s1 =	sld [smem:$0x3FAA]  }
0x28: {  	s2 =	sld [smem:$0x3FAB]  }
0x29: {  	s4 =	sld [smem:$0x3FAD]  }
0x2a: {  	p0 =	seq.s32 s5, $0x0;
	s5 =	sld [smem:$0x3FAE]  }
0x2b: {  	s6 =	sld [smem:$0x3FAF]  }
0x2c: {  	s7 =	sld [smem:$0x3FB0]  }
0x2d: {  	s3 =	simm.s32 $0x108;
	s8 =	sld [smem:$0x3FB1]  }
0x2e: {  	s3 =	simm.s32 @!p0 $0x1082;
	s9 =	sld [smem:$0x3FB2]  }
0x2f: {  	lr =	sadd.s32 s0, s3;
	s0 =	sld [smem:$0x3FA9]  }
0x30: {  	s3 =	sld [smem:$0x3FAC]  }
0x31: {  	[smem:$0x3FB5] =	sst s10  }
0x32: {  	s10 =	sld [smem:$0x3FB3];
	_ =	sdelay $0x3  }
0x33: {  	p0 =	seq.s32 s10, $0x1;
	s10 =	sld [smem:$0x3FB5];
	_ =	sdelay $0x3  }
0x34: {  	[smem:$0x3FB5] =	sst s10  }
0x35: {  	s10 =	sld [smem:$0x3FB4];
	_ =	sdelay $0x3  }
0x36: {  	p1 =	seq.s32 s10, $0x1;
	s10 =	sld [smem:$0x3FB5];
	_ =	sdelay $0x3  }
0x37: {  	[smem:$0x3FB5] =	sst s10  }
0x38: {  	s10 =	sld [smem:$0x3FB6]  }
0x39: {  	_ = 	snop;
	(pc) =	sbr.ind lr, $3  }
0x3a: {  	_ = 	snop  }
0x3b: {  	_ = 	snop  }
0x3c: {  	p2 =	seq.s32 s10, $0x1;
	s10 =	sld [smem:$0x3FB5]  }
0x3d: {  	_ =	shalt  }
0x3e: {  	_ =	shalt  }
0x3f: {  	_ =	shalt  }
0x40: {  	_ =	shalt  }
0x41: {  	_ =	shalt  }
0x42: {  	_ =	shalt  }
0x43: {  	_ =	shalt  }
0x44: {  	_ =	shalt  }
0x45: {  	_ =	shalt  }
0x46: {  	_ =	shalt  }
0x47: {  	_ =	shalt  }
0x48: {  	_ =	shalt  }
0x49: {  	_ =	shalt  }
0x4a: {  	_ =	shalt  }
0x4b: {  	_ =	shalt  }
0x4c: {  	_ =	shalt  }
0x4d: {  	_ =	shalt  }
0x4e: {  	_ =	shalt  }
0x4f: {  	_ =	shalt  }
0x50: {  	_ =	shalt  }
0x51: {  	_ =	shalt  }
0x52: {  	_ =	shalt  }
0x53: {  	_ =	shalt  }
0x54: {  	_ =	shalt  }
0x55: {  	_ =	shalt  }
0x56: {  	_ =	shalt  }
0x57: {  	_ =	shalt  }
0x58: {  	_ =	shalt  }
0x59: {  	_ =	shalt  }
0x5a: {  	_ =	shalt  }
0x5b: {  	_ =	shalt  }
0x5c: {  	_ =	shalt  }
0x5d: {  	_ =	shalt  }
0x5e: {  	_ =	shalt  }
0x5f: {  	_ =	shalt  }
0x60: {  	_ =	shalt  }
0x61: {  	_ =	shalt  }
0x62: {  	_ =	shalt  }
0x63: {  	_ =	shalt  }
0x64: {  	_ =	shalt  }
0x65: {  	_ =	shalt  }
0x66: {  	_ =	shalt  }
0x67: {  	_ =	shalt  }
0x68: {  	_ =	shalt  }
0x69: {  	_ =	shalt  }
0x6a: {  	_ =	shalt  }
0x6b: {  	_ =	shalt  }
0x6c: {  	_ =	shalt  }
0x6d: {  	_ =	shalt  }
0x6e: {  	_ =	shalt  }
0x6f: {  	_ =	shalt  }
0x70: {  	_ =	shalt  }
0x71: {  	_ =	shalt  }
0x72: {  	_ =	shalt  }
0x73: {  	_ =	shalt  }
0x74: {  	_ =	shalt  }
0x75: {  	_ =	shalt  }
0x76: {  	_ =	shalt  }
0x77: {  	_ =	shalt  }
0x78: {  	_ =	shalt  }
0x79: {  	_ =	shalt  }
0x7a: {  	_ =	shalt  }
0x7b: {  	_ =	shalt  }
0x7c: {  	_ =	shalt  }
0x7d: {  	_ =	shalt  }
0x7e: {  	_ =	shalt  }
0x7f: {  	_ =	shalt  }
0x80: {  	_ =	shalt  }
0x81: {  	_ =	shalt  }
0x82: {  	_ =	shalt  }
0x83: {  	_ =	shalt  }
0x84: {  	_ =	shalt  }
0x85: {  	_ =	shalt  }
0x86: {  	_ =	shalt  }
0x87: {  	_ =	shalt  }
.Lfunc_end0:
.L_simem_size_0:
called_computation.1_lowered:
.L_overlay_start_0:
0x88: {  	s2 =	sld [smem:$0x3FD9]  }
0x89: {  	s3 =	sld [smem:$0x3FFE];
	_ =	sdelay $0x1  }
0x8a: {  	s1 =	srdreg.scid  }
0x8b: {  	s0 =	sand.u32 $0x1, s1  }
0x8c: {  	s17 =	sshll.u32 s0, $0xA;
	s2 =	sadd.s32 s3, s2  }
0x8d: {  	s2 =	sadd.s32 s2, s17  }
0x8e: {  	[smem:$0x3FC1] =	sst s2  }
0x8f: {  	_ = 	snop  }
0x90: {  	s2 =	sld [smem:$0x3FD0];
	(tm) =	ssettm $0x1  }
0x91: {  	s18 =	sld [smem:$0x3FFB];
	_ =	sdelay $0x3  }
0x92: {  	_ =	strace s18  }
0x93: {  	s3 =	sld [smem:$0x3FFC];
	_ =	sdelay $0x3  }
0x94: {  	_ =	strace s3  }
0x95: {  	s3 =	sld [smem:$0x3FFD];
	_ =	sdelay $0x3  }
0x96: {  	_ =	strace s3  }
0x97: {  	_ =	strace $0x8FFFFFFF  }
0x98: {  	s19 =	sld [smem:$0x3FDB];
	_ =	sdelay $0x1  }
0x99: {  	s4 =	simm.s32 $_scs_section_size  }
0x9a: {  	s5 =	simm.s32 $_size__tile_overlayer_lowered;
	s6 =	simm.s32 $_tile_overlayer_lowered  }
0x9b: {  	s22 =	simm.s32 $0x1BFF;
	s21 =	sshll.u32 s6, $0x1;
	s3 =	sadd.s32 s4, s19  }
0x9c: {  	s7 =	simm.s32 $0x0;
	s20 =	sshll.u32 s5, $0x1;
	s5 =	sadd.s32 s21, s3  }
0x9d: {  	[timem:s7], [sflag:s22] =	dma.local [hbm:s5], s20  }
0x9e: {  	_ =	swait.ge [sflag:s22], s20  }
0x9f: {  	s4 =	ssub.s32 $0x0, s20;
	[sflag:s22] =	ssyncset.done $0x0  }
0xa0: {  	[sflag:s22] =	ssyncadd.s32 s4;
	_ =	sdelay $0x1  }
0xa1: {  	s23 =	simm.s32 $0x1B8B  }
0xa2: {  	_ =	swait.ge [sflag:s23], $0x1  }
0xa3: {  	[sflag:s23] =	ssyncset.done $0x0  }
0xa4: {  	s25 =	simm.s32 $0x1B8E;
	s24 =	sld [smem:$0x3FFE];
	[sflag:s23] =	ssyncadd.s32 $0xFFFFFFFF  }
0xa5: {  	s26 =	simm.s32 $execute0_lowered;
	[smem:$0x3FD2] =	sst s25  }
0xa6: {  	s5 =	sshll.u32 s26, $0x1;
	_ =	strace $0x80000046;
	[dreg:$0x1] =	wrdreg $0xFFFFFFFF  }
0xa7: {  	s28 =	simm.s32 $_size_execute0_lowered;
	s3 =	sadd.s32 s3, s5;
	[dreg:$0x0] =	wrdreg $0x0  }
0xa8: {  	s5 =	sshll.u32 s28, $0x1;
	[dreg:$0x2] =	wrdreg s3  }
0xa9: {  	[dreg:$0x3] =	wrdreg s5  }
0xaa: {  	[dreg:$0x4] =	wrdreg $0xC0  }
0xab: {  	_ =	task [dreg:s7], $0x5FFFF  }
0xac: {  	[dreg:$0x1] =	wrdreg $0xFFFFFFFF  }
0xad: {  	[dreg:$0x0] =	wrdreg $0x60  }
0xae: {  	[dreg:$0x2] =	wrdreg s24  }
0xaf: {  	[dreg:$0x3] =	wrdreg s2  }
0xb0: {  	[dreg:$0x4] =	wrdreg $0x9  }
0xb1: {  	_ =	task.clear_ibuf [dreg:s7], $0x5FFFF;
	_ =	strace $0x90000046  }
0xb2: {  	s29 =	simm.s32 $0x9;
	_ =	strace $0x80000048  }
0xb3: {  	_ =	swait.ge [sflag:s29], $0x1  }
0xb4: {  	[sflag:s29] =	ssyncadd.s32 $0xFFFFFFFF  }
0xb5: {  	_ =	strace $0x90000048  }
0xb6: {  	_ =	sfence  }
0xb7: {  	s30 =	sld [smem:$0x0];
	_ =	sdelay $0x2  }
0xb8: {  	s31 =	sshll.u32 s1, $0xD;
	s1 =	sshrl.u32 s1, $0x2  }
0xb9: {  	s3 =	sand.u32 $0x4000, s31;
	s1 =	sadd.s32 s1, s30  }
0xba: {  	s0 =	sor.u32 s3, s0;
	s1 =	sshll.u32 s1, $0x11  }
0xbb: {  	s0 =	sor.u32 s1, s0  }
0xbc: {  	s0 =	sadd.s32 $0x8F2B, s0  }
0xbd: {  	[sflag:s0] =	ssyncadd.remote.s32 $0x1  }
0xbe: {  	_ =	sfence.sel $0xFFFF  }
0xbf: {  	[dreg:$0x0] =	wrdreg $0xFFFFFFFF;
	(pc) =	sbr.abs _section_cstart, $3  }
0xc0: {  	[dreg:$0x1] =	wrdreg $0xFFFFFFFF  }
0xc1: {  	_ =	task.clear_ibuf [dreg:s7], $0x2FFFF;
	_ =	strace $0x9FFFFFFF  }
0xc2: {  	(tm) =	ssettm $0x7FFFFFFF  }
0xc3: {  	_ =	shalt  }
tec
execute0_lowered:
.L_overlay_start_1:
0x0: {  	(tag) =	ssettag $0x1  }
0x1: {  	s0 =	stileid.u32;
	s8 =	rddreg [dreg:$0x0]  }
0x2: {  	s1 =	srdreg.scid;
	s2 =	rddreg [dreg:$0x1]  }
0x3: {  	s11 =	simm.s32 $0x1400;
	s13 =	simm.s32 $0x80;
	s14 =	simm.s32 $0x210  }
0x4: {  	s15 =	simm.s32 $0x2;
	s16 =	simm.s32 $0x190;
	s17 =	simm.s32 $0x3A0  }
0x5: {  	s18 =	simm.s32 $0x1;
	s19 =	simm.s32 $0x40;
	s20 =	simm.s32 $0x200  }
0x6: {  	s21 =	simm.s32 $0x6;
	s22 =	simm.s32 $0x7;
	s23 =	simm.s32 $0x0  }
0x7: {  	s3 =	sshll.u32 s0, $0x1;
	s4 =	sand.u32 $0x1, s1;
	s31 =	sshrl.u32 s0, $0x2  }
0x8: {  	s5 =	sand.u32 $0x6, s3;
	s3 =	simm.s32 $0x0;
	s12 =	smul.u32 $0x1900, s31  }
0x9: {  	s9 =	sor.u32 s4, s5;
	[smem:$0x7FF] =	sst s3;
	s4 =	ssub.s32 $0x2, s4  }
0xa: {  	s5 =	smul.u32 $0x1F40, s9;
	_ =	strace $0x80000047;
	s30 =	sshll.u32 s9, $0x4  }
0xb: {  	s7 =	sshrl.u32 s4, $0x1;
	p0 =	seq.s32 s9, $0x7;
	s9 =	sshll.u32 s9, $0x6  }
0xc: {  	s10 =	ssub.s32 s4, s7;
	s4 =	sshll.u32 s31, $0xA;
	s11 =	simm.s32 @!p0 $0x7800  }
0xd: {  	s6 =	sadd.s32 s5, s8;
	s5 =	sadd.s32 s30, s8;
	s8 =	sadd.s32 s11, s8  }
0xe: {  	s7 =	sor.u32 $0x10, s4;
	s10 =	smax.u32 s10, $0x1;
	s11 =	sadd.s32 s8, s12  }
0xf: {  	s5 =	sadd.s32 $0x1200, s5;
	s6 =	sadd.s32 $0xDC00, s6;
	s12 =	sadd.s32 $0x32, s11  }
.LBB2_1:
0x10: {  	[tilespmem:s3], [sflag:$0x1] =	stream.linear.gather [hbm4b:s5+s3], $0x80, $0x38;
	[tilespmem:$0x193A0] =	vst v63  }
0x11: {  	_ = 	snop  }
0x12: {  	[tilespmem:s13], [sflag:$0x2] =	stream.linear.gather [hbm4b:s11+s3], $0x190, $0x38;
	[tilespmem:$0x193A0] =	vst v63  }
0x13: {  	_ = 	snop  }
0x14: {  	[tilespmem:s14], [sflag:$0x3] =	stream.linear.gather [hbm4b:s12+s3], $0x190, $0x38;
	[tilespmem:$0x193A0] =	vst v63  }
0x15: {  	_ =	swait.ge [sflag:s15], $0x190  }
0x16: {  	[sflag:s15] =	ssyncset.done $0x0  }
0x17: {  	[sflag:s15] =	ssyncadd.s32 $0xFFFFFE70  }
0x18: {  	[tilespmem:s17], [sflag:$0x4] =	stream.indirect.gather [hbm4b:s6+s16], $0x40, s13, s16, $0xb8;
	[tilespmem:$0x193A0] =	vst v63  }
0x19: {  	_ =	swait.ge [sflag:s18], $0x80  }
0x1a: {  	[sflag:s18] =	ssyncset.done $0x0  }
0x1b: {  	[sflag:s18] =	ssyncadd.s32 $0xFFFFFF80  }
0x1c: {  	v0 =	vld [tilespmem:$0x0]  }
0x1d: {  	v1 =	vld [tilespmem:$0x10]  }
0x1e: {  	v2 =	vld [tilespmem:$0x20]  }
0x1f: {  	v3 =	vld [tilespmem:$0x30];
	_ =	sdelay $0x1  }
0x20: {  	v4 =	vld [tilespmem:$0x40]  }
0x21: {  	v5 =	vld [tilespmem:$0x50]  }
0x22: {  	v6 =	vld [tilespmem:$0x60];
	v7 =	vmul.f32 $0.0e+00, v0;
	v8 =	vmul.f32 $0.0e+00, v1  }
0x23: {  	s28 =	simm.s32 $0x0;
	v9 =	vld [tilespmem:$0x70];
	v10 =	vmul.f32 $0.0e+00, v2;
	v11 =	vmul.f32 $0.0e+00, v3  }
.LBB2_2:
0x24: {  	p0 =	sgt.u32 s28, $0x7D  }
.Ltmp0:
0x25: {  	s24 =	sand.u32 $0x1, s28;
	(pc) =	sbr.rel @p0 .LBB2_4-.Ltmp0, $4  }
0x26: {  	s26 =	sor.u32 $0x4, s24  }
0x27: {  	_ =	swait.ge [sflag:s26], $0x6400  }
0x28: {  	[sflag:s26] =	ssyncset.done $0x0  }
0x29: {  	s25 =	sadd.s32 $0x1, s28;
	[sflag:s26] =	ssyncadd.s32 $0xFFFF9C00;
	s26 =	sshll.u32 s28, $0x3  }
0x2a: {  	s29 =	sadd.s32 s26, s7;
	s30 =	smul.u32 $0x640, s24  }
0x2b: {  	s29 =	smul.u32 $0x32, s29  }
.Ltmp1:
0x2c: {  	_ = 	snop;
	(pc) =	sbr.rel .LBB2_5-.Ltmp1, $4  }
0x2d: {  	_ = 	snop  }
0x2e: {  	s30 =	sshrl.u32 s30, $0x2;
	s29 =	sshrl.u32 s29, $0x3  }
0x2f: {  	s31 =	sor.u32 $0x2, s24;
	s30 =	sadd.s32 $0x80, s30;
	s29 =	sadd.s32 s8, s29  }
0x30: {  	[tilespmem:s30], [sflag:s31] =	stream.linear.gather [hbm4b:s29+s3], $0x190, $0x38;
	[tilespmem:$0x193A0] =	vst v63  }
.LBB2_4:
0x31: {  	p0 =	seq.s32 s28, $0x7F  }
.Ltmp2:
0x32: {  	_ = 	snop;
	(pc) =	sbr.rel @p0 .LBB2_6-.Ltmp2, $1  }
0x33: {  	_ =	sdelay $0x3  }
.LBB2_5:
0x34: {  	s29 =	sand.u32 $0x1, s25  }
0x35: {  	s30 =	smul.u32 $0x640, s29  }
0x36: {  	p0 =	slt.u32 s28, $0x2;
	s1 =	smul.u32 $0x19000, s29  }
.Ltmp3:
0x37: {  	s31 =	sor.u32 $0x2, s29;
	(pc) =	sbr.rel @p0 .LBB2_7-.Ltmp3, $4  }
0x38: {  	s29 =	sor.u32 $0x4, s29;
	_ =	swait.ge [sflag:s31], $0x190  }
0x39: {  	s30 =	sshrl.u32 s30, $0x2;
	[sflag:s31] =	ssyncset.done $0x0;
	s1 =	sshrl.u32 s1, $0x2  }
0x3a: {  	s30 =	sadd.s32 $0x80, s30;
	[sflag:s31] =	ssyncadd.s32 $0xFFFFFE70;
	s1 =	sor.u32 $0x3A0, s1  }
0x3b: {  	[tilespmem:s1], [sflag:s29] =	stream.indirect.gather [hbm4b:s6+s16], $0x40, s30, s16, $0xb8;
	[tilespmem:$0x193A0] =	vst v63  }
.LBB2_6:
0x3c: {  	s1 =	sor.u32 $0x6, s24  }
0x3d: {  	_ =	swait.ge [sflag:s1], $0x6400  }
0x3e: {  	[sflag:s1] =	ssyncset.done $0x0  }
0x3f: {  	[sflag:s1] =	ssyncadd.s32 $0xFFFF9C00  }
.LBB2_7:
0x40: {  	s1 =	smul.u32 $0x6400, s24;
	_ =	sdelay $0x1  }
0x41: {  	s29 =	sor.u32 $0x3A0, s1  }
0x42: {  	v12 =	vmov s29;
	_ =	sdelay $0x1  }
0x43: {  	s28 =	simm.s32 $0x0;
	v13 =	vmov s1  }
.LBB2_8:
0x44: {  	s29 =	smul.u32 $0xC80, s28;
	_ =	sdelay $0x1  }
0x45: {  	v14 =	vld.idx.msk [tilespmem:v12+s29+$0x300 ss:$0x1], $0xffff  }
0x46: {  	v15 =	vld.idx.msk [tilespmem:v12+s29+$0x310 ss:$0x1], $0xffff  }
0x47: {  	v16 =	vld.idx.msk [tilespmem:v12+s29+$0x320 ss:$0x1], $0xffff  }
0x48: {  	v17 =	vld.idx.msk [tilespmem:v12+s29+$0x330 ss:$0x1], $0xffff  }
0x49: {  	v22 =	vld.idx.msk [tilespmem:v12+s29+$0x600 ss:$0x1], $0xffff  }
0x4a: {  	v23 =	vld.idx.msk [tilespmem:v12+s29+$0x610 ss:$0x1], $0xffff  }
0x4b: {  	v24 =	vld.idx.msk [tilespmem:v12+s29+$0x620 ss:$0x1], $0xffff  }
0x4c: {  	v25 =	vld.idx.msk [tilespmem:v12+s29+$0x630 ss:$0x1], $0xffff  }
0x4d: {  	v26 =	vld.idx.msk [tilespmem:v12+s29+$0x940 ss:$0x1], $0xffff  }
0x4e: {  	v27 =	vld.idx.msk [tilespmem:v12+s29+$0x950 ss:$0x1], $0xffff  }
0x4f: {  	v28 =	vld.idx.msk [tilespmem:v12+s29+$0x960 ss:$0x1], $0xffff  }
0x50: {  	v30 =	vld.idx.msk [tilespmem:v13+s29+$0x3A0 ss:$0x1], $0xffff  }
0x51: {  	v31 =	vld.idx.msk [tilespmem:v13+s29+$0x3B0 ss:$0x1], $0xffff  }
0x52: {  	v32 =	vld.idx.msk [tilespmem:v13+s29+$0x3C0 ss:$0x1], $0xffff  }
0x53: {  	v33 =	vld.idx.msk [tilespmem:v13+s29+$0x3D0 ss:$0x1], $0xffff  }
0x54: {  	v34 =	vld.idx.msk [tilespmem:v12+s29+$0x340 ss:$0x1], $0xffff  }
0x55: {  	v35 =	vld.idx.msk [tilespmem:v12+s29+$0x350 ss:$0x1], $0xffff  }
0x56: {  	v36 =	vld.idx.msk [tilespmem:v12+s29+$0x360 ss:$0x1], $0xffff;
	v18 =	vmul.f32 v30, v4  }
0x57: {  	v37 =	vld.idx.msk [tilespmem:v12+s29+$0x370 ss:$0x1], $0xffff;
	v20 =	vmul.f32 v31, v5;
	v21 =	vmul.f32 v32, v6  }
0x58: {  	v38 =	vld.idx.msk [tilespmem:v12+s29+$0x640 ss:$0x1], $0xffff;
	v41 =	vmul.f32 v33, v9;
	v43 =	vmul.f32 v14, v0  }
0x59: {  	v39 =	vld.idx.msk [tilespmem:v12+s29+$0x650 ss:$0x1], $0xffff;
	v44 =	vmul.f32 v34, v4;
	v46 =	vmul.f32 v15, v1  }
0x5a: {  	v29 =	vld.idx.msk [tilespmem:v12+s29+$0x970 ss:$0x1], $0xffff;
	v47 =	vmul.f32 v35, v5;
	v16 =	vmul.f32 v16, v2  }
0x5b: {  	v48 =	vmul.f32 v36, v6;
	v14 =	vld.idx.msk [tilespmem:v12+s29+$0x9A0 ss:$0x1], $0xffff;
	v17 =	vmul.f32 v17, v3  }
0x5c: {  	v49 =	vmul.f32 v37, v9;
	v15 =	vld.idx.msk [tilespmem:v12+s29+$0x9B0 ss:$0x1], $0xffff;
	v22 =	vmul.f32 v22, v0  }
0x5d: {  	v50 =	vmul.f32 v38, v4;
	v23 =	vmul.f32 v23, v1;
	v19 =	vadd.f32 v18, v7;
	v18 =	vld.idx.msk [tilespmem:v12+s29+$0x660 ss:$0x1], $0xffff  }
0x5e: {  	v51 =	vmul.f32 v39, v5;
	v24 =	vmul.f32 v24, v2;
	v42 =	vadd.f32 v20, v8;
	v20 =	vld.idx.msk [tilespmem:v12+s29+$0x980 ss:$0x1], $0xffff  }
0x5f: {  	v25 =	vmul.f32 v25, v3;
	v45 =	vadd.f32 v21, v10;
	v21 =	vld.idx.msk [tilespmem:v12+s29+$0x990 ss:$0x1], $0xffff;
	v40 =	vmax.f32 v19, $0.0e+00  }
0x60: {  	v41 =	vadd.f32 v41, v11;
	v19 =	vld.idx.msk [tilespmem:v12+s29+$0x670 ss:$0x1], $0xffff;
	v42 =	vmax.f32 v42, $0.0e+00;
	[tilespmem:v13+s29+$0xCBA0 ss:$0x1] =	vst.idx.msk $0xffff, v40  }
0x61: {  	v26 =	vmul.f32 v26, v0;
	v43 =	vadd.f32 v44, v43;
	v45 =	vmax.f32 v45, $0.0e+00;
	[tilespmem:v13+s29+$0xCBB0 ss:$0x1] =	vst.idx.msk $0xffff, v42  }
0x62: {  	v27 =	vmul.f32 v27, v1;
	v46 =	vadd.f32 v47, v46;
	v41 =	vmax.f32 v41, $0.0e+00;
	[tilespmem:v13+s29+$0xCBC0 ss:$0x1] =	vst.idx.msk $0xffff, v45  }
0x63: {  	v16 =	vadd.f32 v48, v16;
	v17 =	vadd.f32 v49, v17;
	v52 =	vmax.f32 v43, $0.0e+00;
	[tilespmem:v13+s29+$0xCBD0 ss:$0x1] =	vst.idx.msk $0xffff, v41  }
0x64: {  	v22 =	vadd.f32 v50, v22;
	v23 =	vadd.f32 v51, v23;
	v54 =	vmax.f32 v46, $0.0e+00;
	[tilespmem:v13+s29+$0xCEE0 ss:$0x1] =	vst.idx.msk $0xffff, v52  }
0x65: {  	v44 =	vmul.f32 v29, v3;
	v16 =	vmax.f32 v16, $0.0e+00;
	v53 =	vmul.f32 v18, v6;
	[tilespmem:v13+s29+$0xCEF0 ss:$0x1] =	vst.idx.msk $0xffff, v54  }
0x66: {  	v17 =	vmax.f32 v17, $0.0e+00;
	v42 =	vmul.f32 v14, v6;
	v55 =	vmul.f32 v19, v9;
	[tilespmem:v13+s29+$0xCF00 ss:$0x1] =	vst.idx.msk $0xffff, v16  }
0x67: {  	v58 =	vmax.f32 v22, $0.0e+00;
	v56 =	vmul.f32 v20, v4;
	v59 =	vadd.f32 v53, v24;
	[tilespmem:v13+s29+$0xCF10 ss:$0x1] =	vst.idx.msk $0xffff, v17  }
0x68: {  	v61 =	vmax.f32 v23, $0.0e+00;
	v57 =	vmul.f32 v21, v5;
	v60 =	vadd.f32 v55, v25;
	[tilespmem:v13+s29+$0xD1E0 ss:$0x1] =	vst.idx.msk $0xffff, v58  }
0x69: {  	v41 =	vmul.f32 v28, v2;
	v62 =	vadd.f32 v56, v26;
	v40 =	vmax.f32 v59, $0.0e+00;
	[tilespmem:v13+s29+$0xD1F0 ss:$0x1] =	vst.idx.msk $0xffff, v61  }
0x6a: {  	v45 =	vmul.f32 v15, v9;
	v63 =	vadd.f32 v57, v27;
	v43 =	vmax.f32 v60, $0.0e+00;
	[tilespmem:v13+s29+$0xD200 ss:$0x1] =	vst.idx.msk $0xffff, v40  }
0x6b: {  	v22 =	vadd.f32 v42, v41;
	v46 =	vmax.f32 v62, $0.0e+00;
	[tilespmem:v13+s29+$0xD210 ss:$0x1] =	vst.idx.msk $0xffff, v43  }
0x6c: {  	v48 =	vadd.f32 v45, v44;
	v47 =	vmax.f32 v63, $0.0e+00;
	[tilespmem:v13+s29+$0xD520 ss:$0x1] =	vst.idx.msk $0xffff, v46  }
0x6d: {  	v49 =	vmax.f32 v22, $0.0e+00;
	[tilespmem:v13+s29+$0xD530 ss:$0x1] =	vst.idx.msk $0xffff, v47  }
0x6e: {  	v50 =	vmax.f32 v48, $0.0e+00;
	[tilespmem:v13+s29+$0xD540 ss:$0x1] =	vst.idx.msk $0xffff, v49  }
0x6f: {  	[tilespmem:v13+s29+$0xD550 ss:$0x1] =	vst.idx.msk $0xffff, v50  }
0x70: {  	v26 =	vld.idx.msk [tilespmem:v12+s29+$0x40 ss:$0x1], $0xffff  }
0x71: {  	v27 =	vld.idx.msk [tilespmem:v12+s29+$0x50 ss:$0x1], $0xffff  }
0x72: {  	v28 =	vld.idx.msk [tilespmem:v12+s29+$0x60 ss:$0x1], $0xffff  }
0x73: {  	v35 =	vmul.f32 v35, v1;
	v29 =	vld.idx.msk [tilespmem:v12+s29+$0x70 ss:$0x1], $0xffff  }
0x74: {  	v36 =	vmul.f32 v36, v2;
	v37 =	vmul.f32 v37, v3;
	v40 =	vld.idx.msk [tilespmem:v12+s29+$0x380 ss:$0x1], $0xffff  }
0x75: {  	v38 =	vmul.f32 v38, v0;
	v39 =	vmul.f32 v39, v1;
	v41 =	vld.idx.msk [tilespmem:v12+s29+$0x390 ss:$0x1], $0xffff  }
0x76: {  	v51 =	vmul.f32 v30, v0;
	v14 =	vmul.f32 v14, v2;
	v42 =	vld.idx.msk [tilespmem:v12+s29+$0x3A0 ss:$0x1], $0xffff  }
0x77: {  	v18 =	vmul.f32 v18, v2;
	v20 =	vmul.f32 v20, v0;
	v30 =	vld.idx.msk [tilespmem:v12+s29+$0x3B0 ss:$0x1], $0xffff  }
0x78: {  	v21 =	vmul.f32 v21, v1;
	v15 =	vmul.f32 v15, v3;
	v43 =	vld.idx.msk [tilespmem:v12+s29+$0x680 ss:$0x1], $0xffff  }
0x79: {  	v53 =	vmul.f32 v31, v1;
	v19 =	vmul.f32 v19, v3;
	v31 =	vld.idx.msk [tilespmem:v12+s29+$0x690 ss:$0x1], $0xffff  }
0x7a: {  	v55 =	vmul.f32 v32, v2;
	v22 =	vld.idx.msk [tilespmem:v12+s29+$0x6A0 ss:$0x1], $0xffff;
	v52 =	vmul.f32 v26, v4  }
0x7b: {  	v58 =	vmul.f32 v33, v3;
	v23 =	vld.idx.msk [tilespmem:v12+s29+$0x6B0 ss:$0x1], $0xffff;
	v54 =	vmul.f32 v27, v5  }
0x7c: {  	v61 =	vmul.f32 v34, v0;
	v24 =	vld.idx.msk [tilespmem:v12+s29+$0x9C0 ss:$0x1], $0xffff;
	v56 =	vmul.f32 v28, v6;
	v16 =	vadd.f32 v52, v51  }
0x7d: {  	v25 =	vld.idx.msk [tilespmem:v12+s29+$0x9D0 ss:$0x1], $0xffff;
	v59 =	vmul.f32 v29, v9;
	v62 =	vmul.f32 v40, v4;
	v60 =	vadd.f32 v54, v53  }
0x7e: {  	v17 =	vld.idx.msk [tilespmem:v12+s29+$0x9F0 ss:$0x1], $0xffff;
	v63 =	vmul.f32 v41, v5;
	v32 =	vadd.f32 v56, v55;
	v57 =	vmax.f32 v16, $0.0e+00  }
0x7f: {  	v33 =	vadd.f32 v59, v58;
	v16 =	vld.idx.msk [tilespmem:v12+s29+$0x9E0 ss:$0x1], $0xffff;
	v45 =	vmax.f32 v60, $0.0e+00;
	[tilespmem:v13+s29+$0xCBE0 ss:$0x1] =	vst.idx.msk $0xffff, v57  }
0x80: {  	v52 =	vmul.f32 v42, v6;
	v34 =	vadd.f32 v62, v61;
	v32 =	vmax.f32 v32, $0.0e+00;
	[tilespmem:v13+s29+$0xCBF0 ss:$0x1] =	vst.idx.msk $0xffff, v45  }
0x81: {  	v53 =	vmul.f32 v30, v9;
	v35 =	vadd.f32 v63, v35;
	v33 =	vmax.f32 v33, $0.0e+00;
	[tilespmem:v13+s29+$0xCC00 ss:$0x1] =	vst.idx.msk $0xffff, v32  }
0x82: {  	v54 =	vmul.f32 v43, v4;
	v36 =	vadd.f32 v52, v36;
	v56 =	vmax.f32 v34, $0.0e+00;
	[tilespmem:v13+s29+$0xCC10 ss:$0x1] =	vst.idx.msk $0xffff, v33  }
0x83: {  	v55 =	vmul.f32 v31, v5;
	v37 =	vadd.f32 v53, v37;
	v58 =	vmax.f32 v35, $0.0e+00;
	[tilespmem:v13+s29+$0xCF20 ss:$0x1] =	vst.idx.msk $0xffff, v56  }
0x84: {  	v38 =	vadd.f32 v54, v38;
	v57 =	vmul.f32 v22, v6;
	v60 =	vmax.f32 v36, $0.0e+00;
	[tilespmem:v13+s29+$0xCF30 ss:$0x1] =	vst.idx.msk $0xffff, v58  }
0x85: {  	v59 =	vmul.f32 v23, v9;
	v39 =	vadd.f32 v55, v39;
	v62 =	vmax.f32 v37, $0.0e+00;
	[tilespmem:v13+s29+$0xCF40 ss:$0x1] =	vst.idx.msk $0xffff, v60  }
0x86: {  	v61 =	vmul.f32 v24, v4;
	v44 =	vmax.f32 v38, $0.0e+00;
	v18 =	vadd.f32 v57, v18;
	[tilespmem:v13+s29+$0xCF50 ss:$0x1] =	vst.idx.msk $0xffff, v62  }
0x87: {  	v63 =	vmul.f32 v25, v5;
	v19 =	vadd.f32 v59, v19;
	v45 =	vmax.f32 v39, $0.0e+00;
	[tilespmem:v13+s29+$0xD220 ss:$0x1] =	vst.idx.msk $0xffff, v44  }
0x88: {  	v20 =	vadd.f32 v61, v20;
	v18 =	vmax.f32 v18, $0.0e+00;
	v46 =	vmul.f32 v16, v6;
	[tilespmem:v13+s29+$0xD230 ss:$0x1] =	vst.idx.msk $0xffff, v45  }
0x89: {  	v47 =	vmul.f32 v17, v9;
	v21 =	vadd.f32 v63, v21;
	v19 =	vmax.f32 v19, $0.0e+00;
	[tilespmem:v13+s29+$0xD240 ss:$0x1] =	vst.idx.msk $0xffff, v18  }
0x8a: {  	v48 =	vmax.f32 v20, $0.0e+00;
	v14 =	vadd.f32 v46, v14;
	[tilespmem:v13+s29+$0xD250 ss:$0x1] =	vst.idx.msk $0xffff, v19  }
0x8b: {  	v15 =	vadd.f32 v47, v15;
	v49 =	vmax.f32 v21, $0.0e+00;
	[tilespmem:v13+s29+$0xD560 ss:$0x1] =	vst.idx.msk $0xffff, v48  }
0x8c: {  	v14 =	vmax.f32 v14, $0.0e+00;
	[tilespmem:v13+s29+$0xD570 ss:$0x1] =	vst.idx.msk $0xffff, v49  }
0x8d: {  	v15 =	vmax.f32 v15, $0.0e+00;
	[tilespmem:v13+s29+$0xD580 ss:$0x1] =	vst.idx.msk $0xffff, v14  }
0x8e: {  	[tilespmem:v13+s29+$0xD590 ss:$0x1] =	vst.idx.msk $0xffff, v15  }
0x8f: {  	v32 =	vld.idx.msk [tilespmem:v12+s29+$0x80 ss:$0x1], $0xffff  }
0x90: {  	v33 =	vld.idx.msk [tilespmem:v12+s29+$0x90 ss:$0x1], $0xffff  }
0x91: {  	v34 =	vld.idx.msk [tilespmem:v12+s29+$0xA0 ss:$0x1], $0xffff  }
0x92: {  	v35 =	vld.idx.msk [tilespmem:v12+s29+$0xB0 ss:$0x1], $0xffff  }
0x93: {  	v41 =	vmul.f32 v41, v1;
	v17 =	vmul.f32 v17, v3;
	v36 =	vld.idx.msk [tilespmem:v12+s29+$0x3C0 ss:$0x1], $0xffff  }
0x94: {  	v51 =	vmul.f32 v28, v2;
	v42 =	vmul.f32 v42, v2;
	v37 =	vld.idx.msk [tilespmem:v12+s29+$0x3D0 ss:$0x1], $0xffff  }
0x95: {  	v30 =	vmul.f32 v30, v3;
	v43 =	vmul.f32 v43, v0;
	v38 =	vld.idx.msk [tilespmem:v12+s29+$0x3E0 ss:$0x1], $0xffff  }
0x96: {  	v31 =	vmul.f32 v31, v1;
	v14 =	vmul.f32 v26, v0;
	v26 =	vld.idx.msk [tilespmem:v12+s29+$0x3F0 ss:$0x1], $0xffff  }
0x97: {  	v23 =	vmul.f32 v23, v3;
	v39 =	vld.idx.msk [tilespmem:v12+s29+$0x6C0 ss:$0x1], $0xffff;
	v15 =	vmul.f32 v32, v4  }
0x98: {  	v24 =	vmul.f32 v24, v0;
	v25 =	vmul.f32 v25, v1;
	v18 =	vld.idx.msk [tilespmem:v12+s29+$0x6E0 ss:$0x1], $0xffff  }
0x99: {  	v22 =	vmul.f32 v22, v2;
	v19 =	vld.idx.msk [tilespmem:v12+s29+$0x6F0 ss:$0x1], $0xffff;
	v50 =	vmul.f32 v33, v5;
	v14 =	vadd.f32 v15, v14  }
0x9a: {  	v20 =	vld.idx.msk [tilespmem:v12+s29+$0xA00 ss:$0x1], $0xffff;
	v52 =	vmul.f32 v34, v6;
	v15 =	vmul.f32 v27, v1  }
0x9b: {  	v21 =	vld.idx.msk [tilespmem:v12+s29+$0xA10 ss:$0x1], $0xffff;
	v54 =	vmul.f32 v35, v9;
	v53 =	vmax.f32 v14, $0.0e+00;
	v14 =	vmul.f32 v29, v3  }
0x9c: {  	v56 =	vmul.f32 v36, v4;
	v27 =	vld.idx.msk [tilespmem:v12+s29+$0x6D0 ss:$0x1], $0xffff;
	v55 =	vadd.f32 v50, v15;
	v15 =	vmul.f32 v40, v0  }
0x9d: {  	v57 =	vmul.f32 v37, v5;
	v28 =	vadd.f32 v52, v51;
	v29 =	vadd.f32 v54, v14;
	v14 =	vld.idx.msk [tilespmem:v12+s29+$0xA20 ss:$0x1], $0xffff  }
0x9e: {  	v40 =	vadd.f32 v56, v15;
	v15 =	vld.idx.msk [tilespmem:v12+s29+$0xA30 ss:$0x1], $0xffff;
	v45 =	vmax.f32 v55, $0.0e+00;
	[tilespmem:v13+s29+$0xCC20 ss:$0x1] =	vst.idx.msk $0xffff, v53  }
0x9f: {  	v16 =	vmul.f32 v16, v2;
	v58 =	vmul.f32 v38, v6;
	v28 =	vmax.f32 v28, $0.0e+00;
	[tilespmem:v13+s29+$0xCC30 ss:$0x1] =	vst.idx.msk $0xffff, v45  }
0xa0: {  	v59 =	vmul.f32 v26, v9;
	v41 =	vadd.f32 v57, v41;
	v29 =	vmax.f32 v29, $0.0e+00;
	[tilespmem:v13+s29+$0xCC40 ss:$0x1] =	vst.idx.msk $0xffff, v28  }
0xa1: {  	v60 =	vmul.f32 v39, v4;
	v42 =	vadd.f32 v58, v42;
	v62 =	vmax.f32 v40, $0.0e+00;
	[tilespmem:v13+s29+$0xCC50 ss:$0x1] =	vst.idx.msk $0xffff, v29  }
0xa2: {  	v30 =	vadd.f32 v59, v30;
	v61 =	vmul.f32 v27, v5;
	v45 =	vmax.f32 v41, $0.0e+00;
	[tilespmem:v13+s29+$0xCF60 ss:$0x1] =	vst.idx.msk $0xffff, v62  }
0xa3: {  	v63 =	vmul.f32 v18, v6;
	v43 =	vadd.f32 v60, v43;
	v47 =	vmax.f32 v42, $0.0e+00;
	[tilespmem:v13+s29+$0xCF70 ss:$0x1] =	vst.idx.msk $0xffff, v45  }
0xa4: {  	v46 =	vmul.f32 v19, v9;
	v49 =	vmax.f32 v30, $0.0e+00;
	v31 =	vadd.f32 v61, v31;
	[tilespmem:v13+s29+$0xCF80 ss:$0x1] =	vst.idx.msk $0xffff, v47  }
0xa5: {  	v48 =	vmul.f32 v20, v4;
	v22 =	vadd.f32 v63, v22;
	v51 =	vmax.f32 v43, $0.0e+00;
	[tilespmem:v13+s29+$0xCF90 ss:$0x1] =	vst.idx.msk $0xffff, v49  }
0xa6: {  	v23 =	vadd.f32 v46, v23;
	v50 =	vmul.f32 v21, v5;
	v52 =	vmax.f32 v31, $0.0e+00;
	[tilespmem:v13+s29+$0xD260 ss:$0x1] =	vst.idx.msk $0xffff, v51  }
0xa7: {  	v24 =	vadd.f32 v48, v24;
	v22 =	vmax.f32 v22, $0.0e+00;
	v53 =	vmul.f32 v14, v6;
	[tilespmem:v13+s29+$0xD270 ss:$0x1] =	vst.idx.msk $0xffff, v52  }
0xa8: {  	v23 =	vmax.f32 v23, $0.0e+00;
	v25 =	vadd.f32 v50, v25;
	v54 =	vmul.f32 v15, v9;
	[tilespmem:v13+s29+$0xD280 ss:$0x1] =	vst.idx.msk $0xffff, v22  }
0xa9: {  	v55 =	vmax.f32 v24, $0.0e+00;
	v16 =	vadd.f32 v53, v16;
	[tilespmem:v13+s29+$0xD290 ss:$0x1] =	vst.idx.msk $0xffff, v23  }
0xaa: {  	v56 =	vmax.f32 v25, $0.0e+00;
	v17 =	vadd.f32 v54, v17;
	[tilespmem:v13+s29+$0xD5A0 ss:$0x1] =	vst.idx.msk $0xffff, v55  }
0xab: {  	v16 =	vmax.f32 v16, $0.0e+00;
	[tilespmem:v13+s29+$0xD5B0 ss:$0x1] =	vst.idx.msk $0xffff, v56  }
0xac: {  	v17 =	vmax.f32 v17, $0.0e+00;
	[tilespmem:v13+s29+$0xD5C0 ss:$0x1] =	vst.idx.msk $0xffff, v16  }
0xad: {  	[tilespmem:v13+s29+$0xD5D0 ss:$0x1] =	vst.idx.msk $0xffff, v17  }
0xae: {  	v28 =	vld.idx.msk [tilespmem:v12+s29+$0xC0 ss:$0x1], $0xffff  }
0xaf: {  	v29 =	vld.idx.msk [tilespmem:v12+s29+$0xD0 ss:$0x1], $0xffff  }
0xb0: {  	v30 =	vld.idx.msk [tilespmem:v12+s29+$0xE0 ss:$0x1], $0xffff  }
0xb1: {  	v37 =	vmul.f32 v37, v1;
	v31 =	vld.idx.msk [tilespmem:v12+s29+$0xF0 ss:$0x1], $0xffff  }
0xb2: {  	v38 =	vmul.f32 v38, v2;
	v26 =	vmul.f32 v26, v3;
	v40 =	vld.idx.msk [tilespmem:v12+s29+$0x400 ss:$0x1], $0xffff  }
0xb3: {  	v39 =	vmul.f32 v39, v0;
	v18 =	vmul.f32 v18, v2;
	v41 =	vld.idx.msk [tilespmem:v12+s29+$0x410 ss:$0x1], $0xffff  }
0xb4: {  	v19 =	vmul.f32 v19, v3;
	v20 =	vmul.f32 v20, v0;
	v42 =	vld.idx.msk [tilespmem:v12+s29+$0x420 ss:$0x1], $0xffff  }
0xb5: {  	v57 =	vmul.f32 v32, v0;
	v59 =	vmul.f32 v33, v1;
	v32 =	vld.idx.msk [tilespmem:v12+s29+$0x430 ss:$0x1], $0xffff  }
0xb6: {  	v21 =	vmul.f32 v21, v1;
	v27 =	vmul.f32 v27, v1;
	v43 =	vld.idx.msk [tilespmem:v12+s29+$0x700 ss:$0x1], $0xffff  }
0xb7: {  	v61 =	vmul.f32 v34, v2;
	v14 =	vmul.f32 v14, v2;
	v33 =	vld.idx.msk [tilespmem:v12+s29+$0x710 ss:$0x1], $0xffff  }
0xb8: {  	v15 =	vmul.f32 v15, v3;
	v22 =	vld.idx.msk [tilespmem:v12+s29+$0x720 ss:$0x1], $0xffff;
	v58 =	vmul.f32 v28, v4  }
0xb9: {  	v52 =	vmul.f32 v35, v3;
	v23 =	vld.idx.msk [tilespmem:v12+s29+$0x730 ss:$0x1], $0xffff;
	v60 =	vmul.f32 v29, v5  }
0xba: {  	v55 =	vmul.f32 v36, v0;
	v24 =	vld.idx.msk [tilespmem:v12+s29+$0xA40 ss:$0x1], $0xffff;
	v62 =	vmul.f32 v30, v6;
	v16 =	vadd.f32 v58, v57  }
0xbb: {  	v25 =	vld.idx.msk [tilespmem:v12+s29+$0xA50 ss:$0x1], $0xffff;
	v53 =	vmul.f32 v31, v9;
	v56 =	vmul.f32 v40, v4;
	v54 =	vadd.f32 v60, v59  }
0xbc: {  	v17 =	vld.idx.msk [tilespmem:v12+s29+$0xA70 ss:$0x1], $0xffff;
	v34 =	vadd.f32 v62, v61;
	v57 =	vmul.f32 v41, v5;
	v63 =	vmax.f32 v16, $0.0e+00  }
0xbd: {  	v35 =	vadd.f32 v53, v52;
	v16 =	vld.idx.msk [tilespmem:v12+s29+$0xA60 ss:$0x1], $0xffff;
	v45 =	vmax.f32 v54, $0.0e+00;
	[tilespmem:v13+s29+$0xCC60 ss:$0x1] =	vst.idx.msk $0xffff, v63  }
0xbe: {  	v58 =	vmul.f32 v42, v6;
	v36 =	vadd.f32 v56, v55;
	v34 =	vmax.f32 v34, $0.0e+00;
	[tilespmem:v13+s29+$0xCC70 ss:$0x1] =	vst.idx.msk $0xffff, v45  }
0xbf: {  	v59 =	vmul.f32 v32, v9;
	v37 =	vadd.f32 v57, v37;
	v35 =	vmax.f32 v35, $0.0e+00;
	[tilespmem:v13+s29+$0xCC80 ss:$0x1] =	vst.idx.msk $0xffff, v34  }
0xc0: {  	v60 =	vmul.f32 v43, v4;
	v38 =	vadd.f32 v58, v38;
	v62 =	vmax.f32 v36, $0.0e+00;
	[tilespmem:v13+s29+$0xCC90 ss:$0x1] =	vst.idx.msk $0xffff, v35  }
0xc1: {  	v61 =	vmul.f32 v33, v5;
	v26 =	vadd.f32 v59, v26;
	v44 =	vmax.f32 v37, $0.0e+00;
	[tilespmem:v13+s29+$0xCFA0 ss:$0x1] =	vst.idx.msk $0xffff, v62  }
0xc2: {  	v39 =	vadd.f32 v60, v39;
	v63 =	vmul.f32 v22, v6;
	v46 =	vmax.f32 v38, $0.0e+00;
	[tilespmem:v13+s29+$0xCFB0 ss:$0x1] =	vst.idx.msk $0xffff, v44  }
0xc3: {  	v27 =	vadd.f32 v61, v27;
	v45 =	vmul.f32 v23, v9;
	v26 =	vmax.f32 v26, $0.0e+00;
	[tilespmem:v13+s29+$0xCFC0 ss:$0x1] =	vst.idx.msk $0xffff, v46  }
0xc4: {  	v47 =	vmul.f32 v24, v4;
	v49 =	vmax.f32 v39, $0.0e+00;
	v18 =	vadd.f32 v63, v18;
	[tilespmem:v13+s29+$0xCFD0 ss:$0x1] =	vst.idx.msk $0xffff, v26  }
0xc5: {  	v48 =	vmul.f32 v25, v5;
	v50 =	vmax.f32 v27, $0.0e+00;
	v19 =	vadd.f32 v45, v19;
	[tilespmem:v13+s29+$0xD2A0 ss:$0x1] =	vst.idx.msk $0xffff, v49  }
0xc6: {  	v20 =	vadd.f32 v47, v20;
	v18 =	vmax.f32 v18, $0.0e+00;
	v51 =	vmul.f32 v16, v6;
	[tilespmem:v13+s29+$0xD2B0 ss:$0x1] =	vst.idx.msk $0xffff, v50  }
0xc7: {  	v21 =	vadd.f32 v48, v21;
	v52 =	vmul.f32 v17, v9;
	v19 =	vmax.f32 v19, $0.0e+00;
	[tilespmem:v13+s29+$0xD2C0 ss:$0x1] =	vst.idx.msk $0xffff, v18  }
0xc8: {  	v53 =	vmax.f32 v20, $0.0e+00;
	v14 =	vadd.f32 v51, v14;
	[tilespmem:v13+s29+$0xD2D0 ss:$0x1] =	vst.idx.msk $0xffff, v19  }
0xc9: {  	v54 =	vmax.f32 v21, $0.0e+00;
	v15 =	vadd.f32 v52, v15;
	[tilespmem:v13+s29+$0xD5E0 ss:$0x1] =	vst.idx.msk $0xffff, v53  }
0xca: {  	v14 =	vmax.f32 v14, $0.0e+00;
	[tilespmem:v13+s29+$0xD5F0 ss:$0x1] =	vst.idx.msk $0xffff, v54  }
0xcb: {  	v15 =	vmax.f32 v15, $0.0e+00;
	[tilespmem:v13+s29+$0xD600 ss:$0x1] =	vst.idx.msk $0xffff, v14  }
0xcc: {  	[tilespmem:v13+s29+$0xD610 ss:$0x1] =	vst.idx.msk $0xffff, v15  }
0xcd: {  	v26 =	vld.idx.msk [tilespmem:v12+s29+$0x100 ss:$0x1], $0xffff  }
0xce: {  	v27 =	vld.idx.msk [tilespmem:v12+s29+$0x110 ss:$0x1], $0xffff  }
0xcf: {  	v34 =	vld.idx.msk [tilespmem:v12+s29+$0x120 ss:$0x1], $0xffff  }
0xd0: {  	v35 =	vld.idx.msk [tilespmem:v12+s29+$0x130 ss:$0x1], $0xffff  }
0xd1: {  	v24 =	vmul.f32 v24, v0;
	v25 =	vmul.f32 v25, v1;
	v36 =	vld.idx.msk [tilespmem:v12+s29+$0x440 ss:$0x1], $0xffff  }
0xd2: {  	v56 =	vmul.f32 v30, v2;
	v41 =	vmul.f32 v41, v1;
	v37 =	vld.idx.msk [tilespmem:v12+s29+$0x450 ss:$0x1], $0xffff  }
0xd3: {  	v42 =	vmul.f32 v42, v2;
	v32 =	vmul.f32 v32, v3;
	v38 =	vld.idx.msk [tilespmem:v12+s29+$0x460 ss:$0x1], $0xffff  }
0xd4: {  	v43 =	vmul.f32 v43, v0;
	v14 =	vmul.f32 v28, v0;
	v28 =	vld.idx.msk [tilespmem:v12+s29+$0x470 ss:$0x1], $0xffff  }
0xd5: {  	v33 =	vmul.f32 v33, v1;
	v39 =	vld.idx.msk [tilespmem:v12+s29+$0x740 ss:$0x1], $0xffff;
	v15 =	vmul.f32 v26, v4  }
0xd6: {  	v17 =	vmul.f32 v17, v3;
	v22 =	vmul.f32 v22, v2;
	v18 =	vld.idx.msk [tilespmem:v12+s29+$0x760 ss:$0x1], $0xffff  }
0xd7: {  	v23 =	vmul.f32 v23, v3;
	v19 =	vld.idx.msk [tilespmem:v12+s29+$0x770 ss:$0x1], $0xffff;
	v55 =	vmul.f32 v27, v5;
	v14 =	vadd.f32 v15, v14  }
0xd8: {  	v20 =	vld.idx.msk [tilespmem:v12+s29+$0xA80 ss:$0x1], $0xffff;
	v57 =	vmul.f32 v34, v6;
	v15 =	vmul.f32 v29, v1  }
0xd9: {  	v21 =	vld.idx.msk [tilespmem:v12+s29+$0xA90 ss:$0x1], $0xffff;
	v59 =	vmul.f32 v35, v9;
	v58 =	vmax.f32 v14, $0.0e+00;
	v14 =	vmul.f32 v31, v3  }
0xda: {  	v61 =	vmul.f32 v36, v4;
	v29 =	vld.idx.msk [tilespmem:v12+s29+$0x750 ss:$0x1], $0xffff;
	v60 =	vadd.f32 v55, v15;
	v15 =	vmul.f32 v40, v0  }
0xdb: {  	v62 =	vmul.f32 v37, v5;
	v30 =	vadd.f32 v57, v56;
	v31 =	vadd.f32 v59, v14;
	v14 =	vld.idx.msk [tilespmem:v12+s29+$0xAA0 ss:$0x1], $0xffff  }
0xdc: {  	v40 =	vadd.f32 v61, v15;
	v15 =	vld.idx.msk [tilespmem:v12+s29+$0xAB0 ss:$0x1], $0xffff;
	v45 =	vmax.f32 v60, $0.0e+00;
	[tilespmem:v13+s29+$0xCCA0 ss:$0x1] =	vst.idx.msk $0xffff, v58  }
0xdd: {  	v16 =	vmul.f32 v16, v2;
	v63 =	vmul.f32 v38, v6;
	v30 =	vmax.f32 v30, $0.0e+00;
	[tilespmem:v13+s29+$0xCCB0 ss:$0x1] =	vst.idx.msk $0xffff, v45  }
0xde: {  	v52 =	vmul.f32 v28, v9;
	v41 =	vadd.f32 v62, v41;
	v31 =	vmax.f32 v31, $0.0e+00;
	[tilespmem:v13+s29+$0xCCC0 ss:$0x1] =	vst.idx.msk $0xffff, v30  }
0xdf: {  	v53 =	vmul.f32 v39, v4;
	v42 =	vadd.f32 v63, v42;
	v55 =	vmax.f32 v40, $0.0e+00;
	[tilespmem:v13+s29+$0xCCD0 ss:$0x1] =	vst.idx.msk $0xffff, v31  }
0xe0: {  	v32 =	vadd.f32 v52, v32;
	v57 =	vmax.f32 v41, $0.0e+00;
	v54 =	vmul.f32 v29, v5;
	[tilespmem:v13+s29+$0xCFE0 ss:$0x1] =	vst.idx.msk $0xffff, v55  }
0xe1: {  	v43 =	vadd.f32 v53, v43;
	v56 =	vmul.f32 v18, v6;
	v59 =	vmax.f32 v42, $0.0e+00;
	[tilespmem:v13+s29+$0xCFF0 ss:$0x1] =	vst.idx.msk $0xffff, v57  }
0xe2: {  	v58 =	vmul.f32 v19, v9;
	v61 =	vmax.f32 v32, $0.0e+00;
	v33 =	vadd.f32 v54, v33;
	[tilespmem:v13+s29+$0xD000 ss:$0x1] =	vst.idx.msk $0xffff, v59  }
0xe3: {  	v63 =	vmax.f32 v43, $0.0e+00;
	v22 =	vadd.f32 v56, v22;
	v60 =	vmul.f32 v20, v4;
	[tilespmem:v13+s29+$0xD010 ss:$0x1] =	vst.idx.msk $0xffff, v61  }
0xe4: {  	v62 =	vmul.f32 v21, v5;
	v23 =	vadd.f32 v58, v23;
	v41 =	vmax.f32 v33, $0.0e+00;
	[tilespmem:v13+s29+$0xD2E0 ss:$0x1] =	vst.idx.msk $0xffff, v63  }
0xe5: {  	v22 =	vmax.f32 v22, $0.0e+00;
	v24 =	vadd.f32 v60, v24;
	v42 =	vmul.f32 v14, v6;
	[tilespmem:v13+s29+$0xD2F0 ss:$0x1] =	vst.idx.msk $0xffff, v41  }
0xe6: {  	v25 =	vadd.f32 v62, v25;
	v23 =	vmax.f32 v23, $0.0e+00;
	v43 =	vmul.f32 v15, v9;
	[tilespmem:v13+s29+$0xD300 ss:$0x1] =	vst.idx.msk $0xffff, v22  }
0xe7: {  	v44 =	vmax.f32 v24, $0.0e+00;
	v16 =	vadd.f32 v42, v16;
	[tilespmem:v13+s29+$0xD310 ss:$0x1] =	vst.idx.msk $0xffff, v23  }
0xe8: {  	v45 =	vmax.f32 v25, $0.0e+00;
	v17 =	vadd.f32 v43, v17;
	[tilespmem:v13+s29+$0xD620 ss:$0x1] =	vst.idx.msk $0xffff, v44  }
0xe9: {  	v16 =	vmax.f32 v16, $0.0e+00;
	[tilespmem:v13+s29+$0xD630 ss:$0x1] =	vst.idx.msk $0xffff, v45  }
0xea: {  	v17 =	vmax.f32 v17, $0.0e+00;
	[tilespmem:v13+s29+$0xD640 ss:$0x1] =	vst.idx.msk $0xffff, v16  }
0xeb: {  	[tilespmem:v13+s29+$0xD650 ss:$0x1] =	vst.idx.msk $0xffff, v17  }
0xec: {  	v30 =	vld.idx.msk [tilespmem:v12+s29+$0x140 ss:$0x1], $0xffff  }
0xed: {  	v31 =	vld.idx.msk [tilespmem:v12+s29+$0x150 ss:$0x1], $0xffff  }
0xee: {  	v32 =	vld.idx.msk [tilespmem:v12+s29+$0x160 ss:$0x1], $0xffff  }
0xef: {  	v46 =	vmul.f32 v26, v0;
	v33 =	vld.idx.msk [tilespmem:v12+s29+$0x170 ss:$0x1], $0xffff  }
0xf0: {  	v48 =	vmul.f32 v27, v1;
	v50 =	vmul.f32 v34, v2;
	v40 =	vld.idx.msk [tilespmem:v12+s29+$0x480 ss:$0x1], $0xffff  }
0xf1: {  	v37 =	vmul.f32 v37, v1;
	v38 =	vmul.f32 v38, v2;
	v41 =	vld.idx.msk [tilespmem:v12+s29+$0x490 ss:$0x1], $0xffff  }
0xf2: {  	v28 =	vmul.f32 v28, v3;
	v39 =	vmul.f32 v39, v0;
	v42 =	vld.idx.msk [tilespmem:v12+s29+$0x4A0 ss:$0x1], $0xffff  }
0xf3: {  	v53 =	vmul.f32 v35, v3;
	v18 =	vmul.f32 v18, v2;
	v26 =	vld.idx.msk [tilespmem:v12+s29+$0x4B0 ss:$0x1], $0xffff  }
0xf4: {  	v21 =	vmul.f32 v21, v1;
	v56 =	vmul.f32 v36, v0;
	v43 =	vld.idx.msk [tilespmem:v12+s29+$0x780 ss:$0x1], $0xffff  }
0xf5: {  	v19 =	vmul.f32 v19, v3;
	v20 =	vmul.f32 v20, v0;
	v27 =	vld.idx.msk [tilespmem:v12+s29+$0x790 ss:$0x1], $0xffff  }
0xf6: {  	v29 =	vmul.f32 v29, v1;
	v22 =	vld.idx.msk [tilespmem:v12+s29+$0x7A0 ss:$0x1], $0xffff;
	v47 =	vmul.f32 v30, v4  }
0xf7: {  	v14 =	vmul.f32 v14, v2;
	v23 =	vld.idx.msk [tilespmem:v12+s29+$0x7B0 ss:$0x1], $0xffff;
	v49 =	vmul.f32 v31, v5  }
0xf8: {  	v15 =	vmul.f32 v15, v3;
	v24 =	vld.idx.msk [tilespmem:v12+s29+$0xAC0 ss:$0x1], $0xffff;
	v51 =	vmul.f32 v32, v6;
	v16 =	vadd.f32 v47, v46  }
0xf9: {  	v25 =	vld.idx.msk [tilespmem:v12+s29+$0xAD0 ss:$0x1], $0xffff;
	v54 =	vmul.f32 v33, v9;
	v57 =	vmul.f32 v40, v4;
	v55 =	vadd.f32 v49, v48  }
0xfa: {  	v17 =	vld.idx.msk [tilespmem:v12+s29+$0xAF0 ss:$0x1], $0xffff;
	v58 =	vmul.f32 v41, v5;
	v34 =	vadd.f32 v51, v50;
	v52 =	vmax.f32 v16, $0.0e+00  }
0xfb: {  	v35 =	vadd.f32 v54, v53;
	v16 =	vld.idx.msk [tilespmem:v12+s29+$0xAE0 ss:$0x1], $0xffff;
	v45 =	vmax.f32 v55, $0.0e+00;
	[tilespmem:v13+s29+$0xCCE0 ss:$0x1] =	vst.idx.msk $0xffff, v52  }
0xfc: {  	v59 =	vmul.f32 v42, v6;
	v36 =	vadd.f32 v57, v56;
	v34 =	vmax.f32 v34, $0.0e+00;
	[tilespmem:v13+s29+$0xCCF0 ss:$0x1] =	vst.idx.msk $0xffff, v45  }
0xfd: {  	v60 =	vmul.f32 v26, v9;
	v37 =	vadd.f32 v58, v37;
	v35 =	vmax.f32 v35, $0.0e+00;
	[tilespmem:v13+s29+$0xCD00 ss:$0x1] =	vst.idx.msk $0xffff, v34  }
0xfe: {  	v61 =	vmul.f32 v43, v4;
	v38 =	vadd.f32 v59, v38;
	v63 =	vmax.f32 v36, $0.0e+00;
	[tilespmem:v13+s29+$0xCD10 ss:$0x1] =	vst.idx.msk $0xffff, v35  }
0xff: {  	v62 =	vmul.f32 v27, v5;
	v28 =	vadd.f32 v60, v28;
	v45 =	vmax.f32 v37, $0.0e+00;
	[tilespmem:v13+s29+$0xD020 ss:$0x1] =	vst.idx.msk $0xffff, v63  }
0x100: {  	v44 =	vmul.f32 v22, v6;
	v39 =	vadd.f32 v61, v39;
	v47 =	vmax.f32 v38, $0.0e+00;
	[tilespmem:v13+s29+$0xD030 ss:$0x1] =	vst.idx.msk $0xffff, v45  }
0x101: {  	v29 =	vadd.f32 v62, v29;
	v46 =	vmul.f32 v23, v9;
	v28 =	vmax.f32 v28, $0.0e+00;
	[tilespmem:v13+s29+$0xD040 ss:$0x1] =	vst.idx.msk $0xffff, v47  }
0x102: {  	v48 =	vmul.f32 v24, v4;
	v18 =	vadd.f32 v44, v18;
	v50 =	vmax.f32 v39, $0.0e+00;
	[tilespmem:v13+s29+$0xD050 ss:$0x1] =	vst.idx.msk $0xffff, v28  }
0x103: {  	v49 =	vmul.f32 v25, v5;
	v19 =	vadd.f32 v46, v19;
	v51 =	vmax.f32 v29, $0.0e+00;
	[tilespmem:v13+s29+$0xD320 ss:$0x1] =	vst.idx.msk $0xffff, v50  }
0x104: {  	v20 =	vadd.f32 v48, v20;
	v18 =	vmax.f32 v18, $0.0e+00;
	v52 =	vmul.f32 v16, v6;
	[tilespmem:v13+s29+$0xD330 ss:$0x1] =	vst.idx.msk $0xffff, v51  }
0x105: {  	v53 =	vmul.f32 v17, v9;
	v21 =	vadd.f32 v49, v21;
	v19 =	vmax.f32 v19, $0.0e+00;
	[tilespmem:v13+s29+$0xD340 ss:$0x1] =	vst.idx.msk $0xffff, v18  }
0x106: {  	v54 =	vmax.f32 v20, $0.0e+00;
	v14 =	vadd.f32 v52, v14;
	[tilespmem:v13+s29+$0xD350 ss:$0x1] =	vst.idx.msk $0xffff, v19  }
0x107: {  	v15 =	vadd.f32 v53, v15;
	v55 =	vmax.f32 v21, $0.0e+00;
	[tilespmem:v13+s29+$0xD660 ss:$0x1] =	vst.idx.msk $0xffff, v54  }
0x108: {  	v14 =	vmax.f32 v14, $0.0e+00;
	[tilespmem:v13+s29+$0xD670 ss:$0x1] =	vst.idx.msk $0xffff, v55  }
0x109: {  	v15 =	vmax.f32 v15, $0.0e+00;
	[tilespmem:v13+s29+$0xD680 ss:$0x1] =	vst.idx.msk $0xffff, v14  }
0x10a: {  	[tilespmem:v13+s29+$0xD690 ss:$0x1] =	vst.idx.msk $0xffff, v15  }
0x10b: {  	v28 =	vld.idx.msk [tilespmem:v12+s29+$0x180 ss:$0x1], $0xffff  }
0x10c: {  	v29 =	vld.idx.msk [tilespmem:v12+s29+$0x190 ss:$0x1], $0xffff  }
0x10d: {  	v34 =	vld.idx.msk [tilespmem:v12+s29+$0x1A0 ss:$0x1], $0xffff  }
0x10e: {  	v35 =	vld.idx.msk [tilespmem:v12+s29+$0x1B0 ss:$0x1], $0xffff  }
0x10f: {  	v41 =	vmul.f32 v41, v1;
	v42 =	vmul.f32 v42, v2;
	v36 =	vld.idx.msk [tilespmem:v12+s29+$0x4C0 ss:$0x1], $0xffff  }
0x110: {  	v26 =	vmul.f32 v26, v3;
	v43 =	vmul.f32 v43, v0;
	v37 =	vld.idx.msk [tilespmem:v12+s29+$0x4D0 ss:$0x1], $0xffff  }
0x111: {  	v27 =	vmul.f32 v27, v1;
	v22 =	vmul.f32 v22, v2;
	v38 =	vld.idx.msk [tilespmem:v12+s29+$0x4E0 ss:$0x1], $0xffff  }
0x112: {  	v57 =	vmul.f32 v32, v2;
	v14 =	vmul.f32 v30, v0;
	v30 =	vld.idx.msk [tilespmem:v12+s29+$0x4F0 ss:$0x1], $0xffff  }
0x113: {  	v23 =	vmul.f32 v23, v3;
	v39 =	vld.idx.msk [tilespmem:v12+s29+$0x7C0 ss:$0x1], $0xffff;
	v15 =	vmul.f32 v28, v4  }
0x114: {  	v24 =	vmul.f32 v24, v0;
	v25 =	vmul.f32 v25, v1;
	v18 =	vld.idx.msk [tilespmem:v12+s29+$0x7E0 ss:$0x1], $0xffff  }
0x115: {  	v17 =	vmul.f32 v17, v3;
	v19 =	vld.idx.msk [tilespmem:v12+s29+$0x7F0 ss:$0x1], $0xffff;
	v56 =	vmul.f32 v29, v5;
	v14 =	vadd.f32 v15, v14  }
0x116: {  	v20 =	vld.idx.msk [tilespmem:v12+s29+$0xB00 ss:$0x1], $0xffff;
	v58 =	vmul.f32 v34, v6;
	v15 =	vmul.f32 v31, v1  }
0x117: {  	v21 =	vld.idx.msk [tilespmem:v12+s29+$0xB10 ss:$0x1], $0xffff;
	v60 =	vmul.f32 v35, v9;
	v59 =	vmax.f32 v14, $0.0e+00;
	v14 =	vmul.f32 v33, v3  }
0x118: {  	v62 =	vmul.f32 v36, v4;
	v31 =	vld.idx.msk [tilespmem:v12+s29+$0x7D0 ss:$0x1], $0xffff;
	v61 =	vadd.f32 v56, v15;
	v15 =	vmul.f32 v40, v0  }
0x119: {  	v63 =	vmul.f32 v37, v5;
	v32 =	vadd.f32 v58, v57;
	v33 =	vadd.f32 v60, v14;
	v14 =	vld.idx.msk [tilespmem:v12+s29+$0xB20 ss:$0x1], $0xffff  }
0x11a: {  	v40 =	vadd.f32 v62, v15;
	v15 =	vld.idx.msk [tilespmem:v12+s29+$0xB30 ss:$0x1], $0xffff;
	v45 =	vmax.f32 v61, $0.0e+00;
	[tilespmem:v13+s29+$0xCD20 ss:$0x1] =	vst.idx.msk $0xffff, v59  }
0x11b: {  	v16 =	vmul.f32 v16, v2;
	v52 =	vmul.f32 v38, v6;
	v32 =	vmax.f32 v32, $0.0e+00;
	[tilespmem:v13+s29+$0xCD30 ss:$0x1] =	vst.idx.msk $0xffff, v45  }
0x11c: {  	v53 =	vmul.f32 v30, v9;
	v41 =	vadd.f32 v63, v41;
	v33 =	vmax.f32 v33, $0.0e+00;
	[tilespmem:v13+s29+$0xCD40 ss:$0x1] =	vst.idx.msk $0xffff, v32  }
0x11d: {  	v54 =	vmul.f32 v39, v4;
	v42 =	vadd.f32 v52, v42;
	v56 =	vmax.f32 v40, $0.0e+00;
	[tilespmem:v13+s29+$0xCD50 ss:$0x1] =	vst.idx.msk $0xffff, v33  }
0x11e: {  	v26 =	vadd.f32 v53, v26;
	v58 =	vmax.f32 v41, $0.0e+00;
	v55 =	vmul.f32 v31, v5;
	[tilespmem:v13+s29+$0xD060 ss:$0x1] =	vst.idx.msk $0xffff, v56  }
0x11f: {  	v43 =	vadd.f32 v54, v43;
	v57 =	vmul.f32 v18, v6;
	v60 =	vmax.f32 v42, $0.0e+00;
	[tilespmem:v13+s29+$0xD070 ss:$0x1] =	vst.idx.msk $0xffff, v58  }
0x120: {  	v26 =	vmax.f32 v26, $0.0e+00;
	v59 =	vmul.f32 v19, v9;
	v27 =	vadd.f32 v55, v27;
	[tilespmem:v13+s29+$0xD080 ss:$0x1] =	vst.idx.msk $0xffff, v60  }
0x121: {  	v63 =	vmax.f32 v43, $0.0e+00;
	v22 =	vadd.f32 v57, v22;
	v61 =	vmul.f32 v20, v4;
	[tilespmem:v13+s29+$0xD090 ss:$0x1] =	vst.idx.msk $0xffff, v26  }
0x122: {  	v62 =	vmul.f32 v21, v5;
	v23 =	vadd.f32 v59, v23;
	v41 =	vmax.f32 v27, $0.0e+00;
	[tilespmem:v13+s29+$0xD360 ss:$0x1] =	vst.idx.msk $0xffff, v63  }
0x123: {  	v22 =	vmax.f32 v22, $0.0e+00;
	v24 =	vadd.f32 v61, v24;
	v43 =	vmul.f32 v14, v6;
	[tilespmem:v13+s29+$0xD370 ss:$0x1] =	vst.idx.msk $0xffff, v41  }
0x124: {  	v25 =	vadd.f32 v62, v25;
	v23 =	vmax.f32 v23, $0.0e+00;
	v44 =	vmul.f32 v15, v9;
	[tilespmem:v13+s29+$0xD380 ss:$0x1] =	vst.idx.msk $0xffff, v22  }
0x125: {  	v45 =	vmax.f32 v24, $0.0e+00;
	v16 =	vadd.f32 v43, v16;
	[tilespmem:v13+s29+$0xD390 ss:$0x1] =	vst.idx.msk $0xffff, v23  }
0x126: {  	v46 =	vmax.f32 v25, $0.0e+00;
	v17 =	vadd.f32 v44, v17;
	[tilespmem:v13+s29+$0xD6A0 ss:$0x1] =	vst.idx.msk $0xffff, v45  }
0x127: {  	v16 =	vmax.f32 v16, $0.0e+00;
	[tilespmem:v13+s29+$0xD6B0 ss:$0x1] =	vst.idx.msk $0xffff, v46  }
0x128: {  	v17 =	vmax.f32 v17, $0.0e+00;
	[tilespmem:v13+s29+$0xD6C0 ss:$0x1] =	vst.idx.msk $0xffff, v16  }
0x129: {  	[tilespmem:v13+s29+$0xD6D0 ss:$0x1] =	vst.idx.msk $0xffff, v17  }
0x12a: {  	v26 =	vld.idx.msk [tilespmem:v12+s29+$0x1C0 ss:$0x1], $0xffff  }
0x12b: {  	v27 =	vld.idx.msk [tilespmem:v12+s29+$0x1D0 ss:$0x1], $0xffff  }
0x12c: {  	v32 =	vld.idx.msk [tilespmem:v12+s29+$0x1E0 ss:$0x1], $0xffff  }
0x12d: {  	v47 =	vmul.f32 v28, v0;
	v33 =	vld.idx.msk [tilespmem:v12+s29+$0x1F0 ss:$0x1], $0xffff  }
0x12e: {  	v49 =	vmul.f32 v29, v1;
	v51 =	vmul.f32 v34, v2;
	v40 =	vld.idx.msk [tilespmem:v12+s29+$0x500 ss:$0x1], $0xffff  }
0x12f: {  	v37 =	vmul.f32 v37, v1;
	v38 =	vmul.f32 v38, v2;
	v41 =	vld.idx.msk [tilespmem:v12+s29+$0x510 ss:$0x1], $0xffff  }
0x130: {  	v30 =	vmul.f32 v30, v3;
	v39 =	vmul.f32 v39, v0;
	v42 =	vld.idx.msk [tilespmem:v12+s29+$0x520 ss:$0x1], $0xffff  }
0x131: {  	v54 =	vmul.f32 v35, v3;
	v18 =	vmul.f32 v18, v2;
	v28 =	vld.idx.msk [tilespmem:v12+s29+$0x530 ss:$0x1], $0xffff  }
0x132: {  	v57 =	vmul.f32 v36, v0;
	v19 =	vmul.f32 v19, v3;
	v43 =	vld.idx.msk [tilespmem:v12+s29+$0x800 ss:$0x1], $0xffff  }
0x133: {  	v20 =	vmul.f32 v20, v0;
	v21 =	vmul.f32 v21, v1;
	v29 =	vld.idx.msk [tilespmem:v12+s29+$0x810 ss:$0x1], $0xffff  }
0x134: {  	v31 =	vmul.f32 v31, v1;
	v22 =	vld.idx.msk [tilespmem:v12+s29+$0x820 ss:$0x1], $0xffff;
	v48 =	vmul.f32 v26, v4  }
0x135: {  	v14 =	vmul.f32 v14, v2;
	v23 =	vld.idx.msk [tilespmem:v12+s29+$0x830 ss:$0x1], $0xffff;
	v50 =	vmul.f32 v27, v5  }
0x136: {  	v15 =	vmul.f32 v15, v3;
	v24 =	vld.idx.msk [tilespmem:v12+s29+$0xB40 ss:$0x1], $0xffff;
	v52 =	vmul.f32 v32, v6;
	v16 =	vadd.f32 v48, v47  }
0x137: {  	v25 =	vld.idx.msk [tilespmem:v12+s29+$0xB50 ss:$0x1], $0xffff;
	v55 =	vmul.f32 v33, v9;
	v58 =	vmul.f32 v40, v4;
	v56 =	vadd.f32 v50, v49  }
0x138: {  	v17 =	vld.idx.msk [tilespmem:v12+s29+$0xB70 ss:$0x1], $0xffff;
	v59 =	vmul.f32 v41, v5;
	v34 =	vadd.f32 v52, v51;
	v53 =	vmax.f32 v16, $0.0e+00  }
0x139: {  	v35 =	vadd.f32 v55, v54;
	v16 =	vld.idx.msk [tilespmem:v12+s29+$0xB60 ss:$0x1], $0xffff;
	v45 =	vmax.f32 v56, $0.0e+00;
	[tilespmem:v13+s29+$0xCD60 ss:$0x1] =	vst.idx.msk $0xffff, v53  }
0x13a: {  	v60 =	vmul.f32 v42, v6;
	v36 =	vadd.f32 v58, v57;
	v34 =	vmax.f32 v34, $0.0e+00;
	[tilespmem:v13+s29+$0xCD70 ss:$0x1] =	vst.idx.msk $0xffff, v45  }
0x13b: {  	v61 =	vmul.f32 v28, v9;
	v37 =	vadd.f32 v59, v37;
	v35 =	vmax.f32 v35, $0.0e+00;
	[tilespmem:v13+s29+$0xCD80 ss:$0x1] =	vst.idx.msk $0xffff, v34  }
0x13c: {  	v62 =	vmul.f32 v43, v4;
	v38 =	vadd.f32 v60, v38;
	v47 =	vmax.f32 v36, $0.0e+00;
	[tilespmem:v13+s29+$0xCD90 ss:$0x1] =	vst.idx.msk $0xffff, v35  }
0x13d: {  	v63 =	vmul.f32 v29, v5;
	v30 =	vadd.f32 v61, v30;
	v49 =	vmax.f32 v37, $0.0e+00;
	[tilespmem:v13+s29+$0xD0A0 ss:$0x1] =	vst.idx.msk $0xffff, v47  }
0x13e: {  	v39 =	vadd.f32 v62, v39;
	v48 =	vmul.f32 v22, v6;
	v51 =	vmax.f32 v38, $0.0e+00;
	[tilespmem:v13+s29+$0xD0B0 ss:$0x1] =	vst.idx.msk $0xffff, v49  }
0x13f: {  	v31 =	vadd.f32 v63, v31;
	v50 =	vmul.f32 v23, v9;
	v30 =	vmax.f32 v30, $0.0e+00;
	[tilespmem:v13+s29+$0xD0C0 ss:$0x1] =	vst.idx.msk $0xffff, v51  }
0x140: {  	v52 =	vmul.f32 v24, v4;
	v54 =	vmax.f32 v39, $0.0e+00;
	v18 =	vadd.f32 v48, v18;
	[tilespmem:v13+s29+$0xD0D0 ss:$0x1] =	vst.idx.msk $0xffff, v30  }
0x141: {  	v19 =	vadd.f32 v50, v19;
	v55 =	vmax.f32 v31, $0.0e+00;
	v53 =	vmul.f32 v25, v5;
	[tilespmem:v13+s29+$0xD3A0 ss:$0x1] =	vst.idx.msk $0xffff, v54  }
0x142: {  	v20 =	vadd.f32 v52, v20;
	v18 =	vmax.f32 v18, $0.0e+00;
	v56 =	vmul.f32 v16, v6;
	[tilespmem:v13+s29+$0xD3B0 ss:$0x1] =	vst.idx.msk $0xffff, v55  }
0x143: {  	v57 =	vmul.f32 v17, v9;
	v19 =	vmax.f32 v19, $0.0e+00;
	v21 =	vadd.f32 v53, v21;
	[tilespmem:v13+s29+$0xD3C0 ss:$0x1] =	vst.idx.msk $0xffff, v18  }
0x144: {  	v58 =	vmax.f32 v20, $0.0e+00;
	v14 =	vadd.f32 v56, v14;
	[tilespmem:v13+s29+$0xD3D0 ss:$0x1] =	vst.idx.msk $0xffff, v19  }
0x145: {  	v15 =	vadd.f32 v57, v15;
	v59 =	vmax.f32 v21, $0.0e+00;
	[tilespmem:v13+s29+$0xD6E0 ss:$0x1] =	vst.idx.msk $0xffff, v58  }
0x146: {  	v14 =	vmax.f32 v14, $0.0e+00;
	[tilespmem:v13+s29+$0xD6F0 ss:$0x1] =	vst.idx.msk $0xffff, v59  }
0x147: {  	v15 =	vmax.f32 v15, $0.0e+00;
	[tilespmem:v13+s29+$0xD700 ss:$0x1] =	vst.idx.msk $0xffff, v14  }
0x148: {  	[tilespmem:v13+s29+$0xD710 ss:$0x1] =	vst.idx.msk $0xffff, v15  }
0x149: {  	v30 =	vld.idx.msk [tilespmem:v12+s29+$0x200 ss:$0x1], $0xffff  }
0x14a: {  	v31 =	vld.idx.msk [tilespmem:v12+s29+$0x210 ss:$0x1], $0xffff  }
0x14b: {  	v34 =	vld.idx.msk [tilespmem:v12+s29+$0x220 ss:$0x1], $0xffff  }
0x14c: {  	v35 =	vld.idx.msk [tilespmem:v12+s29+$0x230 ss:$0x1], $0xffff  }
0x14d: {  	v41 =	vmul.f32 v41, v1;
	v42 =	vmul.f32 v42, v2;
	v36 =	vld.idx.msk [tilespmem:v12+s29+$0x540 ss:$0x1], $0xffff  }
0x14e: {  	v28 =	vmul.f32 v28, v3;
	v43 =	vmul.f32 v43, v0;
	v37 =	vld.idx.msk [tilespmem:v12+s29+$0x550 ss:$0x1], $0xffff  }
0x14f: {  	v29 =	vmul.f32 v29, v1;
	v61 =	vmul.f32 v32, v2;
	v38 =	vld.idx.msk [tilespmem:v12+s29+$0x560 ss:$0x1], $0xffff  }
0x150: {  	v22 =	vmul.f32 v22, v2;
	v14 =	vmul.f32 v26, v0;
	v26 =	vld.idx.msk [tilespmem:v12+s29+$0x570 ss:$0x1], $0xffff  }
0x151: {  	v23 =	vmul.f32 v23, v3;
	v39 =	vld.idx.msk [tilespmem:v12+s29+$0x840 ss:$0x1], $0xffff;
	v15 =	vmul.f32 v30, v4  }
0x152: {  	v24 =	vmul.f32 v24, v0;
	v17 =	vmul.f32 v17, v3;
	v18 =	vld.idx.msk [tilespmem:v12+s29+$0x860 ss:$0x1], $0xffff  }
0x153: {  	v25 =	vmul.f32 v25, v1;
	v19 =	vld.idx.msk [tilespmem:v12+s29+$0x870 ss:$0x1], $0xffff;
	v60 =	vmul.f32 v31, v5;
	v14 =	vadd.f32 v15, v14  }
0x154: {  	v20 =	vld.idx.msk [tilespmem:v12+s29+$0xB80 ss:$0x1], $0xffff;
	v62 =	vmul.f32 v34, v6;
	v15 =	vmul.f32 v27, v1  }
0x155: {  	v21 =	vld.idx.msk [tilespmem:v12+s29+$0xB90 ss:$0x1], $0xffff;
	v52 =	vmul.f32 v35, v9;
	v63 =	vmax.f32 v14, $0.0e+00;
	v14 =	vmul.f32 v33, v3  }
0x156: {  	v54 =	vmul.f32 v36, v4;
	v27 =	vld.idx.msk [tilespmem:v12+s29+$0x850 ss:$0x1], $0xffff;
	v53 =	vadd.f32 v60, v15;
	v15 =	vmul.f32 v40, v0  }
0x157: {  	v55 =	vmul.f32 v37, v5;
	v32 =	vadd.f32 v62, v61;
	v33 =	vadd.f32 v52, v14;
	v14 =	vld.idx.msk [tilespmem:v12+s29+$0xBA0 ss:$0x1], $0xffff  }
0x158: {  	v40 =	vadd.f32 v54, v15;
	v15 =	vld.idx.msk [tilespmem:v12+s29+$0xBB0 ss:$0x1], $0xffff;
	v45 =	vmax.f32 v53, $0.0e+00;
	[tilespmem:v13+s29+$0xCDA0 ss:$0x1] =	vst.idx.msk $0xffff, v63  }
0x159: {  	v16 =	vmul.f32 v16, v2;
	v56 =	vmul.f32 v38, v6;
	v32 =	vmax.f32 v32, $0.0e+00;
	[tilespmem:v13+s29+$0xCDB0 ss:$0x1] =	vst.idx.msk $0xffff, v45  }
0x15a: {  	v57 =	vmul.f32 v26, v9;
	v41 =	vadd.f32 v55, v41;
	v33 =	vmax.f32 v33, $0.0e+00;
	[tilespmem:v13+s29+$0xCDC0 ss:$0x1] =	vst.idx.msk $0xffff, v32  }
0x15b: {  	v58 =	vmul.f32 v39, v4;
	v42 =	vadd.f32 v56, v42;
	v60 =	vmax.f32 v40, $0.0e+00;
	[tilespmem:v13+s29+$0xCDD0 ss:$0x1] =	vst.idx.msk $0xffff, v33  }
0x15c: {  	v28 =	vadd.f32 v57, v28;
	v62 =	vmax.f32 v41, $0.0e+00;
	v59 =	vmul.f32 v27, v5;
	[tilespmem:v13+s29+$0xD0E0 ss:$0x1] =	vst.idx.msk $0xffff, v60  }
0x15d: {  	v43 =	vadd.f32 v58, v43;
	v61 =	vmul.f32 v18, v6;
	v45 =	vmax.f32 v42, $0.0e+00;
	[tilespmem:v13+s29+$0xD0F0 ss:$0x1] =	vst.idx.msk $0xffff, v62  }
0x15e: {  	v28 =	vmax.f32 v28, $0.0e+00;
	v63 =	vmul.f32 v19, v9;
	v29 =	vadd.f32 v59, v29;
	[tilespmem:v13+s29+$0xD100 ss:$0x1] =	vst.idx.msk $0xffff, v45  }
0x15f: {  	v46 =	vmul.f32 v20, v4;
	v48 =	vmax.f32 v43, $0.0e+00;
	v22 =	vadd.f32 v61, v22;
	[tilespmem:v13+s29+$0xD110 ss:$0x1] =	vst.idx.msk $0xffff, v28  }
0x160: {  	v47 =	vmul.f32 v21, v5;
	v23 =	vadd.f32 v63, v23;
	v49 =	vmax.f32 v29, $0.0e+00;
	[tilespmem:v13+s29+$0xD3E0 ss:$0x1] =	vst.idx.msk $0xffff, v48  }
0x161: {  	v24 =	vadd.f32 v46, v24;
	v22 =	vmax.f32 v22, $0.0e+00;
	v50 =	vmul.f32 v14, v6;
	[tilespmem:v13+s29+$0xD3F0 ss:$0x1] =	vst.idx.msk $0xffff, v49  }
0x162: {  	v25 =	vadd.f32 v47, v25;
	v23 =	vmax.f32 v23, $0.0e+00;
	v51 =	vmul.f32 v15, v9;
	[tilespmem:v13+s29+$0xD400 ss:$0x1] =	vst.idx.msk $0xffff, v22  }
0x163: {  	v52 =	vmax.f32 v24, $0.0e+00;
	v16 =	vadd.f32 v50, v16;
	[tilespmem:v13+s29+$0xD410 ss:$0x1] =	vst.idx.msk $0xffff, v23  }
0x164: {  	v53 =	vmax.f32 v25, $0.0e+00;
	v17 =	vadd.f32 v51, v17;
	[tilespmem:v13+s29+$0xD720 ss:$0x1] =	vst.idx.msk $0xffff, v52  }
0x165: {  	v16 =	vmax.f32 v16, $0.0e+00;
	[tilespmem:v13+s29+$0xD730 ss:$0x1] =	vst.idx.msk $0xffff, v53  }
0x166: {  	v17 =	vmax.f32 v17, $0.0e+00;
	[tilespmem:v13+s29+$0xD740 ss:$0x1] =	vst.idx.msk $0xffff, v16  }
0x167: {  	[tilespmem:v13+s29+$0xD750 ss:$0x1] =	vst.idx.msk $0xffff, v17  }
0x168: {  	v28 =	vld.idx.msk [tilespmem:v12+s29+$0x240 ss:$0x1], $0xffff  }
0x169: {  	v29 =	vld.idx.msk [tilespmem:v12+s29+$0x250 ss:$0x1], $0xffff  }
0x16a: {  	v32 =	vld.idx.msk [tilespmem:v12+s29+$0x260 ss:$0x1], $0xffff  }
0x16b: {  	v37 =	vmul.f32 v37, v1;
	v33 =	vld.idx.msk [tilespmem:v12+s29+$0x270 ss:$0x1], $0xffff  }
0x16c: {  	v38 =	vmul.f32 v38, v2;
	v26 =	vmul.f32 v26, v3;
	v40 =	vld.idx.msk [tilespmem:v12+s29+$0x580 ss:$0x1], $0xffff  }
0x16d: {  	v39 =	vmul.f32 v39, v0;
	v20 =	vmul.f32 v20, v0;
	v41 =	vld.idx.msk [tilespmem:v12+s29+$0x590 ss:$0x1], $0xffff  }
0x16e: {  	v21 =	vmul.f32 v21, v1;
	v56 =	vmul.f32 v31, v1;
	v42 =	vld.idx.msk [tilespmem:v12+s29+$0x5A0 ss:$0x1], $0xffff  }
0x16f: {  	v58 =	vmul.f32 v34, v2;
	v54 =	vmul.f32 v30, v0;
	v30 =	vld.idx.msk [tilespmem:v12+s29+$0x5B0 ss:$0x1], $0xffff  }
0x170: {  	v18 =	vmul.f32 v18, v2;
	v61 =	vmul.f32 v35, v3;
	v43 =	vld.idx.msk [tilespmem:v12+s29+$0x880 ss:$0x1], $0xffff  }
0x171: {  	v19 =	vmul.f32 v19, v3;
	v27 =	vmul.f32 v27, v1;
	v31 =	vld.idx.msk [tilespmem:v12+s29+$0x890 ss:$0x1], $0xffff  }
0x172: {  	v14 =	vmul.f32 v14, v2;
	v22 =	vld.idx.msk [tilespmem:v12+s29+$0x8A0 ss:$0x1], $0xffff;
	v55 =	vmul.f32 v28, v4  }
0x173: {  	v15 =	vmul.f32 v15, v3;
	v23 =	vld.idx.msk [tilespmem:v12+s29+$0x8B0 ss:$0x1], $0xffff;
	v57 =	vmul.f32 v29, v5  }
0x174: {  	v52 =	vmul.f32 v36, v0;
	v24 =	vld.idx.msk [tilespmem:v12+s29+$0xBC0 ss:$0x1], $0xffff;
	v59 =	vmul.f32 v32, v6;
	v16 =	vadd.f32 v55, v54  }
0x175: {  	v25 =	vld.idx.msk [tilespmem:v12+s29+$0xBD0 ss:$0x1], $0xffff;
	v62 =	vmul.f32 v33, v9;
	v53 =	vmul.f32 v40, v4;
	v63 =	vadd.f32 v57, v56  }
0x176: {  	v17 =	vld.idx.msk [tilespmem:v12+s29+$0xBF0 ss:$0x1], $0xffff;
	v34 =	vadd.f32 v59, v58;
	v54 =	vmul.f32 v41, v5;
	v60 =	vmax.f32 v16, $0.0e+00  }
0x177: {  	v35 =	vadd.f32 v62, v61;
	v16 =	vld.idx.msk [tilespmem:v12+s29+$0xBE0 ss:$0x1], $0xffff;
	v45 =	vmax.f32 v63, $0.0e+00;
	[tilespmem:v13+s29+$0xCDE0 ss:$0x1] =	vst.idx.msk $0xffff, v60  }
0x178: {  	v55 =	vmul.f32 v42, v6;
	v36 =	vadd.f32 v53, v52;
	v34 =	vmax.f32 v34, $0.0e+00;
	[tilespmem:v13+s29+$0xCDF0 ss:$0x1] =	vst.idx.msk $0xffff, v45  }
0x179: {  	v56 =	vmul.f32 v30, v9;
	v37 =	vadd.f32 v54, v37;
	v35 =	vmax.f32 v35, $0.0e+00;
	[tilespmem:v13+s29+$0xCE00 ss:$0x1] =	vst.idx.msk $0xffff, v34  }
0x17a: {  	v57 =	vmul.f32 v43, v4;
	v38 =	vadd.f32 v55, v38;
	v59 =	vmax.f32 v36, $0.0e+00;
	[tilespmem:v13+s29+$0xCE10 ss:$0x1] =	vst.idx.msk $0xffff, v35  }
0x17b: {  	v58 =	vmul.f32 v31, v5;
	v26 =	vadd.f32 v56, v26;
	v61 =	vmax.f32 v37, $0.0e+00;
	[tilespmem:v13+s29+$0xD120 ss:$0x1] =	vst.idx.msk $0xffff, v59  }
0x17c: {  	v39 =	vadd.f32 v57, v39;
	v60 =	vmul.f32 v22, v6;
	v63 =	vmax.f32 v38, $0.0e+00;
	[tilespmem:v13+s29+$0xD130 ss:$0x1] =	vst.idx.msk $0xffff, v61  }
0x17d: {  	v62 =	vmul.f32 v23, v9;
	v27 =	vadd.f32 v58, v27;
	v26 =	vmax.f32 v26, $0.0e+00;
	[tilespmem:v13+s29+$0xD140 ss:$0x1] =	vst.idx.msk $0xffff, v63  }
0x17e: {  	v44 =	vmul.f32 v24, v4;
	v46 =	vmax.f32 v39, $0.0e+00;
	v18 =	vadd.f32 v60, v18;
	[tilespmem:v13+s29+$0xD150 ss:$0x1] =	vst.idx.msk $0xffff, v26  }
0x17f: {  	v19 =	vadd.f32 v62, v19;
	v45 =	vmul.f32 v25, v5;
	v47 =	vmax.f32 v27, $0.0e+00;
	[tilespmem:v13+s29+$0xD420 ss:$0x1] =	vst.idx.msk $0xffff, v46  }
0x180: {  	v20 =	vadd.f32 v44, v20;
	v18 =	vmax.f32 v18, $0.0e+00;
	v48 =	vmul.f32 v16, v6;
	[tilespmem:v13+s29+$0xD430 ss:$0x1] =	vst.idx.msk $0xffff, v47  }
0x181: {  	v49 =	vmul.f32 v17, v9;
	v19 =	vmax.f32 v19, $0.0e+00;
	v21 =	vadd.f32 v45, v21;
	[tilespmem:v13+s29+$0xD440 ss:$0x1] =	vst.idx.msk $0xffff, v18  }
0x182: {  	v50 =	vmax.f32 v20, $0.0e+00;
	v14 =	vadd.f32 v48, v14;
	[tilespmem:v13+s29+$0xD450 ss:$0x1] =	vst.idx.msk $0xffff, v19  }
0x183: {  	v15 =	vadd.f32 v49, v15;
	v51 =	vmax.f32 v21, $0.0e+00;
	[tilespmem:v13+s29+$0xD760 ss:$0x1] =	vst.idx.msk $0xffff, v50  }
0x184: {  	v14 =	vmax.f32 v14, $0.0e+00;
	[tilespmem:v13+s29+$0xD770 ss:$0x1] =	vst.idx.msk $0xffff, v51  }
0x185: {  	v15 =	vmax.f32 v15, $0.0e+00;
	[tilespmem:v13+s29+$0xD780 ss:$0x1] =	vst.idx.msk $0xffff, v14  }
0x186: {  	[tilespmem:v13+s29+$0xD790 ss:$0x1] =	vst.idx.msk $0xffff, v15  }
0x187: {  	v26 =	vld.idx.msk [tilespmem:v12+s29+$0x280 ss:$0x1], $0xffff  }
0x188: {  	v27 =	vld.idx.msk [tilespmem:v12+s29+$0x290 ss:$0x1], $0xffff  }
0x189: {  	v34 =	vld.idx.msk [tilespmem:v12+s29+$0x2A0 ss:$0x1], $0xffff  }
0x18a: {  	v35 =	vld.idx.msk [tilespmem:v12+s29+$0x2B0 ss:$0x1], $0xffff  }
0x18b: {  	v24 =	vmul.f32 v24, v0;
	v17 =	vmul.f32 v17, v3;
	v36 =	vld.idx.msk [tilespmem:v12+s29+$0x5C0 ss:$0x1], $0xffff  }
0x18c: {  	v53 =	vmul.f32 v32, v2;
	v41 =	vmul.f32 v41, v1;
	v37 =	vld.idx.msk [tilespmem:v12+s29+$0x5D0 ss:$0x1], $0xffff  }
0x18d: {  	v42 =	vmul.f32 v42, v2;
	v30 =	vmul.f32 v30, v3;
	v38 =	vld.idx.msk [tilespmem:v12+s29+$0x5E0 ss:$0x1], $0xffff  }
0x18e: {  	v43 =	vmul.f32 v43, v0;
	v14 =	vmul.f32 v28, v0;
	v28 =	vld.idx.msk [tilespmem:v12+s29+$0x5F0 ss:$0x1], $0xffff  }
0x18f: {  	v31 =	vmul.f32 v31, v1;
	v39 =	vld.idx.msk [tilespmem:v12+s29+$0x8C0 ss:$0x1], $0xffff;
	v15 =	vmul.f32 v26, v4  }
0x190: {  	v23 =	vmul.f32 v23, v3;
	v22 =	vmul.f32 v22, v2;
	v18 =	vld.idx.msk [tilespmem:v12+s29+$0x8E0 ss:$0x1], $0xffff  }
0x191: {  	v25 =	vmul.f32 v25, v1;
	v19 =	vld.idx.msk [tilespmem:v12+s29+$0x8F0 ss:$0x1], $0xffff;
	v52 =	vmul.f32 v27, v5;
	v14 =	vadd.f32 v15, v14  }
0x192: {  	v20 =	vld.idx.msk [tilespmem:v12+s29+$0xC00 ss:$0x1], $0xffff;
	v54 =	vmul.f32 v34, v6;
	v15 =	vmul.f32 v29, v1  }
0x193: {  	v21 =	vld.idx.msk [tilespmem:v12+s29+$0xC10 ss:$0x1], $0xffff;
	v56 =	vmul.f32 v35, v9;
	v55 =	vmax.f32 v14, $0.0e+00;
	v14 =	vmul.f32 v33, v3  }
0x194: {  	v58 =	vmul.f32 v36, v4;
	v29 =	vld.idx.msk [tilespmem:v12+s29+$0x8D0 ss:$0x1], $0xffff;
	v57 =	vadd.f32 v52, v15;
	v15 =	vmul.f32 v40, v0  }
0x195: {  	v59 =	vmul.f32 v37, v5;
	v32 =	vadd.f32 v54, v53;
	v33 =	vadd.f32 v56, v14;
	v14 =	vld.idx.msk [tilespmem:v12+s29+$0xC20 ss:$0x1], $0xffff  }
0x196: {  	v40 =	vadd.f32 v58, v15;
	v15 =	vld.idx.msk [tilespmem:v12+s29+$0xC30 ss:$0x1], $0xffff;
	v45 =	vmax.f32 v57, $0.0e+00;
	[tilespmem:v13+s29+$0xCE20 ss:$0x1] =	vst.idx.msk $0xffff, v55  }
0x197: {  	v16 =	vmul.f32 v16, v2;
	v60 =	vmul.f32 v38, v6;
	v32 =	vmax.f32 v32, $0.0e+00;
	[tilespmem:v13+s29+$0xCE30 ss:$0x1] =	vst.idx.msk $0xffff, v45  }
0x198: {  	v61 =	vmul.f32 v28, v9;
	v41 =	vadd.f32 v59, v41;
	v33 =	vmax.f32 v33, $0.0e+00;
	[tilespmem:v13+s29+$0xCE40 ss:$0x1] =	vst.idx.msk $0xffff, v32  }
0x199: {  	v62 =	vmul.f32 v39, v4;
	v42 =	vadd.f32 v60, v42;
	v48 =	vmax.f32 v40, $0.0e+00;
	[tilespmem:v13+s29+$0xCE50 ss:$0x1] =	vst.idx.msk $0xffff, v33  }
0x19a: {  	v30 =	vadd.f32 v61, v30;
	v50 =	vmax.f32 v41, $0.0e+00;
	v63 =	vmul.f32 v29, v5;
	[tilespmem:v13+s29+$0xD160 ss:$0x1] =	vst.idx.msk $0xffff, v48  }
0x19b: {  	v49 =	vmul.f32 v18, v6;
	v43 =	vadd.f32 v62, v43;
	v52 =	vmax.f32 v42, $0.0e+00;
	[tilespmem:v13+s29+$0xD170 ss:$0x1] =	vst.idx.msk $0xffff, v50  }
0x19c: {  	v51 =	vmul.f32 v19, v9;
	v30 =	vmax.f32 v30, $0.0e+00;
	v31 =	vadd.f32 v63, v31;
	[tilespmem:v13+s29+$0xD180 ss:$0x1] =	vst.idx.msk $0xffff, v52  }
0x19d: {  	v53 =	vmul.f32 v20, v4;
	v22 =	vadd.f32 v49, v22;
	v55 =	vmax.f32 v43, $0.0e+00;
	[tilespmem:v13+s29+$0xD190 ss:$0x1] =	vst.idx.msk $0xffff, v30  }
0x19e: {  	v54 =	vmul.f32 v21, v5;
	v23 =	vadd.f32 v51, v23;
	v56 =	vmax.f32 v31, $0.0e+00;
	[tilespmem:v13+s29+$0xD460 ss:$0x1] =	vst.idx.msk $0xffff, v55  }
0x19f: {  	v24 =	vadd.f32 v53, v24;
	v22 =	vmax.f32 v22, $0.0e+00;
	v57 =	vmul.f32 v14, v6;
	[tilespmem:v13+s29+$0xD470 ss:$0x1] =	vst.idx.msk $0xffff, v56  }
0x1a0: {  	v25 =	vadd.f32 v54, v25;
	v23 =	vmax.f32 v23, $0.0e+00;
	v58 =	vmul.f32 v15, v9;
	[tilespmem:v13+s29+$0xD480 ss:$0x1] =	vst.idx.msk $0xffff, v22  }
0x1a1: {  	v59 =	vmax.f32 v24, $0.0e+00;
	v16 =	vadd.f32 v57, v16;
	[tilespmem:v13+s29+$0xD490 ss:$0x1] =	vst.idx.msk $0xffff, v23  }
0x1a2: {  	v60 =	vmax.f32 v25, $0.0e+00;
	v17 =	vadd.f32 v58, v17;
	[tilespmem:v13+s29+$0xD7A0 ss:$0x1] =	vst.idx.msk $0xffff, v59  }
0x1a3: {  	v16 =	vmax.f32 v16, $0.0e+00;
	[tilespmem:v13+s29+$0xD7B0 ss:$0x1] =	vst.idx.msk $0xffff, v60  }
0x1a4: {  	v17 =	vmax.f32 v17, $0.0e+00;
	[tilespmem:v13+s29+$0xD7C0 ss:$0x1] =	vst.idx.msk $0xffff, v16  }
0x1a5: {  	[tilespmem:v13+s29+$0xD7D0 ss:$0x1] =	vst.idx.msk $0xffff, v17  }
0x1a6: {  	v16 =	vld.idx.msk [tilespmem:v12+s29+$0x2C0 ss:$0x1], $0xffff  }
0x1a7: {  	v17 =	vld.idx.msk [tilespmem:v12+s29+$0x2D0 ss:$0x1], $0xffff  }
0x1a8: {  	v22 =	vld.idx.msk [tilespmem:v12+s29+$0x2E0 ss:$0x1], $0xffff  }
0x1a9: {  	v23 =	vld.idx.msk [tilespmem:v12+s29+$0x2F0 ss:$0x1], $0xffff  }
0x1aa: {  	v61 =	vld.idx.msk [tilespmem:v12+s29+$0x600 ss:$0x1], $0xffff  }
0x1ab: {  	v26 =	vmul.f32 v26, v0;
	v27 =	vmul.f32 v27, v1;
	v62 =	vld.idx.msk [tilespmem:v12+s29+$0x610 ss:$0x1], $0xffff  }
0x1ac: {  	v34 =	vmul.f32 v34, v2;
	v35 =	vmul.f32 v35, v3;
	v63 =	vld.idx.msk [tilespmem:v12+s29+$0x620 ss:$0x1], $0xffff  }
0x1ad: {  	v37 =	vmul.f32 v37, v1;
	v38 =	vmul.f32 v38, v2;
	v32 =	vld.idx.msk [tilespmem:v12+s29+$0x630 ss:$0x1], $0xffff  }
0x1ae: {  	v28 =	vmul.f32 v28, v3;
	v18 =	vmul.f32 v18, v2;
	v33 =	vld.idx.msk [tilespmem:v12+s29+$0x900 ss:$0x1], $0xffff  }
0x1af: {  	v19 =	vmul.f32 v19, v3;
	v20 =	vmul.f32 v20, v0;
	v40 =	vld.idx.msk [tilespmem:v12+s29+$0x910 ss:$0x1], $0xffff  }
0x1b0: {  	v21 =	vmul.f32 v21, v1;
	v29 =	vmul.f32 v29, v1;
	v42 =	vld.idx.msk [tilespmem:v12+s29+$0x920 ss:$0x1], $0xffff  }
0x1b1: {  	v14 =	vmul.f32 v14, v2;
	v44 =	vld.idx.msk [tilespmem:v12+s29+$0x930 ss:$0x1], $0xffff;
	v48 =	vmul.f32 v16, v4  }
0x1b2: {  	v15 =	vmul.f32 v15, v3;
	v53 =	vld.idx.msk [tilespmem:v12+s29+$0xC40 ss:$0x1], $0xffff;
	v49 =	vmul.f32 v17, v5  }
0x1b3: {  	v52 =	vmul.f32 v36, v0;
	v54 =	vld.idx.msk [tilespmem:v12+s29+$0xC50 ss:$0x1], $0xffff;
	v50 =	vmul.f32 v22, v6;
	v26 =	vadd.f32 v48, v26  }
0x1b4: {  	v58 =	vmul.f32 v39, v0;
	v55 =	vld.idx.msk [tilespmem:v12+s29+$0xC60 ss:$0x1], $0xffff;
	v51 =	vmul.f32 v23, v9;
	v27 =	vadd.f32 v49, v27  }
0x1b5: {  	v57 =	vld.idx.msk [tilespmem:v12+s29+$0xC70 ss:$0x1], $0xffff;
	v24 =	vmul.f32 v61, v4;
	v34 =	vadd.f32 v50, v34;
	v26 =	vmax.f32 v26, $0.0e+00  }
0x1b6: {  	v25 =	vmul.f32 v62, v5;
	v35 =	vadd.f32 v51, v35;
	v27 =	vmax.f32 v27, $0.0e+00;
	[tilespmem:v13+s29+$0xCE60 ss:$0x1] =	vst.idx.msk $0xffff, v26  }
0x1b7: {  	v30 =	vmul.f32 v63, v6;
	v24 =	vadd.f32 v24, v52;
	v61 =	vmax.f32 v34, $0.0e+00;
	[tilespmem:v13+s29+$0xCE70 ss:$0x1] =	vst.idx.msk $0xffff, v27  }
0x1b8: {  	v56 =	vmul.f32 v32, v9;
	v25 =	vadd.f32 v25, v37;
	v62 =	vmax.f32 v35, $0.0e+00;
	[tilespmem:v13+s29+$0xCE80 ss:$0x1] =	vst.idx.msk $0xffff, v61  }
0x1b9: {  	v59 =	vmul.f32 v33, v4;
	v30 =	vadd.f32 v30, v38;
	v24 =	vmax.f32 v24, $0.0e+00;
	[tilespmem:v13+s29+$0xCE90 ss:$0x1] =	vst.idx.msk $0xffff, v62  }
0x1ba: {  	v60 =	vmul.f32 v40, v5;
	v28 =	vadd.f32 v56, v28;
	v25 =	vmax.f32 v25, $0.0e+00;
	[tilespmem:v13+s29+$0xD1A0 ss:$0x1] =	vst.idx.msk $0xffff, v24  }
0x1bb: {  	v63 =	vadd.f32 v59, v58;
	v34 =	vmul.f32 v42, v6;
	v37 =	vmax.f32 v30, $0.0e+00;
	[tilespmem:v13+s29+$0xD1B0 ss:$0x1] =	vst.idx.msk $0xffff, v25  }
0x1bc: {  	v29 =	vadd.f32 v60, v29;
	v35 =	vmul.f32 v44, v9;
	v39 =	vmax.f32 v28, $0.0e+00;
	[tilespmem:v13+s29+$0xD1C0 ss:$0x1] =	vst.idx.msk $0xffff, v37  }
0x1bd: {  	v38 =	vmul.f32 v53, v4;
	v46 =	vmax.f32 v63, $0.0e+00;
	v18 =	vadd.f32 v34, v18;
	[tilespmem:v13+s29+$0xD1D0 ss:$0x1] =	vst.idx.msk $0xffff, v39  }
0x1be: {  	v45 =	vmul.f32 v54, v5;
	v47 =	vmax.f32 v29, $0.0e+00;
	v19 =	vadd.f32 v35, v19;
	[tilespmem:v13+s29+$0xD4A0 ss:$0x1] =	vst.idx.msk $0xffff, v46  }
0x1bf: {  	v48 =	vmul.f32 v55, v6;
	v20 =	vadd.f32 v38, v20;
	v18 =	vmax.f32 v18, $0.0e+00;
	[tilespmem:v13+s29+$0xD4B0 ss:$0x1] =	vst.idx.msk $0xffff, v47  }
0x1c0: {  	v21 =	vadd.f32 v45, v21;
	v49 =	vmul.f32 v57, v9;
	v19 =	vmax.f32 v19, $0.0e+00;
	[tilespmem:v13+s29+$0xD4C0 ss:$0x1] =	vst.idx.msk $0xffff, v18  }
0x1c1: {  	v14 =	vadd.f32 v48, v14;
	v50 =	vmax.f32 v20, $0.0e+00;
	[tilespmem:v13+s29+$0xD4D0 ss:$0x1] =	vst.idx.msk $0xffff, v19  }
0x1c2: {  	v51 =	vmax.f32 v21, $0.0e+00;
	v15 =	vadd.f32 v49, v15;
	[tilespmem:v13+s29+$0xD7E0 ss:$0x1] =	vst.idx.msk $0xffff, v50  }
0x1c3: {  	v14 =	vmax.f32 v14, $0.0e+00;
	[tilespmem:v13+s29+$0xD7F0 ss:$0x1] =	vst.idx.msk $0xffff, v51  }
0x1c4: {  	v15 =	vmax.f32 v15, $0.0e+00;
	[tilespmem:v13+s29+$0xD800 ss:$0x1] =	vst.idx.msk $0xffff, v14  }
0x1c5: {  	[tilespmem:v13+s29+$0xD810 ss:$0x1] =	vst.idx.msk $0xffff, v15  }
0x1c6: {  	v14 =	vld.idx.msk [tilespmem:v12+s29+$0x300 ss:$0x1], $0xffff  }
0x1c7: {  	v15 =	vld.idx.msk [tilespmem:v12+s29+$0x310 ss:$0x1], $0xffff  }
0x1c8: {  	v18 =	vld.idx.msk [tilespmem:v12+s29+$0x320 ss:$0x1], $0xffff  }
0x1c9: {  	v16 =	vmul.f32 v16, v0;
	v17 =	vmul.f32 v17, v1;
	v19 =	vld.idx.msk [tilespmem:v12+s29+$0x330 ss:$0x1], $0xffff  }
0x1ca: {  	v22 =	vmul.f32 v22, v2;
	v23 =	vmul.f32 v23, v3;
	v52 =	vld.idx.msk [tilespmem:v12+s29+$0x940 ss:$0x1], $0xffff  }
0x1cb: {  	v56 =	vmul.f32 v33, v0;
	v53 =	vld.idx.msk [tilespmem:v12+s29+$0x950 ss:$0x1], $0xffff;
	v14 =	vmul.f32 v14, v4  }
0x1cc: {  	v57 =	vmul.f32 v40, v1;
	v54 =	vld.idx.msk [tilespmem:v12+s29+$0x960 ss:$0x1], $0xffff;
	v15 =	vmul.f32 v15, v5  }
0x1cd: {  	v58 =	vmul.f32 v42, v2;
	v55 =	vld.idx.msk [tilespmem:v12+s29+$0x970 ss:$0x1], $0xffff;
	v18 =	vmul.f32 v18, v6;
	v14 =	vadd.f32 v14, v16  }
0x1ce: {  	v60 =	vmul.f32 v44, v3;
	v19 =	vmul.f32 v19, v9;
	v15 =	vadd.f32 v15, v17  }
0x1cf: {  	v20 =	vmul.f32 v52, v4;
	v18 =	vadd.f32 v18, v22;
	v14 =	vmax.f32 v14, $0.0e+00  }
0x1d0: {  	v21 =	vmul.f32 v53, v5;
	v19 =	vadd.f32 v19, v23;
	v15 =	vmax.f32 v15, $0.0e+00;
	[tilespmem:v13+s29+$0xCEA0 ss:$0x1] =	vst.idx.msk $0xffff, v14  }
0x1d1: {  	v59 =	vmul.f32 v54, v6;
	v16 =	vadd.f32 v20, v56;
	v14 =	vmax.f32 v18, $0.0e+00;
	[tilespmem:v13+s29+$0xCEB0 ss:$0x1] =	vst.idx.msk $0xffff, v15  }
0x1d2: {  	p0 =	sne.s32 s28, $0x7;
	v61 =	vmul.f32 v55, v9;
	v17 =	vadd.f32 v21, v57;
	v15 =	vmax.f32 v19, $0.0e+00;
	[tilespmem:v13+s29+$0xCEC0 ss:$0x1] =	vst.idx.msk $0xffff, v14  }
.Ltmp4:
0x1d3: {  	v62 =	vadd.f32 v59, v58;
	v14 =	vmax.f32 v16, $0.0e+00;
	[tilespmem:v13+s29+$0xCED0 ss:$0x1] =	vst.idx.msk $0xffff, v15;
	(pc) =	sbr.rel @p0 .LBB2_8-.Ltmp4, $4  }
0x1d4: {  	v63 =	vadd.f32 v61, v60;
	v15 =	vmax.f32 v17, $0.0e+00;
	[tilespmem:v13+s29+$0xD4E0 ss:$0x1] =	vst.idx.msk $0xffff, v14  }
0x1d5: {  	v14 =	vmax.f32 v62, $0.0e+00;
	[tilespmem:v13+s29+$0xD4F0 ss:$0x1] =	vst.idx.msk $0xffff, v15  }
0x1d6: {  	v15 =	vmax.f32 v63, $0.0e+00;
	[tilespmem:v13+s29+$0xD500 ss:$0x1] =	vst.idx.msk $0xffff, v14  }
0x1d7: {  	s28 =	sadd.s32 $0x1, s28;
	[tilespmem:v13+s29+$0xD510 ss:$0x1] =	vst.idx.msk $0xffff, v15  }
0x1d8: {  	s1 =	sadd.s32 s4, s26;
	s30 =	smul.u32 $0x19000, s24  }
0x1d9: {  	p0 =	sne.s32 s25, $0x80;
	s1 =	smul.u32 $0x6400, s1  }
.Ltmp5:
0x1da: {  	_ = 	snop;
	(pc) =	sbr.rel @p0 .LBB2_2-.Ltmp5, $4  }
0x1db: {  	s1 =	sor.u32 s9, s1  }
0x1dc: {  	s31 =	sor.u32 $0x6, s24;
	s26 =	sshrl.u32 s30, $0x2;
	s1 =	sshrl.u32 s1, $0x3  }
0x1dd: {  	s28 =	smov.u32 s25;
	s26 =	sadd.s32 $0xCBA0, s26;
	s1 =	sadd.s32 s2, s1  }
0x1de: {  	[hbm4b:s1+s19] =	stream.strided.scatter [tilespmem:s26], [sflag:s31], $0x6400, s20, s19, $0x38;
	[tilespmem:$0x193A0] =	vst v63  }
0x1df: {  	s23 =	sadd.s32 $0x1, s23  }
0x1e0: {  	_ =	swait.ge [sflag:s21], $0x6400;
	p0 =	sne.s32 s23, s10  }
.Ltmp6:
0x1e1: {  	[sflag:s21] =	ssyncset.done $0x0;
	(pc) =	sbr.rel @p0 .LBB2_1-.Ltmp6, $4  }
0x1e2: {  	[sflag:s21] =	ssyncadd.s32 $0xFFFF9C00  }
0x1e3: {  	_ =	swait.ge [sflag:s22], $0x6400  }
0x1e4: {  	[sflag:s22] =	ssyncset.done $0x0  }
0x1e5: {  	[sflag:s22] =	ssyncadd.s32 $0xFFFF9C00  }
0x1e6: {  	_ =	sfence.sel $0x180000  }
0x1e7: {  	[bflag:$0x0] =	sbarrier.arrive $0xFFFF  }
0x1e8: {  	_ =	strace $0x90000047  }
0x1e9: {  	[bflag:$0x2] =	sbarrier.arrive $0xFFFF  }
0x1ea: {  	p0 =	sne.s32 s0, $0x0;
	s0 =	rddreg [dreg:$0x2]  }
0x1eb: {  	s0 =	sadd.s32 @!p0 $0x100000, s0  }
0x1ec: {  	[sflag:s0] =	ssyncadd.tile.s32 @!p0 $0x1;
	_ =	shalt  }
.Lfunc_end2:
_tile_overlayer_lowered:
.L_overlay_start_2:
0x1ed: {  	(tag) =	ssettag $0x2  }
0x1ee: {  	s0 =	rddreg [dreg:$0x0];
	s2 =	stileid.u32  }
0x1ef: {  	s1 =	rddreg [dreg:$0x1];
	p0 =	sne.s32 s2, $0x0  }
0x1f0: {  	s3 =	rddreg [dreg:$0x2];
	[bflag:$0x3] =	sbarrier.arrive $0xFFFF;
	s2 =	simm.s32 @!p0 $0x1C08  }
0x1f1: {  	[timem:s3], [sflag:s2] =	dma.local @!p0 [hbm:s0], s1  }
0x1f2: {  	s0 =	simm.s32 @!p0 $0x8  }
0x1f3: {  	_ =	swait.ge @!p0 [sflag:s0], s1  }
0x1f4: {  	s1 =	ssub.s32 @!p0 $0x0, s1;
	[sflag:s0] =	ssyncset.done @!p0 $0x0  }
0x1f5: {  	[sflag:s0] =	ssyncadd.s32 @!p0 s1  }
0x1f6: {  	[bflag:$0x3] =	sbarrier.arrive $0xFFFF  }
0x1f7: {  	_ =	shalt  }

// kernel: sparse-core-data-format-call.cloned.1.call-start
scs
called_computation_lowered:
.L_overlay_start_0:
0x0: {  	s2 =	sld [smem:$0x3FD9]  }
0x1: {  	s3 =	sld [smem:$0x3FFE];
	_ =	sdelay $0x1  }
0x2: {  	s1 =	srdreg.scid  }
0x3: {  	s0 =	sand.u32 $0x1, s1  }
0x4: {  	s18 =	sshll.u32 s0, $0xA;
	s2 =	sadd.s32 s3, s2  }
0x5: {  	s2 =	sadd.s32 s2, s18  }
0x6: {  	[smem:$0x3FC1] =	sst s2  }
0x7: {  	_ = 	snop  }
0x8: {  	s2 =	sld [smem:$0x3FD0];
	(tm) =	ssettm $0x1  }
0x9: {  	s19 =	sld [smem:$0x3FFB];
	_ =	sdelay $0x3  }
0xa: {  	_ =	strace s19  }
0xb: {  	s3 =	sld [smem:$0x3FFC];
	_ =	sdelay $0x3  }
0xc: {  	_ =	strace s3  }
0xd: {  	s3 =	sld [smem:$0x3FFD];
	_ =	sdelay $0x3  }
0xe: {  	_ =	strace s3  }
0xf: {  	_ =	strace $0x8FFFFFFF  }
0x10: {  	s20 =	sld [smem:$0x3FDB];
	_ =	sdelay $0x1  }
0x11: {  	s4 =	simm.s32 $_scs_section_size  }
0x12: {  	s5 =	simm.s32 $_size__tile_overlayer_lowered;
	s6 =	simm.s32 $_tile_overlayer_lowered  }
0x13: {  	s23 =	simm.s32 $0x1BFF;
	s22 =	sshll.u32 s6, $0x1;
	s3 =	sadd.s32 s4, s20  }
0x14: {  	s7 =	simm.s32 $0x0;
	s21 =	sshll.u32 s5, $0x1;
	s5 =	sadd.s32 s22, s3  }
0x15: {  	[timem:s7], [sflag:s23] =	dma.local [hbm:s5], s21  }
0x16: {  	_ =	swait.ge [sflag:s23], s21  }
0x17: {  	s4 =	ssub.s32 $0x0, s21;
	[sflag:s23] =	ssyncset.done $0x0  }
0x18: {  	[sflag:s23] =	ssyncadd.s32 s4;
	_ =	sdelay $0x1  }
0x19: {  	s24 =	simm.s32 $0x1B8B  }
0x1a: {  	_ =	swait.ge [sflag:s24], $0x1  }
0x1b: {  	[sflag:s24] =	ssyncset.done $0x0  }
0x1c: {  	s26 =	simm.s32 $0x1B8E;
	s25 =	sld [smem:$0x3FFE];
	[sflag:s24] =	ssyncadd.s32 $0xFFFFFFFF  }
0x1d: {  	s27 =	simm.s32 $execute0_lowered;
	[smem:$0x3FD2] =	sst s26  }
0x1e: {  	s5 =	sshll.u32 s27, $0x1;
	_ =	strace $0x80000049;
	[dreg:$0x1] =	wrdreg $0xFFFFFFFF  }
0x1f: {  	s28 =	simm.s32 $_size_execute0_lowered;
	s3 =	sadd.s32 s3, s5;
	[dreg:$0x0] =	wrdreg $0x0  }
0x20: {  	s5 =	sshll.u32 s28, $0x1;
	[dreg:$0x2] =	wrdreg s3  }
0x21: {  	[dreg:$0x3] =	wrdreg s5  }
0x22: {  	[dreg:$0x4] =	wrdreg $0xC0  }
0x23: {  	_ =	task [dreg:s7], $0x5FFFF  }
0x24: {  	[dreg:$0x1] =	wrdreg $0xFFFFFFFF  }
0x25: {  	[dreg:$0x0] =	wrdreg $0x60  }
0x26: {  	[dreg:$0x2] =	wrdreg s25  }
0x27: {  	[dreg:$0x3] =	wrdreg s2  }
0x28: {  	[dreg:$0x4] =	wrdreg $0x9  }
0x29: {  	_ =	task.clear_ibuf [dreg:s7], $0x5FFFF;
	_ =	strace $0x90000049  }
0x2a: {  	s29 =	simm.s32 $0x9;
	_ =	strace $0x8000004B  }
0x2b: {  	_ =	swait.ge [sflag:s29], $0x1  }
0x2c: {  	[sflag:s29] =	ssyncadd.s32 $0xFFFFFFFF  }
0x2d: {  	_ =	strace $0x9000004B  }
0x2e: {  	_ =	sfence  }
0x2f: {  	s30 =	sld [smem:$0x0];
	_ =	sdelay $0x2  }
0x30: {  	s31 =	sshll.u32 s1, $0xD;
	s1 =	sshrl.u32 s1, $0x2  }
0x31: {  	s3 =	sand.u32 $0x4000, s31;
	s1 =	sadd.s32 s1, s30  }
0x32: {  	s0 =	sor.u32 s3, s0;
	s1 =	sshll.u32 s1, $0x11  }
0x33: {  	s0 =	sor.u32 s1, s0  }
0x34: {  	s0 =	sadd.s32 $0x8F2B, s0  }
0x35: {  	[sflag:s0] =	ssyncadd.remote.s32 $0x1  }
0x36: {  	_ =	sfence.sel $0xFFFF  }
0x37: {  	[dreg:$0x0] =	wrdreg $0xFFFFFFFF;
	(pc) =	sbr.abs _section_cstart, $3  }
0x38: {  	[dreg:$0x1] =	wrdreg $0xFFFFFFFF  }
0x39: {  	_ =	task.clear_ibuf [dreg:s7], $0x2FFFF;
	_ =	strace $0x9FFFFFFF  }
0x3a: {  	(tm) =	ssettm $0x7FFFFFFF  }
0x3b: {  	_ =	shalt  }
tec
execute0_lowered:
.L_overlay_start_1:
0x0: {  	(tag) =	ssettag $0x1  }
0x1: {  	s0 =	srdreg.scid  }
0x2: {  	s1 =	sshll.u32 s0, $0x4  }
0x3: {  	s6 =	rddreg [dreg:$0x0];
	s0 =	stileid.u32;
	s1 =	sand.u32 $0x10, s1  }
0x4: {  	s3 =	rddreg [dreg:$0x1];
	s1 =	sor.u32 s0, s1  }
0x5: {  	s5 =	simm.s32 $0x1;
	s31 =	simm.s32 $0x2;
	s2 =	sshll.u32 s1, $0x7  }
0x6: {  	s14 =	simm.s32 $0x0;
	s8 =	simm.s32 $0x1000;
	s4 =	ssub.s32 $0x1000, s2  }
0x7: {  	s9 =	simm.s32 $0x0;
	s15 =	simm.s32 $0x0;
	s30 =	sand.u32 $0xF80, s4  }
0x8: {  	s16 =	simm.s32 $0x0;
	s10 =	simm.s32 $0x0;
	p0 =	sne.s32 s30, $0x0  }
.Ltmp0:
0x9: {  	s7 =	sshrl.u32 s4, $0xC;
	s5 =	simm.s32 @!p0 $0x0;
	(pc) =	sbr.rel .LBB1_1-.Ltmp0, $4  }
0xa: {  	s11 =	simm.s32 $0x0;
	s1 =	rddreg [dreg:$0x2];
	s5 =	sadd.s32 s5, s7  }
0xb: {  	_ =	strace $0x8000004A;
	s4 =	simm.s32 $0x1;
	s5 =	smul.u32 $0xC8, s5  }
0xc: {  	s13 =	simm.s32 $0x0;
	s6 =	sadd.s32 $0x1200, s6;
	[sflag:s4] =	ssyncpa.u1 $0x0  }
0xd: {  	s12 =	smov.u32 s2;
	[sflag:s31] =	ssyncpa.u1 $0x0;
	s7 =	sor.u32 $0x1, s5  }
.LBB1_4:
0xe: {  	_ =	sdelay $0x3  }
0xf: {  	[tilespmem:v0+s19+$0xFFFFFFD0 ss:$0x1] =	vst.idx.msk $0xffff, v6  }
0x10: {  	v56 =	vld.idx.msk [tilespmem:v1+s18+$0x0 ss:$0x1], $0xffff;
	[tilespmem:v0+s19+$0xFFFFFFE0 ss:$0x1] =	vst.idx.msk $0xffff, v4  }
0x11: {  	v57 =	vld.idx.msk [tilespmem:v1+s18+$0xFFFFFF90 ss:$0x1], $0xffff;
	[tilespmem:v0+s19+$0xFFFFFFF0 ss:$0x1] =	vst.idx.msk $0xffff, v2  }
0x12: {  	v58 =	vld.idx.msk [tilespmem:v1+s18+$0xFFFFFFA0 ss:$0x1], $0xffff;
	[tilespmem:v0+s19+$0x0 ss:$0x1] =	vst.idx.msk $0xffff, v3  }
0x13: {  	v59 =	vld.idx.msk [tilespmem:v1+s18+$0xFFFFFFB0 ss:$0x1], $0xffff;
	[tilespmem:v0+s19+$0x10 ss:$0x1] =	vst.idx.msk $0xffff, v5  }
0x14: {  	v60 =	vld.idx.msk [tilespmem:v1+s18+$0xFFFFFFC0 ss:$0x1], $0xffff;
	[tilespmem:v0+s19+$0x20 ss:$0x1] =	vst.idx.msk $0xffff, v7  }
0x15: {  	v61 =	vld.idx.msk [tilespmem:v1+s18+$0xFFFFFFD0 ss:$0x1], $0xffff;
	s27 =	sshll.u32 s16, $0x9;
	[tilespmem:v0+s18+$0x30 ss:$0x1] =	vst.idx.msk $0xffff, v56  }
0x16: {  	s20 =	sshll.u32 s14, $0x3;
	v62 =	vld.idx.msk [tilespmem:v1+s18+$0xFFFFFFE0 ss:$0x1], $0xffff;
	s28 =	sshll.u32 s16, $0x7;
	s30 =	sand.u32 $0x78, s14;
	[tilespmem:v0+s18+$0xFFFFFFC0 ss:$0x1] =	vst.idx.msk $0xffff, v57  }
0x17: {  	v63 =	vld.idx.msk [tilespmem:v1+s18+$0xFFFFFFF0 ss:$0x1], $0xffff;
	s15 =	sshll.u32 s15, $0x12;
	s19 =	sand.u32 $0x1FF000, s27;
	s20 =	sand.u32 $0x1FFC00, s20;
	[tilespmem:v0+s18+$0xFFFFFFD0 ss:$0x1] =	vst.idx.msk $0xffff, v58  }
0x18: {  	s29 =	sand.u32 $0x200, s28;
	s16 =	sand.u32 $0x180, s28;
	s19 =	sadd.s32 s19, s20;
	[tilespmem:v0+s18+$0xFFFFFFE0 ss:$0x1] =	vst.idx.msk $0xffff, v59  }
0x19: {  	s31 =	sand.u32 $0x7, s14;
	s16 =	sor.u32 s16, s30;
	s19 =	sor.u32 s29, s19;
	[tilespmem:v0+s18+$0xFFFFFFF0 ss:$0x1] =	vst.idx.msk $0xffff, v60  }
0x1a: {  	s15 =	sadd.s32 s3, s15;
	s16 =	sshrl.u32 s16, $0x3;
	s19 =	sshrl.u32 s19, $0x3;
	[tilespmem:v0+s18+$0x0 ss:$0x1] =	vst.idx.msk $0xffff, v61  }
0x1b: {  	s14 =	sshll.u32 s31, $0x12;
	s15 =	sadd.s32 s16, s15;
	[tilespmem:v0+s18+$0x10 ss:$0x1] =	vst.idx.msk $0xffff, v62;
	s19 =	sand.u32 $0x3FFC0, s19  }
0x1c: {  	s14 =	sor.u32 $0x400, s14;
	[tilespmem:v0+s18+$0x20 ss:$0x1] =	vst.idx.msk $0xffff, v63;
	s15 =	sadd.s32 s19, s15  }
0x1d: {  	[hbm4b:s15+s14] =	stream.strided.scatter [tilespmem:s17], [sflag:$0x2], $0x4000, s8, s14, $0x38;
	[tilespmem:$0x10000] =	vst v63  }
.LBB1_5:
0x1e: {  	s17 =	sadd.s32 $0x80, s10  }
0x1f: {  	s14 =	simm.s32 $0x1;
	p1 =	sgt.s32 s17, $0x1FF  }
0x20: {  	s14 =	simm.s32 @!p1 $0x0  }
0x21: {  	s18 =	sadd.s32 s14, s11  }
0x22: {  	s20 =	smov.u32 s12;
	s14 =	sadd.s32 $0x1000, s12;
	p2 =	sgt.s32 s18, $0x31  }
0x23: {  	s20 =	smov.u32 @p2 s14  }
0x24: {  	p0 =	slt.u32 s13, $0x2;
	s17 =	simm.s32 @p1 $0x0;
	p1 =	sgt.s32 s20, $0xFFF  }
0x25: {  	s19 =	simm.s32 @!p0 $0x2;
	s20 =	smov.u32 @p1 s2;
	p1 =	sne.s32 s13, s7  }
.Ltmp1:
0x26: {  	_ =	swait.ge @!p0 [sflag:s19], $0x4000;
	(pc) =	sbr.rel @!p1 .LBB1_6-.Ltmp1, $4  }
0x27: {  	s15 =	smov.u32 s11;
	[sflag:s19] =	ssyncset.done @!p0 $0x0  }
0x28: {  	s16 =	smov.u32 s12;
	s9 =	sadd.s32 $0x4000, s9;
	[sflag:s19] =	ssyncadd.s32 @!p0 $0xFFFFC000  }
0x29: {  	s18 =	simm.s32 @p2 $0x0;
	s14 =	smov.u32 s10;
	s10 =	smov.u32 s17  }
0x2a: {  	s11 =	smov.u32 s18;
	s13 =	sadd.s32 $0x1, s13;
	s12 =	smov.u32 s20  }
.LBB1_1:
0x2b: {  	p0 =	sge.u32 s13, s5  }
0x2c: {  	s17 =	sshll.u32 @!p0 s11, $0x9;
	s18 =	sshll.u32 @!p0 s10, $0x3  }
0x2d: {  	s19 =	sshll.u32 @!p0 s11, $0x7;
	s17 =	sand.u32 @!p0 $0xFFFFF000, s17;
	s18 =	sand.u32 @!p0 $0xFFFFFC00, s18  }
0x2e: {  	s17 =	sadd.s32 @!p0 s17, s18;
	s18 =	sand.u32 @!p0 $0x200, s19  }
0x2f: {  	s17 =	sor.u32 @!p0 s18, s17  }
0x30: {  	s17 =	sshrl.u32 @!p0 s17, $0x9  }
0x31: {  	s31 =	sadd.s32 $0xFFFFFFFF, s13;
	s18 =	smulhi.u32 @!p0 $0x4924925, s17  }
0x32: {  	s20 =	sxor.u32 @!p0 $0xFFFFFFFF, s13;
	s21 =	sand.u32 @!p0 $0x78, s10;
	s22 =	smul.u32 @!p0 $0xE00, s12  }
0x33: {  	s20 =	sshll.u32 @!p0 s20, $0xE;
	s19 =	sand.u32 @!p0 $0x180, s19;
	s18 =	smul.u32 @!p0 $0x38, s18  }
0x34: {  	s20 =	sand.u32 @!p0 $0x4000, s20;
	s19 =	sor.u32 @!p0 s21, s19;
	s21 =	sand.u32 @!p0 $0x7, s10  }
0x35: {  	s17 =	ssub.s32 @!p0 s17, s18;
	s18 =	sshrl.u32 @!p0 s19, $0x3;
	s19 =	sadd.s32 @!p0 s6, s22  }
0x36: {  	s17 =	sshll.u32 @!p0 s17, $0x6;
	s18 =	sadd.s32 @!p0 s18, s19;
	s19 =	sshll.u32 @!p0 s21, $0x12  }
0x37: {  	s17 =	sadd.s32 @!p0 s17, s18;
	s18 =	sor.u32 @!p0 $0x80, s19;
	s19 =	simm.s32 @!p0 $0x7000  }
0x38: {  	[tilespmem:s20], [sflag:$0x1] =	stream.strided.gather @!p0 [hbm4b:s17+s18], $0x4000, s19, s18, $0x38;
	[tilespmem:$0x10000] =	vst v63  }
0x39: {  	p0 =	sge.u32 s31, s5  }
.Ltmp2:
0x3a: {  	_ = 	snop;
	(pc) =	sbr.rel @p0 .LBB1_5-.Ltmp2, $1  }
0x3b: {  	_ =	sdelay $0x3  }
0x3c: {  	s17 =	sand.u32 $0x4000, s9  }
0x3d: {  	s18 =	sor.u32 $0x70, s17  }
0x3e: {  	v1 =	vmov s18;
	_ =	sdelay $0x1  }
0x3f: {  	_ =	swait.ge [sflag:s4], $0x4000  }
0x40: {  	[sflag:s4] =	ssyncset.done $0x0  }
0x41: {  	s19 =	simm.s32 $0x0;
	[sflag:s4] =	ssyncadd.s32 $0xFFFFC000  }
0x42: {  	s17 =	sor.u32 $0x8040, s17;
	v7 =	vld.idx.msk [tilespmem:v1+s19+$0x0 ss:$0x1], $0xffff  }
0x43: {  	v0 =	vmov s17;
	v8 =	vld.idx.msk [tilespmem:v1+s19+$0xFFFFFF90 ss:$0x1], $0xffff  }
0x44: {  	v6 =	vld.idx.msk [tilespmem:v1+s19+$0xFFFFFFA0 ss:$0x1], $0xffff  }
0x45: {  	v4 =	vld.idx.msk [tilespmem:v1+s19+$0xFFFFFFB0 ss:$0x1], $0xffff  }
0x46: {  	v2 =	vld.idx.msk [tilespmem:v1+s19+$0xFFFFFFC0 ss:$0x1], $0xffff  }
0x47: {  	s31 =	sshll.u32 s13, $0xE;
	v3 =	vld.idx.msk [tilespmem:v1+s19+$0xFFFFFFD0 ss:$0x1], $0xffff  }
0x48: {  	s17 =	sand.u32 $0x4000, s31;
	v5 =	vld.idx.msk [tilespmem:v1+s19+$0xFFFFFFE0 ss:$0x1], $0xffff;
	[tilespmem:v0+s19+$0x30 ss:$0x1] =	vst.idx.msk $0xffff, v7  }
0x49: {  	s20 =	simm.s32 $0x400;
	s18 =	simm.s32 $0x80;
	s17 =	sor.u32 $0x8000, s17;
	[tilespmem:v0+s19+$0xFFFFFFC0 ss:$0x1] =	vst.idx.msk $0xffff, v8;
	v7 =	vld.idx.msk [tilespmem:v1+s19+$0xFFFFFFF0 ss:$0x1], $0xffff  }
.LBB1_3:
0x4a: {  	p0 =	sne.s32 s20, $0xFE00;
	v8 =	vld.idx.msk [tilespmem:v1+s18+$0x0 ss:$0x1], $0xffff;
	[tilespmem:v0+s19+$0xFFFFFFD0 ss:$0x1] =	vst.idx.msk $0xffff, v6  }
0x4b: {  	v9 =	vld.idx.msk [tilespmem:v1+s18+$0xFFFFFF90 ss:$0x1], $0xffff;
	[tilespmem:v0+s19+$0xFFFFFFE0 ss:$0x1] =	vst.idx.msk $0xffff, v4  }
0x4c: {  	v6 =	vld.idx.msk [tilespmem:v1+s18+$0xFFFFFFA0 ss:$0x1], $0xffff;
	[tilespmem:v0+s19+$0xFFFFFFF0 ss:$0x1] =	vst.idx.msk $0xffff, v2  }
.Ltmp3:
0x4d: {  	v4 =	vld.idx.msk [tilespmem:v1+s18+$0xFFFFFFB0 ss:$0x1], $0xffff;
	[tilespmem:v0+s19+$0x0 ss:$0x1] =	vst.idx.msk $0xffff, v3;
	(pc) =	sbr.rel @p0 .LBB1_3-.Ltmp3, $4  }
0x4e: {  	v2 =	vld.idx.msk [tilespmem:v1+s18+$0xFFFFFFC0 ss:$0x1], $0xffff;
	[tilespmem:v0+s19+$0x10 ss:$0x1] =	vst.idx.msk $0xffff, v5  }
0x4f: {  	v3 =	vld.idx.msk [tilespmem:v1+s18+$0xFFFFFFD0 ss:$0x1], $0xffff;
	[tilespmem:v0+s19+$0x20 ss:$0x1] =	vst.idx.msk $0xffff, v7;
	s19 =	smov.u32 s18  }
0x50: {  	v5 =	vld.idx.msk [tilespmem:v1+s19+$0xFFFFFFE0 ss:$0x1], $0xffff;
	[tilespmem:v0+s19+$0x30 ss:$0x1] =	vst.idx.msk $0xffff, v8  }
0x51: {  	s18 =	sshra.s32 s20, $0x2;
	s20 =	sadd.s32 $0x200, s20;
	[tilespmem:v0+s19+$0xFFFFFFC0 ss:$0x1] =	vst.idx.msk $0xffff, v9;
	v7 =	vld.idx.msk [tilespmem:v1+s19+$0xFFFFFFF0 ss:$0x1], $0xffff  }
.Ltmp4:
0x52: {  	_ = 	snop;
	(pc) =	sbr.rel .LBB1_4-.Ltmp4, $1  }
0x53: {  	_ =	sdelay $0x3  }
.LBB1_6:
0x54: {  	_ =	sfence.sel $0x180000  }
0x55: {  	s2 =	simm.s32 $0x1;
	[bflag:$0x0] =	sbarrier.arrive $0xFFFF  }
0x56: {  	s31 =	simm.s32 $0x2;
	[sflag:s2] =	ssyncpa.u1 $0x1  }
0x57: {  	[sflag:s31] =	ssyncpa.u1 $0x1  }
0x58: {  	p0 =	sne.s32 s0, $0x0;
	_ =	strace $0x9000004A  }
0x59: {  	s0 =	sadd.s32 @!p0 $0x100000, s1;
	[bflag:$0x2] =	sbarrier.arrive $0xFFFF  }
0x5a: {  	[sflag:s0] =	ssyncadd.tile.s32 @!p0 $0x1;
	_ =	shalt  }
.Lfunc_end1:
_tile_overlayer_lowered:
.L_overlay_start_2:
0x5b: {  	(tag) =	ssettag $0x2  }
0x5c: {  	s0 =	rddreg [dreg:$0x0];
	s2 =	stileid.u32  }
0x5d: {  	s1 =	rddreg [dreg:$0x1];
	p0 =	sne.s32 s2, $0x0  }
0x5e: {  	s3 =	rddreg [dreg:$0x2];
	[bflag:$0x3] =	sbarrier.arrive $0xFFFF;
	s2 =	simm.s32 @!p0 $0x1C01  }
0x5f: {  	[timem:s3], [sflag:s2] =	dma.local @!p0 [hbm:s0], s1  }
0x60: {  	s0 =	simm.s32 @!p0 $0x1  }
0x61: {  	_ =	swait.ge @!p0 [sflag:s0], s1  }
0x62: {  	s1 =	ssub.s32 @!p0 $0x0, s1;
	[sflag:s0] =	ssyncset.done @!p0 $0x0  }
0x63: {  	[sflag:s0] =	ssyncadd.s32 @!p0 s1  }
0x64: {  	[bflag:$0x3] =	sbarrier.arrive $0xFFFF  }
0x65: {  	_ =	shalt  }

</sc_bundles>
